<compile_context>
chip_gen: v7x
topology: tpu7x:2x2x1
jax: 0.10.2.dev20260603
libtpu: 0.0.44.dev20260713+nightly
codegen_flags: <defaults>
</compile_context>

<pallas_src>
import functools

import jax
import jax.numpy as jnp
from jax import lax
from jax.experimental import pallas as pl
from jax.experimental.pallas import tpu as pltpu
from jax.experimental.pallas import tpu_sc as plsc

N_ROWS = 16384
N_CODES = 8192
DIM = 256
N_SPLITS = 1
SPLIT_ROWS = N_ROWS // N_SPLITS
BLOCK_ROWS = 1024
N_BLOCKS = SPLIT_ROWS // BLOCK_ROWS

CHUNK = 256
N_CHUNKS = N_CODES // CHUNK
GROUP_ROWS = 256


def _prep_kernel(emb_ref, embt_ref):
    embt_ref[...] = emb_ref[...].T.astype(jnp.bfloat16)


def _prep(emb_weight):
    return pl.pallas_call(
        _prep_kernel,
        out_shape=jax.ShapeDtypeStruct((DIM, N_CODES), jnp.bfloat16),
    )(emb_weight)


def _distance_argmin_kernel(x_ref, x2_ref, e2_ref, embt_ref, idx_ref,
                            dsum_ref, acc_ref):
    i = pl.program_id(0)

    @pl.when(i == 0)
    def _init():
        acc_ref[0, 0] = 0.0

    x_blk = x_ref[...]
    x2v = x2_ref[...]
    xs = (-2.0 * x_blk).astype(jnp.bfloat16)

    lane = lax.broadcasted_iota(jnp.int32, (GROUP_ROWS, 128), 1)
    blk_sum = jnp.float32(0.0)
    for g in range(BLOCK_ROWS // GROUP_ROWS):
        xg = xs[g * GROUP_ROWS:(g + 1) * GROUP_ROWS]
        x2g = x2v[g * GROUP_ROWS:(g + 1) * GROUP_ROWS][:, None]
        val = jnp.full((GROUP_ROWS, 128), jnp.inf, jnp.float32)
        cidx = jnp.zeros((GROUP_ROWS, 128), jnp.int32)
        for j in range(N_CHUNKS):
            m = jnp.dot(xg, embt_ref[:, j * CHUNK:(j + 1) * CHUNK],
                        preferred_element_type=jnp.float32)
            e2c = e2_ref[0, j * CHUNK:(j + 1) * CHUNK]
            s = (x2g + e2c[None, :]) + m
            s0 = s[:, :128]
            s1 = s[:, 128:]
            c0 = lane + j * CHUNK
            h1 = s1 < s0
            sc = jnp.where(h1, s1, s0)
            cc = jnp.where(h1, c0 + 128, c0)
            better = sc < val
            cidx = jnp.where(better, cc, cidx)
            val = jnp.where(better, sc, val)

        minv = jnp.min(val, axis=1)
        sel = jnp.where(val == minv[:, None], cidx, jnp.int32(N_CODES))
        idx_ref[g * GROUP_ROWS:(g + 1) * GROUP_ROWS, :] = jnp.min(
            sel, axis=1, keepdims=True)
        blk_sum = blk_sum + jnp.sum(minv)
    acc_ref[0, 0] += blk_sum

    @pl.when(i == pl.num_programs(0) - 1)
    def _fin():
        dsum_ref[0, 0] = acc_ref[0, 0]


def _nearest_codes(x_split, x2_split, e2, embt):
    return pl.pallas_call(
        _distance_argmin_kernel,
        grid=(N_BLOCKS,),
        in_specs=[
            pl.BlockSpec((BLOCK_ROWS, DIM), lambda i: (i, 0)),
            pl.BlockSpec((BLOCK_ROWS,), lambda i: (i,)),
            pl.BlockSpec((1, N_CODES), lambda i: (0, 0)),
            pl.BlockSpec((DIM, N_CODES), lambda i: (0, 0)),
        ],
        out_specs=[
            pl.BlockSpec((BLOCK_ROWS, 1), lambda i: (i, 0)),
            pl.BlockSpec(memory_space=pltpu.SMEM),
        ],
        out_shape=[
            jax.ShapeDtypeStruct((SPLIT_ROWS, 1), jnp.int32),
            jax.ShapeDtypeStruct((1, 1), jnp.float32),
        ],
        scratch_shapes=[
            pltpu.SMEM((1, 1), jnp.float32),
        ],
    )(x_split, x2_split, e2, embt)


_SC_CHUNK = 128


def _sc_gather_kernel(emb_hbm, idx_hbm, out_hbm,
                      idx_v, rows_a, rows_b, rows_c,
                      gsem_a, gsem_b, gsem_c, osem_a, osem_b, osem_c):
    n_cores = 2
    wid = lax.axis_index("s") * n_cores + lax.axis_index("c")
    rows_per_w = SPLIT_ROWS // 32
    n_chunks = rows_per_w // _SC_CHUNK
    base = wid * rows_per_w
    pltpu.sync_copy(idx_hbm.at[pl.ds(base, rows_per_w)], idx_v)
    bufs = (rows_a, rows_b, rows_c)
    gsems = (gsem_a, gsem_b, gsem_c)
    osems = (osem_a, osem_b, osem_c)
    gathers = []
    writes = []
    for c in range(n_chunks):
        if c >= 3:
            writes[c - 3].wait()
        gathers.append(pltpu.async_copy(
            emb_hbm.at[idx_v.at[pl.ds(c * _SC_CHUNK, _SC_CHUNK)]],
            bufs[c % 3], gsems[c % 3]))
        if c > 0:
            gathers[c - 1].wait()
            writes.append(pltpu.async_copy(
                bufs[(c - 1) % 3],
                out_hbm.at[pl.ds(base + (c - 1) * _SC_CHUNK, _SC_CHUNK)],
                osems[(c - 1) % 3]))
    gathers[n_chunks - 1].wait()
    writes.append(pltpu.async_copy(
        bufs[(n_chunks - 1) % 3],
        out_hbm.at[pl.ds(base + (n_chunks - 1) * _SC_CHUNK, _SC_CHUNK)],
        osems[(n_chunks - 1) % 3]))
    for c in range(max(0, n_chunks - 3), n_chunks):
        writes[c].wait()


def _gather_rows(emb_weight, idx):
    mesh = plsc.VectorSubcoreMesh(core_axis_name="c", subcore_axis_name="s")
    k = functools.partial(
        pl.kernel,
        out_type=jax.ShapeDtypeStruct((SPLIT_ROWS, DIM), jnp.float32),
        mesh=mesh,
        scratch_types=[
            pltpu.VMEM((SPLIT_ROWS // 32,), jnp.int32),
            pltpu.VMEM((_SC_CHUNK, DIM), jnp.float32),
            pltpu.VMEM((_SC_CHUNK, DIM), jnp.float32),
            pltpu.VMEM((_SC_CHUNK, DIM), jnp.float32),
            pltpu.SemaphoreType.DMA,
            pltpu.SemaphoreType.DMA,
            pltpu.SemaphoreType.DMA,
            pltpu.SemaphoreType.DMA,
            pltpu.SemaphoreType.DMA,
            pltpu.SemaphoreType.DMA,
        ],
    )(_sc_gather_kernel)
    return k(emb_weight, idx)


def kernel(x, emb_weight):
    embt = _prep(emb_weight)
    x2 = jnp.sum(x ** 2, axis=1)
    e2 = jnp.sum(emb_weight ** 2, axis=1)[None, :]
    parts = []
    dsums = []
    for q in range(N_SPLITS):
        xq = lax.slice_in_dim(x, q * SPLIT_ROWS, (q + 1) * SPLIT_ROWS, axis=0)
        x2q = lax.slice_in_dim(x2, q * SPLIT_ROWS, (q + 1) * SPLIT_ROWS,
                               axis=0)
        idx_q, dsum_q = _nearest_codes(xq, x2q, e2, embt)
        idx_q = idx_q.reshape((SPLIT_ROWS,))
        parts.append(_gather_rows(emb_weight, idx_q))
        dsums.append(dsum_q[0, 0])
    quantized = parts[0] if len(parts) == 1 else jnp.concatenate(parts, axis=0)
    dsum = dsums[0]
    for d in dsums[1:]:
        dsum = dsum + d
    loss = dsum * (1.25 / (N_ROWS * DIM))
    return (quantized, loss)

# --- scband reference (transcript-rebuilt; emitter-appended) ---
"""Pipeline reference for scband-atom-quantizer-53661321396399 (READ-ONLY COPY).

The authoritative reference and input builder live on the scoring server;
editing this copy changes nothing except your own understanding.
"""

import jax, jax.numpy as jnp
import numpy as np

COMMITMENT_COST = 0.25

def setup_inputs(seed: int = 0) -> dict:
    key = jax.random.key(seed)
    k1, k2 = jax.random.split(key)
    x = jax.random.normal(k1, (16384, 256), dtype=jnp.float32)
    emb_weight = jax.random.normal(k2, (8192, 256), dtype=jnp.float32)
    return {"x": x, "emb_weight": emb_weight}

def reference(x, emb_weight):
    # get_code_indices: squared L2 distances via expansion
    distances = (jnp.sum(x ** 2, axis=1, keepdims=True)
                 + jnp.sum(emb_weight ** 2, axis=1)
                 - 2.0 * jnp.matmul(x, emb_weight.T))
    encoding_indices = jnp.argmin(distances, axis=1)
    # quantize: embedding lookup
    quantized = jnp.take(emb_weight, encoding_indices, axis=0)
    quantized = quantized.reshape(x.shape)
    # losses (mse_loss = mean squared error)
    q_latent_loss = jnp.mean((quantized - jax.lax.stop_gradient(x)) ** 2)
    e_latent_loss = jnp.mean((x - jax.lax.stop_gradient(quantized)) ** 2)
    loss = q_latent_loss + COMMITMENT_COST * e_latent_loss
    # straight-through estimator
    quantized_out = x + jax.lax.stop_gradient(quantized - x)
    return (quantized_out, loss)

if __name__ == "__main__":
    import jax
    _d = setup_inputs()
    print(jax.jit(kernel)(*tuple(_d.values())))

</pallas_src>

<mosaic_0001>
#map = affine_map<(d0, d1) -> (0, 0)>
#map1 = affine_map<(d0, d1) -> (0)>
module attributes {stable_mosaic.version = 14 : i64} {
  func.func @_sc_gather_kernel(%arg0: i32, %arg1: i32, %arg2: memref<8192x256xf32, #tpu.memory_space<hbm>>, %arg3: memref<16384xi32, #tpu.memory_space<hbm>>, %arg4: memref<16384x256xf32, #tpu.memory_space<hbm>>, %arg5: memref<512xi32, #tpu.memory_space<vmem>>, %arg6: memref<128x256xf32, #tpu.memory_space<vmem>>, %arg7: memref<128x256xf32, #tpu.memory_space<vmem>>, %arg8: memref<128x256xf32, #tpu.memory_space<vmem>>, %arg9: memref<!tpu.dma_semaphore, #tpu.memory_space<semaphore_mem>>, %arg10: memref<!tpu.dma_semaphore, #tpu.memory_space<semaphore_mem>>, %arg11: memref<!tpu.dma_semaphore, #tpu.memory_space<semaphore_mem>>, %arg12: memref<!tpu.dma_semaphore, #tpu.memory_space<semaphore_mem>>, %arg13: memref<!tpu.dma_semaphore, #tpu.memory_space<semaphore_mem>>, %arg14: memref<!tpu.dma_semaphore, #tpu.memory_space<semaphore_mem>>) attributes {dimension_semantics = [#tpu.dimension_semantics<core_parallel>, #tpu.dimension_semantics<subcore_parallel>], iteration_bounds = array<i64: 2, 16>, scalar_prefetch = 0 : i64, scratch_operands = 10 : i64, tpu.core_type = #tpu.core_type<sc_vector_subcore>, window_params = [{transform_indices = #map}, {transform_indices = #map1}, {transform_indices = #map}]} {
    %mul3A = arith.constant 2 : i32
    %mul3A_0 = arith.muli %arg1, %mul3A : i32
    %add3A = arith.addi %mul3A_0, %arg0 : i32
    %mul3A_1 = arith.constant 512 : i32
    %mul3A_2 = arith.muli %add3A, %mul3A_1 : i32
    "tpu.region"() ({
      %run_scoped3A = tpu.sem_alloc : memref<!tpu.dma_semaphore, #tpu.memory_space<semaphore_mem>>
      %dma_start3A_81 = tpu.memref_slice %arg3[%mul3A_2] : memref<16384xi32, #tpu.memory_space<hbm>> -> memref<512xi32, #tpu.memory_space<hbm>>
      %dma_start3A_82 = tpu.memref_slice %arg3[%mul3A_2] : memref<16384xi32, #tpu.memory_space<hbm>> -> memref<512xi32, #tpu.memory_space<hbm>>
      tpu.enqueue_dma source(%dma_start3A_82 : memref<512xi32, #tpu.memory_space<hbm>>) target(%arg5 : memref<512xi32, #tpu.memory_space<vmem>>) target_semaphore(%run_scoped3A : memref<!tpu.dma_semaphore, #tpu.memory_space<semaphore_mem>>)
      %dma_wait3A_83 = tpu.memref_slice %arg3[%mul3A_2] : memref<16384xi32, #tpu.memory_space<hbm>> -> memref<512xi32, #tpu.memory_space<hbm>>
      %dma_wait3A_84 = tpu.memref_slice %arg3[%mul3A_2] : memref<16384xi32, #tpu.memory_space<hbm>> -> memref<512xi32, #tpu.memory_space<hbm>>
      tpu.wait_dma2 semaphore(%run_scoped3A : memref<!tpu.dma_semaphore, #tpu.memory_space<semaphore_mem>>) src(%dma_wait3A_84 : memref<512xi32, #tpu.memory_space<hbm>>) dst(%arg5 : memref<512xi32, #tpu.memory_space<vmem>>)
      tpu.yield
    }) : () -> ()
    %dma_start3A = arith.constant 0 : i32
    %dma_start3A_3 = tpu.memref_slice %arg5[%dma_start3A] : memref<512xi32, #tpu.memory_space<vmem>> -> memref<128xi32, #tpu.memory_space<vmem>>
    %dma_start3A_4 = arith.constant 0 : i32
    %dma_start3A_5 = arith.constant 0 : i32
    %dma_start3A_6 = tpu.memref_slice %arg2[%dma_start3A_4, %dma_start3A_5] : memref<8192x256xf32, #tpu.memory_space<hbm>> -> memref<8192x256xf32, #tpu.memory_space<hbm>>
    tpu.enqueue_indirect_dma source(%dma_start3A_6 : memref<8192x256xf32, #tpu.memory_space<hbm>>) target(%arg6 : memref<128x256xf32, #tpu.memory_space<vmem>>) offsets(%dma_start3A_3 : memref<128xi32, #tpu.memory_space<vmem>>) semaphore(%arg9 : memref<!tpu.dma_semaphore, #tpu.memory_space<semaphore_mem>>)
    %dma_start3A_7 = arith.constant 128 : i32
    %dma_start3A_8 = tpu.memref_slice %arg5[%dma_start3A_7] : memref<512xi32, #tpu.memory_space<vmem>> -> memref<128xi32, #tpu.memory_space<vmem>>
    %dma_start3A_9 = arith.constant 0 : i32
    %dma_start3A_10 = arith.constant 0 : i32
    %dma_start3A_11 = tpu.memref_slice %arg2[%dma_start3A_9, %dma_start3A_10] : memref<8192x256xf32, #tpu.memory_space<hbm>> -> memref<8192x256xf32, #tpu.memory_space<hbm>>
    tpu.enqueue_indirect_dma source(%dma_start3A_11 : memref<8192x256xf32, #tpu.memory_space<hbm>>) target(%arg7 : memref<128x256xf32, #tpu.memory_space<vmem>>) offsets(%dma_start3A_8 : memref<128xi32, #tpu.memory_space<vmem>>) semaphore(%arg10 : memref<!tpu.dma_semaphore, #tpu.memory_space<semaphore_mem>>)
    %dma_wait3A = arith.constant 0 : i32
    %dma_wait3A_12 = tpu.memref_slice %arg5[%dma_wait3A] : memref<512xi32, #tpu.memory_space<vmem>> -> memref<128xi32, #tpu.memory_space<vmem>>
    %dma_wait3A_13 = arith.constant 0 : i32
    %dma_wait3A_14 = arith.constant 0 : i32
    %dma_wait3A_15 = tpu.memref_slice %arg2[%dma_wait3A_13, %dma_wait3A_14] : memref<8192x256xf32, #tpu.memory_space<hbm>> -> memref<8192x256xf32, #tpu.memory_space<hbm>>
    tpu.wait_indirect_dma semaphore(%arg9 : memref<!tpu.dma_semaphore, #tpu.memory_space<semaphore_mem>>) src(%dma_wait3A_15 : memref<8192x256xf32, #tpu.memory_space<hbm>>) dst(%arg6 : memref<128x256xf32, #tpu.memory_space<vmem>>)
    %add3A_16 = arith.constant 0 : i32
    %add3A_17 = arith.addi %mul3A_2, %add3A_16 : i32
    %dma_start3A_18 = arith.constant 0 : i32
    %dma_start3A_19 = tpu.memref_slice %arg4[%add3A_17, %dma_start3A_18] : memref<16384x256xf32, #tpu.memory_space<hbm>> -> memref<128x256xf32, #tpu.memory_space<hbm>>
    %dma_start3A_20 = arith.constant 0 : i32
    %dma_start3A_21 = tpu.memref_slice %arg4[%add3A_17, %dma_start3A_20] : memref<16384x256xf32, #tpu.memory_space<hbm>> -> memref<128x256xf32, #tpu.memory_space<hbm>>
    tpu.enqueue_dma source(%arg6 : memref<128x256xf32, #tpu.memory_space<vmem>>) target(%dma_start3A_21 : memref<128x256xf32, #tpu.memory_space<hbm>>) target_semaphore(%arg12 : memref<!tpu.dma_semaphore, #tpu.memory_space<semaphore_mem>>)
    %dma_start3A_22 = arith.constant 256 : i32
    %dma_start3A_23 = tpu.memref_slice %arg5[%dma_start3A_22] : memref<512xi32, #tpu.memory_space<vmem>> -> memref<128xi32, #tpu.memory_space<vmem>>
    %dma_start3A_24 = arith.constant 0 : i32
    %dma_start3A_25 = arith.constant 0 : i32
    %dma_start3A_26 = tpu.memref_slice %arg2[%dma_start3A_24, %dma_start3A_25] : memref<8192x256xf32, #tpu.memory_space<hbm>> -> memref<8192x256xf32, #tpu.memory_space<hbm>>
    tpu.enqueue_indirect_dma source(%dma_start3A_26 : memref<8192x256xf32, #tpu.memory_space<hbm>>) target(%arg8 : memref<128x256xf32, #tpu.memory_space<vmem>>) offsets(%dma_start3A_23 : memref<128xi32, #tpu.memory_space<vmem>>) semaphore(%arg11 : memref<!tpu.dma_semaphore, #tpu.memory_space<semaphore_mem>>)
    %dma_wait3A_27 = arith.constant 128 : i32
    %dma_wait3A_28 = tpu.memref_slice %arg5[%dma_wait3A_27] : memref<512xi32, #tpu.memory_space<vmem>> -> memref<128xi32, #tpu.memory_space<vmem>>
    %dma_wait3A_29 = arith.constant 0 : i32
    %dma_wait3A_30 = arith.constant 0 : i32
    %dma_wait3A_31 = tpu.memref_slice %arg2[%dma_wait3A_29, %dma_wait3A_30] : memref<8192x256xf32, #tpu.memory_space<hbm>> -> memref<8192x256xf32, #tpu.memory_space<hbm>>
    tpu.wait_indirect_dma semaphore(%arg10 : memref<!tpu.dma_semaphore, #tpu.memory_space<semaphore_mem>>) src(%dma_wait3A_31 : memref<8192x256xf32, #tpu.memory_space<hbm>>) dst(%arg7 : memref<128x256xf32, #tpu.memory_space<vmem>>)
    %add3A_32 = arith.constant 128 : i32
    %add3A_33 = arith.addi %mul3A_2, %add3A_32 : i32
    %dma_start3A_34 = arith.constant 0 : i32
    %dma_start3A_35 = tpu.memref_slice %arg4[%add3A_33, %dma_start3A_34] : memref<16384x256xf32, #tpu.memory_space<hbm>> -> memref<128x256xf32, #tpu.memory_space<hbm>>
    %dma_start3A_36 = arith.constant 0 : i32
    %dma_start3A_37 = tpu.memref_slice %arg4[%add3A_33, %dma_start3A_36] : memref<16384x256xf32, #tpu.memory_space<hbm>> -> memref<128x256xf32, #tpu.memory_space<hbm>>
    tpu.enqueue_dma source(%arg7 : memref<128x256xf32, #tpu.memory_space<vmem>>) target(%dma_start3A_37 : memref<128x256xf32, #tpu.memory_space<hbm>>) target_semaphore(%arg13 : memref<!tpu.dma_semaphore, #tpu.memory_space<semaphore_mem>>)
    %dma_wait3A_38 = arith.constant 0 : i32
    %dma_wait3A_39 = tpu.memref_slice %arg4[%add3A_17, %dma_wait3A_38] : memref<16384x256xf32, #tpu.memory_space<hbm>> -> memref<128x256xf32, #tpu.memory_space<hbm>>
    %dma_wait3A_40 = arith.constant 0 : i32
    %dma_wait3A_41 = tpu.memref_slice %arg4[%add3A_17, %dma_wait3A_40] : memref<16384x256xf32, #tpu.memory_space<hbm>> -> memref<128x256xf32, #tpu.memory_space<hbm>>
    tpu.wait_dma2 semaphore(%arg12 : memref<!tpu.dma_semaphore, #tpu.memory_space<semaphore_mem>>) src(%arg6 : memref<128x256xf32, #tpu.memory_space<vmem>>) dst(%dma_wait3A_41 : memref<128x256xf32, #tpu.memory_space<hbm>>)
    %dma_start3A_42 = arith.constant 384 : i32
    %dma_start3A_43 = tpu.memref_slice %arg5[%dma_start3A_42] : memref<512xi32, #tpu.memory_space<vmem>> -> memref<128xi32, #tpu.memory_space<vmem>>
    %dma_start3A_44 = arith.constant 0 : i32
    %dma_start3A_45 = arith.constant 0 : i32
    %dma_start3A_46 = tpu.memref_slice %arg2[%dma_start3A_44, %dma_start3A_45] : memref<8192x256xf32, #tpu.memory_space<hbm>> -> memref<8192x256xf32, #tpu.memory_space<hbm>>
    tpu.enqueue_indirect_dma source(%dma_start3A_46 : memref<8192x256xf32, #tpu.memory_space<hbm>>) target(%arg6 : memref<128x256xf32, #tpu.memory_space<vmem>>) offsets(%dma_start3A_43 : memref<128xi32, #tpu.memory_space<vmem>>) semaphore(%arg9 : memref<!tpu.dma_semaphore, #tpu.memory_space<semaphore_mem>>)
    %dma_wait3A_47 = arith.constant 256 : i32
    %dma_wait3A_48 = tpu.memref_slice %arg5[%dma_wait3A_47] : memref<512xi32, #tpu.memory_space<vmem>> -> memref<128xi32, #tpu.memory_space<vmem>>
    %dma_wait3A_49 = arith.constant 0 : i32
    %dma_wait3A_50 = arith.constant 0 : i32
    %dma_wait3A_51 = tpu.memref_slice %arg2[%dma_wait3A_49, %dma_wait3A_50] : memref<8192x256xf32, #tpu.memory_space<hbm>> -> memref<8192x256xf32, #tpu.memory_space<hbm>>
    tpu.wait_indirect_dma semaphore(%arg11 : memref<!tpu.dma_semaphore, #tpu.memory_space<semaphore_mem>>) src(%dma_wait3A_51 : memref<8192x256xf32, #tpu.memory_space<hbm>>) dst(%arg8 : memref<128x256xf32, #tpu.memory_space<vmem>>)
    %add3A_52 = arith.constant 256 : i32
    %add3A_53 = arith.addi %mul3A_2, %add3A_52 : i32
    %dma_start3A_54 = arith.constant 0 : i32
    %dma_start3A_55 = tpu.memref_slice %arg4[%add3A_53, %dma_start3A_54] : memref<16384x256xf32, #tpu.memory_space<hbm>> -> memref<128x256xf32, #tpu.memory_space<hbm>>
    %dma_start3A_56 = arith.constant 0 : i32
    %dma_start3A_57 = tpu.memref_slice %arg4[%add3A_53, %dma_start3A_56] : memref<16384x256xf32, #tpu.memory_space<hbm>> -> memref<128x256xf32, #tpu.memory_space<hbm>>
    tpu.enqueue_dma source(%arg8 : memref<128x256xf32, #tpu.memory_space<vmem>>) target(%dma_start3A_57 : memref<128x256xf32, #tpu.memory_space<hbm>>) target_semaphore(%arg14 : memref<!tpu.dma_semaphore, #tpu.memory_space<semaphore_mem>>)
    %dma_wait3A_58 = arith.constant 384 : i32
    %dma_wait3A_59 = tpu.memref_slice %arg5[%dma_wait3A_58] : memref<512xi32, #tpu.memory_space<vmem>> -> memref<128xi32, #tpu.memory_space<vmem>>
    %dma_wait3A_60 = arith.constant 0 : i32
    %dma_wait3A_61 = arith.constant 0 : i32
    %dma_wait3A_62 = tpu.memref_slice %arg2[%dma_wait3A_60, %dma_wait3A_61] : memref<8192x256xf32, #tpu.memory_space<hbm>> -> memref<8192x256xf32, #tpu.memory_space<hbm>>
    tpu.wait_indirect_dma semaphore(%arg9 : memref<!tpu.dma_semaphore, #tpu.memory_space<semaphore_mem>>) src(%dma_wait3A_62 : memref<8192x256xf32, #tpu.memory_space<hbm>>) dst(%arg6 : memref<128x256xf32, #tpu.memory_space<vmem>>)
    %add3A_63 = arith.constant 384 : i32
    %add3A_64 = arith.addi %mul3A_2, %add3A_63 : i32
    %dma_start3A_65 = arith.constant 0 : i32
    %dma_start3A_66 = tpu.memref_slice %arg4[%add3A_64, %dma_start3A_65] : memref<16384x256xf32, #tpu.memory_space<hbm>> -> memref<128x256xf32, #tpu.memory_space<hbm>>
    %dma_start3A_67 = arith.constant 0 : i32
    %dma_start3A_68 = tpu.memref_slice %arg4[%add3A_64, %dma_start3A_67] : memref<16384x256xf32, #tpu.memory_space<hbm>> -> memref<128x256xf32, #tpu.memory_space<hbm>>
    tpu.enqueue_dma source(%arg6 : memref<128x256xf32, #tpu.memory_space<vmem>>) target(%dma_start3A_68 : memref<128x256xf32, #tpu.memory_space<hbm>>) target_semaphore(%arg12 : memref<!tpu.dma_semaphore, #tpu.memory_space<semaphore_mem>>)
    %dma_wait3A_69 = arith.constant 0 : i32
    %dma_wait3A_70 = tpu.memref_slice %arg4[%add3A_33, %dma_wait3A_69] : memref<16384x256xf32, #tpu.memory_space<hbm>> -> memref<128x256xf32, #tpu.memory_space<hbm>>
    %dma_wait3A_71 = arith.constant 0 : i32
    %dma_wait3A_72 = tpu.memref_slice %arg4[%add3A_33, %dma_wait3A_71] : memref<16384x256xf32, #tpu.memory_space<hbm>> -> memref<128x256xf32, #tpu.memory_space<hbm>>
    tpu.wait_dma2 semaphore(%arg13 : memref<!tpu.dma_semaphore, #tpu.memory_space<semaphore_mem>>) src(%arg7 : memref<128x256xf32, #tpu.memory_space<vmem>>) dst(%dma_wait3A_72 : memref<128x256xf32, #tpu.memory_space<hbm>>)
    %dma_wait3A_73 = arith.constant 0 : i32
    %dma_wait3A_74 = tpu.memref_slice %arg4[%add3A_53, %dma_wait3A_73] : memref<16384x256xf32, #tpu.memory_space<hbm>> -> memref<128x256xf32, #tpu.memory_space<hbm>>
    %dma_wait3A_75 = arith.constant 0 : i32
    %dma_wait3A_76 = tpu.memref_slice %arg4[%add3A_53, %dma_wait3A_75] : memref<16384x256xf32, #tpu.memory_space<hbm>> -> memref<128x256xf32, #tpu.memory_space<hbm>>
    tpu.wait_dma2 semaphore(%arg14 : memref<!tpu.dma_semaphore, #tpu.memory_space<semaphore_mem>>) src(%arg8 : memref<128x256xf32, #tpu.memory_space<vmem>>) dst(%dma_wait3A_76 : memref<128x256xf32, #tpu.memory_space<hbm>>)
    %dma_wait3A_77 = arith.constant 0 : i32
    %dma_wait3A_78 = tpu.memref_slice %arg4[%add3A_64, %dma_wait3A_77] : memref<16384x256xf32, #tpu.memory_space<hbm>> -> memref<128x256xf32, #tpu.memory_space<hbm>>
    %dma_wait3A_79 = arith.constant 0 : i32
    %dma_wait3A_80 = tpu.memref_slice %arg4[%add3A_64, %dma_wait3A_79] : memref<16384x256xf32, #tpu.memory_space<hbm>> -> memref<128x256xf32, #tpu.memory_space<hbm>>
    tpu.wait_dma2 semaphore(%arg12 : memref<!tpu.dma_semaphore, #tpu.memory_space<semaphore_mem>>) src(%arg6 : memref<128x256xf32, #tpu.memory_space<vmem>>) dst(%dma_wait3A_80 : memref<128x256xf32, #tpu.memory_space<hbm>>)
    return
  }
}

module attributes {stable_mosaic.version = 14 : i64} {
  func.func @_prep_kernel(%arg0: memref<8192x256xf32, #tpu.memory_space<vmem>>, %arg1: memref<256x8192xbf16, #tpu.memory_space<vmem>>) attributes {dimension_semantics = [], scalar_prefetch = 0 : i64, scratch_operands = 0 : i64, tpu.core_type = #tpu.core_type<tc>} {
    %get3A = arith.constant 0 : index
    %get3A_0 = arith.constant 0 : index
    %get3A_1 = vector.load %arg0[%get3A, %get3A_0] : memref<8192x256xf32, #tpu.memory_space<vmem>>, vector<8192x256xf32>
    %transpose3A = tpu.transpose %get3A_1, [1, 0] : vector<8192x256xf32> -> vector<256x8192xf32>
    %convert_element_type3A = arith.truncf %transpose3A : vector<256x8192xf32> to vector<256x8192xbf16>
    %swap3A = arith.constant 0 : index
    %swap3A_2 = arith.constant 0 : index
    %swap3A_3 = vector.load %arg1[%swap3A, %swap3A_2] : memref<256x8192xbf16, #tpu.memory_space<vmem>>, vector<256x8192xbf16>
    tpu.vector_store %arg1[%swap3A, %swap3A_2], %convert_element_type3A {strides = array<i32>} : memref<256x8192xbf16, #tpu.memory_space<vmem>>, vector<256x8192xbf16>,
    return
  }
}

module attributes {stable_mosaic.version = 14 : i64} {
  func.func @_distance_argmin_kernel(%arg0: i32, %arg1: memref<1024x256xf32, #tpu.memory_space<vmem>>, %arg2: memref<1024xf32, #tpu.memory_space<vmem>>, %arg3: memref<1x8192xf32, #tpu.memory_space<vmem>>, %arg4: memref<256x8192xbf16, #tpu.memory_space<vmem>>, %arg5: memref<1024x1xi32, #tpu.memory_space<vmem>>, %arg6: memref<1x1xf32, #tpu.memory_space<smem>>, %arg7: memref<1x1xf32, #tpu.memory_space<smem>>) attributes {dimension_semantics = [#tpu.dimension_semantics<arbitrary>], iteration_bounds = array<i64: 16>, scalar_prefetch = 0 : i64, scratch_operands = 1 : i64, tpu.core_type = #tpu.core_type<tc>, window_params = [{transform_indices = @transform_0, window_bounds = array<i64: 1024, 256>}, {transform_indices = @transform_1, window_bounds = array<i64: 1024>}, {pipeline_mode = #tpu.pipeline_mode<synchronous>, transform_indices = @transform_2, window_bounds = array<i64: 1, 8192>}, {pipeline_mode = #tpu.pipeline_mode<synchronous>, transform_indices = @transform_3, window_bounds = array<i64: 256, 8192>}, {transform_indices = @transform_4, window_bounds = array<i64: 1024, 1>}, {transform_indices = @transform_5, window_bounds = array<i64: 1, 1>}]} {
    %eq3A = arith.constant 0 : i32
    %eq3A_0 = arith.cmpi eq, %arg0, %eq3A : i32
    %convert_element_type3A = arith.extui %eq3A_0 : i1 to i32
    %cond3A = arith.constant 0 : i32
    %cond3A_1 = arith.cmpi ne, %convert_element_type3A, %cond3A : i32
    scf.if %cond3A_1 {
      %swap3A_3704 = arith.constant 0.000000e+00 : f32
      %swap3A_3705 = arith.constant 0 : index
      %swap3A_3706 = arith.constant 0 : index
      %swap3A_3707 = memref.load %arg7[%swap3A_3705, %swap3A_3706] : memref<1x1xf32, #tpu.memory_space<smem>>
      memref.store %swap3A_3704, %arg7[%swap3A_3705, %swap3A_3706] : memref<1x1xf32, #tpu.memory_space<smem>>
    } else {
    }
    %get3A = arith.constant 0 : index
    %get3A_2 = arith.constant 0 : index
    %get3A_3 = vector.load %arg1[%get3A, %get3A_2] : memref<1024x256xf32, #tpu.memory_space<vmem>>, vector<1024x256xf32>
    %get3A_4 = arith.constant 0 : index
    %get3A_5 = vector.load %arg2[%get3A_4] : memref<1024xf32, #tpu.memory_space<vmem>>, vector<1024xf32>
    %mul3A = arith.constant -2.000000e+00 : f32
    %mul3A_6 = vector.broadcast %mul3A : f32 to vector<1024x256xf32>
    %mul3A_7 = arith.mulf %mul3A_6, %get3A_3 : vector<1024x256xf32>
    %convert_element_type3A_8 = arith.truncf %mul3A_7 : vector<1024x256xf32> to vector<1024x256xbf16>
    %iota3A = tpu.iota {dimensions = array<i32: 1>} : vector<256x128xi32>
    %slice3A = vector.extract_strided_slice %convert_element_type3A_8 {offsets = [0, 0], sizes = [256, 256], strides = [1, 1]} : vector<1024x256xbf16> to vector<256x256xbf16>
    %slice3A_9 = vector.extract_strided_slice %get3A_5 {offsets = [0], sizes = [256], strides = [1]} : vector<1024xf32> to vector<256xf32>
    %broadcast_in_dim3A = vector.shape_cast %slice3A_9 : vector<256xf32> to vector<256x1xf32>
    %broadcast_in_dim3A_10 = arith.constant 0x7F800000 : f32
    %broadcast_in_dim3A_11 = vector.broadcast %broadcast_in_dim3A_10 : f32 to vector<256x128xf32>
    %broadcast_in_dim3A_12 = arith.constant 0 : i32
    %broadcast_in_dim3A_13 = vector.broadcast %broadcast_in_dim3A_12 : i32 to vector<256x128xi32>
    %get3A_14 = arith.constant 0 : index
    %get3A_15 = arith.constant 0 : index
    %get3A_16 = vector.load %arg4[%get3A_14, %get3A_15] : memref<256x8192xbf16, #tpu.memory_space<vmem>>, vector<256x256xbf16>
    %dot_general3A = arith.constant dense<0.000000e+00> : vector<256x256xf32>
    %dot_general3A_17 = tpu.matmul %slice3A, %get3A_16, %dot_general3A {dimension_numbers = #tpu.dot_dimension_numbers<[1], [0], [0], [1], [0, 0, 1, 1], [], []>, transpose_lhs_hint = false} : vector<256x256xbf16>, vector<256x256xbf16>, vector<256x256xf32> -> vector<256x256xf32>
    %get3A_18 = arith.constant 0 : index
    %get3A_19 = arith.constant 0 : index
    %get3A_20 = vector.load %arg3[%get3A_18, %get3A_19] : memref<1x8192xf32, #tpu.memory_space<vmem>>, vector<1x256xf32>
    %get3A_21 = vector.shape_cast %get3A_20 : vector<1x256xf32> to vector<256xf32>
    %broadcast_in_dim3A_22 = vector.shape_cast %get3A_21 : vector<256xf32> to vector<1x256xf32>
    %add3A = vector.broadcast %broadcast_in_dim3A : vector<256x1xf32> to vector<256x256xf32>
    %add3A_23 = vector.broadcast %broadcast_in_dim3A_22 : vector<1x256xf32> to vector<256x256xf32>
    %add3A_24 = arith.addf %add3A, %add3A_23 : vector<256x256xf32>
    %add3A_25 = arith.addf %add3A_24, %dot_general3A_17 : vector<256x256xf32>
    %slice3A_26 = vector.extract_strided_slice %add3A_25 {offsets = [0, 0], sizes = [256, 128], strides = [1, 1]} : vector<256x256xf32> to vector<256x128xf32>
    %slice3A_27 = vector.extract_strided_slice %add3A_25 {offsets = [0, 128], sizes = [256, 128], strides = [1, 1]} : vector<256x256xf32> to vector<256x128xf32>
    %add3A_28 = arith.constant 0 : i32
    %add3A_29 = vector.broadcast %add3A_28 : i32 to vector<256x128xi32>
    %add3A_30 = arith.addi %iota3A, %add3A_29 : vector<256x128xi32>
    %lt3A = arith.cmpf olt, %slice3A_27, %slice3A_26 : vector<256x128xf32>
    %select_n3A = arith.select %lt3A, %slice3A_27, %slice3A_26 : vector<256x128xi1>, vector<256x128xf32>
    %add3A_31 = arith.constant 128 : i32
    %add3A_32 = vector.broadcast %add3A_31 : i32 to vector<256x128xi32>
    %add3A_33 = arith.addi %add3A_30, %add3A_32 : vector<256x128xi32>
    %select_n3A_34 = arith.select %lt3A, %add3A_33, %add3A_30 : vector<256x128xi1>, vector<256x128xi32>
    %lt3A_35 = arith.cmpf olt, %select_n3A, %broadcast_in_dim3A_11 : vector<256x128xf32>
    %select_n3A_36 = arith.select %lt3A_35, %select_n3A_34, %broadcast_in_dim3A_13 : vector<256x128xi1>, vector<256x128xi32>
    %select_n3A_37 = arith.select %lt3A_35, %select_n3A, %broadcast_in_dim3A_11 : vector<256x128xi1>, vector<256x128xf32>
    %get3A_38 = arith.constant 0 : index
    %get3A_39 = arith.constant 256 : index
    %get3A_40 = vector.load %arg4[%get3A_38, %get3A_39] : memref<256x8192xbf16, #tpu.memory_space<vmem>>, vector<256x256xbf16>
    %dot_general3A_41 = arith.constant dense<0.000000e+00> : vector<256x256xf32>
    %dot_general3A_42 = tpu.matmul %slice3A, %get3A_40, %dot_general3A_41 {dimension_numbers = #tpu.dot_dimension_numbers<[1], [0], [0], [1], [0, 0, 1, 1], [], []>, transpose_lhs_hint = false} : vector<256x256xbf16>, vector<256x256xbf16>, vector<256x256xf32> -> vector<256x256xf32>
    %get3A_43 = arith.constant 0 : index
    %get3A_44 = arith.constant 256 : index
    %get3A_45 = vector.load %arg3[%get3A_43, %get3A_44] : memref<1x8192xf32, #tpu.memory_space<vmem>>, vector<1x256xf32>
    %get3A_46 = vector.shape_cast %get3A_45 : vector<1x256xf32> to vector<256xf32>
    %broadcast_in_dim3A_47 = vector.shape_cast %get3A_46 : vector<256xf32> to vector<1x256xf32>
    %add3A_48 = vector.broadcast %broadcast_in_dim3A : vector<256x1xf32> to vector<256x256xf32>
    %add3A_49 = vector.broadcast %broadcast_in_dim3A_47 : vector<1x256xf32> to vector<256x256xf32>
    %add3A_50 = arith.addf %add3A_48, %add3A_49 : vector<256x256xf32>
    %add3A_51 = arith.addf %add3A_50, %dot_general3A_42 : vector<256x256xf32>
    %slice3A_52 = vector.extract_strided_slice %add3A_51 {offsets = [0, 0], sizes = [256, 128], strides = [1, 1]} : vector<256x256xf32> to vector<256x128xf32>
    %slice3A_53 = vector.extract_strided_slice %add3A_51 {offsets = [0, 128], sizes = [256, 128], strides = [1, 1]} : vector<256x256xf32> to vector<256x128xf32>
    %add3A_54 = arith.constant 256 : i32
    %add3A_55 = vector.broadcast %add3A_54 : i32 to vector<256x128xi32>
    %add3A_56 = arith.addi %iota3A, %add3A_55 : vector<256x128xi32>
    %lt3A_57 = arith.cmpf olt, %slice3A_53, %slice3A_52 : vector<256x128xf32>
    %select_n3A_58 = arith.select %lt3A_57, %slice3A_53, %slice3A_52 : vector<256x128xi1>, vector<256x128xf32>
    %add3A_59 = arith.constant 128 : i32
    %add3A_60 = vector.broadcast %add3A_59 : i32 to vector<256x128xi32>
    %add3A_61 = arith.addi %add3A_56, %add3A_60 : vector<256x128xi32>
    %select_n3A_62 = arith.select %lt3A_57, %add3A_61, %add3A_56 : vector<256x128xi1>, vector<256x128xi32>
    %lt3A_63 = arith.cmpf olt, %select_n3A_58, %select_n3A_37 : vector<256x128xf32>
    %select_n3A_64 = arith.select %lt3A_63, %select_n3A_62, %select_n3A_36 : vector<256x128xi1>, vector<256x128xi32>
    %select_n3A_65 = arith.select %lt3A_63, %select_n3A_58, %select_n3A_37 : vector<256x128xi1>, vector<256x128xf32>
    %get3A_66 = arith.constant 0 : index
    %get3A_67 = arith.constant 512 : index
    %get3A_68 = vector.load %arg4[%get3A_66, %get3A_67] : memref<256x8192xbf16, #tpu.memory_space<vmem>>, vector<256x256xbf16>
    %dot_general3A_69 = arith.constant dense<0.000000e+00> : vector<256x256xf32>
    %dot_general3A_70 = tpu.matmul %slice3A, %get3A_68, %dot_general3A_69 {dimension_numbers = #tpu.dot_dimension_numbers<[1], [0], [0], [1], [0, 0, 1, 1], [], []>, transpose_lhs_hint = false} : vector<256x256xbf16>, vector<256x256xbf16>, vector<256x256xf32> -> vector<256x256xf32>
    %get3A_71 = arith.constant 0 : index
    %get3A_72 = arith.constant 512 : index
    %get3A_73 = vector.load %arg3[%get3A_71, %get3A_72] : memref<1x8192xf32, #tpu.memory_space<vmem>>, vector<1x256xf32>
    %get3A_74 = vector.shape_cast %get3A_73 : vector<1x256xf32> to vector<256xf32>
    %broadcast_in_dim3A_75 = vector.shape_cast %get3A_74 : vector<256xf32> to vector<1x256xf32>
    %add3A_76 = vector.broadcast %broadcast_in_dim3A : vector<256x1xf32> to vector<256x256xf32>
    %add3A_77 = vector.broadcast %broadcast_in_dim3A_75 : vector<1x256xf32> to vector<256x256xf32>
    %add3A_78 = arith.addf %add3A_76, %add3A_77 : vector<256x256xf32>
    %add3A_79 = arith.addf %add3A_78, %dot_general3A_70 : vector<256x256xf32>
    %slice3A_80 = vector.extract_strided_slice %add3A_79 {offsets = [0, 0], sizes = [256, 128], strides = [1, 1]} : vector<256x256xf32> to vector<256x128xf32>
    %slice3A_81 = vector.extract_strided_slice %add3A_79 {offsets = [0, 128], sizes = [256, 128], strides = [1, 1]} : vector<256x256xf32> to vector<256x128xf32>
    %add3A_82 = arith.constant 512 : i32
    %add3A_83 = vector.broadcast %add3A_82 : i32 to vector<256x128xi32>
    %add3A_84 = arith.addi %iota3A, %add3A_83 : vector<256x128xi32>
    %lt3A_85 = arith.cmpf olt, %slice3A_81, %slice3A_80 : vector<256x128xf32>
    %select_n3A_86 = arith.select %lt3A_85, %slice3A_81, %slice3A_80 : vector<256x128xi1>, vector<256x128xf32>
    %add3A_87 = arith.constant 128 : i32
    %add3A_88 = vector.broadcast %add3A_87 : i32 to vector<256x128xi32>
    %add3A_89 = arith.addi %add3A_84, %add3A_88 : vector<256x128xi32>
    %select_n3A_90 = arith.select %lt3A_85, %add3A_89, %add3A_84 : vector<256x128xi1>, vector<256x128xi32>
    %lt3A_91 = arith.cmpf olt, %select_n3A_86, %select_n3A_65 : vector<256x128xf32>
    %select_n3A_92 = arith.select %lt3A_91, %select_n3A_90, %select_n3A_64 : vector<256x128xi1>, vector<256x128xi32>
    %select_n3A_93 = arith.select %lt3A_91, %select_n3A_86, %select_n3A_65 : vector<256x128xi1>, vector<256x128xf32>
    %get3A_94 = arith.constant 0 : index
    %get3A_95 = arith.constant 768 : index
    %get3A_96 = vector.load %arg4[%get3A_94, %get3A_95] : memref<256x8192xbf16, #tpu.memory_space<vmem>>, vector<256x256xbf16>
    %dot_general3A_97 = arith.constant dense<0.000000e+00> : vector<256x256xf32>
    %dot_general3A_98 = tpu.matmul %slice3A, %get3A_96, %dot_general3A_97 {dimension_numbers = #tpu.dot_dimension_numbers<[1], [0], [0], [1], [0, 0, 1, 1], [], []>, transpose_lhs_hint = false} : vector<256x256xbf16>, vector<256x256xbf16>, vector<256x256xf32> -> vector<256x256xf32>
    %get3A_99 = arith.constant 0 : index
    %get3A_100 = arith.constant 768 : index
    %get3A_101 = vector.load %arg3[%get3A_99, %get3A_100] : memref<1x8192xf32, #tpu.memory_space<vmem>>, vector<1x256xf32>
    %get3A_102 = vector.shape_cast %get3A_101 : vector<1x256xf32> to vector<256xf32>
    %broadcast_in_dim3A_103 = vector.shape_cast %get3A_102 : vector<256xf32> to vector<1x256xf32>
    %add3A_104 = vector.broadcast %broadcast_in_dim3A : vector<256x1xf32> to vector<256x256xf32>
    %add3A_105 = vector.broadcast %broadcast_in_dim3A_103 : vector<1x256xf32> to vector<256x256xf32>
    %add3A_106 = arith.addf %add3A_104, %add3A_105 : vector<256x256xf32>
    %add3A_107 = arith.addf %add3A_106, %dot_general3A_98 : vector<256x256xf32>
    %slice3A_108 = vector.extract_strided_slice %add3A_107 {offsets = [0, 0], sizes = [256, 128], strides = [1, 1]} : vector<256x256xf32> to vector<256x128xf32>
    %slice3A_109 = vector.extract_strided_slice %add3A_107 {offsets = [0, 128], sizes = [256, 128], strides = [1, 1]} : vector<256x256xf32> to vector<256x128xf32>
    %add3A_110 = arith.constant 768 : i32
    %add3A_111 = vector.broadcast %add3A_110 : i32 to vector<256x128xi32>
    %add3A_112 = arith.addi %iota3A, %add3A_111 : vector<256x128xi32>
    %lt3A_113 = arith.cmpf olt, %slice3A_109, %slice3A_108 : vector<256x128xf32>
    %select_n3A_114 = arith.select %lt3A_113, %slice3A_109, %slice3A_108 : vector<256x128xi1>, vector<256x128xf32>
    %add3A_115 = arith.constant 128 : i32
    %add3A_116 = vector.broadcast %add3A_115 : i32 to vector<256x128xi32>
    %add3A_117 = arith.addi %add3A_112, %add3A_116 : vector<256x128xi32>
    %select_n3A_118 = arith.select %lt3A_113, %add3A_117, %add3A_112 : vector<256x128xi1>, vector<256x128xi32>
    %lt3A_119 = arith.cmpf olt, %select_n3A_114, %select_n3A_93 : vector<256x128xf32>
    %select_n3A_120 = arith.select %lt3A_119, %select_n3A_118, %select_n3A_92 : vector<256x128xi1>, vector<256x128xi32>
    %select_n3A_121 = arith.select %lt3A_119, %select_n3A_114, %select_n3A_93 : vector<256x128xi1>, vector<256x128xf32>
    %get3A_122 = arith.constant 0 : index
    %get3A_123 = arith.constant 1024 : index
    %get3A_124 = vector.load %arg4[%get3A_122, %get3A_123] : memref<256x8192xbf16, #tpu.memory_space<vmem>>, vector<256x256xbf16>
    %dot_general3A_125 = arith.constant dense<0.000000e+00> : vector<256x256xf32>
    %dot_general3A_126 = tpu.matmul %slice3A, %get3A_124, %dot_general3A_125 {dimension_numbers = #tpu.dot_dimension_numbers<[1], [0], [0], [1], [0, 0, 1, 1], [], []>, transpose_lhs_hint = false} : vector<256x256xbf16>, vector<256x256xbf16>, vector<256x256xf32> -> vector<256x256xf32>
    %get3A_127 = arith.constant 0 : index
    %get3A_128 = arith.constant 1024 : index
    %get3A_129 = vector.load %arg3[%get3A_127, %get3A_128] : memref<1x8192xf32, #tpu.memory_space<vmem>>, vector<1x256xf32>
    %get3A_130 = vector.shape_cast %get3A_129 : vector<1x256xf32> to vector<256xf32>
    %broadcast_in_dim3A_131 = vector.shape_cast %get3A_130 : vector<256xf32> to vector<1x256xf32>
    %add3A_132 = vector.broadcast %broadcast_in_dim3A : vector<256x1xf32> to vector<256x256xf32>
    %add3A_133 = vector.broadcast %broadcast_in_dim3A_131 : vector<1x256xf32> to vector<256x256xf32>
    %add3A_134 = arith.addf %add3A_132, %add3A_133 : vector<256x256xf32>
    %add3A_135 = arith.addf %add3A_134, %dot_general3A_126 : vector<256x256xf32>
    %slice3A_136 = vector.extract_strided_slice %add3A_135 {offsets = [0, 0], sizes = [256, 128], strides = [1, 1]} : vector<256x256xf32> to vector<256x128xf32>
    %slice3A_137 = vector.extract_strided_slice %add3A_135 {offsets = [0, 128], sizes = [256, 128], strides = [1, 1]} : vector<256x256xf32> to vector<256x128xf32>
    %add3A_138 = arith.constant 1024 : i32
    %add3A_139 = vector.broadcast %add3A_138 : i32 to vector<256x128xi32>
    %add3A_140 = arith.addi %iota3A, %add3A_139 : vector<256x128xi32>
    %lt3A_141 = arith.cmpf olt, %slice3A_137, %slice3A_136 : vector<256x128xf32>
    %select_n3A_142 = arith.select %lt3A_141, %slice3A_137, %slice3A_136 : vector<256x128xi1>, vector<256x128xf32>
    %add3A_143 = arith.constant 128 : i32
    %add3A_144 = vector.broadcast %add3A_143 : i32 to vector<256x128xi32>
    %add3A_145 = arith.addi %add3A_140, %add3A_144 : vector<256x128xi32>
    %select_n3A_146 = arith.select %lt3A_141, %add3A_145, %add3A_140 : vector<256x128xi1>, vector<256x128xi32>
    %lt3A_147 = arith.cmpf olt, %select_n3A_142, %select_n3A_121 : vector<256x128xf32>
    %select_n3A_148 = arith.select %lt3A_147, %select_n3A_146, %select_n3A_120 : vector<256x128xi1>, vector<256x128xi32>
    %select_n3A_149 = arith.select %lt3A_147, %select_n3A_142, %select_n3A_121 : vector<256x128xi1>, vector<256x128xf32>
    %get3A_150 = arith.constant 0 : index
    %get3A_151 = arith.constant 1280 : index
    %get3A_152 = vector.load %arg4[%get3A_150, %get3A_151] : memref<256x8192xbf16, #tpu.memory_space<vmem>>, vector<256x256xbf16>
    %dot_general3A_153 = arith.constant dense<0.000000e+00> : vector<256x256xf32>
    %dot_general3A_154 = tpu.matmul %slice3A, %get3A_152, %dot_general3A_153 {dimension_numbers = #tpu.dot_dimension_numbers<[1], [0], [0], [1], [0, 0, 1, 1], [], []>, transpose_lhs_hint = false} : vector<256x256xbf16>, vector<256x256xbf16>, vector<256x256xf32> -> vector<256x256xf32>
    %get3A_155 = arith.constant 0 : index
    %get3A_156 = arith.constant 1280 : index
    %get3A_157 = vector.load %arg3[%get3A_155, %get3A_156] : memref<1x8192xf32, #tpu.memory_space<vmem>>, vector<1x256xf32>
    %get3A_158 = vector.shape_cast %get3A_157 : vector<1x256xf32> to vector<256xf32>
    %broadcast_in_dim3A_159 = vector.shape_cast %get3A_158 : vector<256xf32> to vector<1x256xf32>
    %add3A_160 = vector.broadcast %broadcast_in_dim3A : vector<256x1xf32> to vector<256x256xf32>
    %add3A_161 = vector.broadcast %broadcast_in_dim3A_159 : vector<1x256xf32> to vector<256x256xf32>
    %add3A_162 = arith.addf %add3A_160, %add3A_161 : vector<256x256xf32>
    %add3A_163 = arith.addf %add3A_162, %dot_general3A_154 : vector<256x256xf32>
    %slice3A_164 = vector.extract_strided_slice %add3A_163 {offsets = [0, 0], sizes = [256, 128], strides = [1, 1]} : vector<256x256xf32> to vector<256x128xf32>
    %slice3A_165 = vector.extract_strided_slice %add3A_163 {offsets = [0, 128], sizes = [256, 128], strides = [1, 1]} : vector<256x256xf32> to vector<256x128xf32>
    %add3A_166 = arith.constant 1280 : i32
    %add3A_167 = vector.broadcast %add3A_166 : i32 to vector<256x128xi32>
    %add3A_168 = arith.addi %iota3A, %add3A_167 : vector<256x128xi32>
    %lt3A_169 = arith.cmpf olt, %slice3A_165, %slice3A_164 : vector<256x128xf32>
    %select_n3A_170 = arith.select %lt3A_169, %slice3A_165, %slice3A_164 : vector<256x128xi1>, vector<256x128xf32>
    %add3A_171 = arith.constant 128 : i32
    %add3A_172 = vector.broadcast %add3A_171 : i32 to vector<256x128xi32>
    %add3A_173 = arith.addi %add3A_168, %add3A_172 : vector<256x128xi32>
    %select_n3A_174 = arith.select %lt3A_169, %add3A_173, %add3A_168 : vector<256x128xi1>, vector<256x128xi32>
    %lt3A_175 = arith.cmpf olt, %select_n3A_170, %select_n3A_149 : vector<256x128xf32>
    %select_n3A_176 = arith.select %lt3A_175, %select_n3A_174, %select_n3A_148 : vector<256x128xi1>, vector<256x128xi32>
    %select_n3A_177 = arith.select %lt3A_175, %select_n3A_170, %select_n3A_149 : vector<256x128xi1>, vector<256x128xf32>
    %get3A_178 = arith.constant 0 : index
    %get3A_179 = arith.constant 1536 : index
    %get3A_180 = vector.load %arg4[%get3A_178, %get3A_179] : memref<256x8192xbf16, #tpu.memory_space<vmem>>, vector<256x256xbf16>
    %dot_general3A_181 = arith.constant dense<0.000000e+00> : vector<256x256xf32>
    %dot_general3A_182 = tpu.matmul %slice3A, %get3A_180, %dot_general3A_181 {dimension_numbers = #tpu.dot_dimension_numbers<[1], [0], [0], [1], [0, 0, 1, 1], [], []>, transpose_lhs_hint = false} : vector<256x256xbf16>, vector<256x256xbf16>, vector<256x256xf32> -> vector<256x256xf32>
    %get3A_183 = arith.constant 0 : index
    %get3A_184 = arith.constant 1536 : index
    %get3A_185 = vector.load %arg3[%get3A_183, %get3A_184] : memref<1x8192xf32, #tpu.memory_space<vmem>>, vector<1x256xf32>
    %get3A_186 = vector.shape_cast %get3A_185 : vector<1x256xf32> to vector<256xf32>
    %broadcast_in_dim3A_187 = vector.shape_cast %get3A_186 : vector<256xf32> to vector<1x256xf32>
    %add3A_188 = vector.broadcast %broadcast_in_dim3A : vector<256x1xf32> to vector<256x256xf32>
    %add3A_189 = vector.broadcast %broadcast_in_dim3A_187 : vector<1x256xf32> to vector<256x256xf32>
    %add3A_190 = arith.addf %add3A_188, %add3A_189 : vector<256x256xf32>
    %add3A_191 = arith.addf %add3A_190, %dot_general3A_182 : vector<256x256xf32>
    %slice3A_192 = vector.extract_strided_slice %add3A_191 {offsets = [0, 0], sizes = [256, 128], strides = [1, 1]} : vector<256x256xf32> to vector<256x128xf32>
    %slice3A_193 = vector.extract_strided_slice %add3A_191 {offsets = [0, 128], sizes = [256, 128], strides = [1, 1]} : vector<256x256xf32> to vector<256x128xf32>
    %add3A_194 = arith.constant 1536 : i32
    %add3A_195 = vector.broadcast %add3A_194 : i32 to vector<256x128xi32>
    %add3A_196 = arith.addi %iota3A, %add3A_195 : vector<256x128xi32>
    %lt3A_197 = arith.cmpf olt, %slice3A_193, %slice3A_192 : vector<256x128xf32>
    %select_n3A_198 = arith.select %lt3A_197, %slice3A_193, %slice3A_192 : vector<256x128xi1>, vector<256x128xf32>
    %add3A_199 = arith.constant 128 : i32
    %add3A_200 = vector.broadcast %add3A_199 : i32 to vector<256x128xi32>
    %add3A_201 = arith.addi %add3A_196, %add3A_200 : vector<256x128xi32>
    %select_n3A_202 = arith.select %lt3A_197, %add3A_201, %add3A_196 : vector<256x128xi1>, vector<256x128xi32>
    %lt3A_203 = arith.cmpf olt, %select_n3A_198, %select_n3A_177 : vector<256x128xf32>
    %select_n3A_204 = arith.select %lt3A_203, %select_n3A_202, %select_n3A_176 : vector<256x128xi1>, vector<256x128xi32>
    %select_n3A_205 = arith.select %lt3A_203, %select_n3A_198, %select_n3A_177 : vector<256x128xi1>, vector<256x128xf32>
    %get3A_206 = arith.constant 0 : index
    %get3A_207 = arith.constant 1792 : index
    %get3A_208 = vector.load %arg4[%get3A_206, %get3A_207] : memref<256x8192xbf16, #tpu.memory_space<vmem>>, vector<256x256xbf16>
    %dot_general3A_209 = arith.constant dense<0.000000e+00> : vector<256x256xf32>
    %dot_general3A_210 = tpu.matmul %slice3A, %get3A_208, %dot_general3A_209 {dimension_numbers = #tpu.dot_dimension_numbers<[1], [0], [0], [1], [0, 0, 1, 1], [], []>, transpose_lhs_hint = false} : vector<256x256xbf16>, vector<256x256xbf16>, vector<256x256xf32> -> vector<256x256xf32>
    %get3A_211 = arith.constant 0 : index
    %get3A_212 = arith.constant 1792 : index
    %get3A_213 = vector.load %arg3[%get3A_211, %get3A_212] : memref<1x8192xf32, #tpu.memory_space<vmem>>, vector<1x256xf32>
    %get3A_214 = vector.shape_cast %get3A_213 : vector<1x256xf32> to vector<256xf32>
    %broadcast_in_dim3A_215 = vector.shape_cast %get3A_214 : vector<256xf32> to vector<1x256xf32>
    %add3A_216 = vector.broadcast %broadcast_in_dim3A : vector<256x1xf32> to vector<256x256xf32>
    %add3A_217 = vector.broadcast %broadcast_in_dim3A_215 : vector<1x256xf32> to vector<256x256xf32>
    %add3A_218 = arith.addf %add3A_216, %add3A_217 : vector<256x256xf32>
    %add3A_219 = arith.addf %add3A_218, %dot_general3A_210 : vector<256x256xf32>
    %slice3A_220 = vector.extract_strided_slice %add3A_219 {offsets = [0, 0], sizes = [256, 128], strides = [1, 1]} : vector<256x256xf32> to vector<256x128xf32>
    %slice3A_221 = vector.extract_strided_slice %add3A_219 {offsets = [0, 128], sizes = [256, 128], strides = [1, 1]} : vector<256x256xf32> to vector<256x128xf32>
    %add3A_222 = arith.constant 1792 : i32
    %add3A_223 = vector.broadcast %add3A_222 : i32 to vector<256x128xi32>
    %add3A_224 = arith.addi %iota3A, %add3A_223 : vector<256x128xi32>
    %lt3A_225 = arith.cmpf olt, %slice3A_221, %slice3A_220 : vector<256x128xf32>
    %select_n3A_226 = arith.select %lt3A_225, %slice3A_221, %slice3A_220 : vector<256x128xi1>, vector<256x128xf32>
    %add3A_227 = arith.constant 128 : i32
    %add3A_228 = vector.broadcast %add3A_227 : i32 to vector<256x128xi32>
    %add3A_229 = arith.addi %add3A_224, %add3A_228 : vector<256x128xi32>
    %select_n3A_230 = arith.select %lt3A_225, %add3A_229, %add3A_224 : vector<256x128xi1>, vector<256x128xi32>
    %lt3A_231 = arith.cmpf olt, %select_n3A_226, %select_n3A_205 : vector<256x128xf32>
    %select_n3A_232 = arith.select %lt3A_231, %select_n3A_230, %select_n3A_204 : vector<256x128xi1>, vector<256x128xi32>
    %select_n3A_233 = arith.select %lt3A_231, %select_n3A_226, %select_n3A_205 : vector<256x128xi1>, vector<256x128xf32>
    %get3A_234 = arith.constant 0 : index
    %get3A_235 = arith.constant 2048 : index
    %get3A_236 = vector.load %arg4[%get3A_234, %get3A_235] : memref<256x8192xbf16, #tpu.memory_space<vmem>>, vector<256x256xbf16>
    %dot_general3A_237 = arith.constant dense<0.000000e+00> : vector<256x256xf32>
    %dot_general3A_238 = tpu.matmul %slice3A, %get3A_236, %dot_general3A_237 {dimension_numbers = #tpu.dot_dimension_numbers<[1], [0], [0], [1], [0, 0, 1, 1], [], []>, transpose_lhs_hint = false} : vector<256x256xbf16>, vector<256x256xbf16>, vector<256x256xf32> -> vector<256x256xf32>
    %get3A_239 = arith.constant 0 : index
    %get3A_240 = arith.constant 2048 : index
    %get3A_241 = vector.load %arg3[%get3A_239, %get3A_240] : memref<1x8192xf32, #tpu.memory_space<vmem>>, vector<1x256xf32>
    %get3A_242 = vector.shape_cast %get3A_241 : vector<1x256xf32> to vector<256xf32>
    %broadcast_in_dim3A_243 = vector.shape_cast %get3A_242 : vector<256xf32> to vector<1x256xf32>
    %add3A_244 = vector.broadcast %broadcast_in_dim3A : vector<256x1xf32> to vector<256x256xf32>
    %add3A_245 = vector.broadcast %broadcast_in_dim3A_243 : vector<1x256xf32> to vector<256x256xf32>
    %add3A_246 = arith.addf %add3A_244, %add3A_245 : vector<256x256xf32>
    %add3A_247 = arith.addf %add3A_246, %dot_general3A_238 : vector<256x256xf32>
    %slice3A_248 = vector.extract_strided_slice %add3A_247 {offsets = [0, 0], sizes = [256, 128], strides = [1, 1]} : vector<256x256xf32> to vector<256x128xf32>
    %slice3A_249 = vector.extract_strided_slice %add3A_247 {offsets = [0, 128], sizes = [256, 128], strides = [1, 1]} : vector<256x256xf32> to vector<256x128xf32>
    %add3A_250 = arith.constant 2048 : i32
    %add3A_251 = vector.broadcast %add3A_250 : i32 to vector<256x128xi32>
    %add3A_252 = arith.addi %iota3A, %add3A_251 : vector<256x128xi32>
    %lt3A_253 = arith.cmpf olt, %slice3A_249, %slice3A_248 : vector<256x128xf32>
    %select_n3A_254 = arith.select %lt3A_253, %slice3A_249, %slice3A_248 : vector<256x128xi1>, vector<256x128xf32>
    %add3A_255 = arith.constant 128 : i32
    %add3A_256 = vector.broadcast %add3A_255 : i32 to vector<256x128xi32>
    %add3A_257 = arith.addi %add3A_252, %add3A_256 : vector<256x128xi32>
    %select_n3A_258 = arith.select %lt3A_253, %add3A_257, %add3A_252 : vector<256x128xi1>, vector<256x128xi32>
    %lt3A_259 = arith.cmpf olt, %select_n3A_254, %select_n3A_233 : vector<256x128xf32>
    %select_n3A_260 = arith.select %lt3A_259, %select_n3A_258, %select_n3A_232 : vector<256x128xi1>, vector<256x128xi32>
    %select_n3A_261 = arith.select %lt3A_259, %select_n3A_254, %select_n3A_233 : vector<256x128xi1>, vector<256x128xf32>
    %get3A_262 = arith.constant 0 : index
    %get3A_263 = arith.constant 2304 : index
    %get3A_264 = vector.load %arg4[%get3A_262, %get3A_263] : memref<256x8192xbf16, #tpu.memory_space<vmem>>, vector<256x256xbf16>
    %dot_general3A_265 = arith.constant dense<0.000000e+00> : vector<256x256xf32>
    %dot_general3A_266 = tpu.matmul %slice3A, %get3A_264, %dot_general3A_265 {dimension_numbers = #tpu.dot_dimension_numbers<[1], [0], [0], [1], [0, 0, 1, 1], [], []>, transpose_lhs_hint = false} : vector<256x256xbf16>, vector<256x256xbf16>, vector<256x256xf32> -> vector<256x256xf32>
    %get3A_267 = arith.constant 0 : index
    %get3A_268 = arith.constant 2304 : index
    %get3A_269 = vector.load %arg3[%get3A_267, %get3A_268] : memref<1x8192xf32, #tpu.memory_space<vmem>>, vector<1x256xf32>
    %get3A_270 = vector.shape_cast %get3A_269 : vector<1x256xf32> to vector<256xf32>
    %broadcast_in_dim3A_271 = vector.shape_cast %get3A_270 : vector<256xf32> to vector<1x256xf32>
    %add3A_272 = vector.broadcast %broadcast_in_dim3A : vector<256x1xf32> to vector<256x256xf32>
    %add3A_273 = vector.broadcast %broadcast_in_dim3A_271 : vector<1x256xf32> to vector<256x256xf32>
    %add3A_274 = arith.addf %add3A_272, %add3A_273 : vector<256x256xf32>
    %add3A_275 = arith.addf %add3A_274, %dot_general3A_266 : vector<256x256xf32>
    %slice3A_276 = vector.extract_strided_slice %add3A_275 {offsets = [0, 0], sizes = [256, 128], strides = [1, 1]} : vector<256x256xf32> to vector<256x128xf32>
    %slice3A_277 = vector.extract_strided_slice %add3A_275 {offsets = [0, 128], sizes = [256, 128], strides = [1, 1]} : vector<256x256xf32> to vector<256x128xf32>
    %add3A_278 = arith.constant 2304 : i32
    %add3A_279 = vector.broadcast %add3A_278 : i32 to vector<256x128xi32>
    %add3A_280 = arith.addi %iota3A, %add3A_279 : vector<256x128xi32>
    %lt3A_281 = arith.cmpf olt, %slice3A_277, %slice3A_276 : vector<256x128xf32>
    %select_n3A_282 = arith.select %lt3A_281, %slice3A_277, %slice3A_276 : vector<256x128xi1>, vector<256x128xf32>
    %add3A_283 = arith.constant 128 : i32
    %add3A_284 = vector.broadcast %add3A_283 : i32 to vector<256x128xi32>
    %add3A_285 = arith.addi %add3A_280, %add3A_284 : vector<256x128xi32>
    %select_n3A_286 = arith.select %lt3A_281, %add3A_285, %add3A_280 : vector<256x128xi1>, vector<256x128xi32>
    %lt3A_287 = arith.cmpf olt, %select_n3A_282, %select_n3A_261 : vector<256x128xf32>
    %select_n3A_288 = arith.select %lt3A_287, %select_n3A_286, %select_n3A_260 : vector<256x128xi1>, vector<256x128xi32>
    %select_n3A_289 = arith.select %lt3A_287, %select_n3A_282, %select_n3A_261 : vector<256x128xi1>, vector<256x128xf32>
    %get3A_290 = arith.constant 0 : index
    %get3A_291 = arith.constant 2560 : index
    %get3A_292 = vector.load %arg4[%get3A_290, %get3A_291] : memref<256x8192xbf16, #tpu.memory_space<vmem>>, vector<256x256xbf16>
    %dot_general3A_293 = arith.constant dense<0.000000e+00> : vector<256x256xf32>
    %dot_general3A_294 = tpu.matmul %slice3A, %get3A_292, %dot_general3A_293 {dimension_numbers = #tpu.dot_dimension_numbers<[1], [0], [0], [1], [0, 0, 1, 1], [], []>, transpose_lhs_hint = false} : vector<256x256xbf16>, vector<256x256xbf16>, vector<256x256xf32> -> vector<256x256xf32>
    %get3A_295 = arith.constant 0 : index
    %get3A_296 = arith.constant 2560 : index
    %get3A_297 = vector.load %arg3[%get3A_295, %get3A_296] : memref<1x8192xf32, #tpu.memory_space<vmem>>, vector<1x256xf32>
    %get3A_298 = vector.shape_cast %get3A_297 : vector<1x256xf32> to vector<256xf32>
    %broadcast_in_dim3A_299 = vector.shape_cast %get3A_298 : vector<256xf32> to vector<1x256xf32>
    %add3A_300 = vector.broadcast %broadcast_in_dim3A : vector<256x1xf32> to vector<256x256xf32>
    %add3A_301 = vector.broadcast %broadcast_in_dim3A_299 : vector<1x256xf32> to vector<256x256xf32>
    %add3A_302 = arith.addf %add3A_300, %add3A_301 : vector<256x256xf32>
    %add3A_303 = arith.addf %add3A_302, %dot_general3A_294 : vector<256x256xf32>
    %slice3A_304 = vector.extract_strided_slice %add3A_303 {offsets = [0, 0], sizes = [256, 128], strides = [1, 1]} : vector<256x256xf32> to vector<256x128xf32>
    %slice3A_305 = vector.extract_strided_slice %add3A_303 {offsets = [0, 128], sizes = [256, 128], strides = [1, 1]} : vector<256x256xf32> to vector<256x128xf32>
    %add3A_306 = arith.constant 2560 : i32
    %add3A_307 = vector.broadcast %add3A_306 : i32 to vector<256x128xi32>
    %add3A_308 = arith.addi %iota3A, %add3A_307 : vector<256x128xi32>
    %lt3A_309 = arith.cmpf olt, %slice3A_305, %slice3A_304 : vector<256x128xf32>
    %select_n3A_310 = arith.select %lt3A_309, %slice3A_305, %slice3A_304 : vector<256x128xi1>, vector<256x128xf32>
    %add3A_311 = arith.constant 128 : i32
    %add3A_312 = vector.broadcast %add3A_311 : i32 to vector<256x128xi32>
    %add3A_313 = arith.addi %add3A_308, %add3A_312 : vector<256x128xi32>
    %select_n3A_314 = arith.select %lt3A_309, %add3A_313, %add3A_308 : vector<256x128xi1>, vector<256x128xi32>
    %lt3A_315 = arith.cmpf olt, %select_n3A_310, %select_n3A_289 : vector<256x128xf32>
    %select_n3A_316 = arith.select %lt3A_315, %select_n3A_314, %select_n3A_288 : vector<256x128xi1>, vector<256x128xi32>
    %select_n3A_317 = arith.select %lt3A_315, %select_n3A_310, %select_n3A_289 : vector<256x128xi1>, vector<256x128xf32>
    %get3A_318 = arith.constant 0 : index
    %get3A_319 = arith.constant 2816 : index
    %get3A_320 = vector.load %arg4[%get3A_318, %get3A_319] : memref<256x8192xbf16, #tpu.memory_space<vmem>>, vector<256x256xbf16>
    %dot_general3A_321 = arith.constant dense<0.000000e+00> : vector<256x256xf32>
    %dot_general3A_322 = tpu.matmul %slice3A, %get3A_320, %dot_general3A_321 {dimension_numbers = #tpu.dot_dimension_numbers<[1], [0], [0], [1], [0, 0, 1, 1], [], []>, transpose_lhs_hint = false} : vector<256x256xbf16>, vector<256x256xbf16>, vector<256x256xf32> -> vector<256x256xf32>
    %get3A_323 = arith.constant 0 : index
    %get3A_324 = arith.constant 2816 : index
    %get3A_325 = vector.load %arg3[%get3A_323, %get3A_324] : memref<1x8192xf32, #tpu.memory_space<vmem>>, vector<1x256xf32>
    %get3A_326 = vector.shape_cast %get3A_325 : vector<1x256xf32> to vector<256xf32>
    %broadcast_in_dim3A_327 = vector.shape_cast %get3A_326 : vector<256xf32> to vector<1x256xf32>
    %add3A_328 = vector.broadcast %broadcast_in_dim3A : vector<256x1xf32> to vector<256x256xf32>
    %add3A_329 = vector.broadcast %broadcast_in_dim3A_327 : vector<1x256xf32> to vector<256x256xf32>
    %add3A_330 = arith.addf %add3A_328, %add3A_329 : vector<256x256xf32>
    %add3A_331 = arith.addf %add3A_330, %dot_general3A_322 : vector<256x256xf32>
    %slice3A_332 = vector.extract_strided_slice %add3A_331 {offsets = [0, 0], sizes = [256, 128], strides = [1, 1]} : vector<256x256xf32> to vector<256x128xf32>
    %slice3A_333 = vector.extract_strided_slice %add3A_331 {offsets = [0, 128], sizes = [256, 128], strides = [1, 1]} : vector<256x256xf32> to vector<256x128xf32>
    %add3A_334 = arith.constant 2816 : i32
    %add3A_335 = vector.broadcast %add3A_334 : i32 to vector<256x128xi32>
    %add3A_336 = arith.addi %iota3A, %add3A_335 : vector<256x128xi32>
    %lt3A_337 = arith.cmpf olt, %slice3A_333, %slice3A_332 : vector<256x128xf32>
    %select_n3A_338 = arith.select %lt3A_337, %slice3A_333, %slice3A_332 : vector<256x128xi1>, vector<256x128xf32>
    %add3A_339 = arith.constant 128 : i32
    %add3A_340 = vector.broadcast %add3A_339 : i32 to vector<256x128xi32>
    %add3A_341 = arith.addi %add3A_336, %add3A_340 : vector<256x128xi32>
    %select_n3A_342 = arith.select %lt3A_337, %add3A_341, %add3A_336 : vector<256x128xi1>, vector<256x128xi32>
    %lt3A_343 = arith.cmpf olt, %select_n3A_338, %select_n3A_317 : vector<256x128xf32>
    %select_n3A_344 = arith.select %lt3A_343, %select_n3A_342, %select_n3A_316 : vector<256x128xi1>, vector<256x128xi32>
    %select_n3A_345 = arith.select %lt3A_343, %select_n3A_338, %select_n3A_317 : vector<256x128xi1>, vector<256x128xf32>
    %get3A_346 = arith.constant 0 : index
    %get3A_347 = arith.constant 3072 : index
    %get3A_348 = vector.load %arg4[%get3A_346, %get3A_347] : memref<256x8192xbf16, #tpu.memory_space<vmem>>, vector<256x256xbf16>
    %dot_general3A_349 = arith.constant dense<0.000000e+00> : vector<256x256xf32>
    %dot_general3A_350 = tpu.matmul %slice3A, %get3A_348, %dot_general3A_349 {dimension_numbers = #tpu.dot_dimension_numbers<[1], [0], [0], [1], [0, 0, 1, 1], [], []>, transpose_lhs_hint = false} : vector<256x256xbf16>, vector<256x256xbf16>, vector<256x256xf32> -> vector<256x256xf32>
    %get3A_351 = arith.constant 0 : index
    %get3A_352 = arith.constant 3072 : index
    %get3A_353 = vector.load %arg3[%get3A_351, %get3A_352] : memref<1x8192xf32, #tpu.memory_space<vmem>>, vector<1x256xf32>
    %get3A_354 = vector.shape_cast %get3A_353 : vector<1x256xf32> to vector<256xf32>
    %broadcast_in_dim3A_355 = vector.shape_cast %get3A_354 : vector<256xf32> to vector<1x256xf32>
    %add3A_356 = vector.broadcast %broadcast_in_dim3A : vector<256x1xf32> to vector<256x256xf32>
    %add3A_357 = vector.broadcast %broadcast_in_dim3A_355 : vector<1x256xf32> to vector<256x256xf32>
    %add3A_358 = arith.addf %add3A_356, %add3A_357 : vector<256x256xf32>
    %add3A_359 = arith.addf %add3A_358, %dot_general3A_350 : vector<256x256xf32>
    %slice3A_360 = vector.extract_strided_slice %add3A_359 {offsets = [0, 0], sizes = [256, 128], strides = [1, 1]} : vector<256x256xf32> to vector<256x128xf32>
    %slice3A_361 = vector.extract_strided_slice %add3A_359 {offsets = [0, 128], sizes = [256, 128], strides = [1, 1]} : vector<256x256xf32> to vector<256x128xf32>
    %add3A_362 = arith.constant 3072 : i32
    %add3A_363 = vector.broadcast %add3A_362 : i32 to vector<256x128xi32>
    %add3A_364 = arith.addi %iota3A, %add3A_363 : vector<256x128xi32>
    %lt3A_365 = arith.cmpf olt, %slice3A_361, %slice3A_360 : vector<256x128xf32>
    %select_n3A_366 = arith.select %lt3A_365, %slice3A_361, %slice3A_360 : vector<256x128xi1>, vector<256x128xf32>
    %add3A_367 = arith.constant 128 : i32
    %add3A_368 = vector.broadcast %add3A_367 : i32 to vector<256x128xi32>
    %add3A_369 = arith.addi %add3A_364, %add3A_368 : vector<256x128xi32>
    %select_n3A_370 = arith.select %lt3A_365, %add3A_369, %add3A_364 : vector<256x128xi1>, vector<256x128xi32>
    %lt3A_371 = arith.cmpf olt, %select_n3A_366, %select_n3A_345 : vector<256x128xf32>
    %select_n3A_372 = arith.select %lt3A_371, %select_n3A_370, %select_n3A_344 : vector<256x128xi1>, vector<256x128xi32>
    %select_n3A_373 = arith.select %lt3A_371, %select_n3A_366, %select_n3A_345 : vector<256x128xi1>, vector<256x128xf32>
    %get3A_374 = arith.constant 0 : index
    %get3A_375 = arith.constant 3328 : index
    %get3A_376 = vector.load %arg4[%get3A_374, %get3A_375] : memref<256x8192xbf16, #tpu.memory_space<vmem>>, vector<256x256xbf16>
    %dot_general3A_377 = arith.constant dense<0.000000e+00> : vector<256x256xf32>
    %dot_general3A_378 = tpu.matmul %slice3A, %get3A_376, %dot_general3A_377 {dimension_numbers = #tpu.dot_dimension_numbers<[1], [0], [0], [1], [0, 0, 1, 1], [], []>, transpose_lhs_hint = false} : vector<256x256xbf16>, vector<256x256xbf16>, vector<256x256xf32> -> vector<256x256xf32>
    %get3A_379 = arith.constant 0 : index
    %get3A_380 = arith.constant 3328 : index
    %get3A_381 = vector.load %arg3[%get3A_379, %get3A_380] : memref<1x8192xf32, #tpu.memory_space<vmem>>, vector<1x256xf32>
    %get3A_382 = vector.shape_cast %get3A_381 : vector<1x256xf32> to vector<256xf32>
    %broadcast_in_dim3A_383 = vector.shape_cast %get3A_382 : vector<256xf32> to vector<1x256xf32>
    %add3A_384 = vector.broadcast %broadcast_in_dim3A : vector<256x1xf32> to vector<256x256xf32>
    %add3A_385 = vector.broadcast %broadcast_in_dim3A_383 : vector<1x256xf32> to vector<256x256xf32>
    %add3A_386 = arith.addf %add3A_384, %add3A_385 : vector<256x256xf32>
    %add3A_387 = arith.addf %add3A_386, %dot_general3A_378 : vector<256x256xf32>
    %slice3A_388 = vector.extract_strided_slice %add3A_387 {offsets = [0, 0], sizes = [256, 128], strides = [1, 1]} : vector<256x256xf32> to vector<256x128xf32>
    %slice3A_389 = vector.extract_strided_slice %add3A_387 {offsets = [0, 128], sizes = [256, 128], strides = [1, 1]} : vector<256x256xf32> to vector<256x128xf32>
    %add3A_390 = arith.constant 3328 : i32
    %add3A_391 = vector.broadcast %add3A_390 : i32 to vector<256x128xi32>
    %add3A_392 = arith.addi %iota3A, %add3A_391 : vector<256x128xi32>
    %lt3A_393 = arith.cmpf olt, %slice3A_389, %slice3A_388 : vector<256x128xf32>
    %select_n3A_394 = arith.select %lt3A_393, %slice3A_389, %slice3A_388 : vector<256x128xi1>, vector<256x128xf32>
    %add3A_395 = arith.constant 128 : i32
    %add3A_396 = vector.broadcast %add3A_395 : i32 to vector<256x128xi32>
    %add3A_397 = arith.addi %add3A_392, %add3A_396 : vector<256x128xi32>
    %select_n3A_398 = arith.select %lt3A_393, %add3A_397, %add3A_392 : vector<256x128xi1>, vector<256x128xi32>
    %lt3A_399 = arith.cmpf olt, %select_n3A_394, %select_n3A_373 : vector<256x128xf32>
    %select_n3A_400 = arith.select %lt3A_399, %select_n3A_398, %select_n3A_372 : vector<256x128xi1>, vector<256x128xi32>
    %select_n3A_401 = arith.select %lt3A_399, %select_n3A_394, %select_n3A_373 : vector<256x128xi1>, vector<256x128xf32>
    %get3A_402 = arith.constant 0 : index
    %get3A_403 = arith.constant 3584 : index
    %get3A_404 = vector.load %arg4[%get3A_402, %get3A_403] : memref<256x8192xbf16, #tpu.memory_space<vmem>>, vector<256x256xbf16>
    %dot_general3A_405 = arith.constant dense<0.000000e+00> : vector<256x256xf32>
    %dot_general3A_406 = tpu.matmul %slice3A, %get3A_404, %dot_general3A_405 {dimension_numbers = #tpu.dot_dimension_numbers<[1], [0], [0], [1], [0, 0, 1, 1], [], []>, transpose_lhs_hint = false} : vector<256x256xbf16>, vector<256x256xbf16>, vector<256x256xf32> -> vector<256x256xf32>
    %get3A_407 = arith.constant 0 : index
    %get3A_408 = arith.constant 3584 : index
    %get3A_409 = vector.load %arg3[%get3A_407, %get3A_408] : memref<1x8192xf32, #tpu.memory_space<vmem>>, vector<1x256xf32>
    %get3A_410 = vector.shape_cast %get3A_409 : vector<1x256xf32> to vector<256xf32>
    %broadcast_in_dim3A_411 = vector.shape_cast %get3A_410 : vector<256xf32> to vector<1x256xf32>
    %add3A_412 = vector.broadcast %broadcast_in_dim3A : vector<256x1xf32> to vector<256x256xf32>
    %add3A_413 = vector.broadcast %broadcast_in_dim3A_411 : vector<1x256xf32> to vector<256x256xf32>
    %add3A_414 = arith.addf %add3A_412, %add3A_413 : vector<256x256xf32>
    %add3A_415 = arith.addf %add3A_414, %dot_general3A_406 : vector<256x256xf32>
    %slice3A_416 = vector.extract_strided_slice %add3A_415 {offsets = [0, 0], sizes = [256, 128], strides = [1, 1]} : vector<256x256xf32> to vector<256x128xf32>
    %slice3A_417 = vector.extract_strided_slice %add3A_415 {offsets = [0, 128], sizes = [256, 128], strides = [1, 1]} : vector<256x256xf32> to vector<256x128xf32>
    %add3A_418 = arith.constant 3584 : i32
    %add3A_419 = vector.broadcast %add3A_418 : i32 to vector<256x128xi32>
    %add3A_420 = arith.addi %iota3A, %add3A_419 : vector<256x128xi32>
    %lt3A_421 = arith.cmpf olt, %slice3A_417, %slice3A_416 : vector<256x128xf32>
    %select_n3A_422 = arith.select %lt3A_421, %slice3A_417, %slice3A_416 : vector<256x128xi1>, vector<256x128xf32>
    %add3A_423 = arith.constant 128 : i32
    %add3A_424 = vector.broadcast %add3A_423 : i32 to vector<256x128xi32>
    %add3A_425 = arith.addi %add3A_420, %add3A_424 : vector<256x128xi32>
    %select_n3A_426 = arith.select %lt3A_421, %add3A_425, %add3A_420 : vector<256x128xi1>, vector<256x128xi32>
    %lt3A_427 = arith.cmpf olt, %select_n3A_422, %select_n3A_401 : vector<256x128xf32>
    %select_n3A_428 = arith.select %lt3A_427, %select_n3A_426, %select_n3A_400 : vector<256x128xi1>, vector<256x128xi32>
    %select_n3A_429 = arith.select %lt3A_427, %select_n3A_422, %select_n3A_401 : vector<256x128xi1>, vector<256x128xf32>
    %get3A_430 = arith.constant 0 : index
    %get3A_431 = arith.constant 3840 : index
    %get3A_432 = vector.load %arg4[%get3A_430, %get3A_431] : memref<256x8192xbf16, #tpu.memory_space<vmem>>, vector<256x256xbf16>
    %dot_general3A_433 = arith.constant dense<0.000000e+00> : vector<256x256xf32>
    %dot_general3A_434 = tpu.matmul %slice3A, %get3A_432, %dot_general3A_433 {dimension_numbers = #tpu.dot_dimension_numbers<[1], [0], [0], [1], [0, 0, 1, 1], [], []>, transpose_lhs_hint = false} : vector<256x256xbf16>, vector<256x256xbf16>, vector<256x256xf32> -> vector<256x256xf32>
    %get3A_435 = arith.constant 0 : index
    %get3A_436 = arith.constant 3840 : index
    %get3A_437 = vector.load %arg3[%get3A_435, %get3A_436] : memref<1x8192xf32, #tpu.memory_space<vmem>>, vector<1x256xf32>
    %get3A_438 = vector.shape_cast %get3A_437 : vector<1x256xf32> to vector<256xf32>
    %broadcast_in_dim3A_439 = vector.shape_cast %get3A_438 : vector<256xf32> to vector<1x256xf32>
    %add3A_440 = vector.broadcast %broadcast_in_dim3A : vector<256x1xf32> to vector<256x256xf32>
    %add3A_441 = vector.broadcast %broadcast_in_dim3A_439 : vector<1x256xf32> to vector<256x256xf32>
    %add3A_442 = arith.addf %add3A_440, %add3A_441 : vector<256x256xf32>
    %add3A_443 = arith.addf %add3A_442, %dot_general3A_434 : vector<256x256xf32>
    %slice3A_444 = vector.extract_strided_slice %add3A_443 {offsets = [0, 0], sizes = [256, 128], strides = [1, 1]} : vector<256x256xf32> to vector<256x128xf32>
    %slice3A_445 = vector.extract_strided_slice %add3A_443 {offsets = [0, 128], sizes = [256, 128], strides = [1, 1]} : vector<256x256xf32> to vector<256x128xf32>
    %add3A_446 = arith.constant 3840 : i32
    %add3A_447 = vector.broadcast %add3A_446 : i32 to vector<256x128xi32>
    %add3A_448 = arith.addi %iota3A, %add3A_447 : vector<256x128xi32>
    %lt3A_449 = arith.cmpf olt, %slice3A_445, %slice3A_444 : vector<256x128xf32>
    %select_n3A_450 = arith.select %lt3A_449, %slice3A_445, %slice3A_444 : vector<256x128xi1>, vector<256x128xf32>
    %add3A_451 = arith.constant 128 : i32
    %add3A_452 = vector.broadcast %add3A_451 : i32 to vector<256x128xi32>
    %add3A_453 = arith.addi %add3A_448, %add3A_452 : vector<256x128xi32>
    %select_n3A_454 = arith.select %lt3A_449, %add3A_453, %add3A_448 : vector<256x128xi1>, vector<256x128xi32>
    %lt3A_455 = arith.cmpf olt, %select_n3A_450, %select_n3A_429 : vector<256x128xf32>
    %select_n3A_456 = arith.select %lt3A_455, %select_n3A_454, %select_n3A_428 : vector<256x128xi1>, vector<256x128xi32>
    %select_n3A_457 = arith.select %lt3A_455, %select_n3A_450, %select_n3A_429 : vector<256x128xi1>, vector<256x128xf32>
    %get3A_458 = arith.constant 0 : index
    %get3A_459 = arith.constant 4096 : index
    %get3A_460 = vector.load %arg4[%get3A_458, %get3A_459] : memref<256x8192xbf16, #tpu.memory_space<vmem>>, vector<256x256xbf16>
    %dot_general3A_461 = arith.constant dense<0.000000e+00> : vector<256x256xf32>
    %dot_general3A_462 = tpu.matmul %slice3A, %get3A_460, %dot_general3A_461 {dimension_numbers = #tpu.dot_dimension_numbers<[1], [0], [0], [1], [0, 0, 1, 1], [], []>, transpose_lhs_hint = false} : vector<256x256xbf16>, vector<256x256xbf16>, vector<256x256xf32> -> vector<256x256xf32>
    %get3A_463 = arith.constant 0 : index
    %get3A_464 = arith.constant 4096 : index
    %get3A_465 = vector.load %arg3[%get3A_463, %get3A_464] : memref<1x8192xf32, #tpu.memory_space<vmem>>, vector<1x256xf32>
    %get3A_466 = vector.shape_cast %get3A_465 : vector<1x256xf32> to vector<256xf32>
    %broadcast_in_dim3A_467 = vector.shape_cast %get3A_466 : vector<256xf32> to vector<1x256xf32>
    %add3A_468 = vector.broadcast %broadcast_in_dim3A : vector<256x1xf32> to vector<256x256xf32>
    %add3A_469 = vector.broadcast %broadcast_in_dim3A_467 : vector<1x256xf32> to vector<256x256xf32>
    %add3A_470 = arith.addf %add3A_468, %add3A_469 : vector<256x256xf32>
    %add3A_471 = arith.addf %add3A_470, %dot_general3A_462 : vector<256x256xf32>
    %slice3A_472 = vector.extract_strided_slice %add3A_471 {offsets = [0, 0], sizes = [256, 128], strides = [1, 1]} : vector<256x256xf32> to vector<256x128xf32>
    %slice3A_473 = vector.extract_strided_slice %add3A_471 {offsets = [0, 128], sizes = [256, 128], strides = [1, 1]} : vector<256x256xf32> to vector<256x128xf32>
    %add3A_474 = arith.constant 4096 : i32
    %add3A_475 = vector.broadcast %add3A_474 : i32 to vector<256x128xi32>
    %add3A_476 = arith.addi %iota3A, %add3A_475 : vector<256x128xi32>
    %lt3A_477 = arith.cmpf olt, %slice3A_473, %slice3A_472 : vector<256x128xf32>
    %select_n3A_478 = arith.select %lt3A_477, %slice3A_473, %slice3A_472 : vector<256x128xi1>, vector<256x128xf32>
    %add3A_479 = arith.constant 128 : i32
    %add3A_480 = vector.broadcast %add3A_479 : i32 to vector<256x128xi32>
    %add3A_481 = arith.addi %add3A_476, %add3A_480 : vector<256x128xi32>
    %select_n3A_482 = arith.select %lt3A_477, %add3A_481, %add3A_476 : vector<256x128xi1>, vector<256x128xi32>
    %lt3A_483 = arith.cmpf olt, %select_n3A_478, %select_n3A_457 : vector<256x128xf32>
    %select_n3A_484 = arith.select %lt3A_483, %select_n3A_482, %select_n3A_456 : vector<256x128xi1>, vector<256x128xi32>
    %select_n3A_485 = arith.select %lt3A_483, %select_n3A_478, %select_n3A_457 : vector<256x128xi1>, vector<256x128xf32>
    %get3A_486 = arith.constant 0 : index
    %get3A_487 = arith.constant 4352 : index
    %get3A_488 = vector.load %arg4[%get3A_486, %get3A_487] : memref<256x8192xbf16, #tpu.memory_space<vmem>>, vector<256x256xbf16>
    %dot_general3A_489 = arith.constant dense<0.000000e+00> : vector<256x256xf32>
    %dot_general3A_490 = tpu.matmul %slice3A, %get3A_488, %dot_general3A_489 {dimension_numbers = #tpu.dot_dimension_numbers<[1], [0], [0], [1], [0, 0, 1, 1], [], []>, transpose_lhs_hint = false} : vector<256x256xbf16>, vector<256x256xbf16>, vector<256x256xf32> -> vector<256x256xf32>
    %get3A_491 = arith.constant 0 : index
    %get3A_492 = arith.constant 4352 : index
    %get3A_493 = vector.load %arg3[%get3A_491, %get3A_492] : memref<1x8192xf32, #tpu.memory_space<vmem>>, vector<1x256xf32>
    %get3A_494 = vector.shape_cast %get3A_493 : vector<1x256xf32> to vector<256xf32>
    %broadcast_in_dim3A_495 = vector.shape_cast %get3A_494 : vector<256xf32> to vector<1x256xf32>
    %add3A_496 = vector.broadcast %broadcast_in_dim3A : vector<256x1xf32> to vector<256x256xf32>
    %add3A_497 = vector.broadcast %broadcast_in_dim3A_495 : vector<1x256xf32> to vector<256x256xf32>
    %add3A_498 = arith.addf %add3A_496, %add3A_497 : vector<256x256xf32>
    %add3A_499 = arith.addf %add3A_498, %dot_general3A_490 : vector<256x256xf32>
    %slice3A_500 = vector.extract_strided_slice %add3A_499 {offsets = [0, 0], sizes = [256, 128], strides = [1, 1]} : vector<256x256xf32> to vector<256x128xf32>
    %slice3A_501 = vector.extract_strided_slice %add3A_499 {offsets = [0, 128], sizes = [256, 128], strides = [1, 1]} : vector<256x256xf32> to vector<256x128xf32>
    %add3A_502 = arith.constant 4352 : i32
    %add3A_503 = vector.broadcast %add3A_502 : i32 to vector<256x128xi32>
    %add3A_504 = arith.addi %iota3A, %add3A_503 : vector<256x128xi32>
    %lt3A_505 = arith.cmpf olt, %slice3A_501, %slice3A_500 : vector<256x128xf32>
    %select_n3A_506 = arith.select %lt3A_505, %slice3A_501, %slice3A_500 : vector<256x128xi1>, vector<256x128xf32>
    %add3A_507 = arith.constant 128 : i32
    %add3A_508 = vector.broadcast %add3A_507 : i32 to vector<256x128xi32>
    %add3A_509 = arith.addi %add3A_504, %add3A_508 : vector<256x128xi32>
    %select_n3A_510 = arith.select %lt3A_505, %add3A_509, %add3A_504 : vector<256x128xi1>, vector<256x128xi32>
    %lt3A_511 = arith.cmpf olt, %select_n3A_506, %select_n3A_485 : vector<256x128xf32>
    %select_n3A_512 = arith.select %lt3A_511, %select_n3A_510, %select_n3A_484 : vector<256x128xi1>, vector<256x128xi32>
    %select_n3A_513 = arith.select %lt3A_511, %select_n3A_506, %select_n3A_485 : vector<256x128xi1>, vector<256x128xf32>
    %get3A_514 = arith.constant 0 : index
    %get3A_515 = arith.constant 4608 : index
    %get3A_516 = vector.load %arg4[%get3A_514, %get3A_515] : memref<256x8192xbf16, #tpu.memory_space<vmem>>, vector<256x256xbf16>
    %dot_general3A_517 = arith.constant dense<0.000000e+00> : vector<256x256xf32>
    %dot_general3A_518 = tpu.matmul %slice3A, %get3A_516, %dot_general3A_517 {dimension_numbers = #tpu.dot_dimension_numbers<[1], [0], [0], [1], [0, 0, 1, 1], [], []>, transpose_lhs_hint = false} : vector<256x256xbf16>, vector<256x256xbf16>, vector<256x256xf32> -> vector<256x256xf32>
    %get3A_519 = arith.constant 0 : index
    %get3A_520 = arith.constant 4608 : index
    %get3A_521 = vector.load %arg3[%get3A_519, %get3A_520] : memref<1x8192xf32, #tpu.memory_space<vmem>>, vector<1x256xf32>
    %get3A_522 = vector.shape_cast %get3A_521 : vector<1x256xf32> to vector<256xf32>
    %broadcast_in_dim3A_523 = vector.shape_cast %get3A_522 : vector<256xf32> to vector<1x256xf32>
    %add3A_524 = vector.broadcast %broadcast_in_dim3A : vector<256x1xf32> to vector<256x256xf32>
    %add3A_525 = vector.broadcast %broadcast_in_dim3A_523 : vector<1x256xf32> to vector<256x256xf32>
    %add3A_526 = arith.addf %add3A_524, %add3A_525 : vector<256x256xf32>
    %add3A_527 = arith.addf %add3A_526, %dot_general3A_518 : vector<256x256xf32>
    %slice3A_528 = vector.extract_strided_slice %add3A_527 {offsets = [0, 0], sizes = [256, 128], strides = [1, 1]} : vector<256x256xf32> to vector<256x128xf32>
    %slice3A_529 = vector.extract_strided_slice %add3A_527 {offsets = [0, 128], sizes = [256, 128], strides = [1, 1]} : vector<256x256xf32> to vector<256x128xf32>
    %add3A_530 = arith.constant 4608 : i32
    %add3A_531 = vector.broadcast %add3A_530 : i32 to vector<256x128xi32>
    %add3A_532 = arith.addi %iota3A, %add3A_531 : vector<256x128xi32>
    %lt3A_533 = arith.cmpf olt, %slice3A_529, %slice3A_528 : vector<256x128xf32>
    %select_n3A_534 = arith.select %lt3A_533, %slice3A_529, %slice3A_528 : vector<256x128xi1>, vector<256x128xf32>
    %add3A_535 = arith.constant 128 : i32
    %add3A_536 = vector.broadcast %add3A_535 : i32 to vector<256x128xi32>
    %add3A_537 = arith.addi %add3A_532, %add3A_536 : vector<256x128xi32>
    %select_n3A_538 = arith.select %lt3A_533, %add3A_537, %add3A_532 : vector<256x128xi1>, vector<256x128xi32>
    %lt3A_539 = arith.cmpf olt, %select_n3A_534, %select_n3A_513 : vector<256x128xf32>
    %select_n3A_540 = arith.select %lt3A_539, %select_n3A_538, %select_n3A_512 : vector<256x128xi1>, vector<256x128xi32>
    %select_n3A_541 = arith.select %lt3A_539, %select_n3A_534, %select_n3A_513 : vector<256x128xi1>, vector<256x128xf32>
    %get3A_542 = arith.constant 0 : index
    %get3A_543 = arith.constant 4864 : index
    %get3A_544 = vector.load %arg4[%get3A_542, %get3A_543] : memref<256x8192xbf16, #tpu.memory_space<vmem>>, vector<256x256xbf16>
    %dot_general3A_545 = arith.constant dense<0.000000e+00> : vector<256x256xf32>
    %dot_general3A_546 = tpu.matmul %slice3A, %get3A_544, %dot_general3A_545 {dimension_numbers = #tpu.dot_dimension_numbers<[1], [0], [0], [1], [0, 0, 1, 1], [], []>, transpose_lhs_hint = false} : vector<256x256xbf16>, vector<256x256xbf16>, vector<256x256xf32> -> vector<256x256xf32>
    %get3A_547 = arith.constant 0 : index
    %get3A_548 = arith.constant 4864 : index
    %get3A_549 = vector.load %arg3[%get3A_547, %get3A_548] : memref<1x8192xf32, #tpu.memory_space<vmem>>, vector<1x256xf32>
    %get3A_550 = vector.shape_cast %get3A_549 : vector<1x256xf32> to vector<256xf32>
    %broadcast_in_dim3A_551 = vector.shape_cast %get3A_550 : vector<256xf32> to vector<1x256xf32>
    %add3A_552 = vector.broadcast %broadcast_in_dim3A : vector<256x1xf32> to vector<256x256xf32>
    %add3A_553 = vector.broadcast %broadcast_in_dim3A_551 : vector<1x256xf32> to vector<256x256xf32>
    %add3A_554 = arith.addf %add3A_552, %add3A_553 : vector<256x256xf32>
    %add3A_555 = arith.addf %add3A_554, %dot_general3A_546 : vector<256x256xf32>
    %slice3A_556 = vector.extract_strided_slice %add3A_555 {offsets = [0, 0], sizes = [256, 128], strides = [1, 1]} : vector<256x256xf32> to vector<256x128xf32>
    %slice3A_557 = vector.extract_strided_slice %add3A_555 {offsets = [0, 128], sizes = [256, 128], strides = [1, 1]} : vector<256x256xf32> to vector<256x128xf32>
    %add3A_558 = arith.constant 4864 : i32
    %add3A_559 = vector.broadcast %add3A_558 : i32 to vector<256x128xi32>
    %add3A_560 = arith.addi %iota3A, %add3A_559 : vector<256x128xi32>
    %lt3A_561 = arith.cmpf olt, %slice3A_557, %slice3A_556 : vector<256x128xf32>
    %select_n3A_562 = arith.select %lt3A_561, %slice3A_557, %slice3A_556 : vector<256x128xi1>, vector<256x128xf32>
    %add3A_563 = arith.constant 128 : i32
    %add3A_564 = vector.broadcast %add3A_563 : i32 to vector<256x128xi32>
    %add3A_565 = arith.addi %add3A_560, %add3A_564 : vector<256x128xi32>
    %select_n3A_566 = arith.select %lt3A_561, %add3A_565, %add3A_560 : vector<256x128xi1>, vector<256x128xi32>
    %lt3A_567 = arith.cmpf olt, %select_n3A_562, %select_n3A_541 : vector<256x128xf32>
    %select_n3A_568 = arith.select %lt3A_567, %select_n3A_566, %select_n3A_540 : vector<256x128xi1>, vector<256x128xi32>
    %select_n3A_569 = arith.select %lt3A_567, %select_n3A_562, %select_n3A_541 : vector<256x128xi1>, vector<256x128xf32>
    %get3A_570 = arith.constant 0 : index
    %get3A_571 = arith.constant 5120 : index
    %get3A_572 = vector.load %arg4[%get3A_570, %get3A_571] : memref<256x8192xbf16, #tpu.memory_space<vmem>>, vector<256x256xbf16>
    %dot_general3A_573 = arith.constant dense<0.000000e+00> : vector<256x256xf32>
    %dot_general3A_574 = tpu.matmul %slice3A, %get3A_572, %dot_general3A_573 {dimension_numbers = #tpu.dot_dimension_numbers<[1], [0], [0], [1], [0, 0, 1, 1], [], []>, transpose_lhs_hint = false} : vector<256x256xbf16>, vector<256x256xbf16>, vector<256x256xf32> -> vector<256x256xf32>
    %get3A_575 = arith.constant 0 : index
    %get3A_576 = arith.constant 5120 : index
    %get3A_577 = vector.load %arg3[%get3A_575, %get3A_576] : memref<1x8192xf32, #tpu.memory_space<vmem>>, vector<1x256xf32>
    %get3A_578 = vector.shape_cast %get3A_577 : vector<1x256xf32> to vector<256xf32>
    %broadcast_in_dim3A_579 = vector.shape_cast %get3A_578 : vector<256xf32> to vector<1x256xf32>
    %add3A_580 = vector.broadcast %broadcast_in_dim3A : vector<256x1xf32> to vector<256x256xf32>
    %add3A_581 = vector.broadcast %broadcast_in_dim3A_579 : vector<1x256xf32> to vector<256x256xf32>
    %add3A_582 = arith.addf %add3A_580, %add3A_581 : vector<256x256xf32>
    %add3A_583 = arith.addf %add3A_582, %dot_general3A_574 : vector<256x256xf32>
    %slice3A_584 = vector.extract_strided_slice %add3A_583 {offsets = [0, 0], sizes = [256, 128], strides = [1, 1]} : vector<256x256xf32> to vector<256x128xf32>
    %slice3A_585 = vector.extract_strided_slice %add3A_583 {offsets = [0, 128], sizes = [256, 128], strides = [1, 1]} : vector<256x256xf32> to vector<256x128xf32>
    %add3A_586 = arith.constant 5120 : i32
    %add3A_587 = vector.broadcast %add3A_586 : i32 to vector<256x128xi32>
    %add3A_588 = arith.addi %iota3A, %add3A_587 : vector<256x128xi32>
    %lt3A_589 = arith.cmpf olt, %slice3A_585, %slice3A_584 : vector<256x128xf32>
    %select_n3A_590 = arith.select %lt3A_589, %slice3A_585, %slice3A_584 : vector<256x128xi1>, vector<256x128xf32>
    %add3A_591 = arith.constant 128 : i32
    %add3A_592 = vector.broadcast %add3A_591 : i32 to vector<256x128xi32>
    %add3A_593 = arith.addi %add3A_588, %add3A_592 : vector<256x128xi32>
    %select_n3A_594 = arith.select %lt3A_589, %add3A_593, %add3A_588 : vector<256x128xi1>, vector<256x128xi32>
    %lt3A_595 = arith.cmpf olt, %select_n3A_590, %select_n3A_569 : vector<256x128xf32>
    %select_n3A_596 = arith.select %lt3A_595, %select_n3A_594, %select_n3A_568 : vector<256x128xi1>, vector<256x128xi32>
    %select_n3A_597 = arith.select %lt3A_595, %select_n3A_590, %select_n3A_569 : vector<256x128xi1>, vector<256x128xf32>
    %get3A_598 = arith.constant 0 : index
    %get3A_599 = arith.constant 5376 : index
    %get3A_600 = vector.load %arg4[%get3A_598, %get3A_599] : memref<256x8192xbf16, #tpu.memory_space<vmem>>, vector<256x256xbf16>
    %dot_general3A_601 = arith.constant dense<0.000000e+00> : vector<256x256xf32>
    %dot_general3A_602 = tpu.matmul %slice3A, %get3A_600, %dot_general3A_601 {dimension_numbers = #tpu.dot_dimension_numbers<[1], [0], [0], [1], [0, 0, 1, 1], [], []>, transpose_lhs_hint = false} : vector<256x256xbf16>, vector<256x256xbf16>, vector<256x256xf32> -> vector<256x256xf32>
    %get3A_603 = arith.constant 0 : index
    %get3A_604 = arith.constant 5376 : index
    %get3A_605 = vector.load %arg3[%get3A_603, %get3A_604] : memref<1x8192xf32, #tpu.memory_space<vmem>>, vector<1x256xf32>
    %get3A_606 = vector.shape_cast %get3A_605 : vector<1x256xf32> to vector<256xf32>
    %broadcast_in_dim3A_607 = vector.shape_cast %get3A_606 : vector<256xf32> to vector<1x256xf32>
    %add3A_608 = vector.broadcast %broadcast_in_dim3A : vector<256x1xf32> to vector<256x256xf32>
    %add3A_609 = vector.broadcast %broadcast_in_dim3A_607 : vector<1x256xf32> to vector<256x256xf32>
    %add3A_610 = arith.addf %add3A_608, %add3A_609 : vector<256x256xf32>
    %add3A_611 = arith.addf %add3A_610, %dot_general3A_602 : vector<256x256xf32>
    %slice3A_612 = vector.extract_strided_slice %add3A_611 {offsets = [0, 0], sizes = [256, 128], strides = [1, 1]} : vector<256x256xf32> to vector<256x128xf32>
    %slice3A_613 = vector.extract_strided_slice %add3A_611 {offsets = [0, 128], sizes = [256, 128], strides = [1, 1]} : vector<256x256xf32> to vector<256x128xf32>
    %add3A_614 = arith.constant 5376 : i32
    %add3A_615 = vector.broadcast %add3A_614 : i32 to vector<256x128xi32>
    %add3A_616 = arith.addi %iota3A, %add3A_615 : vector<256x128xi32>
    %lt3A_617 = arith.cmpf olt, %slice3A_613, %slice3A_612 : vector<256x128xf32>
    %select_n3A_618 = arith.select %lt3A_617, %slice3A_613, %slice3A_612 : vector<256x128xi1>, vector<256x128xf32>
    %add3A_619 = arith.constant 128 : i32
    %add3A_620 = vector.broadcast %add3A_619 : i32 to vector<256x128xi32>
    %add3A_621 = arith.addi %add3A_616, %add3A_620 : vector<256x128xi32>
    %select_n3A_622 = arith.select %lt3A_617, %add3A_621, %add3A_616 : vector<256x128xi1>, vector<256x128xi32>
    %lt3A_623 = arith.cmpf olt, %select_n3A_618, %select_n3A_597 : vector<256x128xf32>
    %select_n3A_624 = arith.select %lt3A_623, %select_n3A_622, %select_n3A_596 : vector<256x128xi1>, vector<256x128xi32>
    %select_n3A_625 = arith.select %lt3A_623, %select_n3A_618, %select_n3A_597 : vector<256x128xi1>, vector<256x128xf32>
    %get3A_626 = arith.constant 0 : index
    %get3A_627 = arith.constant 5632 : index
    %get3A_628 = vector.load %arg4[%get3A_626, %get3A_627] : memref<256x8192xbf16, #tpu.memory_space<vmem>>, vector<256x256xbf16>
    %dot_general3A_629 = arith.constant dense<0.000000e+00> : vector<256x256xf32>
    %dot_general3A_630 = tpu.matmul %slice3A, %get3A_628, %dot_general3A_629 {dimension_numbers = #tpu.dot_dimension_numbers<[1], [0], [0], [1], [0, 0, 1, 1], [], []>, transpose_lhs_hint = false} : vector<256x256xbf16>, vector<256x256xbf16>, vector<256x256xf32> -> vector<256x256xf32>
    %get3A_631 = arith.constant 0 : index
    %get3A_632 = arith.constant 5632 : index
    %get3A_633 = vector.load %arg3[%get3A_631, %get3A_632] : memref<1x8192xf32, #tpu.memory_space<vmem>>, vector<1x256xf32>
    %get3A_634 = vector.shape_cast %get3A_633 : vector<1x256xf32> to vector<256xf32>
    %broadcast_in_dim3A_635 = vector.shape_cast %get3A_634 : vector<256xf32> to vector<1x256xf32>
    %add3A_636 = vector.broadcast %broadcast_in_dim3A : vector<256x1xf32> to vector<256x256xf32>
    %add3A_637 = vector.broadcast %broadcast_in_dim3A_635 : vector<1x256xf32> to vector<256x256xf32>
    %add3A_638 = arith.addf %add3A_636, %add3A_637 : vector<256x256xf32>
    %add3A_639 = arith.addf %add3A_638, %dot_general3A_630 : vector<256x256xf32>
    %slice3A_640 = vector.extract_strided_slice %add3A_639 {offsets = [0, 0], sizes = [256, 128], strides = [1, 1]} : vector<256x256xf32> to vector<256x128xf32>
    %slice3A_641 = vector.extract_strided_slice %add3A_639 {offsets = [0, 128], sizes = [256, 128], strides = [1, 1]} : vector<256x256xf32> to vector<256x128xf32>
    %add3A_642 = arith.constant 5632 : i32
    %add3A_643 = vector.broadcast %add3A_642 : i32 to vector<256x128xi32>
    %add3A_644 = arith.addi %iota3A, %add3A_643 : vector<256x128xi32>
    %lt3A_645 = arith.cmpf olt, %slice3A_641, %slice3A_640 : vector<256x128xf32>
    %select_n3A_646 = arith.select %lt3A_645, %slice3A_641, %slice3A_640 : vector<256x128xi1>, vector<256x128xf32>
    %add3A_647 = arith.constant 128 : i32
    %add3A_648 = vector.broadcast %add3A_647 : i32 to vector<256x128xi32>
    %add3A_649 = arith.addi %add3A_644, %add3A_648 : vector<256x128xi32>
    %select_n3A_650 = arith.select %lt3A_645, %add3A_649, %add3A_644 : vector<256x128xi1>, vector<256x128xi32>
    %lt3A_651 = arith.cmpf olt, %select_n3A_646, %select_n3A_625 : vector<256x128xf32>
    %select_n3A_652 = arith.select %lt3A_651, %select_n3A_650, %select_n3A_624 : vector<256x128xi1>, vector<256x128xi32>
    %select_n3A_653 = arith.select %lt3A_651, %select_n3A_646, %select_n3A_625 : vector<256x128xi1>, vector<256x128xf32>
    %get3A_654 = arith.constant 0 : index
    %get3A_655 = arith.constant 5888 : index
    %get3A_656 = vector.load %arg4[%get3A_654, %get3A_655] : memref<256x8192xbf16, #tpu.memory_space<vmem>>, vector<256x256xbf16>
    %dot_general3A_657 = arith.constant dense<0.000000e+00> : vector<256x256xf32>
    %dot_general3A_658 = tpu.matmul %slice3A, %get3A_656, %dot_general3A_657 {dimension_numbers = #tpu.dot_dimension_numbers<[1], [0], [0], [1], [0, 0, 1, 1], [], []>, transpose_lhs_hint = false} : vector<256x256xbf16>, vector<256x256xbf16>, vector<256x256xf32> -> vector<256x256xf32>
    %get3A_659 = arith.constant 0 : index
    %get3A_660 = arith.constant 5888 : index
    %get3A_661 = vector.load %arg3[%get3A_659, %get3A_660] : memref<1x8192xf32, #tpu.memory_space<vmem>>, vector<1x256xf32>
    %get3A_662 = vector.shape_cast %get3A_661 : vector<1x256xf32> to vector<256xf32>
    %broadcast_in_dim3A_663 = vector.shape_cast %get3A_662 : vector<256xf32> to vector<1x256xf32>
    %add3A_664 = vector.broadcast %broadcast_in_dim3A : vector<256x1xf32> to vector<256x256xf32>
    %add3A_665 = vector.broadcast %broadcast_in_dim3A_663 : vector<1x256xf32> to vector<256x256xf32>
    %add3A_666 = arith.addf %add3A_664, %add3A_665 : vector<256x256xf32>
    %add3A_667 = arith.addf %add3A_666, %dot_general3A_658 : vector<256x256xf32>
    %slice3A_668 = vector.extract_strided_slice %add3A_667 {offsets = [0, 0], sizes = [256, 128], strides = [1, 1]} : vector<256x256xf32> to vector<256x128xf32>
    %slice3A_669 = vector.extract_strided_slice %add3A_667 {offsets = [0, 128], sizes = [256, 128], strides = [1, 1]} : vector<256x256xf32> to vector<256x128xf32>
    %add3A_670 = arith.constant 5888 : i32
    %add3A_671 = vector.broadcast %add3A_670 : i32 to vector<256x128xi32>
    %add3A_672 = arith.addi %iota3A, %add3A_671 : vector<256x128xi32>
    %lt3A_673 = arith.cmpf olt, %slice3A_669, %slice3A_668 : vector<256x128xf32>
    %select_n3A_674 = arith.select %lt3A_673, %slice3A_669, %slice3A_668 : vector<256x128xi1>, vector<256x128xf32>
    %add3A_675 = arith.constant 128 : i32
    %add3A_676 = vector.broadcast %add3A_675 : i32 to vector<256x128xi32>
    %add3A_677 = arith.addi %add3A_672, %add3A_676 : vector<256x128xi32>
    %select_n3A_678 = arith.select %lt3A_673, %add3A_677, %add3A_672 : vector<256x128xi1>, vector<256x128xi32>
    %lt3A_679 = arith.cmpf olt, %select_n3A_674, %select_n3A_653 : vector<256x128xf32>
    %select_n3A_680 = arith.select %lt3A_679, %select_n3A_678, %select_n3A_652 : vector<256x128xi1>, vector<256x128xi32>
    %select_n3A_681 = arith.select %lt3A_679, %select_n3A_674, %select_n3A_653 : vector<256x128xi1>, vector<256x128xf32>
    %get3A_682 = arith.constant 0 : index
    %get3A_683 = arith.constant 6144 : index
    %get3A_684 = vector.load %arg4[%get3A_682, %get3A_683] : memref<256x8192xbf16, #tpu.memory_space<vmem>>, vector<256x256xbf16>
    %dot_general3A_685 = arith.constant dense<0.000000e+00> : vector<256x256xf32>
    %dot_general3A_686 = tpu.matmul %slice3A, %get3A_684, %dot_general3A_685 {dimension_numbers = #tpu.dot_dimension_numbers<[1], [0], [0], [1], [0, 0, 1, 1], [], []>, transpose_lhs_hint = false} : vector<256x256xbf16>, vector<256x256xbf16>, vector<256x256xf32> -> vector<256x256xf32>
    %get3A_687 = arith.constant 0 : index
    %get3A_688 = arith.constant 6144 : index
    %get3A_689 = vector.load %arg3[%get3A_687, %get3A_688] : memref<1x8192xf32, #tpu.memory_space<vmem>>, vector<1x256xf32>
    %get3A_690 = vector.shape_cast %get3A_689 : vector<1x256xf32> to vector<256xf32>
    %broadcast_in_dim3A_691 = vector.shape_cast %get3A_690 : vector<256xf32> to vector<1x256xf32>
    %add3A_692 = vector.broadcast %broadcast_in_dim3A : vector<256x1xf32> to vector<256x256xf32>
    %add3A_693 = vector.broadcast %broadcast_in_dim3A_691 : vector<1x256xf32> to vector<256x256xf32>
    %add3A_694 = arith.addf %add3A_692, %add3A_693 : vector<256x256xf32>
    %add3A_695 = arith.addf %add3A_694, %dot_general3A_686 : vector<256x256xf32>
    %slice3A_696 = vector.extract_strided_slice %add3A_695 {offsets = [0, 0], sizes = [256, 128], strides = [1, 1]} : vector<256x256xf32> to vector<256x128xf32>
    %slice3A_697 = vector.extract_strided_slice %add3A_695 {offsets = [0, 128], sizes = [256, 128], strides = [1, 1]} : vector<256x256xf32> to vector<256x128xf32>
    %add3A_698 = arith.constant 6144 : i32
    %add3A_699 = vector.broadcast %add3A_698 : i32 to vector<256x128xi32>
    %add3A_700 = arith.addi %iota3A, %add3A_699 : vector<256x128xi32>
    %lt3A_701 = arith.cmpf olt, %slice3A_697, %slice3A_696 : vector<256x128xf32>
    %select_n3A_702 = arith.select %lt3A_701, %slice3A_697, %slice3A_696 : vector<256x128xi1>, vector<256x128xf32>
    %add3A_703 = arith.constant 128 : i32
    %add3A_704 = vector.broadcast %add3A_703 : i32 to vector<256x128xi32>
    %add3A_705 = arith.addi %add3A_700, %add3A_704 : vector<256x128xi32>
    %select_n3A_706 = arith.select %lt3A_701, %add3A_705, %add3A_700 : vector<256x128xi1>, vector<256x128xi32>
    %lt3A_707 = arith.cmpf olt, %select_n3A_702, %select_n3A_681 : vector<256x128xf32>
    %select_n3A_708 = arith.select %lt3A_707, %select_n3A_706, %select_n3A_680 : vector<256x128xi1>, vector<256x128xi32>
    %select_n3A_709 = arith.select %lt3A_707, %select_n3A_702, %select_n3A_681 : vector<256x128xi1>, vector<256x128xf32>
    %get3A_710 = arith.constant 0 : index
    %get3A_711 = arith.constant 6400 : index
    %get3A_712 = vector.load %arg4[%get3A_710, %get3A_711] : memref<256x8192xbf16, #tpu.memory_space<vmem>>, vector<256x256xbf16>
    %dot_general3A_713 = arith.constant dense<0.000000e+00> : vector<256x256xf32>
    %dot_general3A_714 = tpu.matmul %slice3A, %get3A_712, %dot_general3A_713 {dimension_numbers = #tpu.dot_dimension_numbers<[1], [0], [0], [1], [0, 0, 1, 1], [], []>, transpose_lhs_hint = false} : vector<256x256xbf16>, vector<256x256xbf16>, vector<256x256xf32> -> vector<256x256xf32>
    %get3A_715 = arith.constant 0 : index
    %get3A_716 = arith.constant 6400 : index
    %get3A_717 = vector.load %arg3[%get3A_715, %get3A_716] : memref<1x8192xf32, #tpu.memory_space<vmem>>, vector<1x256xf32>
    %get3A_718 = vector.shape_cast %get3A_717 : vector<1x256xf32> to vector<256xf32>
    %broadcast_in_dim3A_719 = vector.shape_cast %get3A_718 : vector<256xf32> to vector<1x256xf32>
    %add3A_720 = vector.broadcast %broadcast_in_dim3A : vector<256x1xf32> to vector<256x256xf32>
    %add3A_721 = vector.broadcast %broadcast_in_dim3A_719 : vector<1x256xf32> to vector<256x256xf32>
    %add3A_722 = arith.addf %add3A_720, %add3A_721 : vector<256x256xf32>
    %add3A_723 = arith.addf %add3A_722, %dot_general3A_714 : vector<256x256xf32>
    %slice3A_724 = vector.extract_strided_slice %add3A_723 {offsets = [0, 0], sizes = [256, 128], strides = [1, 1]} : vector<256x256xf32> to vector<256x128xf32>
    %slice3A_725 = vector.extract_strided_slice %add3A_723 {offsets = [0, 128], sizes = [256, 128], strides = [1, 1]} : vector<256x256xf32> to vector<256x128xf32>
    %add3A_726 = arith.constant 6400 : i32
    %add3A_727 = vector.broadcast %add3A_726 : i32 to vector<256x128xi32>
    %add3A_728 = arith.addi %iota3A, %add3A_727 : vector<256x128xi32>
    %lt3A_729 = arith.cmpf olt, %slice3A_725, %slice3A_724 : vector<256x128xf32>
    %select_n3A_730 = arith.select %lt3A_729, %slice3A_725, %slice3A_724 : vector<256x128xi1>, vector<256x128xf32>
    %add3A_731 = arith.constant 128 : i32
    %add3A_732 = vector.broadcast %add3A_731 : i32 to vector<256x128xi32>
    %add3A_733 = arith.addi %add3A_728, %add3A_732 : vector<256x128xi32>
    %select_n3A_734 = arith.select %lt3A_729, %add3A_733, %add3A_728 : vector<256x128xi1>, vector<256x128xi32>
    %lt3A_735 = arith.cmpf olt, %select_n3A_730, %select_n3A_709 : vector<256x128xf32>
    %select_n3A_736 = arith.select %lt3A_735, %select_n3A_734, %select_n3A_708 : vector<256x128xi1>, vector<256x128xi32>
    %select_n3A_737 = arith.select %lt3A_735, %select_n3A_730, %select_n3A_709 : vector<256x128xi1>, vector<256x128xf32>
    %get3A_738 = arith.constant 0 : index
    %get3A_739 = arith.constant 6656 : index
    %get3A_740 = vector.load %arg4[%get3A_738, %get3A_739] : memref<256x8192xbf16, #tpu.memory_space<vmem>>, vector<256x256xbf16>
    %dot_general3A_741 = arith.constant dense<0.000000e+00> : vector<256x256xf32>
    %dot_general3A_742 = tpu.matmul %slice3A, %get3A_740, %dot_general3A_741 {dimension_numbers = #tpu.dot_dimension_numbers<[1], [0], [0], [1], [0, 0, 1, 1], [], []>, transpose_lhs_hint = false} : vector<256x256xbf16>, vector<256x256xbf16>, vector<256x256xf32> -> vector<256x256xf32>
    %get3A_743 = arith.constant 0 : index
    %get3A_744 = arith.constant 6656 : index
    %get3A_745 = vector.load %arg3[%get3A_743, %get3A_744] : memref<1x8192xf32, #tpu.memory_space<vmem>>, vector<1x256xf32>
    %get3A_746 = vector.shape_cast %get3A_745 : vector<1x256xf32> to vector<256xf32>
    %broadcast_in_dim3A_747 = vector.shape_cast %get3A_746 : vector<256xf32> to vector<1x256xf32>
    %add3A_748 = vector.broadcast %broadcast_in_dim3A : vector<256x1xf32> to vector<256x256xf32>
    %add3A_749 = vector.broadcast %broadcast_in_dim3A_747 : vector<1x256xf32> to vector<256x256xf32>
    %add3A_750 = arith.addf %add3A_748, %add3A_749 : vector<256x256xf32>
    %add3A_751 = arith.addf %add3A_750, %dot_general3A_742 : vector<256x256xf32>
    %slice3A_752 = vector.extract_strided_slice %add3A_751 {offsets = [0, 0], sizes = [256, 128], strides = [1, 1]} : vector<256x256xf32> to vector<256x128xf32>
    %slice3A_753 = vector.extract_strided_slice %add3A_751 {offsets = [0, 128], sizes = [256, 128], strides = [1, 1]} : vector<256x256xf32> to vector<256x128xf32>
    %add3A_754 = arith.constant 6656 : i32
    %add3A_755 = vector.broadcast %add3A_754 : i32 to vector<256x128xi32>
    %add3A_756 = arith.addi %iota3A, %add3A_755 : vector<256x128xi32>
    %lt3A_757 = arith.cmpf olt, %slice3A_753, %slice3A_752 : vector<256x128xf32>
    %select_n3A_758 = arith.select %lt3A_757, %slice3A_753, %slice3A_752 : vector<256x128xi1>, vector<256x128xf32>
    %add3A_759 = arith.constant 128 : i32
    %add3A_760 = vector.broadcast %add3A_759 : i32 to vector<256x128xi32>
    %add3A_761 = arith.addi %add3A_756, %add3A_760 : vector<256x128xi32>
    %select_n3A_762 = arith.select %lt3A_757, %add3A_761, %add3A_756 : vector<256x128xi1>, vector<256x128xi32>
    %lt3A_763 = arith.cmpf olt, %select_n3A_758, %select_n3A_737 : vector<256x128xf32>
    %select_n3A_764 = arith.select %lt3A_763, %select_n3A_762, %select_n3A_736 : vector<256x128xi1>, vector<256x128xi32>
    %select_n3A_765 = arith.select %lt3A_763, %select_n3A_758, %select_n3A_737 : vector<256x128xi1>, vector<256x128xf32>
    %get3A_766 = arith.constant 0 : index
    %get3A_767 = arith.constant 6912 : index
    %get3A_768 = vector.load %arg4[%get3A_766, %get3A_767] : memref<256x8192xbf16, #tpu.memory_space<vmem>>, vector<256x256xbf16>
    %dot_general3A_769 = arith.constant dense<0.000000e+00> : vector<256x256xf32>
    %dot_general3A_770 = tpu.matmul %slice3A, %get3A_768, %dot_general3A_769 {dimension_numbers = #tpu.dot_dimension_numbers<[1], [0], [0], [1], [0, 0, 1, 1], [], []>, transpose_lhs_hint = false} : vector<256x256xbf16>, vector<256x256xbf16>, vector<256x256xf32> -> vector<256x256xf32>
    %get3A_771 = arith.constant 0 : index
    %get3A_772 = arith.constant 6912 : index
    %get3A_773 = vector.load %arg3[%get3A_771, %get3A_772] : memref<1x8192xf32, #tpu.memory_space<vmem>>, vector<1x256xf32>
    %get3A_774 = vector.shape_cast %get3A_773 : vector<1x256xf32> to vector<256xf32>
    %broadcast_in_dim3A_775 = vector.shape_cast %get3A_774 : vector<256xf32> to vector<1x256xf32>
    %add3A_776 = vector.broadcast %broadcast_in_dim3A : vector<256x1xf32> to vector<256x256xf32>
    %add3A_777 = vector.broadcast %broadcast_in_dim3A_775 : vector<1x256xf32> to vector<256x256xf32>
    %add3A_778 = arith.addf %add3A_776, %add3A_777 : vector<256x256xf32>
    %add3A_779 = arith.addf %add3A_778, %dot_general3A_770 : vector<256x256xf32>
    %slice3A_780 = vector.extract_strided_slice %add3A_779 {offsets = [0, 0], sizes = [256, 128], strides = [1, 1]} : vector<256x256xf32> to vector<256x128xf32>
    %slice3A_781 = vector.extract_strided_slice %add3A_779 {offsets = [0, 128], sizes = [256, 128], strides = [1, 1]} : vector<256x256xf32> to vector<256x128xf32>
    %add3A_782 = arith.constant 6912 : i32
    %add3A_783 = vector.broadcast %add3A_782 : i32 to vector<256x128xi32>
    %add3A_784 = arith.addi %iota3A, %add3A_783 : vector<256x128xi32>
    %lt3A_785 = arith.cmpf olt, %slice3A_781, %slice3A_780 : vector<256x128xf32>
    %select_n3A_786 = arith.select %lt3A_785, %slice3A_781, %slice3A_780 : vector<256x128xi1>, vector<256x128xf32>
    %add3A_787 = arith.constant 128 : i32
    %add3A_788 = vector.broadcast %add3A_787 : i32 to vector<256x128xi32>
    %add3A_789 = arith.addi %add3A_784, %add3A_788 : vector<256x128xi32>
    %select_n3A_790 = arith.select %lt3A_785, %add3A_789, %add3A_784 : vector<256x128xi1>, vector<256x128xi32>
    %lt3A_791 = arith.cmpf olt, %select_n3A_786, %select_n3A_765 : vector<256x128xf32>
    %select_n3A_792 = arith.select %lt3A_791, %select_n3A_790, %select_n3A_764 : vector<256x128xi1>, vector<256x128xi32>
    %select_n3A_793 = arith.select %lt3A_791, %select_n3A_786, %select_n3A_765 : vector<256x128xi1>, vector<256x128xf32>
    %get3A_794 = arith.constant 0 : index
    %get3A_795 = arith.constant 7168 : index
    %get3A_796 = vector.load %arg4[%get3A_794, %get3A_795] : memref<256x8192xbf16, #tpu.memory_space<vmem>>, vector<256x256xbf16>
    %dot_general3A_797 = arith.constant dense<0.000000e+00> : vector<256x256xf32>
    %dot_general3A_798 = tpu.matmul %slice3A, %get3A_796, %dot_general3A_797 {dimension_numbers = #tpu.dot_dimension_numbers<[1], [0], [0], [1], [0, 0, 1, 1], [], []>, transpose_lhs_hint = false} : vector<256x256xbf16>, vector<256x256xbf16>, vector<256x256xf32> -> vector<256x256xf32>
    %get3A_799 = arith.constant 0 : index
    %get3A_800 = arith.constant 7168 : index
    %get3A_801 = vector.load %arg3[%get3A_799, %get3A_800] : memref<1x8192xf32, #tpu.memory_space<vmem>>, vector<1x256xf32>
    %get3A_802 = vector.shape_cast %get3A_801 : vector<1x256xf32> to vector<256xf32>
    %broadcast_in_dim3A_803 = vector.shape_cast %get3A_802 : vector<256xf32> to vector<1x256xf32>
    %add3A_804 = vector.broadcast %broadcast_in_dim3A : vector<256x1xf32> to vector<256x256xf32>
    %add3A_805 = vector.broadcast %broadcast_in_dim3A_803 : vector<1x256xf32> to vector<256x256xf32>
    %add3A_806 = arith.addf %add3A_804, %add3A_805 : vector<256x256xf32>
    %add3A_807 = arith.addf %add3A_806, %dot_general3A_798 : vector<256x256xf32>
    %slice3A_808 = vector.extract_strided_slice %add3A_807 {offsets = [0, 0], sizes = [256, 128], strides = [1, 1]} : vector<256x256xf32> to vector<256x128xf32>
    %slice3A_809 = vector.extract_strided_slice %add3A_807 {offsets = [0, 128], sizes = [256, 128], strides = [1, 1]} : vector<256x256xf32> to vector<256x128xf32>
    %add3A_810 = arith.constant 7168 : i32
    %add3A_811 = vector.broadcast %add3A_810 : i32 to vector<256x128xi32>
    %add3A_812 = arith.addi %iota3A, %add3A_811 : vector<256x128xi32>
    %lt3A_813 = arith.cmpf olt, %slice3A_809, %slice3A_808 : vector<256x128xf32>
    %select_n3A_814 = arith.select %lt3A_813, %slice3A_809, %slice3A_808 : vector<256x128xi1>, vector<256x128xf32>
    %add3A_815 = arith.constant 128 : i32
    %add3A_816 = vector.broadcast %add3A_815 : i32 to vector<256x128xi32>
    %add3A_817 = arith.addi %add3A_812, %add3A_816 : vector<256x128xi32>
    %select_n3A_818 = arith.select %lt3A_813, %add3A_817, %add3A_812 : vector<256x128xi1>, vector<256x128xi32>
    %lt3A_819 = arith.cmpf olt, %select_n3A_814, %select_n3A_793 : vector<256x128xf32>
    %select_n3A_820 = arith.select %lt3A_819, %select_n3A_818, %select_n3A_792 : vector<256x128xi1>, vector<256x128xi32>
    %select_n3A_821 = arith.select %lt3A_819, %select_n3A_814, %select_n3A_793 : vector<256x128xi1>, vector<256x128xf32>
    %get3A_822 = arith.constant 0 : index
    %get3A_823 = arith.constant 7424 : index
    %get3A_824 = vector.load %arg4[%get3A_822, %get3A_823] : memref<256x8192xbf16, #tpu.memory_space<vmem>>, vector<256x256xbf16>
    %dot_general3A_825 = arith.constant dense<0.000000e+00> : vector<256x256xf32>
    %dot_general3A_826 = tpu.matmul %slice3A, %get3A_824, %dot_general3A_825 {dimension_numbers = #tpu.dot_dimension_numbers<[1], [0], [0], [1], [0, 0, 1, 1], [], []>, transpose_lhs_hint = false} : vector<256x256xbf16>, vector<256x256xbf16>, vector<256x256xf32> -> vector<256x256xf32>
    %get3A_827 = arith.constant 0 : index
    %get3A_828 = arith.constant 7424 : index
    %get3A_829 = vector.load %arg3[%get3A_827, %get3A_828] : memref<1x8192xf32, #tpu.memory_space<vmem>>, vector<1x256xf32>
    %get3A_830 = vector.shape_cast %get3A_829 : vector<1x256xf32> to vector<256xf32>
    %broadcast_in_dim3A_831 = vector.shape_cast %get3A_830 : vector<256xf32> to vector<1x256xf32>
    %add3A_832 = vector.broadcast %broadcast_in_dim3A : vector<256x1xf32> to vector<256x256xf32>
    %add3A_833 = vector.broadcast %broadcast_in_dim3A_831 : vector<1x256xf32> to vector<256x256xf32>
    %add3A_834 = arith.addf %add3A_832, %add3A_833 : vector<256x256xf32>
    %add3A_835 = arith.addf %add3A_834, %dot_general3A_826 : vector<256x256xf32>
    %slice3A_836 = vector.extract_strided_slice %add3A_835 {offsets = [0, 0], sizes = [256, 128], strides = [1, 1]} : vector<256x256xf32> to vector<256x128xf32>
    %slice3A_837 = vector.extract_strided_slice %add3A_835 {offsets = [0, 128], sizes = [256, 128], strides = [1, 1]} : vector<256x256xf32> to vector<256x128xf32>
    %add3A_838 = arith.constant 7424 : i32
    %add3A_839 = vector.broadcast %add3A_838 : i32 to vector<256x128xi32>
    %add3A_840 = arith.addi %iota3A, %add3A_839 : vector<256x128xi32>
    %lt3A_841 = arith.cmpf olt, %slice3A_837, %slice3A_836 : vector<256x128xf32>
    %select_n3A_842 = arith.select %lt3A_841, %slice3A_837, %slice3A_836 : vector<256x128xi1>, vector<256x128xf32>
    %add3A_843 = arith.constant 128 : i32
    %add3A_844 = vector.broadcast %add3A_843 : i32 to vector<256x128xi32>
    %add3A_845 = arith.addi %add3A_840, %add3A_844 : vector<256x128xi32>
    %select_n3A_846 = arith.select %lt3A_841, %add3A_845, %add3A_840 : vector<256x128xi1>, vector<256x128xi32>
    %lt3A_847 = arith.cmpf olt, %select_n3A_842, %select_n3A_821 : vector<256x128xf32>
    %select_n3A_848 = arith.select %lt3A_847, %select_n3A_846, %select_n3A_820 : vector<256x128xi1>, vector<256x128xi32>
    %select_n3A_849 = arith.select %lt3A_847, %select_n3A_842, %select_n3A_821 : vector<256x128xi1>, vector<256x128xf32>
    %get3A_850 = arith.constant 0 : index
    %get3A_851 = arith.constant 7680 : index
    %get3A_852 = vector.load %arg4[%get3A_850, %get3A_851] : memref<256x8192xbf16, #tpu.memory_space<vmem>>, vector<256x256xbf16>
    %dot_general3A_853 = arith.constant dense<0.000000e+00> : vector<256x256xf32>
    %dot_general3A_854 = tpu.matmul %slice3A, %get3A_852, %dot_general3A_853 {dimension_numbers = #tpu.dot_dimension_numbers<[1], [0], [0], [1], [0, 0, 1, 1], [], []>, transpose_lhs_hint = false} : vector<256x256xbf16>, vector<256x256xbf16>, vector<256x256xf32> -> vector<256x256xf32>
    %get3A_855 = arith.constant 0 : index
    %get3A_856 = arith.constant 7680 : index
    %get3A_857 = vector.load %arg3[%get3A_855, %get3A_856] : memref<1x8192xf32, #tpu.memory_space<vmem>>, vector<1x256xf32>
    %get3A_858 = vector.shape_cast %get3A_857 : vector<1x256xf32> to vector<256xf32>
    %broadcast_in_dim3A_859 = vector.shape_cast %get3A_858 : vector<256xf32> to vector<1x256xf32>
    %add3A_860 = vector.broadcast %broadcast_in_dim3A : vector<256x1xf32> to vector<256x256xf32>
    %add3A_861 = vector.broadcast %broadcast_in_dim3A_859 : vector<1x256xf32> to vector<256x256xf32>
    %add3A_862 = arith.addf %add3A_860, %add3A_861 : vector<256x256xf32>
    %add3A_863 = arith.addf %add3A_862, %dot_general3A_854 : vector<256x256xf32>
    %slice3A_864 = vector.extract_strided_slice %add3A_863 {offsets = [0, 0], sizes = [256, 128], strides = [1, 1]} : vector<256x256xf32> to vector<256x128xf32>
    %slice3A_865 = vector.extract_strided_slice %add3A_863 {offsets = [0, 128], sizes = [256, 128], strides = [1, 1]} : vector<256x256xf32> to vector<256x128xf32>
    %add3A_866 = arith.constant 7680 : i32
    %add3A_867 = vector.broadcast %add3A_866 : i32 to vector<256x128xi32>
    %add3A_868 = arith.addi %iota3A, %add3A_867 : vector<256x128xi32>
    %lt3A_869 = arith.cmpf olt, %slice3A_865, %slice3A_864 : vector<256x128xf32>
    %select_n3A_870 = arith.select %lt3A_869, %slice3A_865, %slice3A_864 : vector<256x128xi1>, vector<256x128xf32>
    %add3A_871 = arith.constant 128 : i32
    %add3A_872 = vector.broadcast %add3A_871 : i32 to vector<256x128xi32>
    %add3A_873 = arith.addi %add3A_868, %add3A_872 : vector<256x128xi32>
    %select_n3A_874 = arith.select %lt3A_869, %add3A_873, %add3A_868 : vector<256x128xi1>, vector<256x128xi32>
    %lt3A_875 = arith.cmpf olt, %select_n3A_870, %select_n3A_849 : vector<256x128xf32>
    %select_n3A_876 = arith.select %lt3A_875, %select_n3A_874, %select_n3A_848 : vector<256x128xi1>, vector<256x128xi32>
    %select_n3A_877 = arith.select %lt3A_875, %select_n3A_870, %select_n3A_849 : vector<256x128xi1>, vector<256x128xf32>
    %get3A_878 = arith.constant 0 : index
    %get3A_879 = arith.constant 7936 : index
    %get3A_880 = vector.load %arg4[%get3A_878, %get3A_879] : memref<256x8192xbf16, #tpu.memory_space<vmem>>, vector<256x256xbf16>
    %dot_general3A_881 = arith.constant dense<0.000000e+00> : vector<256x256xf32>
    %dot_general3A_882 = tpu.matmul %slice3A, %get3A_880, %dot_general3A_881 {dimension_numbers = #tpu.dot_dimension_numbers<[1], [0], [0], [1], [0, 0, 1, 1], [], []>, transpose_lhs_hint = false} : vector<256x256xbf16>, vector<256x256xbf16>, vector<256x256xf32> -> vector<256x256xf32>
    %get3A_883 = arith.constant 0 : index
    %get3A_884 = arith.constant 7936 : index
    %get3A_885 = vector.load %arg3[%get3A_883, %get3A_884] : memref<1x8192xf32, #tpu.memory_space<vmem>>, vector<1x256xf32>
    %get3A_886 = vector.shape_cast %get3A_885 : vector<1x256xf32> to vector<256xf32>
    %broadcast_in_dim3A_887 = vector.shape_cast %get3A_886 : vector<256xf32> to vector<1x256xf32>
    %add3A_888 = vector.broadcast %broadcast_in_dim3A : vector<256x1xf32> to vector<256x256xf32>
    %add3A_889 = vector.broadcast %broadcast_in_dim3A_887 : vector<1x256xf32> to vector<256x256xf32>
    %add3A_890 = arith.addf %add3A_888, %add3A_889 : vector<256x256xf32>
    %add3A_891 = arith.addf %add3A_890, %dot_general3A_882 : vector<256x256xf32>
    %slice3A_892 = vector.extract_strided_slice %add3A_891 {offsets = [0, 0], sizes = [256, 128], strides = [1, 1]} : vector<256x256xf32> to vector<256x128xf32>
    %slice3A_893 = vector.extract_strided_slice %add3A_891 {offsets = [0, 128], sizes = [256, 128], strides = [1, 1]} : vector<256x256xf32> to vector<256x128xf32>
    %add3A_894 = arith.constant 7936 : i32
    %add3A_895 = vector.broadcast %add3A_894 : i32 to vector<256x128xi32>
    %add3A_896 = arith.addi %iota3A, %add3A_895 : vector<256x128xi32>
    %lt3A_897 = arith.cmpf olt, %slice3A_893, %slice3A_892 : vector<256x128xf32>
    %select_n3A_898 = arith.select %lt3A_897, %slice3A_893, %slice3A_892 : vector<256x128xi1>, vector<256x128xf32>
    %add3A_899 = arith.constant 128 : i32
    %add3A_900 = vector.broadcast %add3A_899 : i32 to vector<256x128xi32>
    %add3A_901 = arith.addi %add3A_896, %add3A_900 : vector<256x128xi32>
    %select_n3A_902 = arith.select %lt3A_897, %add3A_901, %add3A_896 : vector<256x128xi1>, vector<256x128xi32>
    %lt3A_903 = arith.cmpf olt, %select_n3A_898, %select_n3A_877 : vector<256x128xf32>
    %select_n3A_904 = arith.select %lt3A_903, %select_n3A_902, %select_n3A_876 : vector<256x128xi1>, vector<256x128xi32>
    %select_n3A_905 = arith.select %lt3A_903, %select_n3A_898, %select_n3A_877 : vector<256x128xi1>, vector<256x128xf32>
    %reduce_min3A = arith.constant dense<0x7F800000> : vector<256xf32>
    %reduce_min3A_906 = vector.multi_reduction <minimumf>, %select_n3A_905, %reduce_min3A [1] : vector<256x128xf32> to vector<256xf32>
    %broadcast_in_dim3A_907 = vector.shape_cast %reduce_min3A_906 : vector<256xf32> to vector<256x1xf32>
    %eq3A_908 = vector.broadcast %broadcast_in_dim3A_907 : vector<256x1xf32> to vector<256x128xf32>
    %eq3A_909 = arith.cmpf oeq, %select_n3A_905, %eq3A_908 : vector<256x128xf32>
    %jit3A = arith.constant 8192 : i32
    %broadcast_in_dim3A_910 = vector.broadcast %jit3A : i32 to vector<256x128xi32>
    %select_n3A_911 = arith.select %eq3A_909, %select_n3A_904, %broadcast_in_dim3A_910 : vector<256x128xi1>, vector<256x128xi32>
    %reduce_min3A_912 = arith.constant dense<2147483647> : vector<256xi32>
    %reduce_min3A_913 = vector.multi_reduction <minsi>, %select_n3A_911, %reduce_min3A_912 [1] : vector<256x128xi32> to vector<256xi32>
    %broadcast_in_dim3A_914 = vector.shape_cast %reduce_min3A_913 : vector<256xi32> to vector<256x1xi32>
    %swap3A = arith.constant 0 : index
    %swap3A_915 = arith.constant 0 : index
    %swap3A_916 = vector.load %arg5[%swap3A, %swap3A_915] : memref<1024x1xi32, #tpu.memory_space<vmem>>, vector<256x1xi32>
    tpu.vector_store %arg5[%swap3A, %swap3A_915], %broadcast_in_dim3A_914 {strides = array<i32>} : memref<1024x1xi32, #tpu.memory_space<vmem>>, vector<256x1xi32>,
    %reduce_sum3A = vector.shape_cast %reduce_min3A_906 : vector<256xf32> to vector<1x256xf32>
    %reduce_sum3A_917 = arith.constant dense<0.000000e+00> : vector<1xf32>
    %reduce_sum3A_918 = vector.multi_reduction <add>, %reduce_sum3A, %reduce_sum3A_917 [1] : vector<1x256xf32> to vector<1xf32>
    %reduce_sum3A_919 = vector.shape_cast %reduce_sum3A_918 : vector<1xf32> to vector<1x1xf32>
    %reduce_sum3A_920 = vector.extract %reduce_sum3A_919[0, 0] : f32 from vector<1x1xf32>
    %add3A_921 = arith.constant 0.000000e+00 : f32
    %add3A_922 = arith.addf %add3A_921, %reduce_sum3A_920 : f32
    %slice3A_923 = vector.extract_strided_slice %convert_element_type3A_8 {offsets = [256, 0], sizes = [256, 256], strides = [1, 1]} : vector<1024x256xbf16> to vector<256x256xbf16>
    %slice3A_924 = vector.extract_strided_slice %get3A_5 {offsets = [256], sizes = [256], strides = [1]} : vector<1024xf32> to vector<256xf32>
    %broadcast_in_dim3A_925 = vector.shape_cast %slice3A_924 : vector<256xf32> to vector<256x1xf32>
    %broadcast_in_dim3A_926 = arith.constant 0x7F800000 : f32
    %broadcast_in_dim3A_927 = vector.broadcast %broadcast_in_dim3A_926 : f32 to vector<256x128xf32>
    %broadcast_in_dim3A_928 = arith.constant 0 : i32
    %broadcast_in_dim3A_929 = vector.broadcast %broadcast_in_dim3A_928 : i32 to vector<256x128xi32>
    %get3A_930 = arith.constant 0 : index
    %get3A_931 = arith.constant 0 : index
    %get3A_932 = vector.load %arg4[%get3A_930, %get3A_931] : memref<256x8192xbf16, #tpu.memory_space<vmem>>, vector<256x256xbf16>
    %dot_general3A_933 = arith.constant dense<0.000000e+00> : vector<256x256xf32>
    %dot_general3A_934 = tpu.matmul %slice3A_923, %get3A_932, %dot_general3A_933 {dimension_numbers = #tpu.dot_dimension_numbers<[1], [0], [0], [1], [0, 0, 1, 1], [], []>, transpose_lhs_hint = false} : vector<256x256xbf16>, vector<256x256xbf16>, vector<256x256xf32> -> vector<256x256xf32>
    %get3A_935 = arith.constant 0 : index
    %get3A_936 = arith.constant 0 : index
    %get3A_937 = vector.load %arg3[%get3A_935, %get3A_936] : memref<1x8192xf32, #tpu.memory_space<vmem>>, vector<1x256xf32>
    %get3A_938 = vector.shape_cast %get3A_937 : vector<1x256xf32> to vector<256xf32>
    %broadcast_in_dim3A_939 = vector.shape_cast %get3A_938 : vector<256xf32> to vector<1x256xf32>
    %add3A_940 = vector.broadcast %broadcast_in_dim3A_925 : vector<256x1xf32> to vector<256x256xf32>
    %add3A_941 = vector.broadcast %broadcast_in_dim3A_939 : vector<1x256xf32> to vector<256x256xf32>
    %add3A_942 = arith.addf %add3A_940, %add3A_941 : vector<256x256xf32>
    %add3A_943 = arith.addf %add3A_942, %dot_general3A_934 : vector<256x256xf32>
    %slice3A_944 = vector.extract_strided_slice %add3A_943 {offsets = [0, 0], sizes = [256, 128], strides = [1, 1]} : vector<256x256xf32> to vector<256x128xf32>
    %slice3A_945 = vector.extract_strided_slice %add3A_943 {offsets = [0, 128], sizes = [256, 128], strides = [1, 1]} : vector<256x256xf32> to vector<256x128xf32>
    %add3A_946 = arith.constant 0 : i32
    %add3A_947 = vector.broadcast %add3A_946 : i32 to vector<256x128xi32>
    %add3A_948 = arith.addi %iota3A, %add3A_947 : vector<256x128xi32>
    %lt3A_949 = arith.cmpf olt, %slice3A_945, %slice3A_944 : vector<256x128xf32>
    %select_n3A_950 = arith.select %lt3A_949, %slice3A_945, %slice3A_944 : vector<256x128xi1>, vector<256x128xf32>
    %add3A_951 = arith.constant 128 : i32
    %add3A_952 = vector.broadcast %add3A_951 : i32 to vector<256x128xi32>
    %add3A_953 = arith.addi %add3A_948, %add3A_952 : vector<256x128xi32>
    %select_n3A_954 = arith.select %lt3A_949, %add3A_953, %add3A_948 : vector<256x128xi1>, vector<256x128xi32>
    %lt3A_955 = arith.cmpf olt, %select_n3A_950, %broadcast_in_dim3A_927 : vector<256x128xf32>
    %select_n3A_956 = arith.select %lt3A_955, %select_n3A_954, %broadcast_in_dim3A_929 : vector<256x128xi1>, vector<256x128xi32>
    %select_n3A_957 = arith.select %lt3A_955, %select_n3A_950, %broadcast_in_dim3A_927 : vector<256x128xi1>, vector<256x128xf32>
    %get3A_958 = arith.constant 0 : index
    %get3A_959 = arith.constant 256 : index
    %get3A_960 = vector.load %arg4[%get3A_958, %get3A_959] : memref<256x8192xbf16, #tpu.memory_space<vmem>>, vector<256x256xbf16>
    %dot_general3A_961 = arith.constant dense<0.000000e+00> : vector<256x256xf32>
    %dot_general3A_962 = tpu.matmul %slice3A_923, %get3A_960, %dot_general3A_961 {dimension_numbers = #tpu.dot_dimension_numbers<[1], [0], [0], [1], [0, 0, 1, 1], [], []>, transpose_lhs_hint = false} : vector<256x256xbf16>, vector<256x256xbf16>, vector<256x256xf32> -> vector<256x256xf32>
    %get3A_963 = arith.constant 0 : index
    %get3A_964 = arith.constant 256 : index
    %get3A_965 = vector.load %arg3[%get3A_963, %get3A_964] : memref<1x8192xf32, #tpu.memory_space<vmem>>, vector<1x256xf32>
    %get3A_966 = vector.shape_cast %get3A_965 : vector<1x256xf32> to vector<256xf32>
    %broadcast_in_dim3A_967 = vector.shape_cast %get3A_966 : vector<256xf32> to vector<1x256xf32>
    %add3A_968 = vector.broadcast %broadcast_in_dim3A_925 : vector<256x1xf32> to vector<256x256xf32>
    %add3A_969 = vector.broadcast %broadcast_in_dim3A_967 : vector<1x256xf32> to vector<256x256xf32>
    %add3A_970 = arith.addf %add3A_968, %add3A_969 : vector<256x256xf32>
    %add3A_971 = arith.addf %add3A_970, %dot_general3A_962 : vector<256x256xf32>
    %slice3A_972 = vector.extract_strided_slice %add3A_971 {offsets = [0, 0], sizes = [256, 128], strides = [1, 1]} : vector<256x256xf32> to vector<256x128xf32>
    %slice3A_973 = vector.extract_strided_slice %add3A_971 {offsets = [0, 128], sizes = [256, 128], strides = [1, 1]} : vector<256x256xf32> to vector<256x128xf32>
    %add3A_974 = arith.constant 256 : i32
    %add3A_975 = vector.broadcast %add3A_974 : i32 to vector<256x128xi32>
    %add3A_976 = arith.addi %iota3A, %add3A_975 : vector<256x128xi32>
    %lt3A_977 = arith.cmpf olt, %slice3A_973, %slice3A_972 : vector<256x128xf32>
    %select_n3A_978 = arith.select %lt3A_977, %slice3A_973, %slice3A_972 : vector<256x128xi1>, vector<256x128xf32>
    %add3A_979 = arith.constant 128 : i32
    %add3A_980 = vector.broadcast %add3A_979 : i32 to vector<256x128xi32>
    %add3A_981 = arith.addi %add3A_976, %add3A_980 : vector<256x128xi32>
    %select_n3A_982 = arith.select %lt3A_977, %add3A_981, %add3A_976 : vector<256x128xi1>, vector<256x128xi32>
    %lt3A_983 = arith.cmpf olt, %select_n3A_978, %select_n3A_957 : vector<256x128xf32>
    %select_n3A_984 = arith.select %lt3A_983, %select_n3A_982, %select_n3A_956 : vector<256x128xi1>, vector<256x128xi32>
    %select_n3A_985 = arith.select %lt3A_983, %select_n3A_978, %select_n3A_957 : vector<256x128xi1>, vector<256x128xf32>
    %get3A_986 = arith.constant 0 : index
    %get3A_987 = arith.constant 512 : index
    %get3A_988 = vector.load %arg4[%get3A_986, %get3A_987] : memref<256x8192xbf16, #tpu.memory_space<vmem>>, vector<256x256xbf16>
    %dot_general3A_989 = arith.constant dense<0.000000e+00> : vector<256x256xf32>
    %dot_general3A_990 = tpu.matmul %slice3A_923, %get3A_988, %dot_general3A_989 {dimension_numbers = #tpu.dot_dimension_numbers<[1], [0], [0], [1], [0, 0, 1, 1], [], []>, transpose_lhs_hint = false} : vector<256x256xbf16>, vector<256x256xbf16>, vector<256x256xf32> -> vector<256x256xf32>
    %get3A_991 = arith.constant 0 : index
    %get3A_992 = arith.constant 512 : index
    %get3A_993 = vector.load %arg3[%get3A_991, %get3A_992] : memref<1x8192xf32, #tpu.memory_space<vmem>>, vector<1x256xf32>
    %get3A_994 = vector.shape_cast %get3A_993 : vector<1x256xf32> to vector<256xf32>
    %broadcast_in_dim3A_995 = vector.shape_cast %get3A_994 : vector<256xf32> to vector<1x256xf32>
    %add3A_996 = vector.broadcast %broadcast_in_dim3A_925 : vector<256x1xf32> to vector<256x256xf32>
    %add3A_997 = vector.broadcast %broadcast_in_dim3A_995 : vector<1x256xf32> to vector<256x256xf32>
    %add3A_998 = arith.addf %add3A_996, %add3A_997 : vector<256x256xf32>
    %add3A_999 = arith.addf %add3A_998, %dot_general3A_990 : vector<256x256xf32>
    %slice3A_1000 = vector.extract_strided_slice %add3A_999 {offsets = [0, 0], sizes = [256, 128], strides = [1, 1]} : vector<256x256xf32> to vector<256x128xf32>
    %slice3A_1001 = vector.extract_strided_slice %add3A_999 {offsets = [0, 128], sizes = [256, 128], strides = [1, 1]} : vector<256x256xf32> to vector<256x128xf32>
    %add3A_1002 = arith.constant 512 : i32
    %add3A_1003 = vector.broadcast %add3A_1002 : i32 to vector<256x128xi32>
    %add3A_1004 = arith.addi %iota3A, %add3A_1003 : vector<256x128xi32>
    %lt3A_1005 = arith.cmpf olt, %slice3A_1001, %slice3A_1000 : vector<256x128xf32>
    %select_n3A_1006 = arith.select %lt3A_1005, %slice3A_1001, %slice3A_1000 : vector<256x128xi1>, vector<256x128xf32>
    %add3A_1007 = arith.constant 128 : i32
    %add3A_1008 = vector.broadcast %add3A_1007 : i32 to vector<256x128xi32>
    %add3A_1009 = arith.addi %add3A_1004, %add3A_1008 : vector<256x128xi32>
    %select_n3A_1010 = arith.select %lt3A_1005, %add3A_1009, %add3A_1004 : vector<256x128xi1>, vector<256x128xi32>
    %lt3A_1011 = arith.cmpf olt, %select_n3A_1006, %select_n3A_985 : vector<256x128xf32>
    %select_n3A_1012 = arith.select %lt3A_1011, %select_n3A_1010, %select_n3A_984 : vector<256x128xi1>, vector<256x128xi32>
    %select_n3A_1013 = arith.select %lt3A_1011, %select_n3A_1006, %select_n3A_985 : vector<256x128xi1>, vector<256x128xf32>
    %get3A_1014 = arith.constant 0 : index
    %get3A_1015 = arith.constant 768 : index
    %get3A_1016 = vector.load %arg4[%get3A_1014, %get3A_1015] : memref<256x8192xbf16, #tpu.memory_space<vmem>>, vector<256x256xbf16>
    %dot_general3A_1017 = arith.constant dense<0.000000e+00> : vector<256x256xf32>
    %dot_general3A_1018 = tpu.matmul %slice3A_923, %get3A_1016, %dot_general3A_1017 {dimension_numbers = #tpu.dot_dimension_numbers<[1], [0], [0], [1], [0, 0, 1, 1], [], []>, transpose_lhs_hint = false} : vector<256x256xbf16>, vector<256x256xbf16>, vector<256x256xf32> -> vector<256x256xf32>
    %get3A_1019 = arith.constant 0 : index
    %get3A_1020 = arith.constant 768 : index
    %get3A_1021 = vector.load %arg3[%get3A_1019, %get3A_1020] : memref<1x8192xf32, #tpu.memory_space<vmem>>, vector<1x256xf32>
    %get3A_1022 = vector.shape_cast %get3A_1021 : vector<1x256xf32> to vector<256xf32>
    %broadcast_in_dim3A_1023 = vector.shape_cast %get3A_1022 : vector<256xf32> to vector<1x256xf32>
    %add3A_1024 = vector.broadcast %broadcast_in_dim3A_925 : vector<256x1xf32> to vector<256x256xf32>
    %add3A_1025 = vector.broadcast %broadcast_in_dim3A_1023 : vector<1x256xf32> to vector<256x256xf32>
    %add3A_1026 = arith.addf %add3A_1024, %add3A_1025 : vector<256x256xf32>
    %add3A_1027 = arith.addf %add3A_1026, %dot_general3A_1018 : vector<256x256xf32>
    %slice3A_1028 = vector.extract_strided_slice %add3A_1027 {offsets = [0, 0], sizes = [256, 128], strides = [1, 1]} : vector<256x256xf32> to vector<256x128xf32>
    %slice3A_1029 = vector.extract_strided_slice %add3A_1027 {offsets = [0, 128], sizes = [256, 128], strides = [1, 1]} : vector<256x256xf32> to vector<256x128xf32>
    %add3A_1030 = arith.constant 768 : i32
    %add3A_1031 = vector.broadcast %add3A_1030 : i32 to vector<256x128xi32>
    %add3A_1032 = arith.addi %iota3A, %add3A_1031 : vector<256x128xi32>
    %lt3A_1033 = arith.cmpf olt, %slice3A_1029, %slice3A_1028 : vector<256x128xf32>
    %select_n3A_1034 = arith.select %lt3A_1033, %slice3A_1029, %slice3A_1028 : vector<256x128xi1>, vector<256x128xf32>
    %add3A_1035 = arith.constant 128 : i32
    %add3A_1036 = vector.broadcast %add3A_1035 : i32 to vector<256x128xi32>
    %add3A_1037 = arith.addi %add3A_1032, %add3A_1036 : vector<256x128xi32>
    %select_n3A_1038 = arith.select %lt3A_1033, %add3A_1037, %add3A_1032 : vector<256x128xi1>, vector<256x128xi32>
    %lt3A_1039 = arith.cmpf olt, %select_n3A_1034, %select_n3A_1013 : vector<256x128xf32>
    %select_n3A_1040 = arith.select %lt3A_1039, %select_n3A_1038, %select_n3A_1012 : vector<256x128xi1>, vector<256x128xi32>
    %select_n3A_1041 = arith.select %lt3A_1039, %select_n3A_1034, %select_n3A_1013 : vector<256x128xi1>, vector<256x128xf32>
    %get3A_1042 = arith.constant 0 : index
    %get3A_1043 = arith.constant 1024 : index
    %get3A_1044 = vector.load %arg4[%get3A_1042, %get3A_1043] : memref<256x8192xbf16, #tpu.memory_space<vmem>>, vector<256x256xbf16>
    %dot_general3A_1045 = arith.constant dense<0.000000e+00> : vector<256x256xf32>
    %dot_general3A_1046 = tpu.matmul %slice3A_923, %get3A_1044, %dot_general3A_1045 {dimension_numbers = #tpu.dot_dimension_numbers<[1], [0], [0], [1], [0, 0, 1, 1], [], []>, transpose_lhs_hint = false} : vector<256x256xbf16>, vector<256x256xbf16>, vector<256x256xf32> -> vector<256x256xf32>
    %get3A_1047 = arith.constant 0 : index
    %get3A_1048 = arith.constant 1024 : index
    %get3A_1049 = vector.load %arg3[%get3A_1047, %get3A_1048] : memref<1x8192xf32, #tpu.memory_space<vmem>>, vector<1x256xf32>
    %get3A_1050 = vector.shape_cast %get3A_1049 : vector<1x256xf32> to vector<256xf32>
    %broadcast_in_dim3A_1051 = vector.shape_cast %get3A_1050 : vector<256xf32> to vector<1x256xf32>
    %add3A_1052 = vector.broadcast %broadcast_in_dim3A_925 : vector<256x1xf32> to vector<256x256xf32>
    %add3A_1053 = vector.broadcast %broadcast_in_dim3A_1051 : vector<1x256xf32> to vector<256x256xf32>
    %add3A_1054 = arith.addf %add3A_1052, %add3A_1053 : vector<256x256xf32>
    %add3A_1055 = arith.addf %add3A_1054, %dot_general3A_1046 : vector<256x256xf32>
    %slice3A_1056 = vector.extract_strided_slice %add3A_1055 {offsets = [0, 0], sizes = [256, 128], strides = [1, 1]} : vector<256x256xf32> to vector<256x128xf32>
    %slice3A_1057 = vector.extract_strided_slice %add3A_1055 {offsets = [0, 128], sizes = [256, 128], strides = [1, 1]} : vector<256x256xf32> to vector<256x128xf32>
    %add3A_1058 = arith.constant 1024 : i32
    %add3A_1059 = vector.broadcast %add3A_1058 : i32 to vector<256x128xi32>
    %add3A_1060 = arith.addi %iota3A, %add3A_1059 : vector<256x128xi32>
    %lt3A_1061 = arith.cmpf olt, %slice3A_1057, %slice3A_1056 : vector<256x128xf32>
    %select_n3A_1062 = arith.select %lt3A_1061, %slice3A_1057, %slice3A_1056 : vector<256x128xi1>, vector<256x128xf32>
    %add3A_1063 = arith.constant 128 : i32
    %add3A_1064 = vector.broadcast %add3A_1063 : i32 to vector<256x128xi32>
    %add3A_1065 = arith.addi %add3A_1060, %add3A_1064 : vector<256x128xi32>
    %select_n3A_1066 = arith.select %lt3A_1061, %add3A_1065, %add3A_1060 : vector<256x128xi1>, vector<256x128xi32>
    %lt3A_1067 = arith.cmpf olt, %select_n3A_1062, %select_n3A_1041 : vector<256x128xf32>
    %select_n3A_1068 = arith.select %lt3A_1067, %select_n3A_1066, %select_n3A_1040 : vector<256x128xi1>, vector<256x128xi32>
    %select_n3A_1069 = arith.select %lt3A_1067, %select_n3A_1062, %select_n3A_1041 : vector<256x128xi1>, vector<256x128xf32>
    %get3A_1070 = arith.constant 0 : index
    %get3A_1071 = arith.constant 1280 : index
    %get3A_1072 = vector.load %arg4[%get3A_1070, %get3A_1071] : memref<256x8192xbf16, #tpu.memory_space<vmem>>, vector<256x256xbf16>
    %dot_general3A_1073 = arith.constant dense<0.000000e+00> : vector<256x256xf32>
    %dot_general3A_1074 = tpu.matmul %slice3A_923, %get3A_1072, %dot_general3A_1073 {dimension_numbers = #tpu.dot_dimension_numbers<[1], [0], [0], [1], [0, 0, 1, 1], [], []>, transpose_lhs_hint = false} : vector<256x256xbf16>, vector<256x256xbf16>, vector<256x256xf32> -> vector<256x256xf32>
    %get3A_1075 = arith.constant 0 : index
    %get3A_1076 = arith.constant 1280 : index
    %get3A_1077 = vector.load %arg3[%get3A_1075, %get3A_1076] : memref<1x8192xf32, #tpu.memory_space<vmem>>, vector<1x256xf32>
    %get3A_1078 = vector.shape_cast %get3A_1077 : vector<1x256xf32> to vector<256xf32>
    %broadcast_in_dim3A_1079 = vector.shape_cast %get3A_1078 : vector<256xf32> to vector<1x256xf32>
    %add3A_1080 = vector.broadcast %broadcast_in_dim3A_925 : vector<256x1xf32> to vector<256x256xf32>
    %add3A_1081 = vector.broadcast %broadcast_in_dim3A_1079 : vector<1x256xf32> to vector<256x256xf32>
    %add3A_1082 = arith.addf %add3A_1080, %add3A_1081 : vector<256x256xf32>
    %add3A_1083 = arith.addf %add3A_1082, %dot_general3A_1074 : vector<256x256xf32>
    %slice3A_1084 = vector.extract_strided_slice %add3A_1083 {offsets = [0, 0], sizes = [256, 128], strides = [1, 1]} : vector<256x256xf32> to vector<256x128xf32>
    %slice3A_1085 = vector.extract_strided_slice %add3A_1083 {offsets = [0, 128], sizes = [256, 128], strides = [1, 1]} : vector<256x256xf32> to vector<256x128xf32>
    %add3A_1086 = arith.constant 1280 : i32
    %add3A_1087 = vector.broadcast %add3A_1086 : i32 to vector<256x128xi32>
    %add3A_1088 = arith.addi %iota3A, %add3A_1087 : vector<256x128xi32>
    %lt3A_1089 = arith.cmpf olt, %slice3A_1085, %slice3A_1084 : vector<256x128xf32>
    %select_n3A_1090 = arith.select %lt3A_1089, %slice3A_1085, %slice3A_1084 : vector<256x128xi1>, vector<256x128xf32>
    %add3A_1091 = arith.constant 128 : i32
    %add3A_1092 = vector.broadcast %add3A_1091 : i32 to vector<256x128xi32>
    %add3A_1093 = arith.addi %add3A_1088, %add3A_1092 : vector<256x128xi32>
    %select_n3A_1094 = arith.select %lt3A_1089, %add3A_1093, %add3A_1088 : vector<256x128xi1>, vector<256x128xi32>
    %lt3A_1095 = arith.cmpf olt, %select_n3A_1090, %select_n3A_1069 : vector<256x128xf32>
    %select_n3A_1096 = arith.select %lt3A_1095, %select_n3A_1094, %select_n3A_1068 : vector<256x128xi1>, vector<256x128xi32>
    %select_n3A_1097 = arith.select %lt3A_1095, %select_n3A_1090, %select_n3A_1069 : vector<256x128xi1>, vector<256x128xf32>
    %get3A_1098 = arith.constant 0 : index
    %get3A_1099 = arith.constant 1536 : index
    %get3A_1100 = vector.load %arg4[%get3A_1098, %get3A_1099] : memref<256x8192xbf16, #tpu.memory_space<vmem>>, vector<256x256xbf16>
    %dot_general3A_1101 = arith.constant dense<0.000000e+00> : vector<256x256xf32>
    %dot_general3A_1102 = tpu.matmul %slice3A_923, %get3A_1100, %dot_general3A_1101 {dimension_numbers = #tpu.dot_dimension_numbers<[1], [0], [0], [1], [0, 0, 1, 1], [], []>, transpose_lhs_hint = false} : vector<256x256xbf16>, vector<256x256xbf16>, vector<256x256xf32> -> vector<256x256xf32>
    %get3A_1103 = arith.constant 0 : index
    %get3A_1104 = arith.constant 1536 : index
    %get3A_1105 = vector.load %arg3[%get3A_1103, %get3A_1104] : memref<1x8192xf32, #tpu.memory_space<vmem>>, vector<1x256xf32>
    %get3A_1106 = vector.shape_cast %get3A_1105 : vector<1x256xf32> to vector<256xf32>
    %broadcast_in_dim3A_1107 = vector.shape_cast %get3A_1106 : vector<256xf32> to vector<1x256xf32>
    %add3A_1108 = vector.broadcast %broadcast_in_dim3A_925 : vector<256x1xf32> to vector<256x256xf32>
    %add3A_1109 = vector.broadcast %broadcast_in_dim3A_1107 : vector<1x256xf32> to vector<256x256xf32>
    %add3A_1110 = arith.addf %add3A_1108, %add3A_1109 : vector<256x256xf32>
    %add3A_1111 = arith.addf %add3A_1110, %dot_general3A_1102 : vector<256x256xf32>
    %slice3A_1112 = vector.extract_strided_slice %add3A_1111 {offsets = [0, 0], sizes = [256, 128], strides = [1, 1]} : vector<256x256xf32> to vector<256x128xf32>
    %slice3A_1113 = vector.extract_strided_slice %add3A_1111 {offsets = [0, 128], sizes = [256, 128], strides = [1, 1]} : vector<256x256xf32> to vector<256x128xf32>
    %add3A_1114 = arith.constant 1536 : i32
    %add3A_1115 = vector.broadcast %add3A_1114 : i32 to vector<256x128xi32>
    %add3A_1116 = arith.addi %iota3A, %add3A_1115 : vector<256x128xi32>
    %lt3A_1117 = arith.cmpf olt, %slice3A_1113, %slice3A_1112 : vector<256x128xf32>
    %select_n3A_1118 = arith.select %lt3A_1117, %slice3A_1113, %slice3A_1112 : vector<256x128xi1>, vector<256x128xf32>
    %add3A_1119 = arith.constant 128 : i32
    %add3A_1120 = vector.broadcast %add3A_1119 : i32 to vector<256x128xi32>
    %add3A_1121 = arith.addi %add3A_1116, %add3A_1120 : vector<256x128xi32>
    %select_n3A_1122 = arith.select %lt3A_1117, %add3A_1121, %add3A_1116 : vector<256x128xi1>, vector<256x128xi32>
    %lt3A_1123 = arith.cmpf olt, %select_n3A_1118, %select_n3A_1097 : vector<256x128xf32>
    %select_n3A_1124 = arith.select %lt3A_1123, %select_n3A_1122, %select_n3A_1096 : vector<256x128xi1>, vector<256x128xi32>
    %select_n3A_1125 = arith.select %lt3A_1123, %select_n3A_1118, %select_n3A_1097 : vector<256x128xi1>, vector<256x128xf32>
    %get3A_1126 = arith.constant 0 : index
    %get3A_1127 = arith.constant 1792 : index
    %get3A_1128 = vector.load %arg4[%get3A_1126, %get3A_1127] : memref<256x8192xbf16, #tpu.memory_space<vmem>>, vector<256x256xbf16>
    %dot_general3A_1129 = arith.constant dense<0.000000e+00> : vector<256x256xf32>
    %dot_general3A_1130 = tpu.matmul %slice3A_923, %get3A_1128, %dot_general3A_1129 {dimension_numbers = #tpu.dot_dimension_numbers<[1], [0], [0], [1], [0, 0, 1, 1], [], []>, transpose_lhs_hint = false} : vector<256x256xbf16>, vector<256x256xbf16>, vector<256x256xf32> -> vector<256x256xf32>
    %get3A_1131 = arith.constant 0 : index
    %get3A_1132 = arith.constant 1792 : index
    %get3A_1133 = vector.load %arg3[%get3A_1131, %get3A_1132] : memref<1x8192xf32, #tpu.memory_space<vmem>>, vector<1x256xf32>
    %get3A_1134 = vector.shape_cast %get3A_1133 : vector<1x256xf32> to vector<256xf32>
    %broadcast_in_dim3A_1135 = vector.shape_cast %get3A_1134 : vector<256xf32> to vector<1x256xf32>
    %add3A_1136 = vector.broadcast %broadcast_in_dim3A_925 : vector<256x1xf32> to vector<256x256xf32>
    %add3A_1137 = vector.broadcast %broadcast_in_dim3A_1135 : vector<1x256xf32> to vector<256x256xf32>
    %add3A_1138 = arith.addf %add3A_1136, %add3A_1137 : vector<256x256xf32>
    %add3A_1139 = arith.addf %add3A_1138, %dot_general3A_1130 : vector<256x256xf32>
    %slice3A_1140 = vector.extract_strided_slice %add3A_1139 {offsets = [0, 0], sizes = [256, 128], strides = [1, 1]} : vector<256x256xf32> to vector<256x128xf32>
    %slice3A_1141 = vector.extract_strided_slice %add3A_1139 {offsets = [0, 128], sizes = [256, 128], strides = [1, 1]} : vector<256x256xf32> to vector<256x128xf32>
    %add3A_1142 = arith.constant 1792 : i32
    %add3A_1143 = vector.broadcast %add3A_1142 : i32 to vector<256x128xi32>
    %add3A_1144 = arith.addi %iota3A, %add3A_1143 : vector<256x128xi32>
    %lt3A_1145 = arith.cmpf olt, %slice3A_1141, %slice3A_1140 : vector<256x128xf32>
    %select_n3A_1146 = arith.select %lt3A_1145, %slice3A_1141, %slice3A_1140 : vector<256x128xi1>, vector<256x128xf32>
    %add3A_1147 = arith.constant 128 : i32
    %add3A_1148 = vector.broadcast %add3A_1147 : i32 to vector<256x128xi32>
    %add3A_1149 = arith.addi %add3A_1144, %add3A_1148 : vector<256x128xi32>
    %select_n3A_1150 = arith.select %lt3A_1145, %add3A_1149, %add3A_1144 : vector<256x128xi1>, vector<256x128xi32>
    %lt3A_1151 = arith.cmpf olt, %select_n3A_1146, %select_n3A_1125 : vector<256x128xf32>
    %select_n3A_1152 = arith.select %lt3A_1151, %select_n3A_1150, %select_n3A_1124 : vector<256x128xi1>, vector<256x128xi32>
    %select_n3A_1153 = arith.select %lt3A_1151, %select_n3A_1146, %select_n3A_1125 : vector<256x128xi1>, vector<256x128xf32>
    %get3A_1154 = arith.constant 0 : index
    %get3A_1155 = arith.constant 2048 : index
    %get3A_1156 = vector.load %arg4[%get3A_1154, %get3A_1155] : memref<256x8192xbf16, #tpu.memory_space<vmem>>, vector<256x256xbf16>
    %dot_general3A_1157 = arith.constant dense<0.000000e+00> : vector<256x256xf32>
    %dot_general3A_1158 = tpu.matmul %slice3A_923, %get3A_1156, %dot_general3A_1157 {dimension_numbers = #tpu.dot_dimension_numbers<[1], [0], [0], [1], [0, 0, 1, 1], [], []>, transpose_lhs_hint = false} : vector<256x256xbf16>, vector<256x256xbf16>, vector<256x256xf32> -> vector<256x256xf32>
    %get3A_1159 = arith.constant 0 : index
    %get3A_1160 = arith.constant 2048 : index
    %get3A_1161 = vector.load %arg3[%get3A_1159, %get3A_1160] : memref<1x8192xf32, #tpu.memory_space<vmem>>, vector<1x256xf32>
    %get3A_1162 = vector.shape_cast %get3A_1161 : vector<1x256xf32> to vector<256xf32>
    %broadcast_in_dim3A_1163 = vector.shape_cast %get3A_1162 : vector<256xf32> to vector<1x256xf32>
    %add3A_1164 = vector.broadcast %broadcast_in_dim3A_925 : vector<256x1xf32> to vector<256x256xf32>
    %add3A_1165 = vector.broadcast %broadcast_in_dim3A_1163 : vector<1x256xf32> to vector<256x256xf32>
    %add3A_1166 = arith.addf %add3A_1164, %add3A_1165 : vector<256x256xf32>
    %add3A_1167 = arith.addf %add3A_1166, %dot_general3A_1158 : vector<256x256xf32>
    %slice3A_1168 = vector.extract_strided_slice %add3A_1167 {offsets = [0, 0], sizes = [256, 128], strides = [1, 1]} : vector<256x256xf32> to vector<256x128xf32>
    %slice3A_1169 = vector.extract_strided_slice %add3A_1167 {offsets = [0, 128], sizes = [256, 128], strides = [1, 1]} : vector<256x256xf32> to vector<256x128xf32>
    %add3A_1170 = arith.constant 2048 : i32
    %add3A_1171 = vector.broadcast %add3A_1170 : i32 to vector<256x128xi32>
    %add3A_1172 = arith.addi %iota3A, %add3A_1171 : vector<256x128xi32>
    %lt3A_1173 = arith.cmpf olt, %slice3A_1169, %slice3A_1168 : vector<256x128xf32>
    %select_n3A_1174 = arith.select %lt3A_1173, %slice3A_1169, %slice3A_1168 : vector<256x128xi1>, vector<256x128xf32>
    %add3A_1175 = arith.constant 128 : i32
    %add3A_1176 = vector.broadcast %add3A_1175 : i32 to vector<256x128xi32>
    %add3A_1177 = arith.addi %add3A_1172, %add3A_1176 : vector<256x128xi32>
    %select_n3A_1178 = arith.select %lt3A_1173, %add3A_1177, %add3A_1172 : vector<256x128xi1>, vector<256x128xi32>
    %lt3A_1179 = arith.cmpf olt, %select_n3A_1174, %select_n3A_1153 : vector<256x128xf32>
    %select_n3A_1180 = arith.select %lt3A_1179, %select_n3A_1178, %select_n3A_1152 : vector<256x128xi1>, vector<256x128xi32>
    %select_n3A_1181 = arith.select %lt3A_1179, %select_n3A_1174, %select_n3A_1153 : vector<256x128xi1>, vector<256x128xf32>
    %get3A_1182 = arith.constant 0 : index
    %get3A_1183 = arith.constant 2304 : index
    %get3A_1184 = vector.load %arg4[%get3A_1182, %get3A_1183] : memref<256x8192xbf16, #tpu.memory_space<vmem>>, vector<256x256xbf16>
    %dot_general3A_1185 = arith.constant dense<0.000000e+00> : vector<256x256xf32>
    %dot_general3A_1186 = tpu.matmul %slice3A_923, %get3A_1184, %dot_general3A_1185 {dimension_numbers = #tpu.dot_dimension_numbers<[1], [0], [0], [1], [0, 0, 1, 1], [], []>, transpose_lhs_hint = false} : vector<256x256xbf16>, vector<256x256xbf16>, vector<256x256xf32> -> vector<256x256xf32>
    %get3A_1187 = arith.constant 0 : index
    %get3A_1188 = arith.constant 2304 : index
    %get3A_1189 = vector.load %arg3[%get3A_1187, %get3A_1188] : memref<1x8192xf32, #tpu.memory_space<vmem>>, vector<1x256xf32>
    %get3A_1190 = vector.shape_cast %get3A_1189 : vector<1x256xf32> to vector<256xf32>
    %broadcast_in_dim3A_1191 = vector.shape_cast %get3A_1190 : vector<256xf32> to vector<1x256xf32>
    %add3A_1192 = vector.broadcast %broadcast_in_dim3A_925 : vector<256x1xf32> to vector<256x256xf32>
    %add3A_1193 = vector.broadcast %broadcast_in_dim3A_1191 : vector<1x256xf32> to vector<256x256xf32>
    %add3A_1194 = arith.addf %add3A_1192, %add3A_1193 : vector<256x256xf32>
    %add3A_1195 = arith.addf %add3A_1194, %dot_general3A_1186 : vector<256x256xf32>
    %slice3A_1196 = vector.extract_strided_slice %add3A_1195 {offsets = [0, 0], sizes = [256, 128], strides = [1, 1]} : vector<256x256xf32> to vector<256x128xf32>
    %slice3A_1197 = vector.extract_strided_slice %add3A_1195 {offsets = [0, 128], sizes = [256, 128], strides = [1, 1]} : vector<256x256xf32> to vector<256x128xf32>
    %add3A_1198 = arith.constant 2304 : i32
    %add3A_1199 = vector.broadcast %add3A_1198 : i32 to vector<256x128xi32>
    %add3A_1200 = arith.addi %iota3A, %add3A_1199 : vector<256x128xi32>
    %lt3A_1201 = arith.cmpf olt, %slice3A_1197, %slice3A_1196 : vector<256x128xf32>
    %select_n3A_1202 = arith.select %lt3A_1201, %slice3A_1197, %slice3A_1196 : vector<256x128xi1>, vector<256x128xf32>
    %add3A_1203 = arith.constant 128 : i32
    %add3A_1204 = vector.broadcast %add3A_1203 : i32 to vector<256x128xi32>
    %add3A_1205 = arith.addi %add3A_1200, %add3A_1204 : vector<256x128xi32>
    %select_n3A_1206 = arith.select %lt3A_1201, %add3A_1205, %add3A_1200 : vector<256x128xi1>, vector<256x128xi32>
    %lt3A_1207 = arith.cmpf olt, %select_n3A_1202, %select_n3A_1181 : vector<256x128xf32>
    %select_n3A_1208 = arith.select %lt3A_1207, %select_n3A_1206, %select_n3A_1180 : vector<256x128xi1>, vector<256x128xi32>
    %select_n3A_1209 = arith.select %lt3A_1207, %select_n3A_1202, %select_n3A_1181 : vector<256x128xi1>, vector<256x128xf32>
    %get3A_1210 = arith.constant 0 : index
    %get3A_1211 = arith.constant 2560 : index
    %get3A_1212 = vector.load %arg4[%get3A_1210, %get3A_1211] : memref<256x8192xbf16, #tpu.memory_space<vmem>>, vector<256x256xbf16>
    %dot_general3A_1213 = arith.constant dense<0.000000e+00> : vector<256x256xf32>
    %dot_general3A_1214 = tpu.matmul %slice3A_923, %get3A_1212, %dot_general3A_1213 {dimension_numbers = #tpu.dot_dimension_numbers<[1], [0], [0], [1], [0, 0, 1, 1], [], []>, transpose_lhs_hint = false} : vector<256x256xbf16>, vector<256x256xbf16>, vector<256x256xf32> -> vector<256x256xf32>
    %get3A_1215 = arith.constant 0 : index
    %get3A_1216 = arith.constant 2560 : index
    %get3A_1217 = vector.load %arg3[%get3A_1215, %get3A_1216] : memref<1x8192xf32, #tpu.memory_space<vmem>>, vector<1x256xf32>
    %get3A_1218 = vector.shape_cast %get3A_1217 : vector<1x256xf32> to vector<256xf32>
    %broadcast_in_dim3A_1219 = vector.shape_cast %get3A_1218 : vector<256xf32> to vector<1x256xf32>
    %add3A_1220 = vector.broadcast %broadcast_in_dim3A_925 : vector<256x1xf32> to vector<256x256xf32>
    %add3A_1221 = vector.broadcast %broadcast_in_dim3A_1219 : vector<1x256xf32> to vector<256x256xf32>
    %add3A_1222 = arith.addf %add3A_1220, %add3A_1221 : vector<256x256xf32>
    %add3A_1223 = arith.addf %add3A_1222, %dot_general3A_1214 : vector<256x256xf32>
    %slice3A_1224 = vector.extract_strided_slice %add3A_1223 {offsets = [0, 0], sizes = [256, 128], strides = [1, 1]} : vector<256x256xf32> to vector<256x128xf32>
    %slice3A_1225 = vector.extract_strided_slice %add3A_1223 {offsets = [0, 128], sizes = [256, 128], strides = [1, 1]} : vector<256x256xf32> to vector<256x128xf32>
    %add3A_1226 = arith.constant 2560 : i32
    %add3A_1227 = vector.broadcast %add3A_1226 : i32 to vector<256x128xi32>
    %add3A_1228 = arith.addi %iota3A, %add3A_1227 : vector<256x128xi32>
    %lt3A_1229 = arith.cmpf olt, %slice3A_1225, %slice3A_1224 : vector<256x128xf32>
    %select_n3A_1230 = arith.select %lt3A_1229, %slice3A_1225, %slice3A_1224 : vector<256x128xi1>, vector<256x128xf32>
    %add3A_1231 = arith.constant 128 : i32
    %add3A_1232 = vector.broadcast %add3A_1231 : i32 to vector<256x128xi32>
    %add3A_1233 = arith.addi %add3A_1228, %add3A_1232 : vector<256x128xi32>
    %select_n3A_1234 = arith.select %lt3A_1229, %add3A_1233, %add3A_1228 : vector<256x128xi1>, vector<256x128xi32>
    %lt3A_1235 = arith.cmpf olt, %select_n3A_1230, %select_n3A_1209 : vector<256x128xf32>
    %select_n3A_1236 = arith.select %lt3A_1235, %select_n3A_1234, %select_n3A_1208 : vector<256x128xi1>, vector<256x128xi32>
    %select_n3A_1237 = arith.select %lt3A_1235, %select_n3A_1230, %select_n3A_1209 : vector<256x128xi1>, vector<256x128xf32>
    %get3A_1238 = arith.constant 0 : index
    %get3A_1239 = arith.constant 2816 : index
    %get3A_1240 = vector.load %arg4[%get3A_1238, %get3A_1239] : memref<256x8192xbf16, #tpu.memory_space<vmem>>, vector<256x256xbf16>
    %dot_general3A_1241 = arith.constant dense<0.000000e+00> : vector<256x256xf32>
    %dot_general3A_1242 = tpu.matmul %slice3A_923, %get3A_1240, %dot_general3A_1241 {dimension_numbers = #tpu.dot_dimension_numbers<[1], [0], [0], [1], [0, 0, 1, 1], [], []>, transpose_lhs_hint = false} : vector<256x256xbf16>, vector<256x256xbf16>, vector<256x256xf32> -> vector<256x256xf32>
    %get3A_1243 = arith.constant 0 : index
    %get3A_1244 = arith.constant 2816 : index
    %get3A_1245 = vector.load %arg3[%get3A_1243, %get3A_1244] : memref<1x8192xf32, #tpu.memory_space<vmem>>, vector<1x256xf32>
    %get3A_1246 = vector.shape_cast %get3A_1245 : vector<1x256xf32> to vector<256xf32>
    %broadcast_in_dim3A_1247 = vector.shape_cast %get3A_1246 : vector<256xf32> to vector<1x256xf32>
    %add3A_1248 = vector.broadcast %broadcast_in_dim3A_925 : vector<256x1xf32> to vector<256x256xf32>
    %add3A_1249 = vector.broadcast %broadcast_in_dim3A_1247 : vector<1x256xf32> to vector<256x256xf32>
    %add3A_1250 = arith.addf %add3A_1248, %add3A_1249 : vector<256x256xf32>
    %add3A_1251 = arith.addf %add3A_1250, %dot_general3A_1242 : vector<256x256xf32>
    %slice3A_1252 = vector.extract_strided_slice %add3A_1251 {offsets = [0, 0], sizes = [256, 128], strides = [1, 1]} : vector<256x256xf32> to vector<256x128xf32>
    %slice3A_1253 = vector.extract_strided_slice %add3A_1251 {offsets = [0, 128], sizes = [256, 128], strides = [1, 1]} : vector<256x256xf32> to vector<256x128xf32>
    %add3A_1254 = arith.constant 2816 : i32
    %add3A_1255 = vector.broadcast %add3A_1254 : i32 to vector<256x128xi32>
    %add3A_1256 = arith.addi %iota3A, %add3A_1255 : vector<256x128xi32>
    %lt3A_1257 = arith.cmpf olt, %slice3A_1253, %slice3A_1252 : vector<256x128xf32>
    %select_n3A_1258 = arith.select %lt3A_1257, %slice3A_1253, %slice3A_1252 : vector<256x128xi1>, vector<256x128xf32>
    %add3A_1259 = arith.constant 128 : i32
    %add3A_1260 = vector.broadcast %add3A_1259 : i32 to vector<256x128xi32>
    %add3A_1261 = arith.addi %add3A_1256, %add3A_1260 : vector<256x128xi32>
    %select_n3A_1262 = arith.select %lt3A_1257, %add3A_1261, %add3A_1256 : vector<256x128xi1>, vector<256x128xi32>
    %lt3A_1263 = arith.cmpf olt, %select_n3A_1258, %select_n3A_1237 : vector<256x128xf32>
    %select_n3A_1264 = arith.select %lt3A_1263, %select_n3A_1262, %select_n3A_1236 : vector<256x128xi1>, vector<256x128xi32>
    %select_n3A_1265 = arith.select %lt3A_1263, %select_n3A_1258, %select_n3A_1237 : vector<256x128xi1>, vector<256x128xf32>
    %get3A_1266 = arith.constant 0 : index
    %get3A_1267 = arith.constant 3072 : index
    %get3A_1268 = vector.load %arg4[%get3A_1266, %get3A_1267] : memref<256x8192xbf16, #tpu.memory_space<vmem>>, vector<256x256xbf16>
    %dot_general3A_1269 = arith.constant dense<0.000000e+00> : vector<256x256xf32>
    %dot_general3A_1270 = tpu.matmul %slice3A_923, %get3A_1268, %dot_general3A_1269 {dimension_numbers = #tpu.dot_dimension_numbers<[1], [0], [0], [1], [0, 0, 1, 1], [], []>, transpose_lhs_hint = false} : vector<256x256xbf16>, vector<256x256xbf16>, vector<256x256xf32> -> vector<256x256xf32>
    %get3A_1271 = arith.constant 0 : index
    %get3A_1272 = arith.constant 3072 : index
    %get3A_1273 = vector.load %arg3[%get3A_1271, %get3A_1272] : memref<1x8192xf32, #tpu.memory_space<vmem>>, vector<1x256xf32>
    %get3A_1274 = vector.shape_cast %get3A_1273 : vector<1x256xf32> to vector<256xf32>
    %broadcast_in_dim3A_1275 = vector.shape_cast %get3A_1274 : vector<256xf32> to vector<1x256xf32>
    %add3A_1276 = vector.broadcast %broadcast_in_dim3A_925 : vector<256x1xf32> to vector<256x256xf32>
    %add3A_1277 = vector.broadcast %broadcast_in_dim3A_1275 : vector<1x256xf32> to vector<256x256xf32>
    %add3A_1278 = arith.addf %add3A_1276, %add3A_1277 : vector<256x256xf32>
    %add3A_1279 = arith.addf %add3A_1278, %dot_general3A_1270 : vector<256x256xf32>
    %slice3A_1280 = vector.extract_strided_slice %add3A_1279 {offsets = [0, 0], sizes = [256, 128], strides = [1, 1]} : vector<256x256xf32> to vector<256x128xf32>
    %slice3A_1281 = vector.extract_strided_slice %add3A_1279 {offsets = [0, 128], sizes = [256, 128], strides = [1, 1]} : vector<256x256xf32> to vector<256x128xf32>
    %add3A_1282 = arith.constant 3072 : i32
    %add3A_1283 = vector.broadcast %add3A_1282 : i32 to vector<256x128xi32>
    %add3A_1284 = arith.addi %iota3A, %add3A_1283 : vector<256x128xi32>
    %lt3A_1285 = arith.cmpf olt, %slice3A_1281, %slice3A_1280 : vector<256x128xf32>
    %select_n3A_1286 = arith.select %lt3A_1285, %slice3A_1281, %slice3A_1280 : vector<256x128xi1>, vector<256x128xf32>
    %add3A_1287 = arith.constant 128 : i32
    %add3A_1288 = vector.broadcast %add3A_1287 : i32 to vector<256x128xi32>
    %add3A_1289 = arith.addi %add3A_1284, %add3A_1288 : vector<256x128xi32>
    %select_n3A_1290 = arith.select %lt3A_1285, %add3A_1289, %add3A_1284 : vector<256x128xi1>, vector<256x128xi32>
    %lt3A_1291 = arith.cmpf olt, %select_n3A_1286, %select_n3A_1265 : vector<256x128xf32>
    %select_n3A_1292 = arith.select %lt3A_1291, %select_n3A_1290, %select_n3A_1264 : vector<256x128xi1>, vector<256x128xi32>
    %select_n3A_1293 = arith.select %lt3A_1291, %select_n3A_1286, %select_n3A_1265 : vector<256x128xi1>, vector<256x128xf32>
    %get3A_1294 = arith.constant 0 : index
    %get3A_1295 = arith.constant 3328 : index
    %get3A_1296 = vector.load %arg4[%get3A_1294, %get3A_1295] : memref<256x8192xbf16, #tpu.memory_space<vmem>>, vector<256x256xbf16>
    %dot_general3A_1297 = arith.constant dense<0.000000e+00> : vector<256x256xf32>
    %dot_general3A_1298 = tpu.matmul %slice3A_923, %get3A_1296, %dot_general3A_1297 {dimension_numbers = #tpu.dot_dimension_numbers<[1], [0], [0], [1], [0, 0, 1, 1], [], []>, transpose_lhs_hint = false} : vector<256x256xbf16>, vector<256x256xbf16>, vector<256x256xf32> -> vector<256x256xf32>
    %get3A_1299 = arith.constant 0 : index
    %get3A_1300 = arith.constant 3328 : index
    %get3A_1301 = vector.load %arg3[%get3A_1299, %get3A_1300] : memref<1x8192xf32, #tpu.memory_space<vmem>>, vector<1x256xf32>
    %get3A_1302 = vector.shape_cast %get3A_1301 : vector<1x256xf32> to vector<256xf32>
    %broadcast_in_dim3A_1303 = vector.shape_cast %get3A_1302 : vector<256xf32> to vector<1x256xf32>
    %add3A_1304 = vector.broadcast %broadcast_in_dim3A_925 : vector<256x1xf32> to vector<256x256xf32>
    %add3A_1305 = vector.broadcast %broadcast_in_dim3A_1303 : vector<1x256xf32> to vector<256x256xf32>
    %add3A_1306 = arith.addf %add3A_1304, %add3A_1305 : vector<256x256xf32>
    %add3A_1307 = arith.addf %add3A_1306, %dot_general3A_1298 : vector<256x256xf32>
    %slice3A_1308 = vector.extract_strided_slice %add3A_1307 {offsets = [0, 0], sizes = [256, 128], strides = [1, 1]} : vector<256x256xf32> to vector<256x128xf32>
    %slice3A_1309 = vector.extract_strided_slice %add3A_1307 {offsets = [0, 128], sizes = [256, 128], strides = [1, 1]} : vector<256x256xf32> to vector<256x128xf32>
    %add3A_1310 = arith.constant 3328 : i32
    %add3A_1311 = vector.broadcast %add3A_1310 : i32 to vector<256x128xi32>
    %add3A_1312 = arith.addi %iota3A, %add3A_1311 : vector<256x128xi32>
    %lt3A_1313 = arith.cmpf olt, %slice3A_1309, %slice3A_1308 : vector<256x128xf32>
    %select_n3A_1314 = arith.select %lt3A_1313, %slice3A_1309, %slice3A_1308 : vector<256x128xi1>, vector<256x128xf32>
    %add3A_1315 = arith.constant 128 : i32
    %add3A_1316 = vector.broadcast %add3A_1315 : i32 to vector<256x128xi32>
    %add3A_1317 = arith.addi %add3A_1312, %add3A_1316 : vector<256x128xi32>
    %select_n3A_1318 = arith.select %lt3A_1313, %add3A_1317, %add3A_1312 : vector<256x128xi1>, vector<256x128xi32>
    %lt3A_1319 = arith.cmpf olt, %select_n3A_1314, %select_n3A_1293 : vector<256x128xf32>
    %select_n3A_1320 = arith.select %lt3A_1319, %select_n3A_1318, %select_n3A_1292 : vector<256x128xi1>, vector<256x128xi32>
    %select_n3A_1321 = arith.select %lt3A_1319, %select_n3A_1314, %select_n3A_1293 : vector<256x128xi1>, vector<256x128xf32>
    %get3A_1322 = arith.constant 0 : index
    %get3A_1323 = arith.constant 3584 : index
    %get3A_1324 = vector.load %arg4[%get3A_1322, %get3A_1323] : memref<256x8192xbf16, #tpu.memory_space<vmem>>, vector<256x256xbf16>
    %dot_general3A_1325 = arith.constant dense<0.000000e+00> : vector<256x256xf32>
    %dot_general3A_1326 = tpu.matmul %slice3A_923, %get3A_1324, %dot_general3A_1325 {dimension_numbers = #tpu.dot_dimension_numbers<[1], [0], [0], [1], [0, 0, 1, 1], [], []>, transpose_lhs_hint = false} : vector<256x256xbf16>, vector<256x256xbf16>, vector<256x256xf32> -> vector<256x256xf32>
    %get3A_1327 = arith.constant 0 : index
    %get3A_1328 = arith.constant 3584 : index
    %get3A_1329 = vector.load %arg3[%get3A_1327, %get3A_1328] : memref<1x8192xf32, #tpu.memory_space<vmem>>, vector<1x256xf32>
    %get3A_1330 = vector.shape_cast %get3A_1329 : vector<1x256xf32> to vector<256xf32>
    %broadcast_in_dim3A_1331 = vector.shape_cast %get3A_1330 : vector<256xf32> to vector<1x256xf32>
    %add3A_1332 = vector.broadcast %broadcast_in_dim3A_925 : vector<256x1xf32> to vector<256x256xf32>
    %add3A_1333 = vector.broadcast %broadcast_in_dim3A_1331 : vector<1x256xf32> to vector<256x256xf32>
    %add3A_1334 = arith.addf %add3A_1332, %add3A_1333 : vector<256x256xf32>
    %add3A_1335 = arith.addf %add3A_1334, %dot_general3A_1326 : vector<256x256xf32>
    %slice3A_1336 = vector.extract_strided_slice %add3A_1335 {offsets = [0, 0], sizes = [256, 128], strides = [1, 1]} : vector<256x256xf32> to vector<256x128xf32>
    %slice3A_1337 = vector.extract_strided_slice %add3A_1335 {offsets = [0, 128], sizes = [256, 128], strides = [1, 1]} : vector<256x256xf32> to vector<256x128xf32>
    %add3A_1338 = arith.constant 3584 : i32
    %add3A_1339 = vector.broadcast %add3A_1338 : i32 to vector<256x128xi32>
    %add3A_1340 = arith.addi %iota3A, %add3A_1339 : vector<256x128xi32>
    %lt3A_1341 = arith.cmpf olt, %slice3A_1337, %slice3A_1336 : vector<256x128xf32>
    %select_n3A_1342 = arith.select %lt3A_1341, %slice3A_1337, %slice3A_1336 : vector<256x128xi1>, vector<256x128xf32>
    %add3A_1343 = arith.constant 128 : i32
    %add3A_1344 = vector.broadcast %add3A_1343 : i32 to vector<256x128xi32>
    %add3A_1345 = arith.addi %add3A_1340, %add3A_1344 : vector<256x128xi32>
    %select_n3A_1346 = arith.select %lt3A_1341, %add3A_1345, %add3A_1340 : vector<256x128xi1>, vector<256x128xi32>
    %lt3A_1347 = arith.cmpf olt, %select_n3A_1342, %select_n3A_1321 : vector<256x128xf32>
    %select_n3A_1348 = arith.select %lt3A_1347, %select_n3A_1346, %select_n3A_1320 : vector<256x128xi1>, vector<256x128xi32>
    %select_n3A_1349 = arith.select %lt3A_1347, %select_n3A_1342, %select_n3A_1321 : vector<256x128xi1>, vector<256x128xf32>
    %get3A_1350 = arith.constant 0 : index
    %get3A_1351 = arith.constant 3840 : index
    %get3A_1352 = vector.load %arg4[%get3A_1350, %get3A_1351] : memref<256x8192xbf16, #tpu.memory_space<vmem>>, vector<256x256xbf16>
    %dot_general3A_1353 = arith.constant dense<0.000000e+00> : vector<256x256xf32>
    %dot_general3A_1354 = tpu.matmul %slice3A_923, %get3A_1352, %dot_general3A_1353 {dimension_numbers = #tpu.dot_dimension_numbers<[1], [0], [0], [1], [0, 0, 1, 1], [], []>, transpose_lhs_hint = false} : vector<256x256xbf16>, vector<256x256xbf16>, vector<256x256xf32> -> vector<256x256xf32>
    %get3A_1355 = arith.constant 0 : index
    %get3A_1356 = arith.constant 3840 : index
    %get3A_1357 = vector.load %arg3[%get3A_1355, %get3A_1356] : memref<1x8192xf32, #tpu.memory_space<vmem>>, vector<1x256xf32>
    %get3A_1358 = vector.shape_cast %get3A_1357 : vector<1x256xf32> to vector<256xf32>
    %broadcast_in_dim3A_1359 = vector.shape_cast %get3A_1358 : vector<256xf32> to vector<1x256xf32>
    %add3A_1360 = vector.broadcast %broadcast_in_dim3A_925 : vector<256x1xf32> to vector<256x256xf32>
    %add3A_1361 = vector.broadcast %broadcast_in_dim3A_1359 : vector<1x256xf32> to vector<256x256xf32>
    %add3A_1362 = arith.addf %add3A_1360, %add3A_1361 : vector<256x256xf32>
    %add3A_1363 = arith.addf %add3A_1362, %dot_general3A_1354 : vector<256x256xf32>
    %slice3A_1364 = vector.extract_strided_slice %add3A_1363 {offsets = [0, 0], sizes = [256, 128], strides = [1, 1]} : vector<256x256xf32> to vector<256x128xf32>
    %slice3A_1365 = vector.extract_strided_slice %add3A_1363 {offsets = [0, 128], sizes = [256, 128], strides = [1, 1]} : vector<256x256xf32> to vector<256x128xf32>
    %add3A_1366 = arith.constant 3840 : i32
    %add3A_1367 = vector.broadcast %add3A_1366 : i32 to vector<256x128xi32>
    %add3A_1368 = arith.addi %iota3A, %add3A_1367 : vector<256x128xi32>
    %lt3A_1369 = arith.cmpf olt, %slice3A_1365, %slice3A_1364 : vector<256x128xf32>
    %select_n3A_1370 = arith.select %lt3A_1369, %slice3A_1365, %slice3A_1364 : vector<256x128xi1>, vector<256x128xf32>
    %add3A_1371 = arith.constant 128 : i32
    %add3A_1372 = vector.broadcast %add3A_1371 : i32 to vector<256x128xi32>
    %add3A_1373 = arith.addi %add3A_1368, %add3A_1372 : vector<256x128xi32>
    %select_n3A_1374 = arith.select %lt3A_1369, %add3A_1373, %add3A_1368 : vector<256x128xi1>, vector<256x128xi32>
    %lt3A_1375 = arith.cmpf olt, %select_n3A_1370, %select_n3A_1349 : vector<256x128xf32>
    %select_n3A_1376 = arith.select %lt3A_1375, %select_n3A_1374, %select_n3A_1348 : vector<256x128xi1>, vector<256x128xi32>
    %select_n3A_1377 = arith.select %lt3A_1375, %select_n3A_1370, %select_n3A_1349 : vector<256x128xi1>, vector<256x128xf32>
    %get3A_1378 = arith.constant 0 : index
    %get3A_1379 = arith.constant 4096 : index
    %get3A_1380 = vector.load %arg4[%get3A_1378, %get3A_1379] : memref<256x8192xbf16, #tpu.memory_space<vmem>>, vector<256x256xbf16>
    %dot_general3A_1381 = arith.constant dense<0.000000e+00> : vector<256x256xf32>
    %dot_general3A_1382 = tpu.matmul %slice3A_923, %get3A_1380, %dot_general3A_1381 {dimension_numbers = #tpu.dot_dimension_numbers<[1], [0], [0], [1], [0, 0, 1, 1], [], []>, transpose_lhs_hint = false} : vector<256x256xbf16>, vector<256x256xbf16>, vector<256x256xf32> -> vector<256x256xf32>
    %get3A_1383 = arith.constant 0 : index
    %get3A_1384 = arith.constant 4096 : index
    %get3A_1385 = vector.load %arg3[%get3A_1383, %get3A_1384] : memref<1x8192xf32, #tpu.memory_space<vmem>>, vector<1x256xf32>
    %get3A_1386 = vector.shape_cast %get3A_1385 : vector<1x256xf32> to vector<256xf32>
    %broadcast_in_dim3A_1387 = vector.shape_cast %get3A_1386 : vector<256xf32> to vector<1x256xf32>
    %add3A_1388 = vector.broadcast %broadcast_in_dim3A_925 : vector<256x1xf32> to vector<256x256xf32>
    %add3A_1389 = vector.broadcast %broadcast_in_dim3A_1387 : vector<1x256xf32> to vector<256x256xf32>
    %add3A_1390 = arith.addf %add3A_1388, %add3A_1389 : vector<256x256xf32>
    %add3A_1391 = arith.addf %add3A_1390, %dot_general3A_1382 : vector<256x256xf32>
    %slice3A_1392 = vector.extract_strided_slice %add3A_1391 {offsets = [0, 0], sizes = [256, 128], strides = [1, 1]} : vector<256x256xf32> to vector<256x128xf32>
    %slice3A_1393 = vector.extract_strided_slice %add3A_1391 {offsets = [0, 128], sizes = [256, 128], strides = [1, 1]} : vector<256x256xf32> to vector<256x128xf32>
    %add3A_1394 = arith.constant 4096 : i32
    %add3A_1395 = vector.broadcast %add3A_1394 : i32 to vector<256x128xi32>
    %add3A_1396 = arith.addi %iota3A, %add3A_1395 : vector<256x128xi32>
    %lt3A_1397 = arith.cmpf olt, %slice3A_1393, %slice3A_1392 : vector<256x128xf32>
    %select_n3A_1398 = arith.select %lt3A_1397, %slice3A_1393, %slice3A_1392 : vector<256x128xi1>, vector<256x128xf32>
    %add3A_1399 = arith.constant 128 : i32
    %add3A_1400 = vector.broadcast %add3A_1399 : i32 to vector<256x128xi32>
    %add3A_1401 = arith.addi %add3A_1396, %add3A_1400 : vector<256x128xi32>
    %select_n3A_1402 = arith.select %lt3A_1397, %add3A_1401, %add3A_1396 : vector<256x128xi1>, vector<256x128xi32>
    %lt3A_1403 = arith.cmpf olt, %select_n3A_1398, %select_n3A_1377 : vector<256x128xf32>
    %select_n3A_1404 = arith.select %lt3A_1403, %select_n3A_1402, %select_n3A_1376 : vector<256x128xi1>, vector<256x128xi32>
    %select_n3A_1405 = arith.select %lt3A_1403, %select_n3A_1398, %select_n3A_1377 : vector<256x128xi1>, vector<256x128xf32>
    %get3A_1406 = arith.constant 0 : index
    %get3A_1407 = arith.constant 4352 : index
    %get3A_1408 = vector.load %arg4[%get3A_1406, %get3A_1407] : memref<256x8192xbf16, #tpu.memory_space<vmem>>, vector<256x256xbf16>
    %dot_general3A_1409 = arith.constant dense<0.000000e+00> : vector<256x256xf32>
    %dot_general3A_1410 = tpu.matmul %slice3A_923, %get3A_1408, %dot_general3A_1409 {dimension_numbers = #tpu.dot_dimension_numbers<[1], [0], [0], [1], [0, 0, 1, 1], [], []>, transpose_lhs_hint = false} : vector<256x256xbf16>, vector<256x256xbf16>, vector<256x256xf32> -> vector<256x256xf32>
    %get3A_1411 = arith.constant 0 : index
    %get3A_1412 = arith.constant 4352 : index
    %get3A_1413 = vector.load %arg3[%get3A_1411, %get3A_1412] : memref<1x8192xf32, #tpu.memory_space<vmem>>, vector<1x256xf32>
    %get3A_1414 = vector.shape_cast %get3A_1413 : vector<1x256xf32> to vector<256xf32>
    %broadcast_in_dim3A_1415 = vector.shape_cast %get3A_1414 : vector<256xf32> to vector<1x256xf32>
    %add3A_1416 = vector.broadcast %broadcast_in_dim3A_925 : vector<256x1xf32> to vector<256x256xf32>
    %add3A_1417 = vector.broadcast %broadcast_in_dim3A_1415 : vector<1x256xf32> to vector<256x256xf32>
    %add3A_1418 = arith.addf %add3A_1416, %add3A_1417 : vector<256x256xf32>
    %add3A_1419 = arith.addf %add3A_1418, %dot_general3A_1410 : vector<256x256xf32>
    %slice3A_1420 = vector.extract_strided_slice %add3A_1419 {offsets = [0, 0], sizes = [256, 128], strides = [1, 1]} : vector<256x256xf32> to vector<256x128xf32>
    %slice3A_1421 = vector.extract_strided_slice %add3A_1419 {offsets = [0, 128], sizes = [256, 128], strides = [1, 1]} : vector<256x256xf32> to vector<256x128xf32>
    %add3A_1422 = arith.constant 4352 : i32
    %add3A_1423 = vector.broadcast %add3A_1422 : i32 to vector<256x128xi32>
    %add3A_1424 = arith.addi %iota3A, %add3A_1423 : vector<256x128xi32>
    %lt3A_1425 = arith.cmpf olt, %slice3A_1421, %slice3A_1420 : vector<256x128xf32>
    %select_n3A_1426 = arith.select %lt3A_1425, %slice3A_1421, %slice3A_1420 : vector<256x128xi1>, vector<256x128xf32>
    %add3A_1427 = arith.constant 128 : i32
    %add3A_1428 = vector.broadcast %add3A_1427 : i32 to vector<256x128xi32>
    %add3A_1429 = arith.addi %add3A_1424, %add3A_1428 : vector<256x128xi32>
    %select_n3A_1430 = arith.select %lt3A_1425, %add3A_1429, %add3A_1424 : vector<256x128xi1>, vector<256x128xi32>
    %lt3A_1431 = arith.cmpf olt, %select_n3A_1426, %select_n3A_1405 : vector<256x128xf32>
    %select_n3A_1432 = arith.select %lt3A_1431, %select_n3A_1430, %select_n3A_1404 : vector<256x128xi1>, vector<256x128xi32>
    %select_n3A_1433 = arith.select %lt3A_1431, %select_n3A_1426, %select_n3A_1405 : vector<256x128xi1>, vector<256x128xf32>
    %get3A_1434 = arith.constant 0 : index
    %get3A_1435 = arith.constant 4608 : index
    %get3A_1436 = vector.load %arg4[%get3A_1434, %get3A_1435] : memref<256x8192xbf16, #tpu.memory_space<vmem>>, vector<256x256xbf16>
    %dot_general3A_1437 = arith.constant dense<0.000000e+00> : vector<256x256xf32>
    %dot_general3A_1438 = tpu.matmul %slice3A_923, %get3A_1436, %dot_general3A_1437 {dimension_numbers = #tpu.dot_dimension_numbers<[1], [0], [0], [1], [0, 0, 1, 1], [], []>, transpose_lhs_hint = false} : vector<256x256xbf16>, vector<256x256xbf16>, vector<256x256xf32> -> vector<256x256xf32>
    %get3A_1439 = arith.constant 0 : index
    %get3A_1440 = arith.constant 4608 : index
    %get3A_1441 = vector.load %arg3[%get3A_1439, %get3A_1440] : memref<1x8192xf32, #tpu.memory_space<vmem>>, vector<1x256xf32>
    %get3A_1442 = vector.shape_cast %get3A_1441 : vector<1x256xf32> to vector<256xf32>
    %broadcast_in_dim3A_1443 = vector.shape_cast %get3A_1442 : vector<256xf32> to vector<1x256xf32>
    %add3A_1444 = vector.broadcast %broadcast_in_dim3A_925 : vector<256x1xf32> to vector<256x256xf32>
    %add3A_1445 = vector.broadcast %broadcast_in_dim3A_1443 : vector<1x256xf32> to vector<256x256xf32>
    %add3A_1446 = arith.addf %add3A_1444, %add3A_1445 : vector<256x256xf32>
    %add3A_1447 = arith.addf %add3A_1446, %dot_general3A_1438 : vector<256x256xf32>
    %slice3A_1448 = vector.extract_strided_slice %add3A_1447 {offsets = [0, 0], sizes = [256, 128], strides = [1, 1]} : vector<256x256xf32> to vector<256x128xf32>
    %slice3A_1449 = vector.extract_strided_slice %add3A_1447 {offsets = [0, 128], sizes = [256, 128], strides = [1, 1]} : vector<256x256xf32> to vector<256x128xf32>
    %add3A_1450 = arith.constant 4608 : i32
    %add3A_1451 = vector.broadcast %add3A_1450 : i32 to vector<256x128xi32>
    %add3A_1452 = arith.addi %iota3A, %add3A_1451 : vector<256x128xi32>
    %lt3A_1453 = arith.cmpf olt, %slice3A_1449, %slice3A_1448 : vector<256x128xf32>
    %select_n3A_1454 = arith.select %lt3A_1453, %slice3A_1449, %slice3A_1448 : vector<256x128xi1>, vector<256x128xf32>
    %add3A_1455 = arith.constant 128 : i32
    %add3A_1456 = vector.broadcast %add3A_1455 : i32 to vector<256x128xi32>
    %add3A_1457 = arith.addi %add3A_1452, %add3A_1456 : vector<256x128xi32>
    %select_n3A_1458 = arith.select %lt3A_1453, %add3A_1457, %add3A_1452 : vector<256x128xi1>, vector<256x128xi32>
    %lt3A_1459 = arith.cmpf olt, %select_n3A_1454, %select_n3A_1433 : vector<256x128xf32>
    %select_n3A_1460 = arith.select %lt3A_1459, %select_n3A_1458, %select_n3A_1432 : vector<256x128xi1>, vector<256x128xi32>
    %select_n3A_1461 = arith.select %lt3A_1459, %select_n3A_1454, %select_n3A_1433 : vector<256x128xi1>, vector<256x128xf32>
    %get3A_1462 = arith.constant 0 : index
    %get3A_1463 = arith.constant 4864 : index
    %get3A_1464 = vector.load %arg4[%get3A_1462, %get3A_1463] : memref<256x8192xbf16, #tpu.memory_space<vmem>>, vector<256x256xbf16>
    %dot_general3A_1465 = arith.constant dense<0.000000e+00> : vector<256x256xf32>
    %dot_general3A_1466 = tpu.matmul %slice3A_923, %get3A_1464, %dot_general3A_1465 {dimension_numbers = #tpu.dot_dimension_numbers<[1], [0], [0], [1], [0, 0, 1, 1], [], []>, transpose_lhs_hint = false} : vector<256x256xbf16>, vector<256x256xbf16>, vector<256x256xf32> -> vector<256x256xf32>
    %get3A_1467 = arith.constant 0 : index
    %get3A_1468 = arith.constant 4864 : index
    %get3A_1469 = vector.load %arg3[%get3A_1467, %get3A_1468] : memref<1x8192xf32, #tpu.memory_space<vmem>>, vector<1x256xf32>
    %get3A_1470 = vector.shape_cast %get3A_1469 : vector<1x256xf32> to vector<256xf32>
    %broadcast_in_dim3A_1471 = vector.shape_cast %get3A_1470 : vector<256xf32> to vector<1x256xf32>
    %add3A_1472 = vector.broadcast %broadcast_in_dim3A_925 : vector<256x1xf32> to vector<256x256xf32>
    %add3A_1473 = vector.broadcast %broadcast_in_dim3A_1471 : vector<1x256xf32> to vector<256x256xf32>
    %add3A_1474 = arith.addf %add3A_1472, %add3A_1473 : vector<256x256xf32>
    %add3A_1475 = arith.addf %add3A_1474, %dot_general3A_1466 : vector<256x256xf32>
    %slice3A_1476 = vector.extract_strided_slice %add3A_1475 {offsets = [0, 0], sizes = [256, 128], strides = [1, 1]} : vector<256x256xf32> to vector<256x128xf32>
    %slice3A_1477 = vector.extract_strided_slice %add3A_1475 {offsets = [0, 128], sizes = [256, 128], strides = [1, 1]} : vector<256x256xf32> to vector<256x128xf32>
    %add3A_1478 = arith.constant 4864 : i32
    %add3A_1479 = vector.broadcast %add3A_1478 : i32 to vector<256x128xi32>
    %add3A_1480 = arith.addi %iota3A, %add3A_1479 : vector<256x128xi32>
    %lt3A_1481 = arith.cmpf olt, %slice3A_1477, %slice3A_1476 : vector<256x128xf32>
    %select_n3A_1482 = arith.select %lt3A_1481, %slice3A_1477, %slice3A_1476 : vector<256x128xi1>, vector<256x128xf32>
    %add3A_1483 = arith.constant 128 : i32
    %add3A_1484 = vector.broadcast %add3A_1483 : i32 to vector<256x128xi32>
    %add3A_1485 = arith.addi %add3A_1480, %add3A_1484 : vector<256x128xi32>
    %select_n3A_1486 = arith.select %lt3A_1481, %add3A_1485, %add3A_1480 : vector<256x128xi1>, vector<256x128xi32>
    %lt3A_1487 = arith.cmpf olt, %select_n3A_1482, %select_n3A_1461 : vector<256x128xf32>
    %select_n3A_1488 = arith.select %lt3A_1487, %select_n3A_1486, %select_n3A_1460 : vector<256x128xi1>, vector<256x128xi32>
    %select_n3A_1489 = arith.select %lt3A_1487, %select_n3A_1482, %select_n3A_1461 : vector<256x128xi1>, vector<256x128xf32>
    %get3A_1490 = arith.constant 0 : index
    %get3A_1491 = arith.constant 5120 : index
    %get3A_1492 = vector.load %arg4[%get3A_1490, %get3A_1491] : memref<256x8192xbf16, #tpu.memory_space<vmem>>, vector<256x256xbf16>
    %dot_general3A_1493 = arith.constant dense<0.000000e+00> : vector<256x256xf32>
    %dot_general3A_1494 = tpu.matmul %slice3A_923, %get3A_1492, %dot_general3A_1493 {dimension_numbers = #tpu.dot_dimension_numbers<[1], [0], [0], [1], [0, 0, 1, 1], [], []>, transpose_lhs_hint = false} : vector<256x256xbf16>, vector<256x256xbf16>, vector<256x256xf32> -> vector<256x256xf32>
    %get3A_1495 = arith.constant 0 : index
    %get3A_1496 = arith.constant 5120 : index
    %get3A_1497 = vector.load %arg3[%get3A_1495, %get3A_1496] : memref<1x8192xf32, #tpu.memory_space<vmem>>, vector<1x256xf32>
    %get3A_1498 = vector.shape_cast %get3A_1497 : vector<1x256xf32> to vector<256xf32>
    %broadcast_in_dim3A_1499 = vector.shape_cast %get3A_1498 : vector<256xf32> to vector<1x256xf32>
    %add3A_1500 = vector.broadcast %broadcast_in_dim3A_925 : vector<256x1xf32> to vector<256x256xf32>
    %add3A_1501 = vector.broadcast %broadcast_in_dim3A_1499 : vector<1x256xf32> to vector<256x256xf32>
    %add3A_1502 = arith.addf %add3A_1500, %add3A_1501 : vector<256x256xf32>
    %add3A_1503 = arith.addf %add3A_1502, %dot_general3A_1494 : vector<256x256xf32>
    %slice3A_1504 = vector.extract_strided_slice %add3A_1503 {offsets = [0, 0], sizes = [256, 128], strides = [1, 1]} : vector<256x256xf32> to vector<256x128xf32>
    %slice3A_1505 = vector.extract_strided_slice %add3A_1503 {offsets = [0, 128], sizes = [256, 128], strides = [1, 1]} : vector<256x256xf32> to vector<256x128xf32>
    %add3A_1506 = arith.constant 5120 : i32
    %add3A_1507 = vector.broadcast %add3A_1506 : i32 to vector<256x128xi32>
    %add3A_1508 = arith.addi %iota3A, %add3A_1507 : vector<256x128xi32>
    %lt3A_1509 = arith.cmpf olt, %slice3A_1505, %slice3A_1504 : vector<256x128xf32>
    %select_n3A_1510 = arith.select %lt3A_1509, %slice3A_1505, %slice3A_1504 : vector<256x128xi1>, vector<256x128xf32>
    %add3A_1511 = arith.constant 128 : i32
    %add3A_1512 = vector.broadcast %add3A_1511 : i32 to vector<256x128xi32>
    %add3A_1513 = arith.addi %add3A_1508, %add3A_1512 : vector<256x128xi32>
    %select_n3A_1514 = arith.select %lt3A_1509, %add3A_1513, %add3A_1508 : vector<256x128xi1>, vector<256x128xi32>
    %lt3A_1515 = arith.cmpf olt, %select_n3A_1510, %select_n3A_1489 : vector<256x128xf32>
    %select_n3A_1516 = arith.select %lt3A_1515, %select_n3A_1514, %select_n3A_1488 : vector<256x128xi1>, vector<256x128xi32>
    %select_n3A_1517 = arith.select %lt3A_1515, %select_n3A_1510, %select_n3A_1489 : vector<256x128xi1>, vector<256x128xf32>
    %get3A_1518 = arith.constant 0 : index
    %get3A_1519 = arith.constant 5376 : index
    %get3A_1520 = vector.load %arg4[%get3A_1518, %get3A_1519] : memref<256x8192xbf16, #tpu.memory_space<vmem>>, vector<256x256xbf16>
    %dot_general3A_1521 = arith.constant dense<0.000000e+00> : vector<256x256xf32>
    %dot_general3A_1522 = tpu.matmul %slice3A_923, %get3A_1520, %dot_general3A_1521 {dimension_numbers = #tpu.dot_dimension_numbers<[1], [0], [0], [1], [0, 0, 1, 1], [], []>, transpose_lhs_hint = false} : vector<256x256xbf16>, vector<256x256xbf16>, vector<256x256xf32> -> vector<256x256xf32>
    %get3A_1523 = arith.constant 0 : index
    %get3A_1524 = arith.constant 5376 : index
    %get3A_1525 = vector.load %arg3[%get3A_1523, %get3A_1524] : memref<1x8192xf32, #tpu.memory_space<vmem>>, vector<1x256xf32>
    %get3A_1526 = vector.shape_cast %get3A_1525 : vector<1x256xf32> to vector<256xf32>
    %broadcast_in_dim3A_1527 = vector.shape_cast %get3A_1526 : vector<256xf32> to vector<1x256xf32>
    %add3A_1528 = vector.broadcast %broadcast_in_dim3A_925 : vector<256x1xf32> to vector<256x256xf32>
    %add3A_1529 = vector.broadcast %broadcast_in_dim3A_1527 : vector<1x256xf32> to vector<256x256xf32>
    %add3A_1530 = arith.addf %add3A_1528, %add3A_1529 : vector<256x256xf32>
    %add3A_1531 = arith.addf %add3A_1530, %dot_general3A_1522 : vector<256x256xf32>
    %slice3A_1532 = vector.extract_strided_slice %add3A_1531 {offsets = [0, 0], sizes = [256, 128], strides = [1, 1]} : vector<256x256xf32> to vector<256x128xf32>
    %slice3A_1533 = vector.extract_strided_slice %add3A_1531 {offsets = [0, 128], sizes = [256, 128], strides = [1, 1]} : vector<256x256xf32> to vector<256x128xf32>
    %add3A_1534 = arith.constant 5376 : i32
    %add3A_1535 = vector.broadcast %add3A_1534 : i32 to vector<256x128xi32>
    %add3A_1536 = arith.addi %iota3A, %add3A_1535 : vector<256x128xi32>
    %lt3A_1537 = arith.cmpf olt, %slice3A_1533, %slice3A_1532 : vector<256x128xf32>
    %select_n3A_1538 = arith.select %lt3A_1537, %slice3A_1533, %slice3A_1532 : vector<256x128xi1>, vector<256x128xf32>
    %add3A_1539 = arith.constant 128 : i32
    %add3A_1540 = vector.broadcast %add3A_1539 : i32 to vector<256x128xi32>
    %add3A_1541 = arith.addi %add3A_1536, %add3A_1540 : vector<256x128xi32>
    %select_n3A_1542 = arith.select %lt3A_1537, %add3A_1541, %add3A_1536 : vector<256x128xi1>, vector<256x128xi32>
    %lt3A_1543 = arith.cmpf olt, %select_n3A_1538, %select_n3A_1517 : vector<256x128xf32>
    %select_n3A_1544 = arith.select %lt3A_1543, %select_n3A_1542, %select_n3A_1516 : vector<256x128xi1>, vector<256x128xi32>
    %select_n3A_1545 = arith.select %lt3A_1543, %select_n3A_1538, %select_n3A_1517 : vector<256x128xi1>, vector<256x128xf32>
    %get3A_1546 = arith.constant 0 : index
    %get3A_1547 = arith.constant 5632 : index
    %get3A_1548 = vector.load %arg4[%get3A_1546, %get3A_1547] : memref<256x8192xbf16, #tpu.memory_space<vmem>>, vector<256x256xbf16>
    %dot_general3A_1549 = arith.constant dense<0.000000e+00> : vector<256x256xf32>
    %dot_general3A_1550 = tpu.matmul %slice3A_923, %get3A_1548, %dot_general3A_1549 {dimension_numbers = #tpu.dot_dimension_numbers<[1], [0], [0], [1], [0, 0, 1, 1], [], []>, transpose_lhs_hint = false} : vector<256x256xbf16>, vector<256x256xbf16>, vector<256x256xf32> -> vector<256x256xf32>
    %get3A_1551 = arith.constant 0 : index
    %get3A_1552 = arith.constant 5632 : index
    %get3A_1553 = vector.load %arg3[%get3A_1551, %get3A_1552] : memref<1x8192xf32, #tpu.memory_space<vmem>>, vector<1x256xf32>
    %get3A_1554 = vector.shape_cast %get3A_1553 : vector<1x256xf32> to vector<256xf32>
    %broadcast_in_dim3A_1555 = vector.shape_cast %get3A_1554 : vector<256xf32> to vector<1x256xf32>
    %add3A_1556 = vector.broadcast %broadcast_in_dim3A_925 : vector<256x1xf32> to vector<256x256xf32>
    %add3A_1557 = vector.broadcast %broadcast_in_dim3A_1555 : vector<1x256xf32> to vector<256x256xf32>
    %add3A_1558 = arith.addf %add3A_1556, %add3A_1557 : vector<256x256xf32>
    %add3A_1559 = arith.addf %add3A_1558, %dot_general3A_1550 : vector<256x256xf32>
    %slice3A_1560 = vector.extract_strided_slice %add3A_1559 {offsets = [0, 0], sizes = [256, 128], strides = [1, 1]} : vector<256x256xf32> to vector<256x128xf32>
    %slice3A_1561 = vector.extract_strided_slice %add3A_1559 {offsets = [0, 128], sizes = [256, 128], strides = [1, 1]} : vector<256x256xf32> to vector<256x128xf32>
    %add3A_1562 = arith.constant 5632 : i32
    %add3A_1563 = vector.broadcast %add3A_1562 : i32 to vector<256x128xi32>
    %add3A_1564 = arith.addi %iota3A, %add3A_1563 : vector<256x128xi32>
    %lt3A_1565 = arith.cmpf olt, %slice3A_1561, %slice3A_1560 : vector<256x128xf32>
    %select_n3A_1566 = arith.select %lt3A_1565, %slice3A_1561, %slice3A_1560 : vector<256x128xi1>, vector<256x128xf32>
    %add3A_1567 = arith.constant 128 : i32
    %add3A_1568 = vector.broadcast %add3A_1567 : i32 to vector<256x128xi32>
    %add3A_1569 = arith.addi %add3A_1564, %add3A_1568 : vector<256x128xi32>
    %select_n3A_1570 = arith.select %lt3A_1565, %add3A_1569, %add3A_1564 : vector<256x128xi1>, vector<256x128xi32>
    %lt3A_1571 = arith.cmpf olt, %select_n3A_1566, %select_n3A_1545 : vector<256x128xf32>
    %select_n3A_1572 = arith.select %lt3A_1571, %select_n3A_1570, %select_n3A_1544 : vector<256x128xi1>, vector<256x128xi32>
    %select_n3A_1573 = arith.select %lt3A_1571, %select_n3A_1566, %select_n3A_1545 : vector<256x128xi1>, vector<256x128xf32>
    %get3A_1574 = arith.constant 0 : index
    %get3A_1575 = arith.constant 5888 : index
    %get3A_1576 = vector.load %arg4[%get3A_1574, %get3A_1575] : memref<256x8192xbf16, #tpu.memory_space<vmem>>, vector<256x256xbf16>
    %dot_general3A_1577 = arith.constant dense<0.000000e+00> : vector<256x256xf32>
    %dot_general3A_1578 = tpu.matmul %slice3A_923, %get3A_1576, %dot_general3A_1577 {dimension_numbers = #tpu.dot_dimension_numbers<[1], [0], [0], [1], [0, 0, 1, 1], [], []>, transpose_lhs_hint = false} : vector<256x256xbf16>, vector<256x256xbf16>, vector<256x256xf32> -> vector<256x256xf32>
    %get3A_1579 = arith.constant 0 : index
    %get3A_1580 = arith.constant 5888 : index
    %get3A_1581 = vector.load %arg3[%get3A_1579, %get3A_1580] : memref<1x8192xf32, #tpu.memory_space<vmem>>, vector<1x256xf32>
    %get3A_1582 = vector.shape_cast %get3A_1581 : vector<1x256xf32> to vector<256xf32>
    %broadcast_in_dim3A_1583 = vector.shape_cast %get3A_1582 : vector<256xf32> to vector<1x256xf32>
    %add3A_1584 = vector.broadcast %broadcast_in_dim3A_925 : vector<256x1xf32> to vector<256x256xf32>
    %add3A_1585 = vector.broadcast %broadcast_in_dim3A_1583 : vector<1x256xf32> to vector<256x256xf32>
    %add3A_1586 = arith.addf %add3A_1584, %add3A_1585 : vector<256x256xf32>
    %add3A_1587 = arith.addf %add3A_1586, %dot_general3A_1578 : vector<256x256xf32>
    %slice3A_1588 = vector.extract_strided_slice %add3A_1587 {offsets = [0, 0], sizes = [256, 128], strides = [1, 1]} : vector<256x256xf32> to vector<256x128xf32>
    %slice3A_1589 = vector.extract_strided_slice %add3A_1587 {offsets = [0, 128], sizes = [256, 128], strides = [1, 1]} : vector<256x256xf32> to vector<256x128xf32>
    %add3A_1590 = arith.constant 5888 : i32
    %add3A_1591 = vector.broadcast %add3A_1590 : i32 to vector<256x128xi32>
    %add3A_1592 = arith.addi %iota3A, %add3A_1591 : vector<256x128xi32>
    %lt3A_1593 = arith.cmpf olt, %slice3A_1589, %slice3A_1588 : vector<256x128xf32>
    %select_n3A_1594 = arith.select %lt3A_1593, %slice3A_1589, %slice3A_1588 : vector<256x128xi1>, vector<256x128xf32>
    %add3A_1595 = arith.constant 128 : i32
    %add3A_1596 = vector.broadcast %add3A_1595 : i32 to vector<256x128xi32>
    %add3A_1597 = arith.addi %add3A_1592, %add3A_1596 : vector<256x128xi32>
    %select_n3A_1598 = arith.select %lt3A_1593, %add3A_1597, %add3A_1592 : vector<256x128xi1>, vector<256x128xi32>
    %lt3A_1599 = arith.cmpf olt, %select_n3A_1594, %select_n3A_1573 : vector<256x128xf32>
    %select_n3A_1600 = arith.select %lt3A_1599, %select_n3A_1598, %select_n3A_1572 : vector<256x128xi1>, vector<256x128xi32>
    %select_n3A_1601 = arith.select %lt3A_1599, %select_n3A_1594, %select_n3A_1573 : vector<256x128xi1>, vector<256x128xf32>
    %get3A_1602 = arith.constant 0 : index
    %get3A_1603 = arith.constant 6144 : index
    %get3A_1604 = vector.load %arg4[%get3A_1602, %get3A_1603] : memref<256x8192xbf16, #tpu.memory_space<vmem>>, vector<256x256xbf16>
    %dot_general3A_1605 = arith.constant dense<0.000000e+00> : vector<256x256xf32>
    %dot_general3A_1606 = tpu.matmul %slice3A_923, %get3A_1604, %dot_general3A_1605 {dimension_numbers = #tpu.dot_dimension_numbers<[1], [0], [0], [1], [0, 0, 1, 1], [], []>, transpose_lhs_hint = false} : vector<256x256xbf16>, vector<256x256xbf16>, vector<256x256xf32> -> vector<256x256xf32>
    %get3A_1607 = arith.constant 0 : index
    %get3A_1608 = arith.constant 6144 : index
    %get3A_1609 = vector.load %arg3[%get3A_1607, %get3A_1608] : memref<1x8192xf32, #tpu.memory_space<vmem>>, vector<1x256xf32>
    %get3A_1610 = vector.shape_cast %get3A_1609 : vector<1x256xf32> to vector<256xf32>
    %broadcast_in_dim3A_1611 = vector.shape_cast %get3A_1610 : vector<256xf32> to vector<1x256xf32>
    %add3A_1612 = vector.broadcast %broadcast_in_dim3A_925 : vector<256x1xf32> to vector<256x256xf32>
    %add3A_1613 = vector.broadcast %broadcast_in_dim3A_1611 : vector<1x256xf32> to vector<256x256xf32>
    %add3A_1614 = arith.addf %add3A_1612, %add3A_1613 : vector<256x256xf32>
    %add3A_1615 = arith.addf %add3A_1614, %dot_general3A_1606 : vector<256x256xf32>
    %slice3A_1616 = vector.extract_strided_slice %add3A_1615 {offsets = [0, 0], sizes = [256, 128], strides = [1, 1]} : vector<256x256xf32> to vector<256x128xf32>
    %slice3A_1617 = vector.extract_strided_slice %add3A_1615 {offsets = [0, 128], sizes = [256, 128], strides = [1, 1]} : vector<256x256xf32> to vector<256x128xf32>
    %add3A_1618 = arith.constant 6144 : i32
    %add3A_1619 = vector.broadcast %add3A_1618 : i32 to vector<256x128xi32>
    %add3A_1620 = arith.addi %iota3A, %add3A_1619 : vector<256x128xi32>
    %lt3A_1621 = arith.cmpf olt, %slice3A_1617, %slice3A_1616 : vector<256x128xf32>
    %select_n3A_1622 = arith.select %lt3A_1621, %slice3A_1617, %slice3A_1616 : vector<256x128xi1>, vector<256x128xf32>
    %add3A_1623 = arith.constant 128 : i32
    %add3A_1624 = vector.broadcast %add3A_1623 : i32 to vector<256x128xi32>
    %add3A_1625 = arith.addi %add3A_1620, %add3A_1624 : vector<256x128xi32>
    %select_n3A_1626 = arith.select %lt3A_1621, %add3A_1625, %add3A_1620 : vector<256x128xi1>, vector<256x128xi32>
    %lt3A_1627 = arith.cmpf olt, %select_n3A_1622, %select_n3A_1601 : vector<256x128xf32>
    %select_n3A_1628 = arith.select %lt3A_1627, %select_n3A_1626, %select_n3A_1600 : vector<256x128xi1>, vector<256x128xi32>
    %select_n3A_1629 = arith.select %lt3A_1627, %select_n3A_1622, %select_n3A_1601 : vector<256x128xi1>, vector<256x128xf32>
    %get3A_1630 = arith.constant 0 : index
    %get3A_1631 = arith.constant 6400 : index
    %get3A_1632 = vector.load %arg4[%get3A_1630, %get3A_1631] : memref<256x8192xbf16, #tpu.memory_space<vmem>>, vector<256x256xbf16>
    %dot_general3A_1633 = arith.constant dense<0.000000e+00> : vector<256x256xf32>
    %dot_general3A_1634 = tpu.matmul %slice3A_923, %get3A_1632, %dot_general3A_1633 {dimension_numbers = #tpu.dot_dimension_numbers<[1], [0], [0], [1], [0, 0, 1, 1], [], []>, transpose_lhs_hint = false} : vector<256x256xbf16>, vector<256x256xbf16>, vector<256x256xf32> -> vector<256x256xf32>
    %get3A_1635 = arith.constant 0 : index
    %get3A_1636 = arith.constant 6400 : index
    %get3A_1637 = vector.load %arg3[%get3A_1635, %get3A_1636] : memref<1x8192xf32, #tpu.memory_space<vmem>>, vector<1x256xf32>
    %get3A_1638 = vector.shape_cast %get3A_1637 : vector<1x256xf32> to vector<256xf32>
    %broadcast_in_dim3A_1639 = vector.shape_cast %get3A_1638 : vector<256xf32> to vector<1x256xf32>
    %add3A_1640 = vector.broadcast %broadcast_in_dim3A_925 : vector<256x1xf32> to vector<256x256xf32>
    %add3A_1641 = vector.broadcast %broadcast_in_dim3A_1639 : vector<1x256xf32> to vector<256x256xf32>
    %add3A_1642 = arith.addf %add3A_1640, %add3A_1641 : vector<256x256xf32>
    %add3A_1643 = arith.addf %add3A_1642, %dot_general3A_1634 : vector<256x256xf32>
    %slice3A_1644 = vector.extract_strided_slice %add3A_1643 {offsets = [0, 0], sizes = [256, 128], strides = [1, 1]} : vector<256x256xf32> to vector<256x128xf32>
    %slice3A_1645 = vector.extract_strided_slice %add3A_1643 {offsets = [0, 128], sizes = [256, 128], strides = [1, 1]} : vector<256x256xf32> to vector<256x128xf32>
    %add3A_1646 = arith.constant 6400 : i32
    %add3A_1647 = vector.broadcast %add3A_1646 : i32 to vector<256x128xi32>
    %add3A_1648 = arith.addi %iota3A, %add3A_1647 : vector<256x128xi32>
    %lt3A_1649 = arith.cmpf olt, %slice3A_1645, %slice3A_1644 : vector<256x128xf32>
    %select_n3A_1650 = arith.select %lt3A_1649, %slice3A_1645, %slice3A_1644 : vector<256x128xi1>, vector<256x128xf32>
    %add3A_1651 = arith.constant 128 : i32
    %add3A_1652 = vector.broadcast %add3A_1651 : i32 to vector<256x128xi32>
    %add3A_1653 = arith.addi %add3A_1648, %add3A_1652 : vector<256x128xi32>
    %select_n3A_1654 = arith.select %lt3A_1649, %add3A_1653, %add3A_1648 : vector<256x128xi1>, vector<256x128xi32>
    %lt3A_1655 = arith.cmpf olt, %select_n3A_1650, %select_n3A_1629 : vector<256x128xf32>
    %select_n3A_1656 = arith.select %lt3A_1655, %select_n3A_1654, %select_n3A_1628 : vector<256x128xi1>, vector<256x128xi32>
    %select_n3A_1657 = arith.select %lt3A_1655, %select_n3A_1650, %select_n3A_1629 : vector<256x128xi1>, vector<256x128xf32>
    %get3A_1658 = arith.constant 0 : index
    %get3A_1659 = arith.constant 6656 : index
    %get3A_1660 = vector.load %arg4[%get3A_1658, %get3A_1659] : memref<256x8192xbf16, #tpu.memory_space<vmem>>, vector<256x256xbf16>
    %dot_general3A_1661 = arith.constant dense<0.000000e+00> : vector<256x256xf32>
    %dot_general3A_1662 = tpu.matmul %slice3A_923, %get3A_1660, %dot_general3A_1661 {dimension_numbers = #tpu.dot_dimension_numbers<[1], [0], [0], [1], [0, 0, 1, 1], [], []>, transpose_lhs_hint = false} : vector<256x256xbf16>, vector<256x256xbf16>, vector<256x256xf32> -> vector<256x256xf32>
    %get3A_1663 = arith.constant 0 : index
    %get3A_1664 = arith.constant 6656 : index
    %get3A_1665 = vector.load %arg3[%get3A_1663, %get3A_1664] : memref<1x8192xf32, #tpu.memory_space<vmem>>, vector<1x256xf32>
    %get3A_1666 = vector.shape_cast %get3A_1665 : vector<1x256xf32> to vector<256xf32>
    %broadcast_in_dim3A_1667 = vector.shape_cast %get3A_1666 : vector<256xf32> to vector<1x256xf32>
    %add3A_1668 = vector.broadcast %broadcast_in_dim3A_925 : vector<256x1xf32> to vector<256x256xf32>
    %add3A_1669 = vector.broadcast %broadcast_in_dim3A_1667 : vector<1x256xf32> to vector<256x256xf32>
    %add3A_1670 = arith.addf %add3A_1668, %add3A_1669 : vector<256x256xf32>
    %add3A_1671 = arith.addf %add3A_1670, %dot_general3A_1662 : vector<256x256xf32>
    %slice3A_1672 = vector.extract_strided_slice %add3A_1671 {offsets = [0, 0], sizes = [256, 128], strides = [1, 1]} : vector<256x256xf32> to vector<256x128xf32>
    %slice3A_1673 = vector.extract_strided_slice %add3A_1671 {offsets = [0, 128], sizes = [256, 128], strides = [1, 1]} : vector<256x256xf32> to vector<256x128xf32>
    %add3A_1674 = arith.constant 6656 : i32
    %add3A_1675 = vector.broadcast %add3A_1674 : i32 to vector<256x128xi32>
    %add3A_1676 = arith.addi %iota3A, %add3A_1675 : vector<256x128xi32>
    %lt3A_1677 = arith.cmpf olt, %slice3A_1673, %slice3A_1672 : vector<256x128xf32>
    %select_n3A_1678 = arith.select %lt3A_1677, %slice3A_1673, %slice3A_1672 : vector<256x128xi1>, vector<256x128xf32>
    %add3A_1679 = arith.constant 128 : i32
    %add3A_1680 = vector.broadcast %add3A_1679 : i32 to vector<256x128xi32>
    %add3A_1681 = arith.addi %add3A_1676, %add3A_1680 : vector<256x128xi32>
    %select_n3A_1682 = arith.select %lt3A_1677, %add3A_1681, %add3A_1676 : vector<256x128xi1>, vector<256x128xi32>
    %lt3A_1683 = arith.cmpf olt, %select_n3A_1678, %select_n3A_1657 : vector<256x128xf32>
    %select_n3A_1684 = arith.select %lt3A_1683, %select_n3A_1682, %select_n3A_1656 : vector<256x128xi1>, vector<256x128xi32>
    %select_n3A_1685 = arith.select %lt3A_1683, %select_n3A_1678, %select_n3A_1657 : vector<256x128xi1>, vector<256x128xf32>
    %get3A_1686 = arith.constant 0 : index
    %get3A_1687 = arith.constant 6912 : index
    %get3A_1688 = vector.load %arg4[%get3A_1686, %get3A_1687] : memref<256x8192xbf16, #tpu.memory_space<vmem>>, vector<256x256xbf16>
    %dot_general3A_1689 = arith.constant dense<0.000000e+00> : vector<256x256xf32>
    %dot_general3A_1690 = tpu.matmul %slice3A_923, %get3A_1688, %dot_general3A_1689 {dimension_numbers = #tpu.dot_dimension_numbers<[1], [0], [0], [1], [0, 0, 1, 1], [], []>, transpose_lhs_hint = false} : vector<256x256xbf16>, vector<256x256xbf16>, vector<256x256xf32> -> vector<256x256xf32>
    %get3A_1691 = arith.constant 0 : index
    %get3A_1692 = arith.constant 6912 : index
    %get3A_1693 = vector.load %arg3[%get3A_1691, %get3A_1692] : memref<1x8192xf32, #tpu.memory_space<vmem>>, vector<1x256xf32>
    %get3A_1694 = vector.shape_cast %get3A_1693 : vector<1x256xf32> to vector<256xf32>
    %broadcast_in_dim3A_1695 = vector.shape_cast %get3A_1694 : vector<256xf32> to vector<1x256xf32>
    %add3A_1696 = vector.broadcast %broadcast_in_dim3A_925 : vector<256x1xf32> to vector<256x256xf32>
    %add3A_1697 = vector.broadcast %broadcast_in_dim3A_1695 : vector<1x256xf32> to vector<256x256xf32>
    %add3A_1698 = arith.addf %add3A_1696, %add3A_1697 : vector<256x256xf32>
    %add3A_1699 = arith.addf %add3A_1698, %dot_general3A_1690 : vector<256x256xf32>
    %slice3A_1700 = vector.extract_strided_slice %add3A_1699 {offsets = [0, 0], sizes = [256, 128], strides = [1, 1]} : vector<256x256xf32> to vector<256x128xf32>
    %slice3A_1701 = vector.extract_strided_slice %add3A_1699 {offsets = [0, 128], sizes = [256, 128], strides = [1, 1]} : vector<256x256xf32> to vector<256x128xf32>
    %add3A_1702 = arith.constant 6912 : i32
    %add3A_1703 = vector.broadcast %add3A_1702 : i32 to vector<256x128xi32>
    %add3A_1704 = arith.addi %iota3A, %add3A_1703 : vector<256x128xi32>
    %lt3A_1705 = arith.cmpf olt, %slice3A_1701, %slice3A_1700 : vector<256x128xf32>
    %select_n3A_1706 = arith.select %lt3A_1705, %slice3A_1701, %slice3A_1700 : vector<256x128xi1>, vector<256x128xf32>
    %add3A_1707 = arith.constant 128 : i32
    %add3A_1708 = vector.broadcast %add3A_1707 : i32 to vector<256x128xi32>
    %add3A_1709 = arith.addi %add3A_1704, %add3A_1708 : vector<256x128xi32>
    %select_n3A_1710 = arith.select %lt3A_1705, %add3A_1709, %add3A_1704 : vector<256x128xi1>, vector<256x128xi32>
    %lt3A_1711 = arith.cmpf olt, %select_n3A_1706, %select_n3A_1685 : vector<256x128xf32>
    %select_n3A_1712 = arith.select %lt3A_1711, %select_n3A_1710, %select_n3A_1684 : vector<256x128xi1>, vector<256x128xi32>
    %select_n3A_1713 = arith.select %lt3A_1711, %select_n3A_1706, %select_n3A_1685 : vector<256x128xi1>, vector<256x128xf32>
    %get3A_1714 = arith.constant 0 : index
    %get3A_1715 = arith.constant 7168 : index
    %get3A_1716 = vector.load %arg4[%get3A_1714, %get3A_1715] : memref<256x8192xbf16, #tpu.memory_space<vmem>>, vector<256x256xbf16>
    %dot_general3A_1717 = arith.constant dense<0.000000e+00> : vector<256x256xf32>
    %dot_general3A_1718 = tpu.matmul %slice3A_923, %get3A_1716, %dot_general3A_1717 {dimension_numbers = #tpu.dot_dimension_numbers<[1], [0], [0], [1], [0, 0, 1, 1], [], []>, transpose_lhs_hint = false} : vector<256x256xbf16>, vector<256x256xbf16>, vector<256x256xf32> -> vector<256x256xf32>
    %get3A_1719 = arith.constant 0 : index
    %get3A_1720 = arith.constant 7168 : index
    %get3A_1721 = vector.load %arg3[%get3A_1719, %get3A_1720] : memref<1x8192xf32, #tpu.memory_space<vmem>>, vector<1x256xf32>
    %get3A_1722 = vector.shape_cast %get3A_1721 : vector<1x256xf32> to vector<256xf32>
    %broadcast_in_dim3A_1723 = vector.shape_cast %get3A_1722 : vector<256xf32> to vector<1x256xf32>
    %add3A_1724 = vector.broadcast %broadcast_in_dim3A_925 : vector<256x1xf32> to vector<256x256xf32>
    %add3A_1725 = vector.broadcast %broadcast_in_dim3A_1723 : vector<1x256xf32> to vector<256x256xf32>
    %add3A_1726 = arith.addf %add3A_1724, %add3A_1725 : vector<256x256xf32>
    %add3A_1727 = arith.addf %add3A_1726, %dot_general3A_1718 : vector<256x256xf32>
    %slice3A_1728 = vector.extract_strided_slice %add3A_1727 {offsets = [0, 0], sizes = [256, 128], strides = [1, 1]} : vector<256x256xf32> to vector<256x128xf32>
    %slice3A_1729 = vector.extract_strided_slice %add3A_1727 {offsets = [0, 128], sizes = [256, 128], strides = [1, 1]} : vector<256x256xf32> to vector<256x128xf32>
    %add3A_1730 = arith.constant 7168 : i32
    %add3A_1731 = vector.broadcast %add3A_1730 : i32 to vector<256x128xi32>
    %add3A_1732 = arith.addi %iota3A, %add3A_1731 : vector<256x128xi32>
    %lt3A_1733 = arith.cmpf olt, %slice3A_1729, %slice3A_1728 : vector<256x128xf32>
    %select_n3A_1734 = arith.select %lt3A_1733, %slice3A_1729, %slice3A_1728 : vector<256x128xi1>, vector<256x128xf32>
    %add3A_1735 = arith.constant 128 : i32
    %add3A_1736 = vector.broadcast %add3A_1735 : i32 to vector<256x128xi32>
    %add3A_1737 = arith.addi %add3A_1732, %add3A_1736 : vector<256x128xi32>
    %select_n3A_1738 = arith.select %lt3A_1733, %add3A_1737, %add3A_1732 : vector<256x128xi1>, vector<256x128xi32>
    %lt3A_1739 = arith.cmpf olt, %select_n3A_1734, %select_n3A_1713 : vector<256x128xf32>
    %select_n3A_1740 = arith.select %lt3A_1739, %select_n3A_1738, %select_n3A_1712 : vector<256x128xi1>, vector<256x128xi32>
    %select_n3A_1741 = arith.select %lt3A_1739, %select_n3A_1734, %select_n3A_1713 : vector<256x128xi1>, vector<256x128xf32>
    %get3A_1742 = arith.constant 0 : index
    %get3A_1743 = arith.constant 7424 : index
    %get3A_1744 = vector.load %arg4[%get3A_1742, %get3A_1743] : memref<256x8192xbf16, #tpu.memory_space<vmem>>, vector<256x256xbf16>
    %dot_general3A_1745 = arith.constant dense<0.000000e+00> : vector<256x256xf32>
    %dot_general3A_1746 = tpu.matmul %slice3A_923, %get3A_1744, %dot_general3A_1745 {dimension_numbers = #tpu.dot_dimension_numbers<[1], [0], [0], [1], [0, 0, 1, 1], [], []>, transpose_lhs_hint = false} : vector<256x256xbf16>, vector<256x256xbf16>, vector<256x256xf32> -> vector<256x256xf32>
    %get3A_1747 = arith.constant 0 : index
    %get3A_1748 = arith.constant 7424 : index
    %get3A_1749 = vector.load %arg3[%get3A_1747, %get3A_1748] : memref<1x8192xf32, #tpu.memory_space<vmem>>, vector<1x256xf32>
    %get3A_1750 = vector.shape_cast %get3A_1749 : vector<1x256xf32> to vector<256xf32>
    %broadcast_in_dim3A_1751 = vector.shape_cast %get3A_1750 : vector<256xf32> to vector<1x256xf32>
    %add3A_1752 = vector.broadcast %broadcast_in_dim3A_925 : vector<256x1xf32> to vector<256x256xf32>
    %add3A_1753 = vector.broadcast %broadcast_in_dim3A_1751 : vector<1x256xf32> to vector<256x256xf32>
    %add3A_1754 = arith.addf %add3A_1752, %add3A_1753 : vector<256x256xf32>
    %add3A_1755 = arith.addf %add3A_1754, %dot_general3A_1746 : vector<256x256xf32>
    %slice3A_1756 = vector.extract_strided_slice %add3A_1755 {offsets = [0, 0], sizes = [256, 128], strides = [1, 1]} : vector<256x256xf32> to vector<256x128xf32>
    %slice3A_1757 = vector.extract_strided_slice %add3A_1755 {offsets = [0, 128], sizes = [256, 128], strides = [1, 1]} : vector<256x256xf32> to vector<256x128xf32>
    %add3A_1758 = arith.constant 7424 : i32
    %add3A_1759 = vector.broadcast %add3A_1758 : i32 to vector<256x128xi32>
    %add3A_1760 = arith.addi %iota3A, %add3A_1759 : vector<256x128xi32>
    %lt3A_1761 = arith.cmpf olt, %slice3A_1757, %slice3A_1756 : vector<256x128xf32>
    %select_n3A_1762 = arith.select %lt3A_1761, %slice3A_1757, %slice3A_1756 : vector<256x128xi1>, vector<256x128xf32>
    %add3A_1763 = arith.constant 128 : i32
    %add3A_1764 = vector.broadcast %add3A_1763 : i32 to vector<256x128xi32>
    %add3A_1765 = arith.addi %add3A_1760, %add3A_1764 : vector<256x128xi32>
    %select_n3A_1766 = arith.select %lt3A_1761, %add3A_1765, %add3A_1760 : vector<256x128xi1>, vector<256x128xi32>
    %lt3A_1767 = arith.cmpf olt, %select_n3A_1762, %select_n3A_1741 : vector<256x128xf32>
    %select_n3A_1768 = arith.select %lt3A_1767, %select_n3A_1766, %select_n3A_1740 : vector<256x128xi1>, vector<256x128xi32>
    %select_n3A_1769 = arith.select %lt3A_1767, %select_n3A_1762, %select_n3A_1741 : vector<256x128xi1>, vector<256x128xf32>
    %get3A_1770 = arith.constant 0 : index
    %get3A_1771 = arith.constant 7680 : index
    %get3A_1772 = vector.load %arg4[%get3A_1770, %get3A_1771] : memref<256x8192xbf16, #tpu.memory_space<vmem>>, vector<256x256xbf16>
    %dot_general3A_1773 = arith.constant dense<0.000000e+00> : vector<256x256xf32>
    %dot_general3A_1774 = tpu.matmul %slice3A_923, %get3A_1772, %dot_general3A_1773 {dimension_numbers = #tpu.dot_dimension_numbers<[1], [0], [0], [1], [0, 0, 1, 1], [], []>, transpose_lhs_hint = false} : vector<256x256xbf16>, vector<256x256xbf16>, vector<256x256xf32> -> vector<256x256xf32>
    %get3A_1775 = arith.constant 0 : index
    %get3A_1776 = arith.constant 7680 : index
    %get3A_1777 = vector.load %arg3[%get3A_1775, %get3A_1776] : memref<1x8192xf32, #tpu.memory_space<vmem>>, vector<1x256xf32>
    %get3A_1778 = vector.shape_cast %get3A_1777 : vector<1x256xf32> to vector<256xf32>
    %broadcast_in_dim3A_1779 = vector.shape_cast %get3A_1778 : vector<256xf32> to vector<1x256xf32>
    %add3A_1780 = vector.broadcast %broadcast_in_dim3A_925 : vector<256x1xf32> to vector<256x256xf32>
    %add3A_1781 = vector.broadcast %broadcast_in_dim3A_1779 : vector<1x256xf32> to vector<256x256xf32>
    %add3A_1782 = arith.addf %add3A_1780, %add3A_1781 : vector<256x256xf32>
    %add3A_1783 = arith.addf %add3A_1782, %dot_general3A_1774 : vector<256x256xf32>
    %slice3A_1784 = vector.extract_strided_slice %add3A_1783 {offsets = [0, 0], sizes = [256, 128], strides = [1, 1]} : vector<256x256xf32> to vector<256x128xf32>
    %slice3A_1785 = vector.extract_strided_slice %add3A_1783 {offsets = [0, 128], sizes = [256, 128], strides = [1, 1]} : vector<256x256xf32> to vector<256x128xf32>
    %add3A_1786 = arith.constant 7680 : i32
    %add3A_1787 = vector.broadcast %add3A_1786 : i32 to vector<256x128xi32>
    %add3A_1788 = arith.addi %iota3A, %add3A_1787 : vector<256x128xi32>
    %lt3A_1789 = arith.cmpf olt, %slice3A_1785, %slice3A_1784 : vector<256x128xf32>
    %select_n3A_1790 = arith.select %lt3A_1789, %slice3A_1785, %slice3A_1784 : vector<256x128xi1>, vector<256x128xf32>
    %add3A_1791 = arith.constant 128 : i32
    %add3A_1792 = vector.broadcast %add3A_1791 : i32 to vector<256x128xi32>
    %add3A_1793 = arith.addi %add3A_1788, %add3A_1792 : vector<256x128xi32>
    %select_n3A_1794 = arith.select %lt3A_1789, %add3A_1793, %add3A_1788 : vector<256x128xi1>, vector<256x128xi32>
    %lt3A_1795 = arith.cmpf olt, %select_n3A_1790, %select_n3A_1769 : vector<256x128xf32>
    %select_n3A_1796 = arith.select %lt3A_1795, %select_n3A_1794, %select_n3A_1768 : vector<256x128xi1>, vector<256x128xi32>
    %select_n3A_1797 = arith.select %lt3A_1795, %select_n3A_1790, %select_n3A_1769 : vector<256x128xi1>, vector<256x128xf32>
    %get3A_1798 = arith.constant 0 : index
    %get3A_1799 = arith.constant 7936 : index
    %get3A_1800 = vector.load %arg4[%get3A_1798, %get3A_1799] : memref<256x8192xbf16, #tpu.memory_space<vmem>>, vector<256x256xbf16>
    %dot_general3A_1801 = arith.constant dense<0.000000e+00> : vector<256x256xf32>
    %dot_general3A_1802 = tpu.matmul %slice3A_923, %get3A_1800, %dot_general3A_1801 {dimension_numbers = #tpu.dot_dimension_numbers<[1], [0], [0], [1], [0, 0, 1, 1], [], []>, transpose_lhs_hint = false} : vector<256x256xbf16>, vector<256x256xbf16>, vector<256x256xf32> -> vector<256x256xf32>
    %get3A_1803 = arith.constant 0 : index
    %get3A_1804 = arith.constant 7936 : index
    %get3A_1805 = vector.load %arg3[%get3A_1803, %get3A_1804] : memref<1x8192xf32, #tpu.memory_space<vmem>>, vector<1x256xf32>
    %get3A_1806 = vector.shape_cast %get3A_1805 : vector<1x256xf32> to vector<256xf32>
    %broadcast_in_dim3A_1807 = vector.shape_cast %get3A_1806 : vector<256xf32> to vector<1x256xf32>
    %add3A_1808 = vector.broadcast %broadcast_in_dim3A_925 : vector<256x1xf32> to vector<256x256xf32>
    %add3A_1809 = vector.broadcast %broadcast_in_dim3A_1807 : vector<1x256xf32> to vector<256x256xf32>
    %add3A_1810 = arith.addf %add3A_1808, %add3A_1809 : vector<256x256xf32>
    %add3A_1811 = arith.addf %add3A_1810, %dot_general3A_1802 : vector<256x256xf32>
    %slice3A_1812 = vector.extract_strided_slice %add3A_1811 {offsets = [0, 0], sizes = [256, 128], strides = [1, 1]} : vector<256x256xf32> to vector<256x128xf32>
    %slice3A_1813 = vector.extract_strided_slice %add3A_1811 {offsets = [0, 128], sizes = [256, 128], strides = [1, 1]} : vector<256x256xf32> to vector<256x128xf32>
    %add3A_1814 = arith.constant 7936 : i32
    %add3A_1815 = vector.broadcast %add3A_1814 : i32 to vector<256x128xi32>
    %add3A_1816 = arith.addi %iota3A, %add3A_1815 : vector<256x128xi32>
    %lt3A_1817 = arith.cmpf olt, %slice3A_1813, %slice3A_1812 : vector<256x128xf32>
    %select_n3A_1818 = arith.select %lt3A_1817, %slice3A_1813, %slice3A_1812 : vector<256x128xi1>, vector<256x128xf32>
    %add3A_1819 = arith.constant 128 : i32
    %add3A_1820 = vector.broadcast %add3A_1819 : i32 to vector<256x128xi32>
    %add3A_1821 = arith.addi %add3A_1816, %add3A_1820 : vector<256x128xi32>
    %select_n3A_1822 = arith.select %lt3A_1817, %add3A_1821, %add3A_1816 : vector<256x128xi1>, vector<256x128xi32>
    %lt3A_1823 = arith.cmpf olt, %select_n3A_1818, %select_n3A_1797 : vector<256x128xf32>
    %select_n3A_1824 = arith.select %lt3A_1823, %select_n3A_1822, %select_n3A_1796 : vector<256x128xi1>, vector<256x128xi32>
    %select_n3A_1825 = arith.select %lt3A_1823, %select_n3A_1818, %select_n3A_1797 : vector<256x128xi1>, vector<256x128xf32>
    %reduce_min3A_1826 = arith.constant dense<0x7F800000> : vector<256xf32>
    %reduce_min3A_1827 = vector.multi_reduction <minimumf>, %select_n3A_1825, %reduce_min3A_1826 [1] : vector<256x128xf32> to vector<256xf32>
    %broadcast_in_dim3A_1828 = vector.shape_cast %reduce_min3A_1827 : vector<256xf32> to vector<256x1xf32>
    %eq3A_1829 = vector.broadcast %broadcast_in_dim3A_1828 : vector<256x1xf32> to vector<256x128xf32>
    %eq3A_1830 = arith.cmpf oeq, %select_n3A_1825, %eq3A_1829 : vector<256x128xf32>
    %jit3A_1831 = arith.constant 8192 : i32
    %broadcast_in_dim3A_1832 = vector.broadcast %jit3A_1831 : i32 to vector<256x128xi32>
    %select_n3A_1833 = arith.select %eq3A_1830, %select_n3A_1824, %broadcast_in_dim3A_1832 : vector<256x128xi1>, vector<256x128xi32>
    %reduce_min3A_1834 = arith.constant dense<2147483647> : vector<256xi32>
    %reduce_min3A_1835 = vector.multi_reduction <minsi>, %select_n3A_1833, %reduce_min3A_1834 [1] : vector<256x128xi32> to vector<256xi32>
    %broadcast_in_dim3A_1836 = vector.shape_cast %reduce_min3A_1835 : vector<256xi32> to vector<256x1xi32>
    %swap3A_1837 = arith.constant 256 : index
    %swap3A_1838 = arith.constant 0 : index
    %swap3A_1839 = vector.load %arg5[%swap3A_1837, %swap3A_1838] : memref<1024x1xi32, #tpu.memory_space<vmem>>, vector<256x1xi32>
    tpu.vector_store %arg5[%swap3A_1837, %swap3A_1838], %broadcast_in_dim3A_1836 {strides = array<i32>} : memref<1024x1xi32, #tpu.memory_space<vmem>>, vector<256x1xi32>,
    %reduce_sum3A_1840 = vector.shape_cast %reduce_min3A_1827 : vector<256xf32> to vector<1x256xf32>
    %reduce_sum3A_1841 = arith.constant dense<0.000000e+00> : vector<1xf32>
    %reduce_sum3A_1842 = vector.multi_reduction <add>, %reduce_sum3A_1840, %reduce_sum3A_1841 [1] : vector<1x256xf32> to vector<1xf32>
    %reduce_sum3A_1843 = vector.shape_cast %reduce_sum3A_1842 : vector<1xf32> to vector<1x1xf32>
    %reduce_sum3A_1844 = vector.extract %reduce_sum3A_1843[0, 0] : f32 from vector<1x1xf32>
    %add3A_1845 = arith.addf %add3A_922, %reduce_sum3A_1844 : f32
    %slice3A_1846 = vector.extract_strided_slice %convert_element_type3A_8 {offsets = [512, 0], sizes = [256, 256], strides = [1, 1]} : vector<1024x256xbf16> to vector<256x256xbf16>
    %slice3A_1847 = vector.extract_strided_slice %get3A_5 {offsets = [512], sizes = [256], strides = [1]} : vector<1024xf32> to vector<256xf32>
    %broadcast_in_dim3A_1848 = vector.shape_cast %slice3A_1847 : vector<256xf32> to vector<256x1xf32>
    %broadcast_in_dim3A_1849 = arith.constant 0x7F800000 : f32
    %broadcast_in_dim3A_1850 = vector.broadcast %broadcast_in_dim3A_1849 : f32 to vector<256x128xf32>
    %broadcast_in_dim3A_1851 = arith.constant 0 : i32
    %broadcast_in_dim3A_1852 = vector.broadcast %broadcast_in_dim3A_1851 : i32 to vector<256x128xi32>
    %get3A_1853 = arith.constant 0 : index
    %get3A_1854 = arith.constant 0 : index
    %get3A_1855 = vector.load %arg4[%get3A_1853, %get3A_1854] : memref<256x8192xbf16, #tpu.memory_space<vmem>>, vector<256x256xbf16>
    %dot_general3A_1856 = arith.constant dense<0.000000e+00> : vector<256x256xf32>
    %dot_general3A_1857 = tpu.matmul %slice3A_1846, %get3A_1855, %dot_general3A_1856 {dimension_numbers = #tpu.dot_dimension_numbers<[1], [0], [0], [1], [0, 0, 1, 1], [], []>, transpose_lhs_hint = false} : vector<256x256xbf16>, vector<256x256xbf16>, vector<256x256xf32> -> vector<256x256xf32>
    %get3A_1858 = arith.constant 0 : index
    %get3A_1859 = arith.constant 0 : index
    %get3A_1860 = vector.load %arg3[%get3A_1858, %get3A_1859] : memref<1x8192xf32, #tpu.memory_space<vmem>>, vector<1x256xf32>
    %get3A_1861 = vector.shape_cast %get3A_1860 : vector<1x256xf32> to vector<256xf32>
    %broadcast_in_dim3A_1862 = vector.shape_cast %get3A_1861 : vector<256xf32> to vector<1x256xf32>
    %add3A_1863 = vector.broadcast %broadcast_in_dim3A_1848 : vector<256x1xf32> to vector<256x256xf32>
    %add3A_1864 = vector.broadcast %broadcast_in_dim3A_1862 : vector<1x256xf32> to vector<256x256xf32>
    %add3A_1865 = arith.addf %add3A_1863, %add3A_1864 : vector<256x256xf32>
    %add3A_1866 = arith.addf %add3A_1865, %dot_general3A_1857 : vector<256x256xf32>
    %slice3A_1867 = vector.extract_strided_slice %add3A_1866 {offsets = [0, 0], sizes = [256, 128], strides = [1, 1]} : vector<256x256xf32> to vector<256x128xf32>
    %slice3A_1868 = vector.extract_strided_slice %add3A_1866 {offsets = [0, 128], sizes = [256, 128], strides = [1, 1]} : vector<256x256xf32> to vector<256x128xf32>
    %add3A_1869 = arith.constant 0 : i32
    %add3A_1870 = vector.broadcast %add3A_1869 : i32 to vector<256x128xi32>
    %add3A_1871 = arith.addi %iota3A, %add3A_1870 : vector<256x128xi32>
    %lt3A_1872 = arith.cmpf olt, %slice3A_1868, %slice3A_1867 : vector<256x128xf32>
    %select_n3A_1873 = arith.select %lt3A_1872, %slice3A_1868, %slice3A_1867 : vector<256x128xi1>, vector<256x128xf32>
    %add3A_1874 = arith.constant 128 : i32
    %add3A_1875 = vector.broadcast %add3A_1874 : i32 to vector<256x128xi32>
    %add3A_1876 = arith.addi %add3A_1871, %add3A_1875 : vector<256x128xi32>
    %select_n3A_1877 = arith.select %lt3A_1872, %add3A_1876, %add3A_1871 : vector<256x128xi1>, vector<256x128xi32>
    %lt3A_1878 = arith.cmpf olt, %select_n3A_1873, %broadcast_in_dim3A_1850 : vector<256x128xf32>
    %select_n3A_1879 = arith.select %lt3A_1878, %select_n3A_1877, %broadcast_in_dim3A_1852 : vector<256x128xi1>, vector<256x128xi32>
    %select_n3A_1880 = arith.select %lt3A_1878, %select_n3A_1873, %broadcast_in_dim3A_1850 : vector<256x128xi1>, vector<256x128xf32>
    %get3A_1881 = arith.constant 0 : index
    %get3A_1882 = arith.constant 256 : index
    %get3A_1883 = vector.load %arg4[%get3A_1881, %get3A_1882] : memref<256x8192xbf16, #tpu.memory_space<vmem>>, vector<256x256xbf16>
    %dot_general3A_1884 = arith.constant dense<0.000000e+00> : vector<256x256xf32>
    %dot_general3A_1885 = tpu.matmul %slice3A_1846, %get3A_1883, %dot_general3A_1884 {dimension_numbers = #tpu.dot_dimension_numbers<[1], [0], [0], [1], [0, 0, 1, 1], [], []>, transpose_lhs_hint = false} : vector<256x256xbf16>, vector<256x256xbf16>, vector<256x256xf32> -> vector<256x256xf32>
    %get3A_1886 = arith.constant 0 : index
    %get3A_1887 = arith.constant 256 : index
    %get3A_1888 = vector.load %arg3[%get3A_1886, %get3A_1887] : memref<1x8192xf32, #tpu.memory_space<vmem>>, vector<1x256xf32>
    %get3A_1889 = vector.shape_cast %get3A_1888 : vector<1x256xf32> to vector<256xf32>
    %broadcast_in_dim3A_1890 = vector.shape_cast %get3A_1889 : vector<256xf32> to vector<1x256xf32>
    %add3A_1891 = vector.broadcast %broadcast_in_dim3A_1848 : vector<256x1xf32> to vector<256x256xf32>
    %add3A_1892 = vector.broadcast %broadcast_in_dim3A_1890 : vector<1x256xf32> to vector<256x256xf32>
    %add3A_1893 = arith.addf %add3A_1891, %add3A_1892 : vector<256x256xf32>
    %add3A_1894 = arith.addf %add3A_1893, %dot_general3A_1885 : vector<256x256xf32>
    %slice3A_1895 = vector.extract_strided_slice %add3A_1894 {offsets = [0, 0], sizes = [256, 128], strides = [1, 1]} : vector<256x256xf32> to vector<256x128xf32>
    %slice3A_1896 = vector.extract_strided_slice %add3A_1894 {offsets = [0, 128], sizes = [256, 128], strides = [1, 1]} : vector<256x256xf32> to vector<256x128xf32>
    %add3A_1897 = arith.constant 256 : i32
    %add3A_1898 = vector.broadcast %add3A_1897 : i32 to vector<256x128xi32>
    %add3A_1899 = arith.addi %iota3A, %add3A_1898 : vector<256x128xi32>
    %lt3A_1900 = arith.cmpf olt, %slice3A_1896, %slice3A_1895 : vector<256x128xf32>
    %select_n3A_1901 = arith.select %lt3A_1900, %slice3A_1896, %slice3A_1895 : vector<256x128xi1>, vector<256x128xf32>
    %add3A_1902 = arith.constant 128 : i32
    %add3A_1903 = vector.broadcast %add3A_1902 : i32 to vector<256x128xi32>
    %add3A_1904 = arith.addi %add3A_1899, %add3A_1903 : vector<256x128xi32>
    %select_n3A_1905 = arith.select %lt3A_1900, %add3A_1904, %add3A_1899 : vector<256x128xi1>, vector<256x128xi32>
    %lt3A_1906 = arith.cmpf olt, %select_n3A_1901, %select_n3A_1880 : vector<256x128xf32>
    %select_n3A_1907 = arith.select %lt3A_1906, %select_n3A_1905, %select_n3A_1879 : vector<256x128xi1>, vector<256x128xi32>
    %select_n3A_1908 = arith.select %lt3A_1906, %select_n3A_1901, %select_n3A_1880 : vector<256x128xi1>, vector<256x128xf32>
    %get3A_1909 = arith.constant 0 : index
    %get3A_1910 = arith.constant 512 : index
    %get3A_1911 = vector.load %arg4[%get3A_1909, %get3A_1910] : memref<256x8192xbf16, #tpu.memory_space<vmem>>, vector<256x256xbf16>
    %dot_general3A_1912 = arith.constant dense<0.000000e+00> : vector<256x256xf32>
    %dot_general3A_1913 = tpu.matmul %slice3A_1846, %get3A_1911, %dot_general3A_1912 {dimension_numbers = #tpu.dot_dimension_numbers<[1], [0], [0], [1], [0, 0, 1, 1], [], []>, transpose_lhs_hint = false} : vector<256x256xbf16>, vector<256x256xbf16>, vector<256x256xf32> -> vector<256x256xf32>
    %get3A_1914 = arith.constant 0 : index
    %get3A_1915 = arith.constant 512 : index
    %get3A_1916 = vector.load %arg3[%get3A_1914, %get3A_1915] : memref<1x8192xf32, #tpu.memory_space<vmem>>, vector<1x256xf32>
    %get3A_1917 = vector.shape_cast %get3A_1916 : vector<1x256xf32> to vector<256xf32>
    %broadcast_in_dim3A_1918 = vector.shape_cast %get3A_1917 : vector<256xf32> to vector<1x256xf32>
    %add3A_1919 = vector.broadcast %broadcast_in_dim3A_1848 : vector<256x1xf32> to vector<256x256xf32>
    %add3A_1920 = vector.broadcast %broadcast_in_dim3A_1918 : vector<1x256xf32> to vector<256x256xf32>
    %add3A_1921 = arith.addf %add3A_1919, %add3A_1920 : vector<256x256xf32>
    %add3A_1922 = arith.addf %add3A_1921, %dot_general3A_1913 : vector<256x256xf32>
    %slice3A_1923 = vector.extract_strided_slice %add3A_1922 {offsets = [0, 0], sizes = [256, 128], strides = [1, 1]} : vector<256x256xf32> to vector<256x128xf32>
    %slice3A_1924 = vector.extract_strided_slice %add3A_1922 {offsets = [0, 128], sizes = [256, 128], strides = [1, 1]} : vector<256x256xf32> to vector<256x128xf32>
    %add3A_1925 = arith.constant 512 : i32
    %add3A_1926 = vector.broadcast %add3A_1925 : i32 to vector<256x128xi32>
    %add3A_1927 = arith.addi %iota3A, %add3A_1926 : vector<256x128xi32>
    %lt3A_1928 = arith.cmpf olt, %slice3A_1924, %slice3A_1923 : vector<256x128xf32>
    %select_n3A_1929 = arith.select %lt3A_1928, %slice3A_1924, %slice3A_1923 : vector<256x128xi1>, vector<256x128xf32>
    %add3A_1930 = arith.constant 128 : i32
    %add3A_1931 = vector.broadcast %add3A_1930 : i32 to vector<256x128xi32>
    %add3A_1932 = arith.addi %add3A_1927, %add3A_1931 : vector<256x128xi32>
    %select_n3A_1933 = arith.select %lt3A_1928, %add3A_1932, %add3A_1927 : vector<256x128xi1>, vector<256x128xi32>
    %lt3A_1934 = arith.cmpf olt, %select_n3A_1929, %select_n3A_1908 : vector<256x128xf32>
    %select_n3A_1935 = arith.select %lt3A_1934, %select_n3A_1933, %select_n3A_1907 : vector<256x128xi1>, vector<256x128xi32>
    %select_n3A_1936 = arith.select %lt3A_1934, %select_n3A_1929, %select_n3A_1908 : vector<256x128xi1>, vector<256x128xf32>
    %get3A_1937 = arith.constant 0 : index
    %get3A_1938 = arith.constant 768 : index
    %get3A_1939 = vector.load %arg4[%get3A_1937, %get3A_1938] : memref<256x8192xbf16, #tpu.memory_space<vmem>>, vector<256x256xbf16>
    %dot_general3A_1940 = arith.constant dense<0.000000e+00> : vector<256x256xf32>
    %dot_general3A_1941 = tpu.matmul %slice3A_1846, %get3A_1939, %dot_general3A_1940 {dimension_numbers = #tpu.dot_dimension_numbers<[1], [0], [0], [1], [0, 0, 1, 1], [], []>, transpose_lhs_hint = false} : vector<256x256xbf16>, vector<256x256xbf16>, vector<256x256xf32> -> vector<256x256xf32>
    %get3A_1942 = arith.constant 0 : index
    %get3A_1943 = arith.constant 768 : index
    %get3A_1944 = vector.load %arg3[%get3A_1942, %get3A_1943] : memref<1x8192xf32, #tpu.memory_space<vmem>>, vector<1x256xf32>
    %get3A_1945 = vector.shape_cast %get3A_1944 : vector<1x256xf32> to vector<256xf32>
    %broadcast_in_dim3A_1946 = vector.shape_cast %get3A_1945 : vector<256xf32> to vector<1x256xf32>
    %add3A_1947 = vector.broadcast %broadcast_in_dim3A_1848 : vector<256x1xf32> to vector<256x256xf32>
    %add3A_1948 = vector.broadcast %broadcast_in_dim3A_1946 : vector<1x256xf32> to vector<256x256xf32>
    %add3A_1949 = arith.addf %add3A_1947, %add3A_1948 : vector<256x256xf32>
    %add3A_1950 = arith.addf %add3A_1949, %dot_general3A_1941 : vector<256x256xf32>
    %slice3A_1951 = vector.extract_strided_slice %add3A_1950 {offsets = [0, 0], sizes = [256, 128], strides = [1, 1]} : vector<256x256xf32> to vector<256x128xf32>
    %slice3A_1952 = vector.extract_strided_slice %add3A_1950 {offsets = [0, 128], sizes = [256, 128], strides = [1, 1]} : vector<256x256xf32> to vector<256x128xf32>
    %add3A_1953 = arith.constant 768 : i32
    %add3A_1954 = vector.broadcast %add3A_1953 : i32 to vector<256x128xi32>
    %add3A_1955 = arith.addi %iota3A, %add3A_1954 : vector<256x128xi32>
    %lt3A_1956 = arith.cmpf olt, %slice3A_1952, %slice3A_1951 : vector<256x128xf32>
    %select_n3A_1957 = arith.select %lt3A_1956, %slice3A_1952, %slice3A_1951 : vector<256x128xi1>, vector<256x128xf32>
    %add3A_1958 = arith.constant 128 : i32
    %add3A_1959 = vector.broadcast %add3A_1958 : i32 to vector<256x128xi32>
    %add3A_1960 = arith.addi %add3A_1955, %add3A_1959 : vector<256x128xi32>
    %select_n3A_1961 = arith.select %lt3A_1956, %add3A_1960, %add3A_1955 : vector<256x128xi1>, vector<256x128xi32>
    %lt3A_1962 = arith.cmpf olt, %select_n3A_1957, %select_n3A_1936 : vector<256x128xf32>
    %select_n3A_1963 = arith.select %lt3A_1962, %select_n3A_1961, %select_n3A_1935 : vector<256x128xi1>, vector<256x128xi32>
    %select_n3A_1964 = arith.select %lt3A_1962, %select_n3A_1957, %select_n3A_1936 : vector<256x128xi1>, vector<256x128xf32>
    %get3A_1965 = arith.constant 0 : index
    %get3A_1966 = arith.constant 1024 : index
    %get3A_1967 = vector.load %arg4[%get3A_1965, %get3A_1966] : memref<256x8192xbf16, #tpu.memory_space<vmem>>, vector<256x256xbf16>
    %dot_general3A_1968 = arith.constant dense<0.000000e+00> : vector<256x256xf32>
    %dot_general3A_1969 = tpu.matmul %slice3A_1846, %get3A_1967, %dot_general3A_1968 {dimension_numbers = #tpu.dot_dimension_numbers<[1], [0], [0], [1], [0, 0, 1, 1], [], []>, transpose_lhs_hint = false} : vector<256x256xbf16>, vector<256x256xbf16>, vector<256x256xf32> -> vector<256x256xf32>
    %get3A_1970 = arith.constant 0 : index
    %get3A_1971 = arith.constant 1024 : index
    %get3A_1972 = vector.load %arg3[%get3A_1970, %get3A_1971] : memref<1x8192xf32, #tpu.memory_space<vmem>>, vector<1x256xf32>
    %get3A_1973 = vector.shape_cast %get3A_1972 : vector<1x256xf32> to vector<256xf32>
    %broadcast_in_dim3A_1974 = vector.shape_cast %get3A_1973 : vector<256xf32> to vector<1x256xf32>
    %add3A_1975 = vector.broadcast %broadcast_in_dim3A_1848 : vector<256x1xf32> to vector<256x256xf32>
    %add3A_1976 = vector.broadcast %broadcast_in_dim3A_1974 : vector<1x256xf32> to vector<256x256xf32>
    %add3A_1977 = arith.addf %add3A_1975, %add3A_1976 : vector<256x256xf32>
    %add3A_1978 = arith.addf %add3A_1977, %dot_general3A_1969 : vector<256x256xf32>
    %slice3A_1979 = vector.extract_strided_slice %add3A_1978 {offsets = [0, 0], sizes = [256, 128], strides = [1, 1]} : vector<256x256xf32> to vector<256x128xf32>
    %slice3A_1980 = vector.extract_strided_slice %add3A_1978 {offsets = [0, 128], sizes = [256, 128], strides = [1, 1]} : vector<256x256xf32> to vector<256x128xf32>
    %add3A_1981 = arith.constant 1024 : i32
    %add3A_1982 = vector.broadcast %add3A_1981 : i32 to vector<256x128xi32>
    %add3A_1983 = arith.addi %iota3A, %add3A_1982 : vector<256x128xi32>
    %lt3A_1984 = arith.cmpf olt, %slice3A_1980, %slice3A_1979 : vector<256x128xf32>
    %select_n3A_1985 = arith.select %lt3A_1984, %slice3A_1980, %slice3A_1979 : vector<256x128xi1>, vector<256x128xf32>
    %add3A_1986 = arith.constant 128 : i32
    %add3A_1987 = vector.broadcast %add3A_1986 : i32 to vector<256x128xi32>
    %add3A_1988 = arith.addi %add3A_1983, %add3A_1987 : vector<256x128xi32>
    %select_n3A_1989 = arith.select %lt3A_1984, %add3A_1988, %add3A_1983 : vector<256x128xi1>, vector<256x128xi32>
    %lt3A_1990 = arith.cmpf olt, %select_n3A_1985, %select_n3A_1964 : vector<256x128xf32>
    %select_n3A_1991 = arith.select %lt3A_1990, %select_n3A_1989, %select_n3A_1963 : vector<256x128xi1>, vector<256x128xi32>
    %select_n3A_1992 = arith.select %lt3A_1990, %select_n3A_1985, %select_n3A_1964 : vector<256x128xi1>, vector<256x128xf32>
    %get3A_1993 = arith.constant 0 : index
    %get3A_1994 = arith.constant 1280 : index
    %get3A_1995 = vector.load %arg4[%get3A_1993, %get3A_1994] : memref<256x8192xbf16, #tpu.memory_space<vmem>>, vector<256x256xbf16>
    %dot_general3A_1996 = arith.constant dense<0.000000e+00> : vector<256x256xf32>
    %dot_general3A_1997 = tpu.matmul %slice3A_1846, %get3A_1995, %dot_general3A_1996 {dimension_numbers = #tpu.dot_dimension_numbers<[1], [0], [0], [1], [0, 0, 1, 1], [], []>, transpose_lhs_hint = false} : vector<256x256xbf16>, vector<256x256xbf16>, vector<256x256xf32> -> vector<256x256xf32>
    %get3A_1998 = arith.constant 0 : index
    %get3A_1999 = arith.constant 1280 : index
    %get3A_2000 = vector.load %arg3[%get3A_1998, %get3A_1999] : memref<1x8192xf32, #tpu.memory_space<vmem>>, vector<1x256xf32>
    %get3A_2001 = vector.shape_cast %get3A_2000 : vector<1x256xf32> to vector<256xf32>
    %broadcast_in_dim3A_2002 = vector.shape_cast %get3A_2001 : vector<256xf32> to vector<1x256xf32>
    %add3A_2003 = vector.broadcast %broadcast_in_dim3A_1848 : vector<256x1xf32> to vector<256x256xf32>
    %add3A_2004 = vector.broadcast %broadcast_in_dim3A_2002 : vector<1x256xf32> to vector<256x256xf32>
    %add3A_2005 = arith.addf %add3A_2003, %add3A_2004 : vector<256x256xf32>
    %add3A_2006 = arith.addf %add3A_2005, %dot_general3A_1997 : vector<256x256xf32>
    %slice3A_2007 = vector.extract_strided_slice %add3A_2006 {offsets = [0, 0], sizes = [256, 128], strides = [1, 1]} : vector<256x256xf32> to vector<256x128xf32>
    %slice3A_2008 = vector.extract_strided_slice %add3A_2006 {offsets = [0, 128], sizes = [256, 128], strides = [1, 1]} : vector<256x256xf32> to vector<256x128xf32>
    %add3A_2009 = arith.constant 1280 : i32
    %add3A_2010 = vector.broadcast %add3A_2009 : i32 to vector<256x128xi32>
    %add3A_2011 = arith.addi %iota3A, %add3A_2010 : vector<256x128xi32>
    %lt3A_2012 = arith.cmpf olt, %slice3A_2008, %slice3A_2007 : vector<256x128xf32>
    %select_n3A_2013 = arith.select %lt3A_2012, %slice3A_2008, %slice3A_2007 : vector<256x128xi1>, vector<256x128xf32>
    %add3A_2014 = arith.constant 128 : i32
    %add3A_2015 = vector.broadcast %add3A_2014 : i32 to vector<256x128xi32>
    %add3A_2016 = arith.addi %add3A_2011, %add3A_2015 : vector<256x128xi32>
    %select_n3A_2017 = arith.select %lt3A_2012, %add3A_2016, %add3A_2011 : vector<256x128xi1>, vector<256x128xi32>
    %lt3A_2018 = arith.cmpf olt, %select_n3A_2013, %select_n3A_1992 : vector<256x128xf32>
    %select_n3A_2019 = arith.select %lt3A_2018, %select_n3A_2017, %select_n3A_1991 : vector<256x128xi1>, vector<256x128xi32>
    %select_n3A_2020 = arith.select %lt3A_2018, %select_n3A_2013, %select_n3A_1992 : vector<256x128xi1>, vector<256x128xf32>
    %get3A_2021 = arith.constant 0 : index
    %get3A_2022 = arith.constant 1536 : index
    %get3A_2023 = vector.load %arg4[%get3A_2021, %get3A_2022] : memref<256x8192xbf16, #tpu.memory_space<vmem>>, vector<256x256xbf16>
    %dot_general3A_2024 = arith.constant dense<0.000000e+00> : vector<256x256xf32>
    %dot_general3A_2025 = tpu.matmul %slice3A_1846, %get3A_2023, %dot_general3A_2024 {dimension_numbers = #tpu.dot_dimension_numbers<[1], [0], [0], [1], [0, 0, 1, 1], [], []>, transpose_lhs_hint = false} : vector<256x256xbf16>, vector<256x256xbf16>, vector<256x256xf32> -> vector<256x256xf32>
    %get3A_2026 = arith.constant 0 : index
    %get3A_2027 = arith.constant 1536 : index
    %get3A_2028 = vector.load %arg3[%get3A_2026, %get3A_2027] : memref<1x8192xf32, #tpu.memory_space<vmem>>, vector<1x256xf32>
    %get3A_2029 = vector.shape_cast %get3A_2028 : vector<1x256xf32> to vector<256xf32>
    %broadcast_in_dim3A_2030 = vector.shape_cast %get3A_2029 : vector<256xf32> to vector<1x256xf32>
    %add3A_2031 = vector.broadcast %broadcast_in_dim3A_1848 : vector<256x1xf32> to vector<256x256xf32>
    %add3A_2032 = vector.broadcast %broadcast_in_dim3A_2030 : vector<1x256xf32> to vector<256x256xf32>
    %add3A_2033 = arith.addf %add3A_2031, %add3A_2032 : vector<256x256xf32>
    %add3A_2034 = arith.addf %add3A_2033, %dot_general3A_2025 : vector<256x256xf32>
    %slice3A_2035 = vector.extract_strided_slice %add3A_2034 {offsets = [0, 0], sizes = [256, 128], strides = [1, 1]} : vector<256x256xf32> to vector<256x128xf32>
    %slice3A_2036 = vector.extract_strided_slice %add3A_2034 {offsets = [0, 128], sizes = [256, 128], strides = [1, 1]} : vector<256x256xf32> to vector<256x128xf32>
    %add3A_2037 = arith.constant 1536 : i32
    %add3A_2038 = vector.broadcast %add3A_2037 : i32 to vector<256x128xi32>
    %add3A_2039 = arith.addi %iota3A, %add3A_2038 : vector<256x128xi32>
    %lt3A_2040 = arith.cmpf olt, %slice3A_2036, %slice3A_2035 : vector<256x128xf32>
    %select_n3A_2041 = arith.select %lt3A_2040, %slice3A_2036, %slice3A_2035 : vector<256x128xi1>, vector<256x128xf32>
    %add3A_2042 = arith.constant 128 : i32
    %add3A_2043 = vector.broadcast %add3A_2042 : i32 to vector<256x128xi32>
    %add3A_2044 = arith.addi %add3A_2039, %add3A_2043 : vector<256x128xi32>
    %select_n3A_2045 = arith.select %lt3A_2040, %add3A_2044, %add3A_2039 : vector<256x128xi1>, vector<256x128xi32>
    %lt3A_2046 = arith.cmpf olt, %select_n3A_2041, %select_n3A_2020 : vector<256x128xf32>
    %select_n3A_2047 = arith.select %lt3A_2046, %select_n3A_2045, %select_n3A_2019 : vector<256x128xi1>, vector<256x128xi32>
    %select_n3A_2048 = arith.select %lt3A_2046, %select_n3A_2041, %select_n3A_2020 : vector<256x128xi1>, vector<256x128xf32>
    %get3A_2049 = arith.constant 0 : index
    %get3A_2050 = arith.constant 1792 : index
    %get3A_2051 = vector.load %arg4[%get3A_2049, %get3A_2050] : memref<256x8192xbf16, #tpu.memory_space<vmem>>, vector<256x256xbf16>
    %dot_general3A_2052 = arith.constant dense<0.000000e+00> : vector<256x256xf32>
    %dot_general3A_2053 = tpu.matmul %slice3A_1846, %get3A_2051, %dot_general3A_2052 {dimension_numbers = #tpu.dot_dimension_numbers<[1], [0], [0], [1], [0, 0, 1, 1], [], []>, transpose_lhs_hint = false} : vector<256x256xbf16>, vector<256x256xbf16>, vector<256x256xf32> -> vector<256x256xf32>
    %get3A_2054 = arith.constant 0 : index
    %get3A_2055 = arith.constant 1792 : index
    %get3A_2056 = vector.load %arg3[%get3A_2054, %get3A_2055] : memref<1x8192xf32, #tpu.memory_space<vmem>>, vector<1x256xf32>
    %get3A_2057 = vector.shape_cast %get3A_2056 : vector<1x256xf32> to vector<256xf32>
    %broadcast_in_dim3A_2058 = vector.shape_cast %get3A_2057 : vector<256xf32> to vector<1x256xf32>
    %add3A_2059 = vector.broadcast %broadcast_in_dim3A_1848 : vector<256x1xf32> to vector<256x256xf32>
    %add3A_2060 = vector.broadcast %broadcast_in_dim3A_2058 : vector<1x256xf32> to vector<256x256xf32>
    %add3A_2061 = arith.addf %add3A_2059, %add3A_2060 : vector<256x256xf32>
    %add3A_2062 = arith.addf %add3A_2061, %dot_general3A_2053 : vector<256x256xf32>
    %slice3A_2063 = vector.extract_strided_slice %add3A_2062 {offsets = [0, 0], sizes = [256, 128], strides = [1, 1]} : vector<256x256xf32> to vector<256x128xf32>
    %slice3A_2064 = vector.extract_strided_slice %add3A_2062 {offsets = [0, 128], sizes = [256, 128], strides = [1, 1]} : vector<256x256xf32> to vector<256x128xf32>
    %add3A_2065 = arith.constant 1792 : i32
    %add3A_2066 = vector.broadcast %add3A_2065 : i32 to vector<256x128xi32>
    %add3A_2067 = arith.addi %iota3A, %add3A_2066 : vector<256x128xi32>
    %lt3A_2068 = arith.cmpf olt, %slice3A_2064, %slice3A_2063 : vector<256x128xf32>
    %select_n3A_2069 = arith.select %lt3A_2068, %slice3A_2064, %slice3A_2063 : vector<256x128xi1>, vector<256x128xf32>
    %add3A_2070 = arith.constant 128 : i32
    %add3A_2071 = vector.broadcast %add3A_2070 : i32 to vector<256x128xi32>
    %add3A_2072 = arith.addi %add3A_2067, %add3A_2071 : vector<256x128xi32>
    %select_n3A_2073 = arith.select %lt3A_2068, %add3A_2072, %add3A_2067 : vector<256x128xi1>, vector<256x128xi32>
    %lt3A_2074 = arith.cmpf olt, %select_n3A_2069, %select_n3A_2048 : vector<256x128xf32>
    %select_n3A_2075 = arith.select %lt3A_2074, %select_n3A_2073, %select_n3A_2047 : vector<256x128xi1>, vector<256x128xi32>
    %select_n3A_2076 = arith.select %lt3A_2074, %select_n3A_2069, %select_n3A_2048 : vector<256x128xi1>, vector<256x128xf32>
    %get3A_2077 = arith.constant 0 : index
    %get3A_2078 = arith.constant 2048 : index
    %get3A_2079 = vector.load %arg4[%get3A_2077, %get3A_2078] : memref<256x8192xbf16, #tpu.memory_space<vmem>>, vector<256x256xbf16>
    %dot_general3A_2080 = arith.constant dense<0.000000e+00> : vector<256x256xf32>
    %dot_general3A_2081 = tpu.matmul %slice3A_1846, %get3A_2079, %dot_general3A_2080 {dimension_numbers = #tpu.dot_dimension_numbers<[1], [0], [0], [1], [0, 0, 1, 1], [], []>, transpose_lhs_hint = false} : vector<256x256xbf16>, vector<256x256xbf16>, vector<256x256xf32> -> vector<256x256xf32>
    %get3A_2082 = arith.constant 0 : index
    %get3A_2083 = arith.constant 2048 : index
    %get3A_2084 = vector.load %arg3[%get3A_2082, %get3A_2083] : memref<1x8192xf32, #tpu.memory_space<vmem>>, vector<1x256xf32>
    %get3A_2085 = vector.shape_cast %get3A_2084 : vector<1x256xf32> to vector<256xf32>
    %broadcast_in_dim3A_2086 = vector.shape_cast %get3A_2085 : vector<256xf32> to vector<1x256xf32>
    %add3A_2087 = vector.broadcast %broadcast_in_dim3A_1848 : vector<256x1xf32> to vector<256x256xf32>
    %add3A_2088 = vector.broadcast %broadcast_in_dim3A_2086 : vector<1x256xf32> to vector<256x256xf32>
    %add3A_2089 = arith.addf %add3A_2087, %add3A_2088 : vector<256x256xf32>
    %add3A_2090 = arith.addf %add3A_2089, %dot_general3A_2081 : vector<256x256xf32>
    %slice3A_2091 = vector.extract_strided_slice %add3A_2090 {offsets = [0, 0], sizes = [256, 128], strides = [1, 1]} : vector<256x256xf32> to vector<256x128xf32>
    %slice3A_2092 = vector.extract_strided_slice %add3A_2090 {offsets = [0, 128], sizes = [256, 128], strides = [1, 1]} : vector<256x256xf32> to vector<256x128xf32>
    %add3A_2093 = arith.constant 2048 : i32
    %add3A_2094 = vector.broadcast %add3A_2093 : i32 to vector<256x128xi32>
    %add3A_2095 = arith.addi %iota3A, %add3A_2094 : vector<256x128xi32>
    %lt3A_2096 = arith.cmpf olt, %slice3A_2092, %slice3A_2091 : vector<256x128xf32>
    %select_n3A_2097 = arith.select %lt3A_2096, %slice3A_2092, %slice3A_2091 : vector<256x128xi1>, vector<256x128xf32>
    %add3A_2098 = arith.constant 128 : i32
    %add3A_2099 = vector.broadcast %add3A_2098 : i32 to vector<256x128xi32>
    %add3A_2100 = arith.addi %add3A_2095, %add3A_2099 : vector<256x128xi32>
    %select_n3A_2101 = arith.select %lt3A_2096, %add3A_2100, %add3A_2095 : vector<256x128xi1>, vector<256x128xi32>
    %lt3A_2102 = arith.cmpf olt, %select_n3A_2097, %select_n3A_2076 : vector<256x128xf32>
    %select_n3A_2103 = arith.select %lt3A_2102, %select_n3A_2101, %select_n3A_2075 : vector<256x128xi1>, vector<256x128xi32>
    %select_n3A_2104 = arith.select %lt3A_2102, %select_n3A_2097, %select_n3A_2076 : vector<256x128xi1>, vector<256x128xf32>
    %get3A_2105 = arith.constant 0 : index
    %get3A_2106 = arith.constant 2304 : index
    %get3A_2107 = vector.load %arg4[%get3A_2105, %get3A_2106] : memref<256x8192xbf16, #tpu.memory_space<vmem>>, vector<256x256xbf16>
    %dot_general3A_2108 = arith.constant dense<0.000000e+00> : vector<256x256xf32>
    %dot_general3A_2109 = tpu.matmul %slice3A_1846, %get3A_2107, %dot_general3A_2108 {dimension_numbers = #tpu.dot_dimension_numbers<[1], [0], [0], [1], [0, 0, 1, 1], [], []>, transpose_lhs_hint = false} : vector<256x256xbf16>, vector<256x256xbf16>, vector<256x256xf32> -> vector<256x256xf32>
    %get3A_2110 = arith.constant 0 : index
    %get3A_2111 = arith.constant 2304 : index
    %get3A_2112 = vector.load %arg3[%get3A_2110, %get3A_2111] : memref<1x8192xf32, #tpu.memory_space<vmem>>, vector<1x256xf32>
    %get3A_2113 = vector.shape_cast %get3A_2112 : vector<1x256xf32> to vector<256xf32>
    %broadcast_in_dim3A_2114 = vector.shape_cast %get3A_2113 : vector<256xf32> to vector<1x256xf32>
    %add3A_2115 = vector.broadcast %broadcast_in_dim3A_1848 : vector<256x1xf32> to vector<256x256xf32>
    %add3A_2116 = vector.broadcast %broadcast_in_dim3A_2114 : vector<1x256xf32> to vector<256x256xf32>
    %add3A_2117 = arith.addf %add3A_2115, %add3A_2116 : vector<256x256xf32>
    %add3A_2118 = arith.addf %add3A_2117, %dot_general3A_2109 : vector<256x256xf32>
    %slice3A_2119 = vector.extract_strided_slice %add3A_2118 {offsets = [0, 0], sizes = [256, 128], strides = [1, 1]} : vector<256x256xf32> to vector<256x128xf32>
    %slice3A_2120 = vector.extract_strided_slice %add3A_2118 {offsets = [0, 128], sizes = [256, 128], strides = [1, 1]} : vector<256x256xf32> to vector<256x128xf32>
    %add3A_2121 = arith.constant 2304 : i32
    %add3A_2122 = vector.broadcast %add3A_2121 : i32 to vector<256x128xi32>
    %add3A_2123 = arith.addi %iota3A, %add3A_2122 : vector<256x128xi32>
    %lt3A_2124 = arith.cmpf olt, %slice3A_2120, %slice3A_2119 : vector<256x128xf32>
    %select_n3A_2125 = arith.select %lt3A_2124, %slice3A_2120, %slice3A_2119 : vector<256x128xi1>, vector<256x128xf32>
    %add3A_2126 = arith.constant 128 : i32
    %add3A_2127 = vector.broadcast %add3A_2126 : i32 to vector<256x128xi32>
    %add3A_2128 = arith.addi %add3A_2123, %add3A_2127 : vector<256x128xi32>
    %select_n3A_2129 = arith.select %lt3A_2124, %add3A_2128, %add3A_2123 : vector<256x128xi1>, vector<256x128xi32>
    %lt3A_2130 = arith.cmpf olt, %select_n3A_2125, %select_n3A_2104 : vector<256x128xf32>
    %select_n3A_2131 = arith.select %lt3A_2130, %select_n3A_2129, %select_n3A_2103 : vector<256x128xi1>, vector<256x128xi32>
    %select_n3A_2132 = arith.select %lt3A_2130, %select_n3A_2125, %select_n3A_2104 : vector<256x128xi1>, vector<256x128xf32>
    %get3A_2133 = arith.constant 0 : index
    %get3A_2134 = arith.constant 2560 : index
    %get3A_2135 = vector.load %arg4[%get3A_2133, %get3A_2134] : memref<256x8192xbf16, #tpu.memory_space<vmem>>, vector<256x256xbf16>
    %dot_general3A_2136 = arith.constant dense<0.000000e+00> : vector<256x256xf32>
    %dot_general3A_2137 = tpu.matmul %slice3A_1846, %get3A_2135, %dot_general3A_2136 {dimension_numbers = #tpu.dot_dimension_numbers<[1], [0], [0], [1], [0, 0, 1, 1], [], []>, transpose_lhs_hint = false} : vector<256x256xbf16>, vector<256x256xbf16>, vector<256x256xf32> -> vector<256x256xf32>
    %get3A_2138 = arith.constant 0 : index
    %get3A_2139 = arith.constant 2560 : index
    %get3A_2140 = vector.load %arg3[%get3A_2138, %get3A_2139] : memref<1x8192xf32, #tpu.memory_space<vmem>>, vector<1x256xf32>
    %get3A_2141 = vector.shape_cast %get3A_2140 : vector<1x256xf32> to vector<256xf32>
    %broadcast_in_dim3A_2142 = vector.shape_cast %get3A_2141 : vector<256xf32> to vector<1x256xf32>
    %add3A_2143 = vector.broadcast %broadcast_in_dim3A_1848 : vector<256x1xf32> to vector<256x256xf32>
    %add3A_2144 = vector.broadcast %broadcast_in_dim3A_2142 : vector<1x256xf32> to vector<256x256xf32>
    %add3A_2145 = arith.addf %add3A_2143, %add3A_2144 : vector<256x256xf32>
    %add3A_2146 = arith.addf %add3A_2145, %dot_general3A_2137 : vector<256x256xf32>
    %slice3A_2147 = vector.extract_strided_slice %add3A_2146 {offsets = [0, 0], sizes = [256, 128], strides = [1, 1]} : vector<256x256xf32> to vector<256x128xf32>
    %slice3A_2148 = vector.extract_strided_slice %add3A_2146 {offsets = [0, 128], sizes = [256, 128], strides = [1, 1]} : vector<256x256xf32> to vector<256x128xf32>
    %add3A_2149 = arith.constant 2560 : i32
    %add3A_2150 = vector.broadcast %add3A_2149 : i32 to vector<256x128xi32>
    %add3A_2151 = arith.addi %iota3A, %add3A_2150 : vector<256x128xi32>
    %lt3A_2152 = arith.cmpf olt, %slice3A_2148, %slice3A_2147 : vector<256x128xf32>
    %select_n3A_2153 = arith.select %lt3A_2152, %slice3A_2148, %slice3A_2147 : vector<256x128xi1>, vector<256x128xf32>
    %add3A_2154 = arith.constant 128 : i32
    %add3A_2155 = vector.broadcast %add3A_2154 : i32 to vector<256x128xi32>
    %add3A_2156 = arith.addi %add3A_2151, %add3A_2155 : vector<256x128xi32>
    %select_n3A_2157 = arith.select %lt3A_2152, %add3A_2156, %add3A_2151 : vector<256x128xi1>, vector<256x128xi32>
    %lt3A_2158 = arith.cmpf olt, %select_n3A_2153, %select_n3A_2132 : vector<256x128xf32>
    %select_n3A_2159 = arith.select %lt3A_2158, %select_n3A_2157, %select_n3A_2131 : vector<256x128xi1>, vector<256x128xi32>
    %select_n3A_2160 = arith.select %lt3A_2158, %select_n3A_2153, %select_n3A_2132 : vector<256x128xi1>, vector<256x128xf32>
    %get3A_2161 = arith.constant 0 : index
    %get3A_2162 = arith.constant 2816 : index
    %get3A_2163 = vector.load %arg4[%get3A_2161, %get3A_2162] : memref<256x8192xbf16, #tpu.memory_space<vmem>>, vector<256x256xbf16>
    %dot_general3A_2164 = arith.constant dense<0.000000e+00> : vector<256x256xf32>
    %dot_general3A_2165 = tpu.matmul %slice3A_1846, %get3A_2163, %dot_general3A_2164 {dimension_numbers = #tpu.dot_dimension_numbers<[1], [0], [0], [1], [0, 0, 1, 1], [], []>, transpose_lhs_hint = false} : vector<256x256xbf16>, vector<256x256xbf16>, vector<256x256xf32> -> vector<256x256xf32>
    %get3A_2166 = arith.constant 0 : index
    %get3A_2167 = arith.constant 2816 : index
    %get3A_2168 = vector.load %arg3[%get3A_2166, %get3A_2167] : memref<1x8192xf32, #tpu.memory_space<vmem>>, vector<1x256xf32>
    %get3A_2169 = vector.shape_cast %get3A_2168 : vector<1x256xf32> to vector<256xf32>
    %broadcast_in_dim3A_2170 = vector.shape_cast %get3A_2169 : vector<256xf32> to vector<1x256xf32>
    %add3A_2171 = vector.broadcast %broadcast_in_dim3A_1848 : vector<256x1xf32> to vector<256x256xf32>
    %add3A_2172 = vector.broadcast %broadcast_in_dim3A_2170 : vector<1x256xf32> to vector<256x256xf32>
    %add3A_2173 = arith.addf %add3A_2171, %add3A_2172 : vector<256x256xf32>
    %add3A_2174 = arith.addf %add3A_2173, %dot_general3A_2165 : vector<256x256xf32>
    %slice3A_2175 = vector.extract_strided_slice %add3A_2174 {offsets = [0, 0], sizes = [256, 128], strides = [1, 1]} : vector<256x256xf32> to vector<256x128xf32>
    %slice3A_2176 = vector.extract_strided_slice %add3A_2174 {offsets = [0, 128], sizes = [256, 128], strides = [1, 1]} : vector<256x256xf32> to vector<256x128xf32>
    %add3A_2177 = arith.constant 2816 : i32
    %add3A_2178 = vector.broadcast %add3A_2177 : i32 to vector<256x128xi32>
    %add3A_2179 = arith.addi %iota3A, %add3A_2178 : vector<256x128xi32>
    %lt3A_2180 = arith.cmpf olt, %slice3A_2176, %slice3A_2175 : vector<256x128xf32>
    %select_n3A_2181 = arith.select %lt3A_2180, %slice3A_2176, %slice3A_2175 : vector<256x128xi1>, vector<256x128xf32>
    %add3A_2182 = arith.constant 128 : i32
    %add3A_2183 = vector.broadcast %add3A_2182 : i32 to vector<256x128xi32>
    %add3A_2184 = arith.addi %add3A_2179, %add3A_2183 : vector<256x128xi32>
    %select_n3A_2185 = arith.select %lt3A_2180, %add3A_2184, %add3A_2179 : vector<256x128xi1>, vector<256x128xi32>
    %lt3A_2186 = arith.cmpf olt, %select_n3A_2181, %select_n3A_2160 : vector<256x128xf32>
    %select_n3A_2187 = arith.select %lt3A_2186, %select_n3A_2185, %select_n3A_2159 : vector<256x128xi1>, vector<256x128xi32>
    %select_n3A_2188 = arith.select %lt3A_2186, %select_n3A_2181, %select_n3A_2160 : vector<256x128xi1>, vector<256x128xf32>
    %get3A_2189 = arith.constant 0 : index
    %get3A_2190 = arith.constant 3072 : index
    %get3A_2191 = vector.load %arg4[%get3A_2189, %get3A_2190] : memref<256x8192xbf16, #tpu.memory_space<vmem>>, vector<256x256xbf16>
    %dot_general3A_2192 = arith.constant dense<0.000000e+00> : vector<256x256xf32>
    %dot_general3A_2193 = tpu.matmul %slice3A_1846, %get3A_2191, %dot_general3A_2192 {dimension_numbers = #tpu.dot_dimension_numbers<[1], [0], [0], [1], [0, 0, 1, 1], [], []>, transpose_lhs_hint = false} : vector<256x256xbf16>, vector<256x256xbf16>, vector<256x256xf32> -> vector<256x256xf32>
    %get3A_2194 = arith.constant 0 : index
    %get3A_2195 = arith.constant 3072 : index
    %get3A_2196 = vector.load %arg3[%get3A_2194, %get3A_2195] : memref<1x8192xf32, #tpu.memory_space<vmem>>, vector<1x256xf32>
    %get3A_2197 = vector.shape_cast %get3A_2196 : vector<1x256xf32> to vector<256xf32>
    %broadcast_in_dim3A_2198 = vector.shape_cast %get3A_2197 : vector<256xf32> to vector<1x256xf32>
    %add3A_2199 = vector.broadcast %broadcast_in_dim3A_1848 : vector<256x1xf32> to vector<256x256xf32>
    %add3A_2200 = vector.broadcast %broadcast_in_dim3A_2198 : vector<1x256xf32> to vector<256x256xf32>
    %add3A_2201 = arith.addf %add3A_2199, %add3A_2200 : vector<256x256xf32>
    %add3A_2202 = arith.addf %add3A_2201, %dot_general3A_2193 : vector<256x256xf32>
    %slice3A_2203 = vector.extract_strided_slice %add3A_2202 {offsets = [0, 0], sizes = [256, 128], strides = [1, 1]} : vector<256x256xf32> to vector<256x128xf32>
    %slice3A_2204 = vector.extract_strided_slice %add3A_2202 {offsets = [0, 128], sizes = [256, 128], strides = [1, 1]} : vector<256x256xf32> to vector<256x128xf32>
    %add3A_2205 = arith.constant 3072 : i32
    %add3A_2206 = vector.broadcast %add3A_2205 : i32 to vector<256x128xi32>
    %add3A_2207 = arith.addi %iota3A, %add3A_2206 : vector<256x128xi32>
    %lt3A_2208 = arith.cmpf olt, %slice3A_2204, %slice3A_2203 : vector<256x128xf32>
    %select_n3A_2209 = arith.select %lt3A_2208, %slice3A_2204, %slice3A_2203 : vector<256x128xi1>, vector<256x128xf32>
    %add3A_2210 = arith.constant 128 : i32
    %add3A_2211 = vector.broadcast %add3A_2210 : i32 to vector<256x128xi32>
    %add3A_2212 = arith.addi %add3A_2207, %add3A_2211 : vector<256x128xi32>
    %select_n3A_2213 = arith.select %lt3A_2208, %add3A_2212, %add3A_2207 : vector<256x128xi1>, vector<256x128xi32>
    %lt3A_2214 = arith.cmpf olt, %select_n3A_2209, %select_n3A_2188 : vector<256x128xf32>
    %select_n3A_2215 = arith.select %lt3A_2214, %select_n3A_2213, %select_n3A_2187 : vector<256x128xi1>, vector<256x128xi32>
    %select_n3A_2216 = arith.select %lt3A_2214, %select_n3A_2209, %select_n3A_2188 : vector<256x128xi1>, vector<256x128xf32>
    %get3A_2217 = arith.constant 0 : index
    %get3A_2218 = arith.constant 3328 : index
    %get3A_2219 = vector.load %arg4[%get3A_2217, %get3A_2218] : memref<256x8192xbf16, #tpu.memory_space<vmem>>, vector<256x256xbf16>
    %dot_general3A_2220 = arith.constant dense<0.000000e+00> : vector<256x256xf32>
    %dot_general3A_2221 = tpu.matmul %slice3A_1846, %get3A_2219, %dot_general3A_2220 {dimension_numbers = #tpu.dot_dimension_numbers<[1], [0], [0], [1], [0, 0, 1, 1], [], []>, transpose_lhs_hint = false} : vector<256x256xbf16>, vector<256x256xbf16>, vector<256x256xf32> -> vector<256x256xf32>
    %get3A_2222 = arith.constant 0 : index
    %get3A_2223 = arith.constant 3328 : index
    %get3A_2224 = vector.load %arg3[%get3A_2222, %get3A_2223] : memref<1x8192xf32, #tpu.memory_space<vmem>>, vector<1x256xf32>
    %get3A_2225 = vector.shape_cast %get3A_2224 : vector<1x256xf32> to vector<256xf32>
    %broadcast_in_dim3A_2226 = vector.shape_cast %get3A_2225 : vector<256xf32> to vector<1x256xf32>
    %add3A_2227 = vector.broadcast %broadcast_in_dim3A_1848 : vector<256x1xf32> to vector<256x256xf32>
    %add3A_2228 = vector.broadcast %broadcast_in_dim3A_2226 : vector<1x256xf32> to vector<256x256xf32>
    %add3A_2229 = arith.addf %add3A_2227, %add3A_2228 : vector<256x256xf32>
    %add3A_2230 = arith.addf %add3A_2229, %dot_general3A_2221 : vector<256x256xf32>
    %slice3A_2231 = vector.extract_strided_slice %add3A_2230 {offsets = [0, 0], sizes = [256, 128], strides = [1, 1]} : vector<256x256xf32> to vector<256x128xf32>
    %slice3A_2232 = vector.extract_strided_slice %add3A_2230 {offsets = [0, 128], sizes = [256, 128], strides = [1, 1]} : vector<256x256xf32> to vector<256x128xf32>
    %add3A_2233 = arith.constant 3328 : i32
    %add3A_2234 = vector.broadcast %add3A_2233 : i32 to vector<256x128xi32>
    %add3A_2235 = arith.addi %iota3A, %add3A_2234 : vector<256x128xi32>
    %lt3A_2236 = arith.cmpf olt, %slice3A_2232, %slice3A_2231 : vector<256x128xf32>
    %select_n3A_2237 = arith.select %lt3A_2236, %slice3A_2232, %slice3A_2231 : vector<256x128xi1>, vector<256x128xf32>
    %add3A_2238 = arith.constant 128 : i32
    %add3A_2239 = vector.broadcast %add3A_2238 : i32 to vector<256x128xi32>
    %add3A_2240 = arith.addi %add3A_2235, %add3A_2239 : vector<256x128xi32>
    %select_n3A_2241 = arith.select %lt3A_2236, %add3A_2240, %add3A_2235 : vector<256x128xi1>, vector<256x128xi32>
    %lt3A_2242 = arith.cmpf olt, %select_n3A_2237, %select_n3A_2216 : vector<256x128xf32>
    %select_n3A_2243 = arith.select %lt3A_2242, %select_n3A_2241, %select_n3A_2215 : vector<256x128xi1>, vector<256x128xi32>
    %select_n3A_2244 = arith.select %lt3A_2242, %select_n3A_2237, %select_n3A_2216 : vector<256x128xi1>, vector<256x128xf32>
    %get3A_2245 = arith.constant 0 : index
    %get3A_2246 = arith.constant 3584 : index
    %get3A_2247 = vector.load %arg4[%get3A_2245, %get3A_2246] : memref<256x8192xbf16, #tpu.memory_space<vmem>>, vector<256x256xbf16>
    %dot_general3A_2248 = arith.constant dense<0.000000e+00> : vector<256x256xf32>
    %dot_general3A_2249 = tpu.matmul %slice3A_1846, %get3A_2247, %dot_general3A_2248 {dimension_numbers = #tpu.dot_dimension_numbers<[1], [0], [0], [1], [0, 0, 1, 1], [], []>, transpose_lhs_hint = false} : vector<256x256xbf16>, vector<256x256xbf16>, vector<256x256xf32> -> vector<256x256xf32>
    %get3A_2250 = arith.constant 0 : index
    %get3A_2251 = arith.constant 3584 : index
    %get3A_2252 = vector.load %arg3[%get3A_2250, %get3A_2251] : memref<1x8192xf32, #tpu.memory_space<vmem>>, vector<1x256xf32>
    %get3A_2253 = vector.shape_cast %get3A_2252 : vector<1x256xf32> to vector<256xf32>
    %broadcast_in_dim3A_2254 = vector.shape_cast %get3A_2253 : vector<256xf32> to vector<1x256xf32>
    %add3A_2255 = vector.broadcast %broadcast_in_dim3A_1848 : vector<256x1xf32> to vector<256x256xf32>
    %add3A_2256 = vector.broadcast %broadcast_in_dim3A_2254 : vector<1x256xf32> to vector<256x256xf32>
    %add3A_2257 = arith.addf %add3A_2255, %add3A_2256 : vector<256x256xf32>
    %add3A_2258 = arith.addf %add3A_2257, %dot_general3A_2249 : vector<256x256xf32>
    %slice3A_2259 = vector.extract_strided_slice %add3A_2258 {offsets = [0, 0], sizes = [256, 128], strides = [1, 1]} : vector<256x256xf32> to vector<256x128xf32>
    %slice3A_2260 = vector.extract_strided_slice %add3A_2258 {offsets = [0, 128], sizes = [256, 128], strides = [1, 1]} : vector<256x256xf32> to vector<256x128xf32>
    %add3A_2261 = arith.constant 3584 : i32
    %add3A_2262 = vector.broadcast %add3A_2261 : i32 to vector<256x128xi32>
    %add3A_2263 = arith.addi %iota3A, %add3A_2262 : vector<256x128xi32>
    %lt3A_2264 = arith.cmpf olt, %slice3A_2260, %slice3A_2259 : vector<256x128xf32>
    %select_n3A_2265 = arith.select %lt3A_2264, %slice3A_2260, %slice3A_2259 : vector<256x128xi1>, vector<256x128xf32>
    %add3A_2266 = arith.constant 128 : i32
    %add3A_2267 = vector.broadcast %add3A_2266 : i32 to vector<256x128xi32>
    %add3A_2268 = arith.addi %add3A_2263, %add3A_2267 : vector<256x128xi32>
    %select_n3A_2269 = arith.select %lt3A_2264, %add3A_2268, %add3A_2263 : vector<256x128xi1>, vector<256x128xi32>
    %lt3A_2270 = arith.cmpf olt, %select_n3A_2265, %select_n3A_2244 : vector<256x128xf32>
    %select_n3A_2271 = arith.select %lt3A_2270, %select_n3A_2269, %select_n3A_2243 : vector<256x128xi1>, vector<256x128xi32>
    %select_n3A_2272 = arith.select %lt3A_2270, %select_n3A_2265, %select_n3A_2244 : vector<256x128xi1>, vector<256x128xf32>
    %get3A_2273 = arith.constant 0 : index
    %get3A_2274 = arith.constant 3840 : index
    %get3A_2275 = vector.load %arg4[%get3A_2273, %get3A_2274] : memref<256x8192xbf16, #tpu.memory_space<vmem>>, vector<256x256xbf16>
    %dot_general3A_2276 = arith.constant dense<0.000000e+00> : vector<256x256xf32>
    %dot_general3A_2277 = tpu.matmul %slice3A_1846, %get3A_2275, %dot_general3A_2276 {dimension_numbers = #tpu.dot_dimension_numbers<[1], [0], [0], [1], [0, 0, 1, 1], [], []>, transpose_lhs_hint = false} : vector<256x256xbf16>, vector<256x256xbf16>, vector<256x256xf32> -> vector<256x256xf32>
    %get3A_2278 = arith.constant 0 : index
    %get3A_2279 = arith.constant 3840 : index
    %get3A_2280 = vector.load %arg3[%get3A_2278, %get3A_2279] : memref<1x8192xf32, #tpu.memory_space<vmem>>, vector<1x256xf32>
    %get3A_2281 = vector.shape_cast %get3A_2280 : vector<1x256xf32> to vector<256xf32>
    %broadcast_in_dim3A_2282 = vector.shape_cast %get3A_2281 : vector<256xf32> to vector<1x256xf32>
    %add3A_2283 = vector.broadcast %broadcast_in_dim3A_1848 : vector<256x1xf32> to vector<256x256xf32>
    %add3A_2284 = vector.broadcast %broadcast_in_dim3A_2282 : vector<1x256xf32> to vector<256x256xf32>
    %add3A_2285 = arith.addf %add3A_2283, %add3A_2284 : vector<256x256xf32>
    %add3A_2286 = arith.addf %add3A_2285, %dot_general3A_2277 : vector<256x256xf32>
    %slice3A_2287 = vector.extract_strided_slice %add3A_2286 {offsets = [0, 0], sizes = [256, 128], strides = [1, 1]} : vector<256x256xf32> to vector<256x128xf32>
    %slice3A_2288 = vector.extract_strided_slice %add3A_2286 {offsets = [0, 128], sizes = [256, 128], strides = [1, 1]} : vector<256x256xf32> to vector<256x128xf32>
    %add3A_2289 = arith.constant 3840 : i32
    %add3A_2290 = vector.broadcast %add3A_2289 : i32 to vector<256x128xi32>
    %add3A_2291 = arith.addi %iota3A, %add3A_2290 : vector<256x128xi32>
    %lt3A_2292 = arith.cmpf olt, %slice3A_2288, %slice3A_2287 : vector<256x128xf32>
    %select_n3A_2293 = arith.select %lt3A_2292, %slice3A_2288, %slice3A_2287 : vector<256x128xi1>, vector<256x128xf32>
    %add3A_2294 = arith.constant 128 : i32
    %add3A_2295 = vector.broadcast %add3A_2294 : i32 to vector<256x128xi32>
    %add3A_2296 = arith.addi %add3A_2291, %add3A_2295 : vector<256x128xi32>
    %select_n3A_2297 = arith.select %lt3A_2292, %add3A_2296, %add3A_2291 : vector<256x128xi1>, vector<256x128xi32>
    %lt3A_2298 = arith.cmpf olt, %select_n3A_2293, %select_n3A_2272 : vector<256x128xf32>
    %select_n3A_2299 = arith.select %lt3A_2298, %select_n3A_2297, %select_n3A_2271 : vector<256x128xi1>, vector<256x128xi32>
    %select_n3A_2300 = arith.select %lt3A_2298, %select_n3A_2293, %select_n3A_2272 : vector<256x128xi1>, vector<256x128xf32>
    %get3A_2301 = arith.constant 0 : index
    %get3A_2302 = arith.constant 4096 : index
    %get3A_2303 = vector.load %arg4[%get3A_2301, %get3A_2302] : memref<256x8192xbf16, #tpu.memory_space<vmem>>, vector<256x256xbf16>
    %dot_general3A_2304 = arith.constant dense<0.000000e+00> : vector<256x256xf32>
    %dot_general3A_2305 = tpu.matmul %slice3A_1846, %get3A_2303, %dot_general3A_2304 {dimension_numbers = #tpu.dot_dimension_numbers<[1], [0], [0], [1], [0, 0, 1, 1], [], []>, transpose_lhs_hint = false} : vector<256x256xbf16>, vector<256x256xbf16>, vector<256x256xf32> -> vector<256x256xf32>
    %get3A_2306 = arith.constant 0 : index
    %get3A_2307 = arith.constant 4096 : index
    %get3A_2308 = vector.load %arg3[%get3A_2306, %get3A_2307] : memref<1x8192xf32, #tpu.memory_space<vmem>>, vector<1x256xf32>
    %get3A_2309 = vector.shape_cast %get3A_2308 : vector<1x256xf32> to vector<256xf32>
    %broadcast_in_dim3A_2310 = vector.shape_cast %get3A_2309 : vector<256xf32> to vector<1x256xf32>
    %add3A_2311 = vector.broadcast %broadcast_in_dim3A_1848 : vector<256x1xf32> to vector<256x256xf32>
    %add3A_2312 = vector.broadcast %broadcast_in_dim3A_2310 : vector<1x256xf32> to vector<256x256xf32>
    %add3A_2313 = arith.addf %add3A_2311, %add3A_2312 : vector<256x256xf32>
    %add3A_2314 = arith.addf %add3A_2313, %dot_general3A_2305 : vector<256x256xf32>
    %slice3A_2315 = vector.extract_strided_slice %add3A_2314 {offsets = [0, 0], sizes = [256, 128], strides = [1, 1]} : vector<256x256xf32> to vector<256x128xf32>
    %slice3A_2316 = vector.extract_strided_slice %add3A_2314 {offsets = [0, 128], sizes = [256, 128], strides = [1, 1]} : vector<256x256xf32> to vector<256x128xf32>
    %add3A_2317 = arith.constant 4096 : i32
    %add3A_2318 = vector.broadcast %add3A_2317 : i32 to vector<256x128xi32>
    %add3A_2319 = arith.addi %iota3A, %add3A_2318 : vector<256x128xi32>
    %lt3A_2320 = arith.cmpf olt, %slice3A_2316, %slice3A_2315 : vector<256x128xf32>
    %select_n3A_2321 = arith.select %lt3A_2320, %slice3A_2316, %slice3A_2315 : vector<256x128xi1>, vector<256x128xf32>
    %add3A_2322 = arith.constant 128 : i32
    %add3A_2323 = vector.broadcast %add3A_2322 : i32 to vector<256x128xi32>
    %add3A_2324 = arith.addi %add3A_2319, %add3A_2323 : vector<256x128xi32>
    %select_n3A_2325 = arith.select %lt3A_2320, %add3A_2324, %add3A_2319 : vector<256x128xi1>, vector<256x128xi32>
    %lt3A_2326 = arith.cmpf olt, %select_n3A_2321, %select_n3A_2300 : vector<256x128xf32>
    %select_n3A_2327 = arith.select %lt3A_2326, %select_n3A_2325, %select_n3A_2299 : vector<256x128xi1>, vector<256x128xi32>
    %select_n3A_2328 = arith.select %lt3A_2326, %select_n3A_2321, %select_n3A_2300 : vector<256x128xi1>, vector<256x128xf32>
    %get3A_2329 = arith.constant 0 : index
    %get3A_2330 = arith.constant 4352 : index
    %get3A_2331 = vector.load %arg4[%get3A_2329, %get3A_2330] : memref<256x8192xbf16, #tpu.memory_space<vmem>>, vector<256x256xbf16>
    %dot_general3A_2332 = arith.constant dense<0.000000e+00> : vector<256x256xf32>
    %dot_general3A_2333 = tpu.matmul %slice3A_1846, %get3A_2331, %dot_general3A_2332 {dimension_numbers = #tpu.dot_dimension_numbers<[1], [0], [0], [1], [0, 0, 1, 1], [], []>, transpose_lhs_hint = false} : vector<256x256xbf16>, vector<256x256xbf16>, vector<256x256xf32> -> vector<256x256xf32>
    %get3A_2334 = arith.constant 0 : index
    %get3A_2335 = arith.constant 4352 : index
    %get3A_2336 = vector.load %arg3[%get3A_2334, %get3A_2335] : memref<1x8192xf32, #tpu.memory_space<vmem>>, vector<1x256xf32>
    %get3A_2337 = vector.shape_cast %get3A_2336 : vector<1x256xf32> to vector<256xf32>
    %broadcast_in_dim3A_2338 = vector.shape_cast %get3A_2337 : vector<256xf32> to vector<1x256xf32>
    %add3A_2339 = vector.broadcast %broadcast_in_dim3A_1848 : vector<256x1xf32> to vector<256x256xf32>
    %add3A_2340 = vector.broadcast %broadcast_in_dim3A_2338 : vector<1x256xf32> to vector<256x256xf32>
    %add3A_2341 = arith.addf %add3A_2339, %add3A_2340 : vector<256x256xf32>
    %add3A_2342 = arith.addf %add3A_2341, %dot_general3A_2333 : vector<256x256xf32>
    %slice3A_2343 = vector.extract_strided_slice %add3A_2342 {offsets = [0, 0], sizes = [256, 128], strides = [1, 1]} : vector<256x256xf32> to vector<256x128xf32>
    %slice3A_2344 = vector.extract_strided_slice %add3A_2342 {offsets = [0, 128], sizes = [256, 128], strides = [1, 1]} : vector<256x256xf32> to vector<256x128xf32>
    %add3A_2345 = arith.constant 4352 : i32
    %add3A_2346 = vector.broadcast %add3A_2345 : i32 to vector<256x128xi32>
    %add3A_2347 = arith.addi %iota3A, %add3A_2346 : vector<256x128xi32>
    %lt3A_2348 = arith.cmpf olt, %slice3A_2344, %slice3A_2343 : vector<256x128xf32>
    %select_n3A_2349 = arith.select %lt3A_2348, %slice3A_2344, %slice3A_2343 : vector<256x128xi1>, vector<256x128xf32>
    %add3A_2350 = arith.constant 128 : i32
    %add3A_2351 = vector.broadcast %add3A_2350 : i32 to vector<256x128xi32>
    %add3A_2352 = arith.addi %add3A_2347, %add3A_2351 : vector<256x128xi32>
    %select_n3A_2353 = arith.select %lt3A_2348, %add3A_2352, %add3A_2347 : vector<256x128xi1>, vector<256x128xi32>
    %lt3A_2354 = arith.cmpf olt, %select_n3A_2349, %select_n3A_2328 : vector<256x128xf32>
    %select_n3A_2355 = arith.select %lt3A_2354, %select_n3A_2353, %select_n3A_2327 : vector<256x128xi1>, vector<256x128xi32>
    %select_n3A_2356 = arith.select %lt3A_2354, %select_n3A_2349, %select_n3A_2328 : vector<256x128xi1>, vector<256x128xf32>
    %get3A_2357 = arith.constant 0 : index
    %get3A_2358 = arith.constant 4608 : index
    %get3A_2359 = vector.load %arg4[%get3A_2357, %get3A_2358] : memref<256x8192xbf16, #tpu.memory_space<vmem>>, vector<256x256xbf16>
    %dot_general3A_2360 = arith.constant dense<0.000000e+00> : vector<256x256xf32>
    %dot_general3A_2361 = tpu.matmul %slice3A_1846, %get3A_2359, %dot_general3A_2360 {dimension_numbers = #tpu.dot_dimension_numbers<[1], [0], [0], [1], [0, 0, 1, 1], [], []>, transpose_lhs_hint = false} : vector<256x256xbf16>, vector<256x256xbf16>, vector<256x256xf32> -> vector<256x256xf32>
    %get3A_2362 = arith.constant 0 : index
    %get3A_2363 = arith.constant 4608 : index
    %get3A_2364 = vector.load %arg3[%get3A_2362, %get3A_2363] : memref<1x8192xf32, #tpu.memory_space<vmem>>, vector<1x256xf32>
    %get3A_2365 = vector.shape_cast %get3A_2364 : vector<1x256xf32> to vector<256xf32>
    %broadcast_in_dim3A_2366 = vector.shape_cast %get3A_2365 : vector<256xf32> to vector<1x256xf32>
    %add3A_2367 = vector.broadcast %broadcast_in_dim3A_1848 : vector<256x1xf32> to vector<256x256xf32>
    %add3A_2368 = vector.broadcast %broadcast_in_dim3A_2366 : vector<1x256xf32> to vector<256x256xf32>
    %add3A_2369 = arith.addf %add3A_2367, %add3A_2368 : vector<256x256xf32>
    %add3A_2370 = arith.addf %add3A_2369, %dot_general3A_2361 : vector<256x256xf32>
    %slice3A_2371 = vector.extract_strided_slice %add3A_2370 {offsets = [0, 0], sizes = [256, 128], strides = [1, 1]} : vector<256x256xf32> to vector<256x128xf32>
    %slice3A_2372 = vector.extract_strided_slice %add3A_2370 {offsets = [0, 128], sizes = [256, 128], strides = [1, 1]} : vector<256x256xf32> to vector<256x128xf32>
    %add3A_2373 = arith.constant 4608 : i32
    %add3A_2374 = vector.broadcast %add3A_2373 : i32 to vector<256x128xi32>
    %add3A_2375 = arith.addi %iota3A, %add3A_2374 : vector<256x128xi32>
    %lt3A_2376 = arith.cmpf olt, %slice3A_2372, %slice3A_2371 : vector<256x128xf32>
    %select_n3A_2377 = arith.select %lt3A_2376, %slice3A_2372, %slice3A_2371 : vector<256x128xi1>, vector<256x128xf32>
    %add3A_2378 = arith.constant 128 : i32
    %add3A_2379 = vector.broadcast %add3A_2378 : i32 to vector<256x128xi32>
    %add3A_2380 = arith.addi %add3A_2375, %add3A_2379 : vector<256x128xi32>
    %select_n3A_2381 = arith.select %lt3A_2376, %add3A_2380, %add3A_2375 : vector<256x128xi1>, vector<256x128xi32>
    %lt3A_2382 = arith.cmpf olt, %select_n3A_2377, %select_n3A_2356 : vector<256x128xf32>
    %select_n3A_2383 = arith.select %lt3A_2382, %select_n3A_2381, %select_n3A_2355 : vector<256x128xi1>, vector<256x128xi32>
    %select_n3A_2384 = arith.select %lt3A_2382, %select_n3A_2377, %select_n3A_2356 : vector<256x128xi1>, vector<256x128xf32>
    %get3A_2385 = arith.constant 0 : index
    %get3A_2386 = arith.constant 4864 : index
    %get3A_2387 = vector.load %arg4[%get3A_2385, %get3A_2386] : memref<256x8192xbf16, #tpu.memory_space<vmem>>, vector<256x256xbf16>
    %dot_general3A_2388 = arith.constant dense<0.000000e+00> : vector<256x256xf32>
    %dot_general3A_2389 = tpu.matmul %slice3A_1846, %get3A_2387, %dot_general3A_2388 {dimension_numbers = #tpu.dot_dimension_numbers<[1], [0], [0], [1], [0, 0, 1, 1], [], []>, transpose_lhs_hint = false} : vector<256x256xbf16>, vector<256x256xbf16>, vector<256x256xf32> -> vector<256x256xf32>
    %get3A_2390 = arith.constant 0 : index
    %get3A_2391 = arith.constant 4864 : index
    %get3A_2392 = vector.load %arg3[%get3A_2390, %get3A_2391] : memref<1x8192xf32, #tpu.memory_space<vmem>>, vector<1x256xf32>
    %get3A_2393 = vector.shape_cast %get3A_2392 : vector<1x256xf32> to vector<256xf32>
    %broadcast_in_dim3A_2394 = vector.shape_cast %get3A_2393 : vector<256xf32> to vector<1x256xf32>
    %add3A_2395 = vector.broadcast %broadcast_in_dim3A_1848 : vector<256x1xf32> to vector<256x256xf32>
    %add3A_2396 = vector.broadcast %broadcast_in_dim3A_2394 : vector<1x256xf32> to vector<256x256xf32>
    %add3A_2397 = arith.addf %add3A_2395, %add3A_2396 : vector<256x256xf32>
    %add3A_2398 = arith.addf %add3A_2397, %dot_general3A_2389 : vector<256x256xf32>
    %slice3A_2399 = vector.extract_strided_slice %add3A_2398 {offsets = [0, 0], sizes = [256, 128], strides = [1, 1]} : vector<256x256xf32> to vector<256x128xf32>
    %slice3A_2400 = vector.extract_strided_slice %add3A_2398 {offsets = [0, 128], sizes = [256, 128], strides = [1, 1]} : vector<256x256xf32> to vector<256x128xf32>
    %add3A_2401 = arith.constant 4864 : i32
    %add3A_2402 = vector.broadcast %add3A_2401 : i32 to vector<256x128xi32>
    %add3A_2403 = arith.addi %iota3A, %add3A_2402 : vector<256x128xi32>
    %lt3A_2404 = arith.cmpf olt, %slice3A_2400, %slice3A_2399 : vector<256x128xf32>
    %select_n3A_2405 = arith.select %lt3A_2404, %slice3A_2400, %slice3A_2399 : vector<256x128xi1>, vector<256x128xf32>
    %add3A_2406 = arith.constant 128 : i32
    %add3A_2407 = vector.broadcast %add3A_2406 : i32 to vector<256x128xi32>
    %add3A_2408 = arith.addi %add3A_2403, %add3A_2407 : vector<256x128xi32>
    %select_n3A_2409 = arith.select %lt3A_2404, %add3A_2408, %add3A_2403 : vector<256x128xi1>, vector<256x128xi32>
    %lt3A_2410 = arith.cmpf olt, %select_n3A_2405, %select_n3A_2384 : vector<256x128xf32>
    %select_n3A_2411 = arith.select %lt3A_2410, %select_n3A_2409, %select_n3A_2383 : vector<256x128xi1>, vector<256x128xi32>
    %select_n3A_2412 = arith.select %lt3A_2410, %select_n3A_2405, %select_n3A_2384 : vector<256x128xi1>, vector<256x128xf32>
    %get3A_2413 = arith.constant 0 : index
    %get3A_2414 = arith.constant 5120 : index
    %get3A_2415 = vector.load %arg4[%get3A_2413, %get3A_2414] : memref<256x8192xbf16, #tpu.memory_space<vmem>>, vector<256x256xbf16>
    %dot_general3A_2416 = arith.constant dense<0.000000e+00> : vector<256x256xf32>
    %dot_general3A_2417 = tpu.matmul %slice3A_1846, %get3A_2415, %dot_general3A_2416 {dimension_numbers = #tpu.dot_dimension_numbers<[1], [0], [0], [1], [0, 0, 1, 1], [], []>, transpose_lhs_hint = false} : vector<256x256xbf16>, vector<256x256xbf16>, vector<256x256xf32> -> vector<256x256xf32>
    %get3A_2418 = arith.constant 0 : index
    %get3A_2419 = arith.constant 5120 : index
    %get3A_2420 = vector.load %arg3[%get3A_2418, %get3A_2419] : memref<1x8192xf32, #tpu.memory_space<vmem>>, vector<1x256xf32>
    %get3A_2421 = vector.shape_cast %get3A_2420 : vector<1x256xf32> to vector<256xf32>
    %broadcast_in_dim3A_2422 = vector.shape_cast %get3A_2421 : vector<256xf32> to vector<1x256xf32>
    %add3A_2423 = vector.broadcast %broadcast_in_dim3A_1848 : vector<256x1xf32> to vector<256x256xf32>
    %add3A_2424 = vector.broadcast %broadcast_in_dim3A_2422 : vector<1x256xf32> to vector<256x256xf32>
    %add3A_2425 = arith.addf %add3A_2423, %add3A_2424 : vector<256x256xf32>
    %add3A_2426 = arith.addf %add3A_2425, %dot_general3A_2417 : vector<256x256xf32>
    %slice3A_2427 = vector.extract_strided_slice %add3A_2426 {offsets = [0, 0], sizes = [256, 128], strides = [1, 1]} : vector<256x256xf32> to vector<256x128xf32>
    %slice3A_2428 = vector.extract_strided_slice %add3A_2426 {offsets = [0, 128], sizes = [256, 128], strides = [1, 1]} : vector<256x256xf32> to vector<256x128xf32>
    %add3A_2429 = arith.constant 5120 : i32
    %add3A_2430 = vector.broadcast %add3A_2429 : i32 to vector<256x128xi32>
    %add3A_2431 = arith.addi %iota3A, %add3A_2430 : vector<256x128xi32>
    %lt3A_2432 = arith.cmpf olt, %slice3A_2428, %slice3A_2427 : vector<256x128xf32>
    %select_n3A_2433 = arith.select %lt3A_2432, %slice3A_2428, %slice3A_2427 : vector<256x128xi1>, vector<256x128xf32>
    %add3A_2434 = arith.constant 128 : i32
    %add3A_2435 = vector.broadcast %add3A_2434 : i32 to vector<256x128xi32>
    %add3A_2436 = arith.addi %add3A_2431, %add3A_2435 : vector<256x128xi32>
    %select_n3A_2437 = arith.select %lt3A_2432, %add3A_2436, %add3A_2431 : vector<256x128xi1>, vector<256x128xi32>
    %lt3A_2438 = arith.cmpf olt, %select_n3A_2433, %select_n3A_2412 : vector<256x128xf32>
    %select_n3A_2439 = arith.select %lt3A_2438, %select_n3A_2437, %select_n3A_2411 : vector<256x128xi1>, vector<256x128xi32>
    %select_n3A_2440 = arith.select %lt3A_2438, %select_n3A_2433, %select_n3A_2412 : vector<256x128xi1>, vector<256x128xf32>
    %get3A_2441 = arith.constant 0 : index
    %get3A_2442 = arith.constant 5376 : index
    %get3A_2443 = vector.load %arg4[%get3A_2441, %get3A_2442] : memref<256x8192xbf16, #tpu.memory_space<vmem>>, vector<256x256xbf16>
    %dot_general3A_2444 = arith.constant dense<0.000000e+00> : vector<256x256xf32>
    %dot_general3A_2445 = tpu.matmul %slice3A_1846, %get3A_2443, %dot_general3A_2444 {dimension_numbers = #tpu.dot_dimension_numbers<[1], [0], [0], [1], [0, 0, 1, 1], [], []>, transpose_lhs_hint = false} : vector<256x256xbf16>, vector<256x256xbf16>, vector<256x256xf32> -> vector<256x256xf32>
    %get3A_2446 = arith.constant 0 : index
    %get3A_2447 = arith.constant 5376 : index
    %get3A_2448 = vector.load %arg3[%get3A_2446, %get3A_2447] : memref<1x8192xf32, #tpu.memory_space<vmem>>, vector<1x256xf32>
    %get3A_2449 = vector.shape_cast %get3A_2448 : vector<1x256xf32> to vector<256xf32>
    %broadcast_in_dim3A_2450 = vector.shape_cast %get3A_2449 : vector<256xf32> to vector<1x256xf32>
    %add3A_2451 = vector.broadcast %broadcast_in_dim3A_1848 : vector<256x1xf32> to vector<256x256xf32>
    %add3A_2452 = vector.broadcast %broadcast_in_dim3A_2450 : vector<1x256xf32> to vector<256x256xf32>
    %add3A_2453 = arith.addf %add3A_2451, %add3A_2452 : vector<256x256xf32>
    %add3A_2454 = arith.addf %add3A_2453, %dot_general3A_2445 : vector<256x256xf32>
    %slice3A_2455 = vector.extract_strided_slice %add3A_2454 {offsets = [0, 0], sizes = [256, 128], strides = [1, 1]} : vector<256x256xf32> to vector<256x128xf32>
    %slice3A_2456 = vector.extract_strided_slice %add3A_2454 {offsets = [0, 128], sizes = [256, 128], strides = [1, 1]} : vector<256x256xf32> to vector<256x128xf32>
    %add3A_2457 = arith.constant 5376 : i32
    %add3A_2458 = vector.broadcast %add3A_2457 : i32 to vector<256x128xi32>
    %add3A_2459 = arith.addi %iota3A, %add3A_2458 : vector<256x128xi32>
    %lt3A_2460 = arith.cmpf olt, %slice3A_2456, %slice3A_2455 : vector<256x128xf32>
    %select_n3A_2461 = arith.select %lt3A_2460, %slice3A_2456, %slice3A_2455 : vector<256x128xi1>, vector<256x128xf32>
    %add3A_2462 = arith.constant 128 : i32
    %add3A_2463 = vector.broadcast %add3A_2462 : i32 to vector<256x128xi32>
    %add3A_2464 = arith.addi %add3A_2459, %add3A_2463 : vector<256x128xi32>
    %select_n3A_2465 = arith.select %lt3A_2460, %add3A_2464, %add3A_2459 : vector<256x128xi1>, vector<256x128xi32>
    %lt3A_2466 = arith.cmpf olt, %select_n3A_2461, %select_n3A_2440 : vector<256x128xf32>
    %select_n3A_2467 = arith.select %lt3A_2466, %select_n3A_2465, %select_n3A_2439 : vector<256x128xi1>, vector<256x128xi32>
    %select_n3A_2468 = arith.select %lt3A_2466, %select_n3A_2461, %select_n3A_2440 : vector<256x128xi1>, vector<256x128xf32>
    %get3A_2469 = arith.constant 0 : index
    %get3A_2470 = arith.constant 5632 : index
    %get3A_2471 = vector.load %arg4[%get3A_2469, %get3A_2470] : memref<256x8192xbf16, #tpu.memory_space<vmem>>, vector<256x256xbf16>
    %dot_general3A_2472 = arith.constant dense<0.000000e+00> : vector<256x256xf32>
    %dot_general3A_2473 = tpu.matmul %slice3A_1846, %get3A_2471, %dot_general3A_2472 {dimension_numbers = #tpu.dot_dimension_numbers<[1], [0], [0], [1], [0, 0, 1, 1], [], []>, transpose_lhs_hint = false} : vector<256x256xbf16>, vector<256x256xbf16>, vector<256x256xf32> -> vector<256x256xf32>
    %get3A_2474 = arith.constant 0 : index
    %get3A_2475 = arith.constant 5632 : index
    %get3A_2476 = vector.load %arg3[%get3A_2474, %get3A_2475] : memref<1x8192xf32, #tpu.memory_space<vmem>>, vector<1x256xf32>
    %get3A_2477 = vector.shape_cast %get3A_2476 : vector<1x256xf32> to vector<256xf32>
    %broadcast_in_dim3A_2478 = vector.shape_cast %get3A_2477 : vector<256xf32> to vector<1x256xf32>
    %add3A_2479 = vector.broadcast %broadcast_in_dim3A_1848 : vector<256x1xf32> to vector<256x256xf32>
    %add3A_2480 = vector.broadcast %broadcast_in_dim3A_2478 : vector<1x256xf32> to vector<256x256xf32>
    %add3A_2481 = arith.addf %add3A_2479, %add3A_2480 : vector<256x256xf32>
    %add3A_2482 = arith.addf %add3A_2481, %dot_general3A_2473 : vector<256x256xf32>
    %slice3A_2483 = vector.extract_strided_slice %add3A_2482 {offsets = [0, 0], sizes = [256, 128], strides = [1, 1]} : vector<256x256xf32> to vector<256x128xf32>
    %slice3A_2484 = vector.extract_strided_slice %add3A_2482 {offsets = [0, 128], sizes = [256, 128], strides = [1, 1]} : vector<256x256xf32> to vector<256x128xf32>
    %add3A_2485 = arith.constant 5632 : i32
    %add3A_2486 = vector.broadcast %add3A_2485 : i32 to vector<256x128xi32>
    %add3A_2487 = arith.addi %iota3A, %add3A_2486 : vector<256x128xi32>
    %lt3A_2488 = arith.cmpf olt, %slice3A_2484, %slice3A_2483 : vector<256x128xf32>
    %select_n3A_2489 = arith.select %lt3A_2488, %slice3A_2484, %slice3A_2483 : vector<256x128xi1>, vector<256x128xf32>
    %add3A_2490 = arith.constant 128 : i32
    %add3A_2491 = vector.broadcast %add3A_2490 : i32 to vector<256x128xi32>
    %add3A_2492 = arith.addi %add3A_2487, %add3A_2491 : vector<256x128xi32>
    %select_n3A_2493 = arith.select %lt3A_2488, %add3A_2492, %add3A_2487 : vector<256x128xi1>, vector<256x128xi32>
    %lt3A_2494 = arith.cmpf olt, %select_n3A_2489, %select_n3A_2468 : vector<256x128xf32>
    %select_n3A_2495 = arith.select %lt3A_2494, %select_n3A_2493, %select_n3A_2467 : vector<256x128xi1>, vector<256x128xi32>
    %select_n3A_2496 = arith.select %lt3A_2494, %select_n3A_2489, %select_n3A_2468 : vector<256x128xi1>, vector<256x128xf32>
    %get3A_2497 = arith.constant 0 : index
    %get3A_2498 = arith.constant 5888 : index
    %get3A_2499 = vector.load %arg4[%get3A_2497, %get3A_2498] : memref<256x8192xbf16, #tpu.memory_space<vmem>>, vector<256x256xbf16>
    %dot_general3A_2500 = arith.constant dense<0.000000e+00> : vector<256x256xf32>
    %dot_general3A_2501 = tpu.matmul %slice3A_1846, %get3A_2499, %dot_general3A_2500 {dimension_numbers = #tpu.dot_dimension_numbers<[1], [0], [0], [1], [0, 0, 1, 1], [], []>, transpose_lhs_hint = false} : vector<256x256xbf16>, vector<256x256xbf16>, vector<256x256xf32> -> vector<256x256xf32>
    %get3A_2502 = arith.constant 0 : index
    %get3A_2503 = arith.constant 5888 : index
    %get3A_2504 = vector.load %arg3[%get3A_2502, %get3A_2503] : memref<1x8192xf32, #tpu.memory_space<vmem>>, vector<1x256xf32>
    %get3A_2505 = vector.shape_cast %get3A_2504 : vector<1x256xf32> to vector<256xf32>
    %broadcast_in_dim3A_2506 = vector.shape_cast %get3A_2505 : vector<256xf32> to vector<1x256xf32>
    %add3A_2507 = vector.broadcast %broadcast_in_dim3A_1848 : vector<256x1xf32> to vector<256x256xf32>
    %add3A_2508 = vector.broadcast %broadcast_in_dim3A_2506 : vector<1x256xf32> to vector<256x256xf32>
    %add3A_2509 = arith.addf %add3A_2507, %add3A_2508 : vector<256x256xf32>
    %add3A_2510 = arith.addf %add3A_2509, %dot_general3A_2501 : vector<256x256xf32>
    %slice3A_2511 = vector.extract_strided_slice %add3A_2510 {offsets = [0, 0], sizes = [256, 128], strides = [1, 1]} : vector<256x256xf32> to vector<256x128xf32>
    %slice3A_2512 = vector.extract_strided_slice %add3A_2510 {offsets = [0, 128], sizes = [256, 128], strides = [1, 1]} : vector<256x256xf32> to vector<256x128xf32>
    %add3A_2513 = arith.constant 5888 : i32
    %add3A_2514 = vector.broadcast %add3A_2513 : i32 to vector<256x128xi32>
    %add3A_2515 = arith.addi %iota3A, %add3A_2514 : vector<256x128xi32>
    %lt3A_2516 = arith.cmpf olt, %slice3A_2512, %slice3A_2511 : vector<256x128xf32>
    %select_n3A_2517 = arith.select %lt3A_2516, %slice3A_2512, %slice3A_2511 : vector<256x128xi1>, vector<256x128xf32>
    %add3A_2518 = arith.constant 128 : i32
    %add3A_2519 = vector.broadcast %add3A_2518 : i32 to vector<256x128xi32>
    %add3A_2520 = arith.addi %add3A_2515, %add3A_2519 : vector<256x128xi32>
    %select_n3A_2521 = arith.select %lt3A_2516, %add3A_2520, %add3A_2515 : vector<256x128xi1>, vector<256x128xi32>
    %lt3A_2522 = arith.cmpf olt, %select_n3A_2517, %select_n3A_2496 : vector<256x128xf32>
    %select_n3A_2523 = arith.select %lt3A_2522, %select_n3A_2521, %select_n3A_2495 : vector<256x128xi1>, vector<256x128xi32>
    %select_n3A_2524 = arith.select %lt3A_2522, %select_n3A_2517, %select_n3A_2496 : vector<256x128xi1>, vector<256x128xf32>
    %get3A_2525 = arith.constant 0 : index
    %get3A_2526 = arith.constant 6144 : index
    %get3A_2527 = vector.load %arg4[%get3A_2525, %get3A_2526] : memref<256x8192xbf16, #tpu.memory_space<vmem>>, vector<256x256xbf16>
    %dot_general3A_2528 = arith.constant dense<0.000000e+00> : vector<256x256xf32>
    %dot_general3A_2529 = tpu.matmul %slice3A_1846, %get3A_2527, %dot_general3A_2528 {dimension_numbers = #tpu.dot_dimension_numbers<[1], [0], [0], [1], [0, 0, 1, 1], [], []>, transpose_lhs_hint = false} : vector<256x256xbf16>, vector<256x256xbf16>, vector<256x256xf32> -> vector<256x256xf32>
    %get3A_2530 = arith.constant 0 : index
    %get3A_2531 = arith.constant 6144 : index
    %get3A_2532 = vector.load %arg3[%get3A_2530, %get3A_2531] : memref<1x8192xf32, #tpu.memory_space<vmem>>, vector<1x256xf32>
    %get3A_2533 = vector.shape_cast %get3A_2532 : vector<1x256xf32> to vector<256xf32>
    %broadcast_in_dim3A_2534 = vector.shape_cast %get3A_2533 : vector<256xf32> to vector<1x256xf32>
    %add3A_2535 = vector.broadcast %broadcast_in_dim3A_1848 : vector<256x1xf32> to vector<256x256xf32>
    %add3A_2536 = vector.broadcast %broadcast_in_dim3A_2534 : vector<1x256xf32> to vector<256x256xf32>
    %add3A_2537 = arith.addf %add3A_2535, %add3A_2536 : vector<256x256xf32>
    %add3A_2538 = arith.addf %add3A_2537, %dot_general3A_2529 : vector<256x256xf32>
    %slice3A_2539 = vector.extract_strided_slice %add3A_2538 {offsets = [0, 0], sizes = [256, 128], strides = [1, 1]} : vector<256x256xf32> to vector<256x128xf32>
    %slice3A_2540 = vector.extract_strided_slice %add3A_2538 {offsets = [0, 128], sizes = [256, 128], strides = [1, 1]} : vector<256x256xf32> to vector<256x128xf32>
    %add3A_2541 = arith.constant 6144 : i32
    %add3A_2542 = vector.broadcast %add3A_2541 : i32 to vector<256x128xi32>
    %add3A_2543 = arith.addi %iota3A, %add3A_2542 : vector<256x128xi32>
    %lt3A_2544 = arith.cmpf olt, %slice3A_2540, %slice3A_2539 : vector<256x128xf32>
    %select_n3A_2545 = arith.select %lt3A_2544, %slice3A_2540, %slice3A_2539 : vector<256x128xi1>, vector<256x128xf32>
    %add3A_2546 = arith.constant 128 : i32
    %add3A_2547 = vector.broadcast %add3A_2546 : i32 to vector<256x128xi32>
    %add3A_2548 = arith.addi %add3A_2543, %add3A_2547 : vector<256x128xi32>
    %select_n3A_2549 = arith.select %lt3A_2544, %add3A_2548, %add3A_2543 : vector<256x128xi1>, vector<256x128xi32>
    %lt3A_2550 = arith.cmpf olt, %select_n3A_2545, %select_n3A_2524 : vector<256x128xf32>
    %select_n3A_2551 = arith.select %lt3A_2550, %select_n3A_2549, %select_n3A_2523 : vector<256x128xi1>, vector<256x128xi32>
    %select_n3A_2552 = arith.select %lt3A_2550, %select_n3A_2545, %select_n3A_2524 : vector<256x128xi1>, vector<256x128xf32>
    %get3A_2553 = arith.constant 0 : index
    %get3A_2554 = arith.constant 6400 : index
    %get3A_2555 = vector.load %arg4[%get3A_2553, %get3A_2554] : memref<256x8192xbf16, #tpu.memory_space<vmem>>, vector<256x256xbf16>
    %dot_general3A_2556 = arith.constant dense<0.000000e+00> : vector<256x256xf32>
    %dot_general3A_2557 = tpu.matmul %slice3A_1846, %get3A_2555, %dot_general3A_2556 {dimension_numbers = #tpu.dot_dimension_numbers<[1], [0], [0], [1], [0, 0, 1, 1], [], []>, transpose_lhs_hint = false} : vector<256x256xbf16>, vector<256x256xbf16>, vector<256x256xf32> -> vector<256x256xf32>
    %get3A_2558 = arith.constant 0 : index
    %get3A_2559 = arith.constant 6400 : index
    %get3A_2560 = vector.load %arg3[%get3A_2558, %get3A_2559] : memref<1x8192xf32, #tpu.memory_space<vmem>>, vector<1x256xf32>
    %get3A_2561 = vector.shape_cast %get3A_2560 : vector<1x256xf32> to vector<256xf32>
    %broadcast_in_dim3A_2562 = vector.shape_cast %get3A_2561 : vector<256xf32> to vector<1x256xf32>
    %add3A_2563 = vector.broadcast %broadcast_in_dim3A_1848 : vector<256x1xf32> to vector<256x256xf32>
    %add3A_2564 = vector.broadcast %broadcast_in_dim3A_2562 : vector<1x256xf32> to vector<256x256xf32>
    %add3A_2565 = arith.addf %add3A_2563, %add3A_2564 : vector<256x256xf32>
    %add3A_2566 = arith.addf %add3A_2565, %dot_general3A_2557 : vector<256x256xf32>
    %slice3A_2567 = vector.extract_strided_slice %add3A_2566 {offsets = [0, 0], sizes = [256, 128], strides = [1, 1]} : vector<256x256xf32> to vector<256x128xf32>
    %slice3A_2568 = vector.extract_strided_slice %add3A_2566 {offsets = [0, 128], sizes = [256, 128], strides = [1, 1]} : vector<256x256xf32> to vector<256x128xf32>
    %add3A_2569 = arith.constant 6400 : i32
    %add3A_2570 = vector.broadcast %add3A_2569 : i32 to vector<256x128xi32>
    %add3A_2571 = arith.addi %iota3A, %add3A_2570 : vector<256x128xi32>
    %lt3A_2572 = arith.cmpf olt, %slice3A_2568, %slice3A_2567 : vector<256x128xf32>
    %select_n3A_2573 = arith.select %lt3A_2572, %slice3A_2568, %slice3A_2567 : vector<256x128xi1>, vector<256x128xf32>
    %add3A_2574 = arith.constant 128 : i32
    %add3A_2575 = vector.broadcast %add3A_2574 : i32 to vector<256x128xi32>
    %add3A_2576 = arith.addi %add3A_2571, %add3A_2575 : vector<256x128xi32>
    %select_n3A_2577 = arith.select %lt3A_2572, %add3A_2576, %add3A_2571 : vector<256x128xi1>, vector<256x128xi32>
    %lt3A_2578 = arith.cmpf olt, %select_n3A_2573, %select_n3A_2552 : vector<256x128xf32>
    %select_n3A_2579 = arith.select %lt3A_2578, %select_n3A_2577, %select_n3A_2551 : vector<256x128xi1>, vector<256x128xi32>
    %select_n3A_2580 = arith.select %lt3A_2578, %select_n3A_2573, %select_n3A_2552 : vector<256x128xi1>, vector<256x128xf32>
    %get3A_2581 = arith.constant 0 : index
    %get3A_2582 = arith.constant 6656 : index
    %get3A_2583 = vector.load %arg4[%get3A_2581, %get3A_2582] : memref<256x8192xbf16, #tpu.memory_space<vmem>>, vector<256x256xbf16>
    %dot_general3A_2584 = arith.constant dense<0.000000e+00> : vector<256x256xf32>
    %dot_general3A_2585 = tpu.matmul %slice3A_1846, %get3A_2583, %dot_general3A_2584 {dimension_numbers = #tpu.dot_dimension_numbers<[1], [0], [0], [1], [0, 0, 1, 1], [], []>, transpose_lhs_hint = false} : vector<256x256xbf16>, vector<256x256xbf16>, vector<256x256xf32> -> vector<256x256xf32>
    %get3A_2586 = arith.constant 0 : index
    %get3A_2587 = arith.constant 6656 : index
    %get3A_2588 = vector.load %arg3[%get3A_2586, %get3A_2587] : memref<1x8192xf32, #tpu.memory_space<vmem>>, vector<1x256xf32>
    %get3A_2589 = vector.shape_cast %get3A_2588 : vector<1x256xf32> to vector<256xf32>
    %broadcast_in_dim3A_2590 = vector.shape_cast %get3A_2589 : vector<256xf32> to vector<1x256xf32>
    %add3A_2591 = vector.broadcast %broadcast_in_dim3A_1848 : vector<256x1xf32> to vector<256x256xf32>
    %add3A_2592 = vector.broadcast %broadcast_in_dim3A_2590 : vector<1x256xf32> to vector<256x256xf32>
    %add3A_2593 = arith.addf %add3A_2591, %add3A_2592 : vector<256x256xf32>
    %add3A_2594 = arith.addf %add3A_2593, %dot_general3A_2585 : vector<256x256xf32>
    %slice3A_2595 = vector.extract_strided_slice %add3A_2594 {offsets = [0, 0], sizes = [256, 128], strides = [1, 1]} : vector<256x256xf32> to vector<256x128xf32>
    %slice3A_2596 = vector.extract_strided_slice %add3A_2594 {offsets = [0, 128], sizes = [256, 128], strides = [1, 1]} : vector<256x256xf32> to vector<256x128xf32>
    %add3A_2597 = arith.constant 6656 : i32
    %add3A_2598 = vector.broadcast %add3A_2597 : i32 to vector<256x128xi32>
    %add3A_2599 = arith.addi %iota3A, %add3A_2598 : vector<256x128xi32>
    %lt3A_2600 = arith.cmpf olt, %slice3A_2596, %slice3A_2595 : vector<256x128xf32>
    %select_n3A_2601 = arith.select %lt3A_2600, %slice3A_2596, %slice3A_2595 : vector<256x128xi1>, vector<256x128xf32>
    %add3A_2602 = arith.constant 128 : i32
    %add3A_2603 = vector.broadcast %add3A_2602 : i32 to vector<256x128xi32>
    %add3A_2604 = arith.addi %add3A_2599, %add3A_2603 : vector<256x128xi32>
    %select_n3A_2605 = arith.select %lt3A_2600, %add3A_2604, %add3A_2599 : vector<256x128xi1>, vector<256x128xi32>
    %lt3A_2606 = arith.cmpf olt, %select_n3A_2601, %select_n3A_2580 : vector<256x128xf32>
    %select_n3A_2607 = arith.select %lt3A_2606, %select_n3A_2605, %select_n3A_2579 : vector<256x128xi1>, vector<256x128xi32>
    %select_n3A_2608 = arith.select %lt3A_2606, %select_n3A_2601, %select_n3A_2580 : vector<256x128xi1>, vector<256x128xf32>
    %get3A_2609 = arith.constant 0 : index
    %get3A_2610 = arith.constant 6912 : index
    %get3A_2611 = vector.load %arg4[%get3A_2609, %get3A_2610] : memref<256x8192xbf16, #tpu.memory_space<vmem>>, vector<256x256xbf16>
    %dot_general3A_2612 = arith.constant dense<0.000000e+00> : vector<256x256xf32>
    %dot_general3A_2613 = tpu.matmul %slice3A_1846, %get3A_2611, %dot_general3A_2612 {dimension_numbers = #tpu.dot_dimension_numbers<[1], [0], [0], [1], [0, 0, 1, 1], [], []>, transpose_lhs_hint = false} : vector<256x256xbf16>, vector<256x256xbf16>, vector<256x256xf32> -> vector<256x256xf32>
    %get3A_2614 = arith.constant 0 : index
    %get3A_2615 = arith.constant 6912 : index
    %get3A_2616 = vector.load %arg3[%get3A_2614, %get3A_2615] : memref<1x8192xf32, #tpu.memory_space<vmem>>, vector<1x256xf32>
    %get3A_2617 = vector.shape_cast %get3A_2616 : vector<1x256xf32> to vector<256xf32>
    %broadcast_in_dim3A_2618 = vector.shape_cast %get3A_2617 : vector<256xf32> to vector<1x256xf32>
    %add3A_2619 = vector.broadcast %broadcast_in_dim3A_1848 : vector<256x1xf32> to vector<256x256xf32>
    %add3A_2620 = vector.broadcast %broadcast_in_dim3A_2618 : vector<1x256xf32> to vector<256x256xf32>
    %add3A_2621 = arith.addf %add3A_2619, %add3A_2620 : vector<256x256xf32>
    %add3A_2622 = arith.addf %add3A_2621, %dot_general3A_2613 : vector<256x256xf32>
    %slice3A_2623 = vector.extract_strided_slice %add3A_2622 {offsets = [0, 0], sizes = [256, 128], strides = [1, 1]} : vector<256x256xf32> to vector<256x128xf32>
    %slice3A_2624 = vector.extract_strided_slice %add3A_2622 {offsets = [0, 128], sizes = [256, 128], strides = [1, 1]} : vector<256x256xf32> to vector<256x128xf32>
    %add3A_2625 = arith.constant 6912 : i32
    %add3A_2626 = vector.broadcast %add3A_2625 : i32 to vector<256x128xi32>
    %add3A_2627 = arith.addi %iota3A, %add3A_2626 : vector<256x128xi32>
    %lt3A_2628 = arith.cmpf olt, %slice3A_2624, %slice3A_2623 : vector<256x128xf32>
    %select_n3A_2629 = arith.select %lt3A_2628, %slice3A_2624, %slice3A_2623 : vector<256x128xi1>, vector<256x128xf32>
    %add3A_2630 = arith.constant 128 : i32
    %add3A_2631 = vector.broadcast %add3A_2630 : i32 to vector<256x128xi32>
    %add3A_2632 = arith.addi %add3A_2627, %add3A_2631 : vector<256x128xi32>
    %select_n3A_2633 = arith.select %lt3A_2628, %add3A_2632, %add3A_2627 : vector<256x128xi1>, vector<256x128xi32>
    %lt3A_2634 = arith.cmpf olt, %select_n3A_2629, %select_n3A_2608 : vector<256x128xf32>
    %select_n3A_2635 = arith.select %lt3A_2634, %select_n3A_2633, %select_n3A_2607 : vector<256x128xi1>, vector<256x128xi32>
    %select_n3A_2636 = arith.select %lt3A_2634, %select_n3A_2629, %select_n3A_2608 : vector<256x128xi1>, vector<256x128xf32>
    %get3A_2637 = arith.constant 0 : index
    %get3A_2638 = arith.constant 7168 : index
    %get3A_2639 = vector.load %arg4[%get3A_2637, %get3A_2638] : memref<256x8192xbf16, #tpu.memory_space<vmem>>, vector<256x256xbf16>
    %dot_general3A_2640 = arith.constant dense<0.000000e+00> : vector<256x256xf32>
    %dot_general3A_2641 = tpu.matmul %slice3A_1846, %get3A_2639, %dot_general3A_2640 {dimension_numbers = #tpu.dot_dimension_numbers<[1], [0], [0], [1], [0, 0, 1, 1], [], []>, transpose_lhs_hint = false} : vector<256x256xbf16>, vector<256x256xbf16>, vector<256x256xf32> -> vector<256x256xf32>
    %get3A_2642 = arith.constant 0 : index
    %get3A_2643 = arith.constant 7168 : index
    %get3A_2644 = vector.load %arg3[%get3A_2642, %get3A_2643] : memref<1x8192xf32, #tpu.memory_space<vmem>>, vector<1x256xf32>
    %get3A_2645 = vector.shape_cast %get3A_2644 : vector<1x256xf32> to vector<256xf32>
    %broadcast_in_dim3A_2646 = vector.shape_cast %get3A_2645 : vector<256xf32> to vector<1x256xf32>
    %add3A_2647 = vector.broadcast %broadcast_in_dim3A_1848 : vector<256x1xf32> to vector<256x256xf32>
    %add3A_2648 = vector.broadcast %broadcast_in_dim3A_2646 : vector<1x256xf32> to vector<256x256xf32>
    %add3A_2649 = arith.addf %add3A_2647, %add3A_2648 : vector<256x256xf32>
    %add3A_2650 = arith.addf %add3A_2649, %dot_general3A_2641 : vector<256x256xf32>
    %slice3A_2651 = vector.extract_strided_slice %add3A_2650 {offsets = [0, 0], sizes = [256, 128], strides = [1, 1]} : vector<256x256xf32> to vector<256x128xf32>
    %slice3A_2652 = vector.extract_strided_slice %add3A_2650 {offsets = [0, 128], sizes = [256, 128], strides = [1, 1]} : vector<256x256xf32> to vector<256x128xf32>
    %add3A_2653 = arith.constant 7168 : i32
    %add3A_2654 = vector.broadcast %add3A_2653 : i32 to vector<256x128xi32>
    %add3A_2655 = arith.addi %iota3A, %add3A_2654 : vector<256x128xi32>
    %lt3A_2656 = arith.cmpf olt, %slice3A_2652, %slice3A_2651 : vector<256x128xf32>
    %select_n3A_2657 = arith.select %lt3A_2656, %slice3A_2652, %slice3A_2651 : vector<256x128xi1>, vector<256x128xf32>
    %add3A_2658 = arith.constant 128 : i32
    %add3A_2659 = vector.broadcast %add3A_2658 : i32 to vector<256x128xi32>
    %add3A_2660 = arith.addi %add3A_2655, %add3A_2659 : vector<256x128xi32>
    %select_n3A_2661 = arith.select %lt3A_2656, %add3A_2660, %add3A_2655 : vector<256x128xi1>, vector<256x128xi32>
    %lt3A_2662 = arith.cmpf olt, %select_n3A_2657, %select_n3A_2636 : vector<256x128xf32>
    %select_n3A_2663 = arith.select %lt3A_2662, %select_n3A_2661, %select_n3A_2635 : vector<256x128xi1>, vector<256x128xi32>
    %select_n3A_2664 = arith.select %lt3A_2662, %select_n3A_2657, %select_n3A_2636 : vector<256x128xi1>, vector<256x128xf32>
    %get3A_2665 = arith.constant 0 : index
    %get3A_2666 = arith.constant 7424 : index
    %get3A_2667 = vector.load %arg4[%get3A_2665, %get3A_2666] : memref<256x8192xbf16, #tpu.memory_space<vmem>>, vector<256x256xbf16>
    %dot_general3A_2668 = arith.constant dense<0.000000e+00> : vector<256x256xf32>
    %dot_general3A_2669 = tpu.matmul %slice3A_1846, %get3A_2667, %dot_general3A_2668 {dimension_numbers = #tpu.dot_dimension_numbers<[1], [0], [0], [1], [0, 0, 1, 1], [], []>, transpose_lhs_hint = false} : vector<256x256xbf16>, vector<256x256xbf16>, vector<256x256xf32> -> vector<256x256xf32>
    %get3A_2670 = arith.constant 0 : index
    %get3A_2671 = arith.constant 7424 : index
    %get3A_2672 = vector.load %arg3[%get3A_2670, %get3A_2671] : memref<1x8192xf32, #tpu.memory_space<vmem>>, vector<1x256xf32>
    %get3A_2673 = vector.shape_cast %get3A_2672 : vector<1x256xf32> to vector<256xf32>
    %broadcast_in_dim3A_2674 = vector.shape_cast %get3A_2673 : vector<256xf32> to vector<1x256xf32>
    %add3A_2675 = vector.broadcast %broadcast_in_dim3A_1848 : vector<256x1xf32> to vector<256x256xf32>
    %add3A_2676 = vector.broadcast %broadcast_in_dim3A_2674 : vector<1x256xf32> to vector<256x256xf32>
    %add3A_2677 = arith.addf %add3A_2675, %add3A_2676 : vector<256x256xf32>
    %add3A_2678 = arith.addf %add3A_2677, %dot_general3A_2669 : vector<256x256xf32>
    %slice3A_2679 = vector.extract_strided_slice %add3A_2678 {offsets = [0, 0], sizes = [256, 128], strides = [1, 1]} : vector<256x256xf32> to vector<256x128xf32>
    %slice3A_2680 = vector.extract_strided_slice %add3A_2678 {offsets = [0, 128], sizes = [256, 128], strides = [1, 1]} : vector<256x256xf32> to vector<256x128xf32>
    %add3A_2681 = arith.constant 7424 : i32
    %add3A_2682 = vector.broadcast %add3A_2681 : i32 to vector<256x128xi32>
    %add3A_2683 = arith.addi %iota3A, %add3A_2682 : vector<256x128xi32>
    %lt3A_2684 = arith.cmpf olt, %slice3A_2680, %slice3A_2679 : vector<256x128xf32>
    %select_n3A_2685 = arith.select %lt3A_2684, %slice3A_2680, %slice3A_2679 : vector<256x128xi1>, vector<256x128xf32>
    %add3A_2686 = arith.constant 128 : i32
    %add3A_2687 = vector.broadcast %add3A_2686 : i32 to vector<256x128xi32>
    %add3A_2688 = arith.addi %add3A_2683, %add3A_2687 : vector<256x128xi32>
    %select_n3A_2689 = arith.select %lt3A_2684, %add3A_2688, %add3A_2683 : vector<256x128xi1>, vector<256x128xi32>
    %lt3A_2690 = arith.cmpf olt, %select_n3A_2685, %select_n3A_2664 : vector<256x128xf32>
    %select_n3A_2691 = arith.select %lt3A_2690, %select_n3A_2689, %select_n3A_2663 : vector<256x128xi1>, vector<256x128xi32>
    %select_n3A_2692 = arith.select %lt3A_2690, %select_n3A_2685, %select_n3A_2664 : vector<256x128xi1>, vector<256x128xf32>
    %get3A_2693 = arith.constant 0 : index
    %get3A_2694 = arith.constant 7680 : index
    %get3A_2695 = vector.load %arg4[%get3A_2693, %get3A_2694] : memref<256x8192xbf16, #tpu.memory_space<vmem>>, vector<256x256xbf16>
    %dot_general3A_2696 = arith.constant dense<0.000000e+00> : vector<256x256xf32>
    %dot_general3A_2697 = tpu.matmul %slice3A_1846, %get3A_2695, %dot_general3A_2696 {dimension_numbers = #tpu.dot_dimension_numbers<[1], [0], [0], [1], [0, 0, 1, 1], [], []>, transpose_lhs_hint = false} : vector<256x256xbf16>, vector<256x256xbf16>, vector<256x256xf32> -> vector<256x256xf32>
    %get3A_2698 = arith.constant 0 : index
    %get3A_2699 = arith.constant 7680 : index
    %get3A_2700 = vector.load %arg3[%get3A_2698, %get3A_2699] : memref<1x8192xf32, #tpu.memory_space<vmem>>, vector<1x256xf32>
    %get3A_2701 = vector.shape_cast %get3A_2700 : vector<1x256xf32> to vector<256xf32>
    %broadcast_in_dim3A_2702 = vector.shape_cast %get3A_2701 : vector<256xf32> to vector<1x256xf32>
    %add3A_2703 = vector.broadcast %broadcast_in_dim3A_1848 : vector<256x1xf32> to vector<256x256xf32>
    %add3A_2704 = vector.broadcast %broadcast_in_dim3A_2702 : vector<1x256xf32> to vector<256x256xf32>
    %add3A_2705 = arith.addf %add3A_2703, %add3A_2704 : vector<256x256xf32>
    %add3A_2706 = arith.addf %add3A_2705, %dot_general3A_2697 : vector<256x256xf32>
    %slice3A_2707 = vector.extract_strided_slice %add3A_2706 {offsets = [0, 0], sizes = [256, 128], strides = [1, 1]} : vector<256x256xf32> to vector<256x128xf32>
    %slice3A_2708 = vector.extract_strided_slice %add3A_2706 {offsets = [0, 128], sizes = [256, 128], strides = [1, 1]} : vector<256x256xf32> to vector<256x128xf32>
    %add3A_2709 = arith.constant 7680 : i32
    %add3A_2710 = vector.broadcast %add3A_2709 : i32 to vector<256x128xi32>
    %add3A_2711 = arith.addi %iota3A, %add3A_2710 : vector<256x128xi32>
    %lt3A_2712 = arith.cmpf olt, %slice3A_2708, %slice3A_2707 : vector<256x128xf32>
    %select_n3A_2713 = arith.select %lt3A_2712, %slice3A_2708, %slice3A_2707 : vector<256x128xi1>, vector<256x128xf32>
    %add3A_2714 = arith.constant 128 : i32
    %add3A_2715 = vector.broadcast %add3A_2714 : i32 to vector<256x128xi32>
    %add3A_2716 = arith.addi %add3A_2711, %add3A_2715 : vector<256x128xi32>
    %select_n3A_2717 = arith.select %lt3A_2712, %add3A_2716, %add3A_2711 : vector<256x128xi1>, vector<256x128xi32>
    %lt3A_2718 = arith.cmpf olt, %select_n3A_2713, %select_n3A_2692 : vector<256x128xf32>
    %select_n3A_2719 = arith.select %lt3A_2718, %select_n3A_2717, %select_n3A_2691 : vector<256x128xi1>, vector<256x128xi32>
    %select_n3A_2720 = arith.select %lt3A_2718, %select_n3A_2713, %select_n3A_2692 : vector<256x128xi1>, vector<256x128xf32>
    %get3A_2721 = arith.constant 0 : index
    %get3A_2722 = arith.constant 7936 : index
    %get3A_2723 = vector.load %arg4[%get3A_2721, %get3A_2722] : memref<256x8192xbf16, #tpu.memory_space<vmem>>, vector<256x256xbf16>
    %dot_general3A_2724 = arith.constant dense<0.000000e+00> : vector<256x256xf32>
    %dot_general3A_2725 = tpu.matmul %slice3A_1846, %get3A_2723, %dot_general3A_2724 {dimension_numbers = #tpu.dot_dimension_numbers<[1], [0], [0], [1], [0, 0, 1, 1], [], []>, transpose_lhs_hint = false} : vector<256x256xbf16>, vector<256x256xbf16>, vector<256x256xf32> -> vector<256x256xf32>
    %get3A_2726 = arith.constant 0 : index
    %get3A_2727 = arith.constant 7936 : index
    %get3A_2728 = vector.load %arg3[%get3A_2726, %get3A_2727] : memref<1x8192xf32, #tpu.memory_space<vmem>>, vector<1x256xf32>
    %get3A_2729 = vector.shape_cast %get3A_2728 : vector<1x256xf32> to vector<256xf32>
    %broadcast_in_dim3A_2730 = vector.shape_cast %get3A_2729 : vector<256xf32> to vector<1x256xf32>
    %add3A_2731 = vector.broadcast %broadcast_in_dim3A_1848 : vector<256x1xf32> to vector<256x256xf32>
    %add3A_2732 = vector.broadcast %broadcast_in_dim3A_2730 : vector<1x256xf32> to vector<256x256xf32>
    %add3A_2733 = arith.addf %add3A_2731, %add3A_2732 : vector<256x256xf32>
    %add3A_2734 = arith.addf %add3A_2733, %dot_general3A_2725 : vector<256x256xf32>
    %slice3A_2735 = vector.extract_strided_slice %add3A_2734 {offsets = [0, 0], sizes = [256, 128], strides = [1, 1]} : vector<256x256xf32> to vector<256x128xf32>
    %slice3A_2736 = vector.extract_strided_slice %add3A_2734 {offsets = [0, 128], sizes = [256, 128], strides = [1, 1]} : vector<256x256xf32> to vector<256x128xf32>
    %add3A_2737 = arith.constant 7936 : i32
    %add3A_2738 = vector.broadcast %add3A_2737 : i32 to vector<256x128xi32>
    %add3A_2739 = arith.addi %iota3A, %add3A_2738 : vector<256x128xi32>
    %lt3A_2740 = arith.cmpf olt, %slice3A_2736, %slice3A_2735 : vector<256x128xf32>
    %select_n3A_2741 = arith.select %lt3A_2740, %slice3A_2736, %slice3A_2735 : vector<256x128xi1>, vector<256x128xf32>
    %add3A_2742 = arith.constant 128 : i32
    %add3A_2743 = vector.broadcast %add3A_2742 : i32 to vector<256x128xi32>
    %add3A_2744 = arith.addi %add3A_2739, %add3A_2743 : vector<256x128xi32>
    %select_n3A_2745 = arith.select %lt3A_2740, %add3A_2744, %add3A_2739 : vector<256x128xi1>, vector<256x128xi32>
    %lt3A_2746 = arith.cmpf olt, %select_n3A_2741, %select_n3A_2720 : vector<256x128xf32>
    %select_n3A_2747 = arith.select %lt3A_2746, %select_n3A_2745, %select_n3A_2719 : vector<256x128xi1>, vector<256x128xi32>
    %select_n3A_2748 = arith.select %lt3A_2746, %select_n3A_2741, %select_n3A_2720 : vector<256x128xi1>, vector<256x128xf32>
    %reduce_min3A_2749 = arith.constant dense<0x7F800000> : vector<256xf32>
    %reduce_min3A_2750 = vector.multi_reduction <minimumf>, %select_n3A_2748, %reduce_min3A_2749 [1] : vector<256x128xf32> to vector<256xf32>
    %broadcast_in_dim3A_2751 = vector.shape_cast %reduce_min3A_2750 : vector<256xf32> to vector<256x1xf32>
    %eq3A_2752 = vector.broadcast %broadcast_in_dim3A_2751 : vector<256x1xf32> to vector<256x128xf32>
    %eq3A_2753 = arith.cmpf oeq, %select_n3A_2748, %eq3A_2752 : vector<256x128xf32>
    %jit3A_2754 = arith.constant 8192 : i32
    %broadcast_in_dim3A_2755 = vector.broadcast %jit3A_2754 : i32 to vector<256x128xi32>
    %select_n3A_2756 = arith.select %eq3A_2753, %select_n3A_2747, %broadcast_in_dim3A_2755 : vector<256x128xi1>, vector<256x128xi32>
    %reduce_min3A_2757 = arith.constant dense<2147483647> : vector<256xi32>
    %reduce_min3A_2758 = vector.multi_reduction <minsi>, %select_n3A_2756, %reduce_min3A_2757 [1] : vector<256x128xi32> to vector<256xi32>
    %broadcast_in_dim3A_2759 = vector.shape_cast %reduce_min3A_2758 : vector<256xi32> to vector<256x1xi32>
    %swap3A_2760 = arith.constant 512 : index
    %swap3A_2761 = arith.constant 0 : index
    %swap3A_2762 = vector.load %arg5[%swap3A_2760, %swap3A_2761] : memref<1024x1xi32, #tpu.memory_space<vmem>>, vector<256x1xi32>
    tpu.vector_store %arg5[%swap3A_2760, %swap3A_2761], %broadcast_in_dim3A_2759 {strides = array<i32>} : memref<1024x1xi32, #tpu.memory_space<vmem>>, vector<256x1xi32>,
    %reduce_sum3A_2763 = vector.shape_cast %reduce_min3A_2750 : vector<256xf32> to vector<1x256xf32>
    %reduce_sum3A_2764 = arith.constant dense<0.000000e+00> : vector<1xf32>
    %reduce_sum3A_2765 = vector.multi_reduction <add>, %reduce_sum3A_2763, %reduce_sum3A_2764 [1] : vector<1x256xf32> to vector<1xf32>
    %reduce_sum3A_2766 = vector.shape_cast %reduce_sum3A_2765 : vector<1xf32> to vector<1x1xf32>
    %reduce_sum3A_2767 = vector.extract %reduce_sum3A_2766[0, 0] : f32 from vector<1x1xf32>
    %add3A_2768 = arith.addf %add3A_1845, %reduce_sum3A_2767 : f32
    %slice3A_2769 = vector.extract_strided_slice %convert_element_type3A_8 {offsets = [768, 0], sizes = [256, 256], strides = [1, 1]} : vector<1024x256xbf16> to vector<256x256xbf16>
    %slice3A_2770 = vector.extract_strided_slice %get3A_5 {offsets = [768], sizes = [256], strides = [1]} : vector<1024xf32> to vector<256xf32>
    %broadcast_in_dim3A_2771 = vector.shape_cast %slice3A_2770 : vector<256xf32> to vector<256x1xf32>
    %broadcast_in_dim3A_2772 = arith.constant 0x7F800000 : f32
    %broadcast_in_dim3A_2773 = vector.broadcast %broadcast_in_dim3A_2772 : f32 to vector<256x128xf32>
    %broadcast_in_dim3A_2774 = arith.constant 0 : i32
    %broadcast_in_dim3A_2775 = vector.broadcast %broadcast_in_dim3A_2774 : i32 to vector<256x128xi32>
    %get3A_2776 = arith.constant 0 : index
    %get3A_2777 = arith.constant 0 : index
    %get3A_2778 = vector.load %arg4[%get3A_2776, %get3A_2777] : memref<256x8192xbf16, #tpu.memory_space<vmem>>, vector<256x256xbf16>
    %dot_general3A_2779 = arith.constant dense<0.000000e+00> : vector<256x256xf32>
    %dot_general3A_2780 = tpu.matmul %slice3A_2769, %get3A_2778, %dot_general3A_2779 {dimension_numbers = #tpu.dot_dimension_numbers<[1], [0], [0], [1], [0, 0, 1, 1], [], []>, transpose_lhs_hint = false} : vector<256x256xbf16>, vector<256x256xbf16>, vector<256x256xf32> -> vector<256x256xf32>
    %get3A_2781 = arith.constant 0 : index
    %get3A_2782 = arith.constant 0 : index
    %get3A_2783 = vector.load %arg3[%get3A_2781, %get3A_2782] : memref<1x8192xf32, #tpu.memory_space<vmem>>, vector<1x256xf32>
    %get3A_2784 = vector.shape_cast %get3A_2783 : vector<1x256xf32> to vector<256xf32>
    %broadcast_in_dim3A_2785 = vector.shape_cast %get3A_2784 : vector<256xf32> to vector<1x256xf32>
    %add3A_2786 = vector.broadcast %broadcast_in_dim3A_2771 : vector<256x1xf32> to vector<256x256xf32>
    %add3A_2787 = vector.broadcast %broadcast_in_dim3A_2785 : vector<1x256xf32> to vector<256x256xf32>
    %add3A_2788 = arith.addf %add3A_2786, %add3A_2787 : vector<256x256xf32>
    %add3A_2789 = arith.addf %add3A_2788, %dot_general3A_2780 : vector<256x256xf32>
    %slice3A_2790 = vector.extract_strided_slice %add3A_2789 {offsets = [0, 0], sizes = [256, 128], strides = [1, 1]} : vector<256x256xf32> to vector<256x128xf32>
    %slice3A_2791 = vector.extract_strided_slice %add3A_2789 {offsets = [0, 128], sizes = [256, 128], strides = [1, 1]} : vector<256x256xf32> to vector<256x128xf32>
    %add3A_2792 = arith.constant 0 : i32
    %add3A_2793 = vector.broadcast %add3A_2792 : i32 to vector<256x128xi32>
    %add3A_2794 = arith.addi %iota3A, %add3A_2793 : vector<256x128xi32>
    %lt3A_2795 = arith.cmpf olt, %slice3A_2791, %slice3A_2790 : vector<256x128xf32>
    %select_n3A_2796 = arith.select %lt3A_2795, %slice3A_2791, %slice3A_2790 : vector<256x128xi1>, vector<256x128xf32>
    %add3A_2797 = arith.constant 128 : i32
    %add3A_2798 = vector.broadcast %add3A_2797 : i32 to vector<256x128xi32>
    %add3A_2799 = arith.addi %add3A_2794, %add3A_2798 : vector<256x128xi32>
    %select_n3A_2800 = arith.select %lt3A_2795, %add3A_2799, %add3A_2794 : vector<256x128xi1>, vector<256x128xi32>
    %lt3A_2801 = arith.cmpf olt, %select_n3A_2796, %broadcast_in_dim3A_2773 : vector<256x128xf32>
    %select_n3A_2802 = arith.select %lt3A_2801, %select_n3A_2800, %broadcast_in_dim3A_2775 : vector<256x128xi1>, vector<256x128xi32>
    %select_n3A_2803 = arith.select %lt3A_2801, %select_n3A_2796, %broadcast_in_dim3A_2773 : vector<256x128xi1>, vector<256x128xf32>
    %get3A_2804 = arith.constant 0 : index
    %get3A_2805 = arith.constant 256 : index
    %get3A_2806 = vector.load %arg4[%get3A_2804, %get3A_2805] : memref<256x8192xbf16, #tpu.memory_space<vmem>>, vector<256x256xbf16>
    %dot_general3A_2807 = arith.constant dense<0.000000e+00> : vector<256x256xf32>
    %dot_general3A_2808 = tpu.matmul %slice3A_2769, %get3A_2806, %dot_general3A_2807 {dimension_numbers = #tpu.dot_dimension_numbers<[1], [0], [0], [1], [0, 0, 1, 1], [], []>, transpose_lhs_hint = false} : vector<256x256xbf16>, vector<256x256xbf16>, vector<256x256xf32> -> vector<256x256xf32>
    %get3A_2809 = arith.constant 0 : index
    %get3A_2810 = arith.constant 256 : index
    %get3A_2811 = vector.load %arg3[%get3A_2809, %get3A_2810] : memref<1x8192xf32, #tpu.memory_space<vmem>>, vector<1x256xf32>
    %get3A_2812 = vector.shape_cast %get3A_2811 : vector<1x256xf32> to vector<256xf32>
    %broadcast_in_dim3A_2813 = vector.shape_cast %get3A_2812 : vector<256xf32> to vector<1x256xf32>
    %add3A_2814 = vector.broadcast %broadcast_in_dim3A_2771 : vector<256x1xf32> to vector<256x256xf32>
    %add3A_2815 = vector.broadcast %broadcast_in_dim3A_2813 : vector<1x256xf32> to vector<256x256xf32>
    %add3A_2816 = arith.addf %add3A_2814, %add3A_2815 : vector<256x256xf32>
    %add3A_2817 = arith.addf %add3A_2816, %dot_general3A_2808 : vector<256x256xf32>
    %slice3A_2818 = vector.extract_strided_slice %add3A_2817 {offsets = [0, 0], sizes = [256, 128], strides = [1, 1]} : vector<256x256xf32> to vector<256x128xf32>
    %slice3A_2819 = vector.extract_strided_slice %add3A_2817 {offsets = [0, 128], sizes = [256, 128], strides = [1, 1]} : vector<256x256xf32> to vector<256x128xf32>
    %add3A_2820 = arith.constant 256 : i32
    %add3A_2821 = vector.broadcast %add3A_2820 : i32 to vector<256x128xi32>
    %add3A_2822 = arith.addi %iota3A, %add3A_2821 : vector<256x128xi32>
    %lt3A_2823 = arith.cmpf olt, %slice3A_2819, %slice3A_2818 : vector<256x128xf32>
    %select_n3A_2824 = arith.select %lt3A_2823, %slice3A_2819, %slice3A_2818 : vector<256x128xi1>, vector<256x128xf32>
    %add3A_2825 = arith.constant 128 : i32
    %add3A_2826 = vector.broadcast %add3A_2825 : i32 to vector<256x128xi32>
    %add3A_2827 = arith.addi %add3A_2822, %add3A_2826 : vector<256x128xi32>
    %select_n3A_2828 = arith.select %lt3A_2823, %add3A_2827, %add3A_2822 : vector<256x128xi1>, vector<256x128xi32>
    %lt3A_2829 = arith.cmpf olt, %select_n3A_2824, %select_n3A_2803 : vector<256x128xf32>
    %select_n3A_2830 = arith.select %lt3A_2829, %select_n3A_2828, %select_n3A_2802 : vector<256x128xi1>, vector<256x128xi32>
    %select_n3A_2831 = arith.select %lt3A_2829, %select_n3A_2824, %select_n3A_2803 : vector<256x128xi1>, vector<256x128xf32>
    %get3A_2832 = arith.constant 0 : index
    %get3A_2833 = arith.constant 512 : index
    %get3A_2834 = vector.load %arg4[%get3A_2832, %get3A_2833] : memref<256x8192xbf16, #tpu.memory_space<vmem>>, vector<256x256xbf16>
    %dot_general3A_2835 = arith.constant dense<0.000000e+00> : vector<256x256xf32>
    %dot_general3A_2836 = tpu.matmul %slice3A_2769, %get3A_2834, %dot_general3A_2835 {dimension_numbers = #tpu.dot_dimension_numbers<[1], [0], [0], [1], [0, 0, 1, 1], [], []>, transpose_lhs_hint = false} : vector<256x256xbf16>, vector<256x256xbf16>, vector<256x256xf32> -> vector<256x256xf32>
    %get3A_2837 = arith.constant 0 : index
    %get3A_2838 = arith.constant 512 : index
    %get3A_2839 = vector.load %arg3[%get3A_2837, %get3A_2838] : memref<1x8192xf32, #tpu.memory_space<vmem>>, vector<1x256xf32>
    %get3A_2840 = vector.shape_cast %get3A_2839 : vector<1x256xf32> to vector<256xf32>
    %broadcast_in_dim3A_2841 = vector.shape_cast %get3A_2840 : vector<256xf32> to vector<1x256xf32>
    %add3A_2842 = vector.broadcast %broadcast_in_dim3A_2771 : vector<256x1xf32> to vector<256x256xf32>
    %add3A_2843 = vector.broadcast %broadcast_in_dim3A_2841 : vector<1x256xf32> to vector<256x256xf32>
    %add3A_2844 = arith.addf %add3A_2842, %add3A_2843 : vector<256x256xf32>
    %add3A_2845 = arith.addf %add3A_2844, %dot_general3A_2836 : vector<256x256xf32>
    %slice3A_2846 = vector.extract_strided_slice %add3A_2845 {offsets = [0, 0], sizes = [256, 128], strides = [1, 1]} : vector<256x256xf32> to vector<256x128xf32>
    %slice3A_2847 = vector.extract_strided_slice %add3A_2845 {offsets = [0, 128], sizes = [256, 128], strides = [1, 1]} : vector<256x256xf32> to vector<256x128xf32>
    %add3A_2848 = arith.constant 512 : i32
    %add3A_2849 = vector.broadcast %add3A_2848 : i32 to vector<256x128xi32>
    %add3A_2850 = arith.addi %iota3A, %add3A_2849 : vector<256x128xi32>
    %lt3A_2851 = arith.cmpf olt, %slice3A_2847, %slice3A_2846 : vector<256x128xf32>
    %select_n3A_2852 = arith.select %lt3A_2851, %slice3A_2847, %slice3A_2846 : vector<256x128xi1>, vector<256x128xf32>
    %add3A_2853 = arith.constant 128 : i32
    %add3A_2854 = vector.broadcast %add3A_2853 : i32 to vector<256x128xi32>
    %add3A_2855 = arith.addi %add3A_2850, %add3A_2854 : vector<256x128xi32>
    %select_n3A_2856 = arith.select %lt3A_2851, %add3A_2855, %add3A_2850 : vector<256x128xi1>, vector<256x128xi32>
    %lt3A_2857 = arith.cmpf olt, %select_n3A_2852, %select_n3A_2831 : vector<256x128xf32>
    %select_n3A_2858 = arith.select %lt3A_2857, %select_n3A_2856, %select_n3A_2830 : vector<256x128xi1>, vector<256x128xi32>
    %select_n3A_2859 = arith.select %lt3A_2857, %select_n3A_2852, %select_n3A_2831 : vector<256x128xi1>, vector<256x128xf32>
    %get3A_2860 = arith.constant 0 : index
    %get3A_2861 = arith.constant 768 : index
    %get3A_2862 = vector.load %arg4[%get3A_2860, %get3A_2861] : memref<256x8192xbf16, #tpu.memory_space<vmem>>, vector<256x256xbf16>
    %dot_general3A_2863 = arith.constant dense<0.000000e+00> : vector<256x256xf32>
    %dot_general3A_2864 = tpu.matmul %slice3A_2769, %get3A_2862, %dot_general3A_2863 {dimension_numbers = #tpu.dot_dimension_numbers<[1], [0], [0], [1], [0, 0, 1, 1], [], []>, transpose_lhs_hint = false} : vector<256x256xbf16>, vector<256x256xbf16>, vector<256x256xf32> -> vector<256x256xf32>
    %get3A_2865 = arith.constant 0 : index
    %get3A_2866 = arith.constant 768 : index
    %get3A_2867 = vector.load %arg3[%get3A_2865, %get3A_2866] : memref<1x8192xf32, #tpu.memory_space<vmem>>, vector<1x256xf32>
    %get3A_2868 = vector.shape_cast %get3A_2867 : vector<1x256xf32> to vector<256xf32>
    %broadcast_in_dim3A_2869 = vector.shape_cast %get3A_2868 : vector<256xf32> to vector<1x256xf32>
    %add3A_2870 = vector.broadcast %broadcast_in_dim3A_2771 : vector<256x1xf32> to vector<256x256xf32>
    %add3A_2871 = vector.broadcast %broadcast_in_dim3A_2869 : vector<1x256xf32> to vector<256x256xf32>
    %add3A_2872 = arith.addf %add3A_2870, %add3A_2871 : vector<256x256xf32>
    %add3A_2873 = arith.addf %add3A_2872, %dot_general3A_2864 : vector<256x256xf32>
    %slice3A_2874 = vector.extract_strided_slice %add3A_2873 {offsets = [0, 0], sizes = [256, 128], strides = [1, 1]} : vector<256x256xf32> to vector<256x128xf32>
    %slice3A_2875 = vector.extract_strided_slice %add3A_2873 {offsets = [0, 128], sizes = [256, 128], strides = [1, 1]} : vector<256x256xf32> to vector<256x128xf32>
    %add3A_2876 = arith.constant 768 : i32
    %add3A_2877 = vector.broadcast %add3A_2876 : i32 to vector<256x128xi32>
    %add3A_2878 = arith.addi %iota3A, %add3A_2877 : vector<256x128xi32>
    %lt3A_2879 = arith.cmpf olt, %slice3A_2875, %slice3A_2874 : vector<256x128xf32>
    %select_n3A_2880 = arith.select %lt3A_2879, %slice3A_2875, %slice3A_2874 : vector<256x128xi1>, vector<256x128xf32>
    %add3A_2881 = arith.constant 128 : i32
    %add3A_2882 = vector.broadcast %add3A_2881 : i32 to vector<256x128xi32>
    %add3A_2883 = arith.addi %add3A_2878, %add3A_2882 : vector<256x128xi32>
    %select_n3A_2884 = arith.select %lt3A_2879, %add3A_2883, %add3A_2878 : vector<256x128xi1>, vector<256x128xi32>
    %lt3A_2885 = arith.cmpf olt, %select_n3A_2880, %select_n3A_2859 : vector<256x128xf32>
    %select_n3A_2886 = arith.select %lt3A_2885, %select_n3A_2884, %select_n3A_2858 : vector<256x128xi1>, vector<256x128xi32>
    %select_n3A_2887 = arith.select %lt3A_2885, %select_n3A_2880, %select_n3A_2859 : vector<256x128xi1>, vector<256x128xf32>
    %get3A_2888 = arith.constant 0 : index
    %get3A_2889 = arith.constant 1024 : index
    %get3A_2890 = vector.load %arg4[%get3A_2888, %get3A_2889] : memref<256x8192xbf16, #tpu.memory_space<vmem>>, vector<256x256xbf16>
    %dot_general3A_2891 = arith.constant dense<0.000000e+00> : vector<256x256xf32>
    %dot_general3A_2892 = tpu.matmul %slice3A_2769, %get3A_2890, %dot_general3A_2891 {dimension_numbers = #tpu.dot_dimension_numbers<[1], [0], [0], [1], [0, 0, 1, 1], [], []>, transpose_lhs_hint = false} : vector<256x256xbf16>, vector<256x256xbf16>, vector<256x256xf32> -> vector<256x256xf32>
    %get3A_2893 = arith.constant 0 : index
    %get3A_2894 = arith.constant 1024 : index
    %get3A_2895 = vector.load %arg3[%get3A_2893, %get3A_2894] : memref<1x8192xf32, #tpu.memory_space<vmem>>, vector<1x256xf32>
    %get3A_2896 = vector.shape_cast %get3A_2895 : vector<1x256xf32> to vector<256xf32>
    %broadcast_in_dim3A_2897 = vector.shape_cast %get3A_2896 : vector<256xf32> to vector<1x256xf32>
    %add3A_2898 = vector.broadcast %broadcast_in_dim3A_2771 : vector<256x1xf32> to vector<256x256xf32>
    %add3A_2899 = vector.broadcast %broadcast_in_dim3A_2897 : vector<1x256xf32> to vector<256x256xf32>
    %add3A_2900 = arith.addf %add3A_2898, %add3A_2899 : vector<256x256xf32>
    %add3A_2901 = arith.addf %add3A_2900, %dot_general3A_2892 : vector<256x256xf32>
    %slice3A_2902 = vector.extract_strided_slice %add3A_2901 {offsets = [0, 0], sizes = [256, 128], strides = [1, 1]} : vector<256x256xf32> to vector<256x128xf32>
    %slice3A_2903 = vector.extract_strided_slice %add3A_2901 {offsets = [0, 128], sizes = [256, 128], strides = [1, 1]} : vector<256x256xf32> to vector<256x128xf32>
    %add3A_2904 = arith.constant 1024 : i32
    %add3A_2905 = vector.broadcast %add3A_2904 : i32 to vector<256x128xi32>
    %add3A_2906 = arith.addi %iota3A, %add3A_2905 : vector<256x128xi32>
    %lt3A_2907 = arith.cmpf olt, %slice3A_2903, %slice3A_2902 : vector<256x128xf32>
    %select_n3A_2908 = arith.select %lt3A_2907, %slice3A_2903, %slice3A_2902 : vector<256x128xi1>, vector<256x128xf32>
    %add3A_2909 = arith.constant 128 : i32
    %add3A_2910 = vector.broadcast %add3A_2909 : i32 to vector<256x128xi32>
    %add3A_2911 = arith.addi %add3A_2906, %add3A_2910 : vector<256x128xi32>
    %select_n3A_2912 = arith.select %lt3A_2907, %add3A_2911, %add3A_2906 : vector<256x128xi1>, vector<256x128xi32>
    %lt3A_2913 = arith.cmpf olt, %select_n3A_2908, %select_n3A_2887 : vector<256x128xf32>
    %select_n3A_2914 = arith.select %lt3A_2913, %select_n3A_2912, %select_n3A_2886 : vector<256x128xi1>, vector<256x128xi32>
    %select_n3A_2915 = arith.select %lt3A_2913, %select_n3A_2908, %select_n3A_2887 : vector<256x128xi1>, vector<256x128xf32>
    %get3A_2916 = arith.constant 0 : index
    %get3A_2917 = arith.constant 1280 : index
    %get3A_2918 = vector.load %arg4[%get3A_2916, %get3A_2917] : memref<256x8192xbf16, #tpu.memory_space<vmem>>, vector<256x256xbf16>
    %dot_general3A_2919 = arith.constant dense<0.000000e+00> : vector<256x256xf32>
    %dot_general3A_2920 = tpu.matmul %slice3A_2769, %get3A_2918, %dot_general3A_2919 {dimension_numbers = #tpu.dot_dimension_numbers<[1], [0], [0], [1], [0, 0, 1, 1], [], []>, transpose_lhs_hint = false} : vector<256x256xbf16>, vector<256x256xbf16>, vector<256x256xf32> -> vector<256x256xf32>
    %get3A_2921 = arith.constant 0 : index
    %get3A_2922 = arith.constant 1280 : index
    %get3A_2923 = vector.load %arg3[%get3A_2921, %get3A_2922] : memref<1x8192xf32, #tpu.memory_space<vmem>>, vector<1x256xf32>
    %get3A_2924 = vector.shape_cast %get3A_2923 : vector<1x256xf32> to vector<256xf32>
    %broadcast_in_dim3A_2925 = vector.shape_cast %get3A_2924 : vector<256xf32> to vector<1x256xf32>
    %add3A_2926 = vector.broadcast %broadcast_in_dim3A_2771 : vector<256x1xf32> to vector<256x256xf32>
    %add3A_2927 = vector.broadcast %broadcast_in_dim3A_2925 : vector<1x256xf32> to vector<256x256xf32>
    %add3A_2928 = arith.addf %add3A_2926, %add3A_2927 : vector<256x256xf32>
    %add3A_2929 = arith.addf %add3A_2928, %dot_general3A_2920 : vector<256x256xf32>
    %slice3A_2930 = vector.extract_strided_slice %add3A_2929 {offsets = [0, 0], sizes = [256, 128], strides = [1, 1]} : vector<256x256xf32> to vector<256x128xf32>
    %slice3A_2931 = vector.extract_strided_slice %add3A_2929 {offsets = [0, 128], sizes = [256, 128], strides = [1, 1]} : vector<256x256xf32> to vector<256x128xf32>
    %add3A_2932 = arith.constant 1280 : i32
    %add3A_2933 = vector.broadcast %add3A_2932 : i32 to vector<256x128xi32>
    %add3A_2934 = arith.addi %iota3A, %add3A_2933 : vector<256x128xi32>
    %lt3A_2935 = arith.cmpf olt, %slice3A_2931, %slice3A_2930 : vector<256x128xf32>
    %select_n3A_2936 = arith.select %lt3A_2935, %slice3A_2931, %slice3A_2930 : vector<256x128xi1>, vector<256x128xf32>
    %add3A_2937 = arith.constant 128 : i32
    %add3A_2938 = vector.broadcast %add3A_2937 : i32 to vector<256x128xi32>
    %add3A_2939 = arith.addi %add3A_2934, %add3A_2938 : vector<256x128xi32>
    %select_n3A_2940 = arith.select %lt3A_2935, %add3A_2939, %add3A_2934 : vector<256x128xi1>, vector<256x128xi32>
    %lt3A_2941 = arith.cmpf olt, %select_n3A_2936, %select_n3A_2915 : vector<256x128xf32>
    %select_n3A_2942 = arith.select %lt3A_2941, %select_n3A_2940, %select_n3A_2914 : vector<256x128xi1>, vector<256x128xi32>
    %select_n3A_2943 = arith.select %lt3A_2941, %select_n3A_2936, %select_n3A_2915 : vector<256x128xi1>, vector<256x128xf32>
    %get3A_2944 = arith.constant 0 : index
    %get3A_2945 = arith.constant 1536 : index
    %get3A_2946 = vector.load %arg4[%get3A_2944, %get3A_2945] : memref<256x8192xbf16, #tpu.memory_space<vmem>>, vector<256x256xbf16>
    %dot_general3A_2947 = arith.constant dense<0.000000e+00> : vector<256x256xf32>
    %dot_general3A_2948 = tpu.matmul %slice3A_2769, %get3A_2946, %dot_general3A_2947 {dimension_numbers = #tpu.dot_dimension_numbers<[1], [0], [0], [1], [0, 0, 1, 1], [], []>, transpose_lhs_hint = false} : vector<256x256xbf16>, vector<256x256xbf16>, vector<256x256xf32> -> vector<256x256xf32>
    %get3A_2949 = arith.constant 0 : index
    %get3A_2950 = arith.constant 1536 : index
    %get3A_2951 = vector.load %arg3[%get3A_2949, %get3A_2950] : memref<1x8192xf32, #tpu.memory_space<vmem>>, vector<1x256xf32>
    %get3A_2952 = vector.shape_cast %get3A_2951 : vector<1x256xf32> to vector<256xf32>
    %broadcast_in_dim3A_2953 = vector.shape_cast %get3A_2952 : vector<256xf32> to vector<1x256xf32>
    %add3A_2954 = vector.broadcast %broadcast_in_dim3A_2771 : vector<256x1xf32> to vector<256x256xf32>
    %add3A_2955 = vector.broadcast %broadcast_in_dim3A_2953 : vector<1x256xf32> to vector<256x256xf32>
    %add3A_2956 = arith.addf %add3A_2954, %add3A_2955 : vector<256x256xf32>
    %add3A_2957 = arith.addf %add3A_2956, %dot_general3A_2948 : vector<256x256xf32>
    %slice3A_2958 = vector.extract_strided_slice %add3A_2957 {offsets = [0, 0], sizes = [256, 128], strides = [1, 1]} : vector<256x256xf32> to vector<256x128xf32>
    %slice3A_2959 = vector.extract_strided_slice %add3A_2957 {offsets = [0, 128], sizes = [256, 128], strides = [1, 1]} : vector<256x256xf32> to vector<256x128xf32>
    %add3A_2960 = arith.constant 1536 : i32
    %add3A_2961 = vector.broadcast %add3A_2960 : i32 to vector<256x128xi32>
    %add3A_2962 = arith.addi %iota3A, %add3A_2961 : vector<256x128xi32>
    %lt3A_2963 = arith.cmpf olt, %slice3A_2959, %slice3A_2958 : vector<256x128xf32>
    %select_n3A_2964 = arith.select %lt3A_2963, %slice3A_2959, %slice3A_2958 : vector<256x128xi1>, vector<256x128xf32>
    %add3A_2965 = arith.constant 128 : i32
    %add3A_2966 = vector.broadcast %add3A_2965 : i32 to vector<256x128xi32>
    %add3A_2967 = arith.addi %add3A_2962, %add3A_2966 : vector<256x128xi32>
    %select_n3A_2968 = arith.select %lt3A_2963, %add3A_2967, %add3A_2962 : vector<256x128xi1>, vector<256x128xi32>
    %lt3A_2969 = arith.cmpf olt, %select_n3A_2964, %select_n3A_2943 : vector<256x128xf32>
    %select_n3A_2970 = arith.select %lt3A_2969, %select_n3A_2968, %select_n3A_2942 : vector<256x128xi1>, vector<256x128xi32>
    %select_n3A_2971 = arith.select %lt3A_2969, %select_n3A_2964, %select_n3A_2943 : vector<256x128xi1>, vector<256x128xf32>
    %get3A_2972 = arith.constant 0 : index
    %get3A_2973 = arith.constant 1792 : index
    %get3A_2974 = vector.load %arg4[%get3A_2972, %get3A_2973] : memref<256x8192xbf16, #tpu.memory_space<vmem>>, vector<256x256xbf16>
    %dot_general3A_2975 = arith.constant dense<0.000000e+00> : vector<256x256xf32>
    %dot_general3A_2976 = tpu.matmul %slice3A_2769, %get3A_2974, %dot_general3A_2975 {dimension_numbers = #tpu.dot_dimension_numbers<[1], [0], [0], [1], [0, 0, 1, 1], [], []>, transpose_lhs_hint = false} : vector<256x256xbf16>, vector<256x256xbf16>, vector<256x256xf32> -> vector<256x256xf32>
    %get3A_2977 = arith.constant 0 : index
    %get3A_2978 = arith.constant 1792 : index
    %get3A_2979 = vector.load %arg3[%get3A_2977, %get3A_2978] : memref<1x8192xf32, #tpu.memory_space<vmem>>, vector<1x256xf32>
    %get3A_2980 = vector.shape_cast %get3A_2979 : vector<1x256xf32> to vector<256xf32>
    %broadcast_in_dim3A_2981 = vector.shape_cast %get3A_2980 : vector<256xf32> to vector<1x256xf32>
    %add3A_2982 = vector.broadcast %broadcast_in_dim3A_2771 : vector<256x1xf32> to vector<256x256xf32>
    %add3A_2983 = vector.broadcast %broadcast_in_dim3A_2981 : vector<1x256xf32> to vector<256x256xf32>
    %add3A_2984 = arith.addf %add3A_2982, %add3A_2983 : vector<256x256xf32>
    %add3A_2985 = arith.addf %add3A_2984, %dot_general3A_2976 : vector<256x256xf32>
    %slice3A_2986 = vector.extract_strided_slice %add3A_2985 {offsets = [0, 0], sizes = [256, 128], strides = [1, 1]} : vector<256x256xf32> to vector<256x128xf32>
    %slice3A_2987 = vector.extract_strided_slice %add3A_2985 {offsets = [0, 128], sizes = [256, 128], strides = [1, 1]} : vector<256x256xf32> to vector<256x128xf32>
    %add3A_2988 = arith.constant 1792 : i32
    %add3A_2989 = vector.broadcast %add3A_2988 : i32 to vector<256x128xi32>
    %add3A_2990 = arith.addi %iota3A, %add3A_2989 : vector<256x128xi32>
    %lt3A_2991 = arith.cmpf olt, %slice3A_2987, %slice3A_2986 : vector<256x128xf32>
    %select_n3A_2992 = arith.select %lt3A_2991, %slice3A_2987, %slice3A_2986 : vector<256x128xi1>, vector<256x128xf32>
    %add3A_2993 = arith.constant 128 : i32
    %add3A_2994 = vector.broadcast %add3A_2993 : i32 to vector<256x128xi32>
    %add3A_2995 = arith.addi %add3A_2990, %add3A_2994 : vector<256x128xi32>
    %select_n3A_2996 = arith.select %lt3A_2991, %add3A_2995, %add3A_2990 : vector<256x128xi1>, vector<256x128xi32>
    %lt3A_2997 = arith.cmpf olt, %select_n3A_2992, %select_n3A_2971 : vector<256x128xf32>
    %select_n3A_2998 = arith.select %lt3A_2997, %select_n3A_2996, %select_n3A_2970 : vector<256x128xi1>, vector<256x128xi32>
    %select_n3A_2999 = arith.select %lt3A_2997, %select_n3A_2992, %select_n3A_2971 : vector<256x128xi1>, vector<256x128xf32>
    %get3A_3000 = arith.constant 0 : index
    %get3A_3001 = arith.constant 2048 : index
    %get3A_3002 = vector.load %arg4[%get3A_3000, %get3A_3001] : memref<256x8192xbf16, #tpu.memory_space<vmem>>, vector<256x256xbf16>
    %dot_general3A_3003 = arith.constant dense<0.000000e+00> : vector<256x256xf32>
    %dot_general3A_3004 = tpu.matmul %slice3A_2769, %get3A_3002, %dot_general3A_3003 {dimension_numbers = #tpu.dot_dimension_numbers<[1], [0], [0], [1], [0, 0, 1, 1], [], []>, transpose_lhs_hint = false} : vector<256x256xbf16>, vector<256x256xbf16>, vector<256x256xf32> -> vector<256x256xf32>
    %get3A_3005 = arith.constant 0 : index
    %get3A_3006 = arith.constant 2048 : index
    %get3A_3007 = vector.load %arg3[%get3A_3005, %get3A_3006] : memref<1x8192xf32, #tpu.memory_space<vmem>>, vector<1x256xf32>
    %get3A_3008 = vector.shape_cast %get3A_3007 : vector<1x256xf32> to vector<256xf32>
    %broadcast_in_dim3A_3009 = vector.shape_cast %get3A_3008 : vector<256xf32> to vector<1x256xf32>
    %add3A_3010 = vector.broadcast %broadcast_in_dim3A_2771 : vector<256x1xf32> to vector<256x256xf32>
    %add3A_3011 = vector.broadcast %broadcast_in_dim3A_3009 : vector<1x256xf32> to vector<256x256xf32>
    %add3A_3012 = arith.addf %add3A_3010, %add3A_3011 : vector<256x256xf32>
    %add3A_3013 = arith.addf %add3A_3012, %dot_general3A_3004 : vector<256x256xf32>
    %slice3A_3014 = vector.extract_strided_slice %add3A_3013 {offsets = [0, 0], sizes = [256, 128], strides = [1, 1]} : vector<256x256xf32> to vector<256x128xf32>
    %slice3A_3015 = vector.extract_strided_slice %add3A_3013 {offsets = [0, 128], sizes = [256, 128], strides = [1, 1]} : vector<256x256xf32> to vector<256x128xf32>
    %add3A_3016 = arith.constant 2048 : i32
    %add3A_3017 = vector.broadcast %add3A_3016 : i32 to vector<256x128xi32>
    %add3A_3018 = arith.addi %iota3A, %add3A_3017 : vector<256x128xi32>
    %lt3A_3019 = arith.cmpf olt, %slice3A_3015, %slice3A_3014 : vector<256x128xf32>
    %select_n3A_3020 = arith.select %lt3A_3019, %slice3A_3015, %slice3A_3014 : vector<256x128xi1>, vector<256x128xf32>
    %add3A_3021 = arith.constant 128 : i32
    %add3A_3022 = vector.broadcast %add3A_3021 : i32 to vector<256x128xi32>
    %add3A_3023 = arith.addi %add3A_3018, %add3A_3022 : vector<256x128xi32>
    %select_n3A_3024 = arith.select %lt3A_3019, %add3A_3023, %add3A_3018 : vector<256x128xi1>, vector<256x128xi32>
    %lt3A_3025 = arith.cmpf olt, %select_n3A_3020, %select_n3A_2999 : vector<256x128xf32>
    %select_n3A_3026 = arith.select %lt3A_3025, %select_n3A_3024, %select_n3A_2998 : vector<256x128xi1>, vector<256x128xi32>
    %select_n3A_3027 = arith.select %lt3A_3025, %select_n3A_3020, %select_n3A_2999 : vector<256x128xi1>, vector<256x128xf32>
    %get3A_3028 = arith.constant 0 : index
    %get3A_3029 = arith.constant 2304 : index
    %get3A_3030 = vector.load %arg4[%get3A_3028, %get3A_3029] : memref<256x8192xbf16, #tpu.memory_space<vmem>>, vector<256x256xbf16>
    %dot_general3A_3031 = arith.constant dense<0.000000e+00> : vector<256x256xf32>
    %dot_general3A_3032 = tpu.matmul %slice3A_2769, %get3A_3030, %dot_general3A_3031 {dimension_numbers = #tpu.dot_dimension_numbers<[1], [0], [0], [1], [0, 0, 1, 1], [], []>, transpose_lhs_hint = false} : vector<256x256xbf16>, vector<256x256xbf16>, vector<256x256xf32> -> vector<256x256xf32>
    %get3A_3033 = arith.constant 0 : index
    %get3A_3034 = arith.constant 2304 : index
    %get3A_3035 = vector.load %arg3[%get3A_3033, %get3A_3034] : memref<1x8192xf32, #tpu.memory_space<vmem>>, vector<1x256xf32>
    %get3A_3036 = vector.shape_cast %get3A_3035 : vector<1x256xf32> to vector<256xf32>
    %broadcast_in_dim3A_3037 = vector.shape_cast %get3A_3036 : vector<256xf32> to vector<1x256xf32>
    %add3A_3038 = vector.broadcast %broadcast_in_dim3A_2771 : vector<256x1xf32> to vector<256x256xf32>
    %add3A_3039 = vector.broadcast %broadcast_in_dim3A_3037 : vector<1x256xf32> to vector<256x256xf32>
    %add3A_3040 = arith.addf %add3A_3038, %add3A_3039 : vector<256x256xf32>
    %add3A_3041 = arith.addf %add3A_3040, %dot_general3A_3032 : vector<256x256xf32>
    %slice3A_3042 = vector.extract_strided_slice %add3A_3041 {offsets = [0, 0], sizes = [256, 128], strides = [1, 1]} : vector<256x256xf32> to vector<256x128xf32>
    %slice3A_3043 = vector.extract_strided_slice %add3A_3041 {offsets = [0, 128], sizes = [256, 128], strides = [1, 1]} : vector<256x256xf32> to vector<256x128xf32>
    %add3A_3044 = arith.constant 2304 : i32
    %add3A_3045 = vector.broadcast %add3A_3044 : i32 to vector<256x128xi32>
    %add3A_3046 = arith.addi %iota3A, %add3A_3045 : vector<256x128xi32>
    %lt3A_3047 = arith.cmpf olt, %slice3A_3043, %slice3A_3042 : vector<256x128xf32>
    %select_n3A_3048 = arith.select %lt3A_3047, %slice3A_3043, %slice3A_3042 : vector<256x128xi1>, vector<256x128xf32>
    %add3A_3049 = arith.constant 128 : i32
    %add3A_3050 = vector.broadcast %add3A_3049 : i32 to vector<256x128xi32>
    %add3A_3051 = arith.addi %add3A_3046, %add3A_3050 : vector<256x128xi32>
    %select_n3A_3052 = arith.select %lt3A_3047, %add3A_3051, %add3A_3046 : vector<256x128xi1>, vector<256x128xi32>
    %lt3A_3053 = arith.cmpf olt, %select_n3A_3048, %select_n3A_3027 : vector<256x128xf32>
    %select_n3A_3054 = arith.select %lt3A_3053, %select_n3A_3052, %select_n3A_3026 : vector<256x128xi1>, vector<256x128xi32>
    %select_n3A_3055 = arith.select %lt3A_3053, %select_n3A_3048, %select_n3A_3027 : vector<256x128xi1>, vector<256x128xf32>
    %get3A_3056 = arith.constant 0 : index
    %get3A_3057 = arith.constant 2560 : index
    %get3A_3058 = vector.load %arg4[%get3A_3056, %get3A_3057] : memref<256x8192xbf16, #tpu.memory_space<vmem>>, vector<256x256xbf16>
    %dot_general3A_3059 = arith.constant dense<0.000000e+00> : vector<256x256xf32>
    %dot_general3A_3060 = tpu.matmul %slice3A_2769, %get3A_3058, %dot_general3A_3059 {dimension_numbers = #tpu.dot_dimension_numbers<[1], [0], [0], [1], [0, 0, 1, 1], [], []>, transpose_lhs_hint = false} : vector<256x256xbf16>, vector<256x256xbf16>, vector<256x256xf32> -> vector<256x256xf32>
    %get3A_3061 = arith.constant 0 : index
    %get3A_3062 = arith.constant 2560 : index
    %get3A_3063 = vector.load %arg3[%get3A_3061, %get3A_3062] : memref<1x8192xf32, #tpu.memory_space<vmem>>, vector<1x256xf32>
    %get3A_3064 = vector.shape_cast %get3A_3063 : vector<1x256xf32> to vector<256xf32>
    %broadcast_in_dim3A_3065 = vector.shape_cast %get3A_3064 : vector<256xf32> to vector<1x256xf32>
    %add3A_3066 = vector.broadcast %broadcast_in_dim3A_2771 : vector<256x1xf32> to vector<256x256xf32>
    %add3A_3067 = vector.broadcast %broadcast_in_dim3A_3065 : vector<1x256xf32> to vector<256x256xf32>
    %add3A_3068 = arith.addf %add3A_3066, %add3A_3067 : vector<256x256xf32>
    %add3A_3069 = arith.addf %add3A_3068, %dot_general3A_3060 : vector<256x256xf32>
    %slice3A_3070 = vector.extract_strided_slice %add3A_3069 {offsets = [0, 0], sizes = [256, 128], strides = [1, 1]} : vector<256x256xf32> to vector<256x128xf32>
    %slice3A_3071 = vector.extract_strided_slice %add3A_3069 {offsets = [0, 128], sizes = [256, 128], strides = [1, 1]} : vector<256x256xf32> to vector<256x128xf32>
    %add3A_3072 = arith.constant 2560 : i32
    %add3A_3073 = vector.broadcast %add3A_3072 : i32 to vector<256x128xi32>
    %add3A_3074 = arith.addi %iota3A, %add3A_3073 : vector<256x128xi32>
    %lt3A_3075 = arith.cmpf olt, %slice3A_3071, %slice3A_3070 : vector<256x128xf32>
    %select_n3A_3076 = arith.select %lt3A_3075, %slice3A_3071, %slice3A_3070 : vector<256x128xi1>, vector<256x128xf32>
    %add3A_3077 = arith.constant 128 : i32
    %add3A_3078 = vector.broadcast %add3A_3077 : i32 to vector<256x128xi32>
    %add3A_3079 = arith.addi %add3A_3074, %add3A_3078 : vector<256x128xi32>
    %select_n3A_3080 = arith.select %lt3A_3075, %add3A_3079, %add3A_3074 : vector<256x128xi1>, vector<256x128xi32>
    %lt3A_3081 = arith.cmpf olt, %select_n3A_3076, %select_n3A_3055 : vector<256x128xf32>
    %select_n3A_3082 = arith.select %lt3A_3081, %select_n3A_3080, %select_n3A_3054 : vector<256x128xi1>, vector<256x128xi32>
    %select_n3A_3083 = arith.select %lt3A_3081, %select_n3A_3076, %select_n3A_3055 : vector<256x128xi1>, vector<256x128xf32>
    %get3A_3084 = arith.constant 0 : index
    %get3A_3085 = arith.constant 2816 : index
    %get3A_3086 = vector.load %arg4[%get3A_3084, %get3A_3085] : memref<256x8192xbf16, #tpu.memory_space<vmem>>, vector<256x256xbf16>
    %dot_general3A_3087 = arith.constant dense<0.000000e+00> : vector<256x256xf32>
    %dot_general3A_3088 = tpu.matmul %slice3A_2769, %get3A_3086, %dot_general3A_3087 {dimension_numbers = #tpu.dot_dimension_numbers<[1], [0], [0], [1], [0, 0, 1, 1], [], []>, transpose_lhs_hint = false} : vector<256x256xbf16>, vector<256x256xbf16>, vector<256x256xf32> -> vector<256x256xf32>
    %get3A_3089 = arith.constant 0 : index
    %get3A_3090 = arith.constant 2816 : index
    %get3A_3091 = vector.load %arg3[%get3A_3089, %get3A_3090] : memref<1x8192xf32, #tpu.memory_space<vmem>>, vector<1x256xf32>
    %get3A_3092 = vector.shape_cast %get3A_3091 : vector<1x256xf32> to vector<256xf32>
    %broadcast_in_dim3A_3093 = vector.shape_cast %get3A_3092 : vector<256xf32> to vector<1x256xf32>
    %add3A_3094 = vector.broadcast %broadcast_in_dim3A_2771 : vector<256x1xf32> to vector<256x256xf32>
    %add3A_3095 = vector.broadcast %broadcast_in_dim3A_3093 : vector<1x256xf32> to vector<256x256xf32>
    %add3A_3096 = arith.addf %add3A_3094, %add3A_3095 : vector<256x256xf32>
    %add3A_3097 = arith.addf %add3A_3096, %dot_general3A_3088 : vector<256x256xf32>
    %slice3A_3098 = vector.extract_strided_slice %add3A_3097 {offsets = [0, 0], sizes = [256, 128], strides = [1, 1]} : vector<256x256xf32> to vector<256x128xf32>
    %slice3A_3099 = vector.extract_strided_slice %add3A_3097 {offsets = [0, 128], sizes = [256, 128], strides = [1, 1]} : vector<256x256xf32> to vector<256x128xf32>
    %add3A_3100 = arith.constant 2816 : i32
    %add3A_3101 = vector.broadcast %add3A_3100 : i32 to vector<256x128xi32>
    %add3A_3102 = arith.addi %iota3A, %add3A_3101 : vector<256x128xi32>
    %lt3A_3103 = arith.cmpf olt, %slice3A_3099, %slice3A_3098 : vector<256x128xf32>
    %select_n3A_3104 = arith.select %lt3A_3103, %slice3A_3099, %slice3A_3098 : vector<256x128xi1>, vector<256x128xf32>
    %add3A_3105 = arith.constant 128 : i32
    %add3A_3106 = vector.broadcast %add3A_3105 : i32 to vector<256x128xi32>
    %add3A_3107 = arith.addi %add3A_3102, %add3A_3106 : vector<256x128xi32>
    %select_n3A_3108 = arith.select %lt3A_3103, %add3A_3107, %add3A_3102 : vector<256x128xi1>, vector<256x128xi32>
    %lt3A_3109 = arith.cmpf olt, %select_n3A_3104, %select_n3A_3083 : vector<256x128xf32>
    %select_n3A_3110 = arith.select %lt3A_3109, %select_n3A_3108, %select_n3A_3082 : vector<256x128xi1>, vector<256x128xi32>
    %select_n3A_3111 = arith.select %lt3A_3109, %select_n3A_3104, %select_n3A_3083 : vector<256x128xi1>, vector<256x128xf32>
    %get3A_3112 = arith.constant 0 : index
    %get3A_3113 = arith.constant 3072 : index
    %get3A_3114 = vector.load %arg4[%get3A_3112, %get3A_3113] : memref<256x8192xbf16, #tpu.memory_space<vmem>>, vector<256x256xbf16>
    %dot_general3A_3115 = arith.constant dense<0.000000e+00> : vector<256x256xf32>
    %dot_general3A_3116 = tpu.matmul %slice3A_2769, %get3A_3114, %dot_general3A_3115 {dimension_numbers = #tpu.dot_dimension_numbers<[1], [0], [0], [1], [0, 0, 1, 1], [], []>, transpose_lhs_hint = false} : vector<256x256xbf16>, vector<256x256xbf16>, vector<256x256xf32> -> vector<256x256xf32>
    %get3A_3117 = arith.constant 0 : index
    %get3A_3118 = arith.constant 3072 : index
    %get3A_3119 = vector.load %arg3[%get3A_3117, %get3A_3118] : memref<1x8192xf32, #tpu.memory_space<vmem>>, vector<1x256xf32>
    %get3A_3120 = vector.shape_cast %get3A_3119 : vector<1x256xf32> to vector<256xf32>
    %broadcast_in_dim3A_3121 = vector.shape_cast %get3A_3120 : vector<256xf32> to vector<1x256xf32>
    %add3A_3122 = vector.broadcast %broadcast_in_dim3A_2771 : vector<256x1xf32> to vector<256x256xf32>
    %add3A_3123 = vector.broadcast %broadcast_in_dim3A_3121 : vector<1x256xf32> to vector<256x256xf32>
    %add3A_3124 = arith.addf %add3A_3122, %add3A_3123 : vector<256x256xf32>
    %add3A_3125 = arith.addf %add3A_3124, %dot_general3A_3116 : vector<256x256xf32>
    %slice3A_3126 = vector.extract_strided_slice %add3A_3125 {offsets = [0, 0], sizes = [256, 128], strides = [1, 1]} : vector<256x256xf32> to vector<256x128xf32>
    %slice3A_3127 = vector.extract_strided_slice %add3A_3125 {offsets = [0, 128], sizes = [256, 128], strides = [1, 1]} : vector<256x256xf32> to vector<256x128xf32>
    %add3A_3128 = arith.constant 3072 : i32
    %add3A_3129 = vector.broadcast %add3A_3128 : i32 to vector<256x128xi32>
    %add3A_3130 = arith.addi %iota3A, %add3A_3129 : vector<256x128xi32>
    %lt3A_3131 = arith.cmpf olt, %slice3A_3127, %slice3A_3126 : vector<256x128xf32>
    %select_n3A_3132 = arith.select %lt3A_3131, %slice3A_3127, %slice3A_3126 : vector<256x128xi1>, vector<256x128xf32>
    %add3A_3133 = arith.constant 128 : i32
    %add3A_3134 = vector.broadcast %add3A_3133 : i32 to vector<256x128xi32>
    %add3A_3135 = arith.addi %add3A_3130, %add3A_3134 : vector<256x128xi32>
    %select_n3A_3136 = arith.select %lt3A_3131, %add3A_3135, %add3A_3130 : vector<256x128xi1>, vector<256x128xi32>
    %lt3A_3137 = arith.cmpf olt, %select_n3A_3132, %select_n3A_3111 : vector<256x128xf32>
    %select_n3A_3138 = arith.select %lt3A_3137, %select_n3A_3136, %select_n3A_3110 : vector<256x128xi1>, vector<256x128xi32>
    %select_n3A_3139 = arith.select %lt3A_3137, %select_n3A_3132, %select_n3A_3111 : vector<256x128xi1>, vector<256x128xf32>
    %get3A_3140 = arith.constant 0 : index
    %get3A_3141 = arith.constant 3328 : index
    %get3A_3142 = vector.load %arg4[%get3A_3140, %get3A_3141] : memref<256x8192xbf16, #tpu.memory_space<vmem>>, vector<256x256xbf16>
    %dot_general3A_3143 = arith.constant dense<0.000000e+00> : vector<256x256xf32>
    %dot_general3A_3144 = tpu.matmul %slice3A_2769, %get3A_3142, %dot_general3A_3143 {dimension_numbers = #tpu.dot_dimension_numbers<[1], [0], [0], [1], [0, 0, 1, 1], [], []>, transpose_lhs_hint = false} : vector<256x256xbf16>, vector<256x256xbf16>, vector<256x256xf32> -> vector<256x256xf32>
    %get3A_3145 = arith.constant 0 : index
    %get3A_3146 = arith.constant 3328 : index
    %get3A_3147 = vector.load %arg3[%get3A_3145, %get3A_3146] : memref<1x8192xf32, #tpu.memory_space<vmem>>, vector<1x256xf32>
    %get3A_3148 = vector.shape_cast %get3A_3147 : vector<1x256xf32> to vector<256xf32>
    %broadcast_in_dim3A_3149 = vector.shape_cast %get3A_3148 : vector<256xf32> to vector<1x256xf32>
    %add3A_3150 = vector.broadcast %broadcast_in_dim3A_2771 : vector<256x1xf32> to vector<256x256xf32>
    %add3A_3151 = vector.broadcast %broadcast_in_dim3A_3149 : vector<1x256xf32> to vector<256x256xf32>
    %add3A_3152 = arith.addf %add3A_3150, %add3A_3151 : vector<256x256xf32>
    %add3A_3153 = arith.addf %add3A_3152, %dot_general3A_3144 : vector<256x256xf32>
    %slice3A_3154 = vector.extract_strided_slice %add3A_3153 {offsets = [0, 0], sizes = [256, 128], strides = [1, 1]} : vector<256x256xf32> to vector<256x128xf32>
    %slice3A_3155 = vector.extract_strided_slice %add3A_3153 {offsets = [0, 128], sizes = [256, 128], strides = [1, 1]} : vector<256x256xf32> to vector<256x128xf32>
    %add3A_3156 = arith.constant 3328 : i32
    %add3A_3157 = vector.broadcast %add3A_3156 : i32 to vector<256x128xi32>
    %add3A_3158 = arith.addi %iota3A, %add3A_3157 : vector<256x128xi32>
    %lt3A_3159 = arith.cmpf olt, %slice3A_3155, %slice3A_3154 : vector<256x128xf32>
    %select_n3A_3160 = arith.select %lt3A_3159, %slice3A_3155, %slice3A_3154 : vector<256x128xi1>, vector<256x128xf32>
    %add3A_3161 = arith.constant 128 : i32
    %add3A_3162 = vector.broadcast %add3A_3161 : i32 to vector<256x128xi32>
    %add3A_3163 = arith.addi %add3A_3158, %add3A_3162 : vector<256x128xi32>
    %select_n3A_3164 = arith.select %lt3A_3159, %add3A_3163, %add3A_3158 : vector<256x128xi1>, vector<256x128xi32>
    %lt3A_3165 = arith.cmpf olt, %select_n3A_3160, %select_n3A_3139 : vector<256x128xf32>
    %select_n3A_3166 = arith.select %lt3A_3165, %select_n3A_3164, %select_n3A_3138 : vector<256x128xi1>, vector<256x128xi32>
    %select_n3A_3167 = arith.select %lt3A_3165, %select_n3A_3160, %select_n3A_3139 : vector<256x128xi1>, vector<256x128xf32>
    %get3A_3168 = arith.constant 0 : index
    %get3A_3169 = arith.constant 3584 : index
    %get3A_3170 = vector.load %arg4[%get3A_3168, %get3A_3169] : memref<256x8192xbf16, #tpu.memory_space<vmem>>, vector<256x256xbf16>
    %dot_general3A_3171 = arith.constant dense<0.000000e+00> : vector<256x256xf32>
    %dot_general3A_3172 = tpu.matmul %slice3A_2769, %get3A_3170, %dot_general3A_3171 {dimension_numbers = #tpu.dot_dimension_numbers<[1], [0], [0], [1], [0, 0, 1, 1], [], []>, transpose_lhs_hint = false} : vector<256x256xbf16>, vector<256x256xbf16>, vector<256x256xf32> -> vector<256x256xf32>
    %get3A_3173 = arith.constant 0 : index
    %get3A_3174 = arith.constant 3584 : index
    %get3A_3175 = vector.load %arg3[%get3A_3173, %get3A_3174] : memref<1x8192xf32, #tpu.memory_space<vmem>>, vector<1x256xf32>
    %get3A_3176 = vector.shape_cast %get3A_3175 : vector<1x256xf32> to vector<256xf32>
    %broadcast_in_dim3A_3177 = vector.shape_cast %get3A_3176 : vector<256xf32> to vector<1x256xf32>
    %add3A_3178 = vector.broadcast %broadcast_in_dim3A_2771 : vector<256x1xf32> to vector<256x256xf32>
    %add3A_3179 = vector.broadcast %broadcast_in_dim3A_3177 : vector<1x256xf32> to vector<256x256xf32>
    %add3A_3180 = arith.addf %add3A_3178, %add3A_3179 : vector<256x256xf32>
    %add3A_3181 = arith.addf %add3A_3180, %dot_general3A_3172 : vector<256x256xf32>
    %slice3A_3182 = vector.extract_strided_slice %add3A_3181 {offsets = [0, 0], sizes = [256, 128], strides = [1, 1]} : vector<256x256xf32> to vector<256x128xf32>
    %slice3A_3183 = vector.extract_strided_slice %add3A_3181 {offsets = [0, 128], sizes = [256, 128], strides = [1, 1]} : vector<256x256xf32> to vector<256x128xf32>
    %add3A_3184 = arith.constant 3584 : i32
    %add3A_3185 = vector.broadcast %add3A_3184 : i32 to vector<256x128xi32>
    %add3A_3186 = arith.addi %iota3A, %add3A_3185 : vector<256x128xi32>
    %lt3A_3187 = arith.cmpf olt, %slice3A_3183, %slice3A_3182 : vector<256x128xf32>
    %select_n3A_3188 = arith.select %lt3A_3187, %slice3A_3183, %slice3A_3182 : vector<256x128xi1>, vector<256x128xf32>
    %add3A_3189 = arith.constant 128 : i32
    %add3A_3190 = vector.broadcast %add3A_3189 : i32 to vector<256x128xi32>
    %add3A_3191 = arith.addi %add3A_3186, %add3A_3190 : vector<256x128xi32>
    %select_n3A_3192 = arith.select %lt3A_3187, %add3A_3191, %add3A_3186 : vector<256x128xi1>, vector<256x128xi32>
    %lt3A_3193 = arith.cmpf olt, %select_n3A_3188, %select_n3A_3167 : vector<256x128xf32>
    %select_n3A_3194 = arith.select %lt3A_3193, %select_n3A_3192, %select_n3A_3166 : vector<256x128xi1>, vector<256x128xi32>
    %select_n3A_3195 = arith.select %lt3A_3193, %select_n3A_3188, %select_n3A_3167 : vector<256x128xi1>, vector<256x128xf32>
    %get3A_3196 = arith.constant 0 : index
    %get3A_3197 = arith.constant 3840 : index
    %get3A_3198 = vector.load %arg4[%get3A_3196, %get3A_3197] : memref<256x8192xbf16, #tpu.memory_space<vmem>>, vector<256x256xbf16>
    %dot_general3A_3199 = arith.constant dense<0.000000e+00> : vector<256x256xf32>
    %dot_general3A_3200 = tpu.matmul %slice3A_2769, %get3A_3198, %dot_general3A_3199 {dimension_numbers = #tpu.dot_dimension_numbers<[1], [0], [0], [1], [0, 0, 1, 1], [], []>, transpose_lhs_hint = false} : vector<256x256xbf16>, vector<256x256xbf16>, vector<256x256xf32> -> vector<256x256xf32>
    %get3A_3201 = arith.constant 0 : index
    %get3A_3202 = arith.constant 3840 : index
    %get3A_3203 = vector.load %arg3[%get3A_3201, %get3A_3202] : memref<1x8192xf32, #tpu.memory_space<vmem>>, vector<1x256xf32>
    %get3A_3204 = vector.shape_cast %get3A_3203 : vector<1x256xf32> to vector<256xf32>
    %broadcast_in_dim3A_3205 = vector.shape_cast %get3A_3204 : vector<256xf32> to vector<1x256xf32>
    %add3A_3206 = vector.broadcast %broadcast_in_dim3A_2771 : vector<256x1xf32> to vector<256x256xf32>
    %add3A_3207 = vector.broadcast %broadcast_in_dim3A_3205 : vector<1x256xf32> to vector<256x256xf32>
    %add3A_3208 = arith.addf %add3A_3206, %add3A_3207 : vector<256x256xf32>
    %add3A_3209 = arith.addf %add3A_3208, %dot_general3A_3200 : vector<256x256xf32>
    %slice3A_3210 = vector.extract_strided_slice %add3A_3209 {offsets = [0, 0], sizes = [256, 128], strides = [1, 1]} : vector<256x256xf32> to vector<256x128xf32>
    %slice3A_3211 = vector.extract_strided_slice %add3A_3209 {offsets = [0, 128], sizes = [256, 128], strides = [1, 1]} : vector<256x256xf32> to vector<256x128xf32>
    %add3A_3212 = arith.constant 3840 : i32
    %add3A_3213 = vector.broadcast %add3A_3212 : i32 to vector<256x128xi32>
    %add3A_3214 = arith.addi %iota3A, %add3A_3213 : vector<256x128xi32>
    %lt3A_3215 = arith.cmpf olt, %slice3A_3211, %slice3A_3210 : vector<256x128xf32>
    %select_n3A_3216 = arith.select %lt3A_3215, %slice3A_3211, %slice3A_3210 : vector<256x128xi1>, vector<256x128xf32>
    %add3A_3217 = arith.constant 128 : i32
    %add3A_3218 = vector.broadcast %add3A_3217 : i32 to vector<256x128xi32>
    %add3A_3219 = arith.addi %add3A_3214, %add3A_3218 : vector<256x128xi32>
    %select_n3A_3220 = arith.select %lt3A_3215, %add3A_3219, %add3A_3214 : vector<256x128xi1>, vector<256x128xi32>
    %lt3A_3221 = arith.cmpf olt, %select_n3A_3216, %select_n3A_3195 : vector<256x128xf32>
    %select_n3A_3222 = arith.select %lt3A_3221, %select_n3A_3220, %select_n3A_3194 : vector<256x128xi1>, vector<256x128xi32>
    %select_n3A_3223 = arith.select %lt3A_3221, %select_n3A_3216, %select_n3A_3195 : vector<256x128xi1>, vector<256x128xf32>
    %get3A_3224 = arith.constant 0 : index
    %get3A_3225 = arith.constant 4096 : index
    %get3A_3226 = vector.load %arg4[%get3A_3224, %get3A_3225] : memref<256x8192xbf16, #tpu.memory_space<vmem>>, vector<256x256xbf16>
    %dot_general3A_3227 = arith.constant dense<0.000000e+00> : vector<256x256xf32>
    %dot_general3A_3228 = tpu.matmul %slice3A_2769, %get3A_3226, %dot_general3A_3227 {dimension_numbers = #tpu.dot_dimension_numbers<[1], [0], [0], [1], [0, 0, 1, 1], [], []>, transpose_lhs_hint = false} : vector<256x256xbf16>, vector<256x256xbf16>, vector<256x256xf32> -> vector<256x256xf32>
    %get3A_3229 = arith.constant 0 : index
    %get3A_3230 = arith.constant 4096 : index
    %get3A_3231 = vector.load %arg3[%get3A_3229, %get3A_3230] : memref<1x8192xf32, #tpu.memory_space<vmem>>, vector<1x256xf32>
    %get3A_3232 = vector.shape_cast %get3A_3231 : vector<1x256xf32> to vector<256xf32>
    %broadcast_in_dim3A_3233 = vector.shape_cast %get3A_3232 : vector<256xf32> to vector<1x256xf32>
    %add3A_3234 = vector.broadcast %broadcast_in_dim3A_2771 : vector<256x1xf32> to vector<256x256xf32>
    %add3A_3235 = vector.broadcast %broadcast_in_dim3A_3233 : vector<1x256xf32> to vector<256x256xf32>
    %add3A_3236 = arith.addf %add3A_3234, %add3A_3235 : vector<256x256xf32>
    %add3A_3237 = arith.addf %add3A_3236, %dot_general3A_3228 : vector<256x256xf32>
    %slice3A_3238 = vector.extract_strided_slice %add3A_3237 {offsets = [0, 0], sizes = [256, 128], strides = [1, 1]} : vector<256x256xf32> to vector<256x128xf32>
    %slice3A_3239 = vector.extract_strided_slice %add3A_3237 {offsets = [0, 128], sizes = [256, 128], strides = [1, 1]} : vector<256x256xf32> to vector<256x128xf32>
    %add3A_3240 = arith.constant 4096 : i32
    %add3A_3241 = vector.broadcast %add3A_3240 : i32 to vector<256x128xi32>
    %add3A_3242 = arith.addi %iota3A, %add3A_3241 : vector<256x128xi32>
    %lt3A_3243 = arith.cmpf olt, %slice3A_3239, %slice3A_3238 : vector<256x128xf32>
    %select_n3A_3244 = arith.select %lt3A_3243, %slice3A_3239, %slice3A_3238 : vector<256x128xi1>, vector<256x128xf32>
    %add3A_3245 = arith.constant 128 : i32
    %add3A_3246 = vector.broadcast %add3A_3245 : i32 to vector<256x128xi32>
    %add3A_3247 = arith.addi %add3A_3242, %add3A_3246 : vector<256x128xi32>
    %select_n3A_3248 = arith.select %lt3A_3243, %add3A_3247, %add3A_3242 : vector<256x128xi1>, vector<256x128xi32>
    %lt3A_3249 = arith.cmpf olt, %select_n3A_3244, %select_n3A_3223 : vector<256x128xf32>
    %select_n3A_3250 = arith.select %lt3A_3249, %select_n3A_3248, %select_n3A_3222 : vector<256x128xi1>, vector<256x128xi32>
    %select_n3A_3251 = arith.select %lt3A_3249, %select_n3A_3244, %select_n3A_3223 : vector<256x128xi1>, vector<256x128xf32>
    %get3A_3252 = arith.constant 0 : index
    %get3A_3253 = arith.constant 4352 : index
    %get3A_3254 = vector.load %arg4[%get3A_3252, %get3A_3253] : memref<256x8192xbf16, #tpu.memory_space<vmem>>, vector<256x256xbf16>
    %dot_general3A_3255 = arith.constant dense<0.000000e+00> : vector<256x256xf32>
    %dot_general3A_3256 = tpu.matmul %slice3A_2769, %get3A_3254, %dot_general3A_3255 {dimension_numbers = #tpu.dot_dimension_numbers<[1], [0], [0], [1], [0, 0, 1, 1], [], []>, transpose_lhs_hint = false} : vector<256x256xbf16>, vector<256x256xbf16>, vector<256x256xf32> -> vector<256x256xf32>
    %get3A_3257 = arith.constant 0 : index
    %get3A_3258 = arith.constant 4352 : index
    %get3A_3259 = vector.load %arg3[%get3A_3257, %get3A_3258] : memref<1x8192xf32, #tpu.memory_space<vmem>>, vector<1x256xf32>
    %get3A_3260 = vector.shape_cast %get3A_3259 : vector<1x256xf32> to vector<256xf32>
    %broadcast_in_dim3A_3261 = vector.shape_cast %get3A_3260 : vector<256xf32> to vector<1x256xf32>
    %add3A_3262 = vector.broadcast %broadcast_in_dim3A_2771 : vector<256x1xf32> to vector<256x256xf32>
    %add3A_3263 = vector.broadcast %broadcast_in_dim3A_3261 : vector<1x256xf32> to vector<256x256xf32>
    %add3A_3264 = arith.addf %add3A_3262, %add3A_3263 : vector<256x256xf32>
    %add3A_3265 = arith.addf %add3A_3264, %dot_general3A_3256 : vector<256x256xf32>
    %slice3A_3266 = vector.extract_strided_slice %add3A_3265 {offsets = [0, 0], sizes = [256, 128], strides = [1, 1]} : vector<256x256xf32> to vector<256x128xf32>
    %slice3A_3267 = vector.extract_strided_slice %add3A_3265 {offsets = [0, 128], sizes = [256, 128], strides = [1, 1]} : vector<256x256xf32> to vector<256x128xf32>
    %add3A_3268 = arith.constant 4352 : i32
    %add3A_3269 = vector.broadcast %add3A_3268 : i32 to vector<256x128xi32>
    %add3A_3270 = arith.addi %iota3A, %add3A_3269 : vector<256x128xi32>
    %lt3A_3271 = arith.cmpf olt, %slice3A_3267, %slice3A_3266 : vector<256x128xf32>
    %select_n3A_3272 = arith.select %lt3A_3271, %slice3A_3267, %slice3A_3266 : vector<256x128xi1>, vector<256x128xf32>
    %add3A_3273 = arith.constant 128 : i32
    %add3A_3274 = vector.broadcast %add3A_3273 : i32 to vector<256x128xi32>
    %add3A_3275 = arith.addi %add3A_3270, %add3A_3274 : vector<256x128xi32>
    %select_n3A_3276 = arith.select %lt3A_3271, %add3A_3275, %add3A_3270 : vector<256x128xi1>, vector<256x128xi32>
    %lt3A_3277 = arith.cmpf olt, %select_n3A_3272, %select_n3A_3251 : vector<256x128xf32>
    %select_n3A_3278 = arith.select %lt3A_3277, %select_n3A_3276, %select_n3A_3250 : vector<256x128xi1>, vector<256x128xi32>
    %select_n3A_3279 = arith.select %lt3A_3277, %select_n3A_3272, %select_n3A_3251 : vector<256x128xi1>, vector<256x128xf32>
    %get3A_3280 = arith.constant 0 : index
    %get3A_3281 = arith.constant 4608 : index
    %get3A_3282 = vector.load %arg4[%get3A_3280, %get3A_3281] : memref<256x8192xbf16, #tpu.memory_space<vmem>>, vector<256x256xbf16>
    %dot_general3A_3283 = arith.constant dense<0.000000e+00> : vector<256x256xf32>
    %dot_general3A_3284 = tpu.matmul %slice3A_2769, %get3A_3282, %dot_general3A_3283 {dimension_numbers = #tpu.dot_dimension_numbers<[1], [0], [0], [1], [0, 0, 1, 1], [], []>, transpose_lhs_hint = false} : vector<256x256xbf16>, vector<256x256xbf16>, vector<256x256xf32> -> vector<256x256xf32>
    %get3A_3285 = arith.constant 0 : index
    %get3A_3286 = arith.constant 4608 : index
    %get3A_3287 = vector.load %arg3[%get3A_3285, %get3A_3286] : memref<1x8192xf32, #tpu.memory_space<vmem>>, vector<1x256xf32>
    %get3A_3288 = vector.shape_cast %get3A_3287 : vector<1x256xf32> to vector<256xf32>
    %broadcast_in_dim3A_3289 = vector.shape_cast %get3A_3288 : vector<256xf32> to vector<1x256xf32>
    %add3A_3290 = vector.broadcast %broadcast_in_dim3A_2771 : vector<256x1xf32> to vector<256x256xf32>
    %add3A_3291 = vector.broadcast %broadcast_in_dim3A_3289 : vector<1x256xf32> to vector<256x256xf32>
    %add3A_3292 = arith.addf %add3A_3290, %add3A_3291 : vector<256x256xf32>
    %add3A_3293 = arith.addf %add3A_3292, %dot_general3A_3284 : vector<256x256xf32>
    %slice3A_3294 = vector.extract_strided_slice %add3A_3293 {offsets = [0, 0], sizes = [256, 128], strides = [1, 1]} : vector<256x256xf32> to vector<256x128xf32>
    %slice3A_3295 = vector.extract_strided_slice %add3A_3293 {offsets = [0, 128], sizes = [256, 128], strides = [1, 1]} : vector<256x256xf32> to vector<256x128xf32>
    %add3A_3296 = arith.constant 4608 : i32
    %add3A_3297 = vector.broadcast %add3A_3296 : i32 to vector<256x128xi32>
    %add3A_3298 = arith.addi %iota3A, %add3A_3297 : vector<256x128xi32>
    %lt3A_3299 = arith.cmpf olt, %slice3A_3295, %slice3A_3294 : vector<256x128xf32>
    %select_n3A_3300 = arith.select %lt3A_3299, %slice3A_3295, %slice3A_3294 : vector<256x128xi1>, vector<256x128xf32>
    %add3A_3301 = arith.constant 128 : i32
    %add3A_3302 = vector.broadcast %add3A_3301 : i32 to vector<256x128xi32>
    %add3A_3303 = arith.addi %add3A_3298, %add3A_3302 : vector<256x128xi32>
    %select_n3A_3304 = arith.select %lt3A_3299, %add3A_3303, %add3A_3298 : vector<256x128xi1>, vector<256x128xi32>
    %lt3A_3305 = arith.cmpf olt, %select_n3A_3300, %select_n3A_3279 : vector<256x128xf32>
    %select_n3A_3306 = arith.select %lt3A_3305, %select_n3A_3304, %select_n3A_3278 : vector<256x128xi1>, vector<256x128xi32>
    %select_n3A_3307 = arith.select %lt3A_3305, %select_n3A_3300, %select_n3A_3279 : vector<256x128xi1>, vector<256x128xf32>
    %get3A_3308 = arith.constant 0 : index
    %get3A_3309 = arith.constant 4864 : index
    %get3A_3310 = vector.load %arg4[%get3A_3308, %get3A_3309] : memref<256x8192xbf16, #tpu.memory_space<vmem>>, vector<256x256xbf16>
    %dot_general3A_3311 = arith.constant dense<0.000000e+00> : vector<256x256xf32>
    %dot_general3A_3312 = tpu.matmul %slice3A_2769, %get3A_3310, %dot_general3A_3311 {dimension_numbers = #tpu.dot_dimension_numbers<[1], [0], [0], [1], [0, 0, 1, 1], [], []>, transpose_lhs_hint = false} : vector<256x256xbf16>, vector<256x256xbf16>, vector<256x256xf32> -> vector<256x256xf32>
    %get3A_3313 = arith.constant 0 : index
    %get3A_3314 = arith.constant 4864 : index
    %get3A_3315 = vector.load %arg3[%get3A_3313, %get3A_3314] : memref<1x8192xf32, #tpu.memory_space<vmem>>, vector<1x256xf32>
    %get3A_3316 = vector.shape_cast %get3A_3315 : vector<1x256xf32> to vector<256xf32>
    %broadcast_in_dim3A_3317 = vector.shape_cast %get3A_3316 : vector<256xf32> to vector<1x256xf32>
    %add3A_3318 = vector.broadcast %broadcast_in_dim3A_2771 : vector<256x1xf32> to vector<256x256xf32>
    %add3A_3319 = vector.broadcast %broadcast_in_dim3A_3317 : vector<1x256xf32> to vector<256x256xf32>
    %add3A_3320 = arith.addf %add3A_3318, %add3A_3319 : vector<256x256xf32>
    %add3A_3321 = arith.addf %add3A_3320, %dot_general3A_3312 : vector<256x256xf32>
    %slice3A_3322 = vector.extract_strided_slice %add3A_3321 {offsets = [0, 0], sizes = [256, 128], strides = [1, 1]} : vector<256x256xf32> to vector<256x128xf32>
    %slice3A_3323 = vector.extract_strided_slice %add3A_3321 {offsets = [0, 128], sizes = [256, 128], strides = [1, 1]} : vector<256x256xf32> to vector<256x128xf32>
    %add3A_3324 = arith.constant 4864 : i32
    %add3A_3325 = vector.broadcast %add3A_3324 : i32 to vector<256x128xi32>
    %add3A_3326 = arith.addi %iota3A, %add3A_3325 : vector<256x128xi32>
    %lt3A_3327 = arith.cmpf olt, %slice3A_3323, %slice3A_3322 : vector<256x128xf32>
    %select_n3A_3328 = arith.select %lt3A_3327, %slice3A_3323, %slice3A_3322 : vector<256x128xi1>, vector<256x128xf32>
    %add3A_3329 = arith.constant 128 : i32
    %add3A_3330 = vector.broadcast %add3A_3329 : i32 to vector<256x128xi32>
    %add3A_3331 = arith.addi %add3A_3326, %add3A_3330 : vector<256x128xi32>
    %select_n3A_3332 = arith.select %lt3A_3327, %add3A_3331, %add3A_3326 : vector<256x128xi1>, vector<256x128xi32>
    %lt3A_3333 = arith.cmpf olt, %select_n3A_3328, %select_n3A_3307 : vector<256x128xf32>
    %select_n3A_3334 = arith.select %lt3A_3333, %select_n3A_3332, %select_n3A_3306 : vector<256x128xi1>, vector<256x128xi32>
    %select_n3A_3335 = arith.select %lt3A_3333, %select_n3A_3328, %select_n3A_3307 : vector<256x128xi1>, vector<256x128xf32>
    %get3A_3336 = arith.constant 0 : index
    %get3A_3337 = arith.constant 5120 : index
    %get3A_3338 = vector.load %arg4[%get3A_3336, %get3A_3337] : memref<256x8192xbf16, #tpu.memory_space<vmem>>, vector<256x256xbf16>
    %dot_general3A_3339 = arith.constant dense<0.000000e+00> : vector<256x256xf32>
    %dot_general3A_3340 = tpu.matmul %slice3A_2769, %get3A_3338, %dot_general3A_3339 {dimension_numbers = #tpu.dot_dimension_numbers<[1], [0], [0], [1], [0, 0, 1, 1], [], []>, transpose_lhs_hint = false} : vector<256x256xbf16>, vector<256x256xbf16>, vector<256x256xf32> -> vector<256x256xf32>
    %get3A_3341 = arith.constant 0 : index
    %get3A_3342 = arith.constant 5120 : index
    %get3A_3343 = vector.load %arg3[%get3A_3341, %get3A_3342] : memref<1x8192xf32, #tpu.memory_space<vmem>>, vector<1x256xf32>
    %get3A_3344 = vector.shape_cast %get3A_3343 : vector<1x256xf32> to vector<256xf32>
    %broadcast_in_dim3A_3345 = vector.shape_cast %get3A_3344 : vector<256xf32> to vector<1x256xf32>
    %add3A_3346 = vector.broadcast %broadcast_in_dim3A_2771 : vector<256x1xf32> to vector<256x256xf32>
    %add3A_3347 = vector.broadcast %broadcast_in_dim3A_3345 : vector<1x256xf32> to vector<256x256xf32>
    %add3A_3348 = arith.addf %add3A_3346, %add3A_3347 : vector<256x256xf32>
    %add3A_3349 = arith.addf %add3A_3348, %dot_general3A_3340 : vector<256x256xf32>
    %slice3A_3350 = vector.extract_strided_slice %add3A_3349 {offsets = [0, 0], sizes = [256, 128], strides = [1, 1]} : vector<256x256xf32> to vector<256x128xf32>
    %slice3A_3351 = vector.extract_strided_slice %add3A_3349 {offsets = [0, 128], sizes = [256, 128], strides = [1, 1]} : vector<256x256xf32> to vector<256x128xf32>
    %add3A_3352 = arith.constant 5120 : i32
    %add3A_3353 = vector.broadcast %add3A_3352 : i32 to vector<256x128xi32>
    %add3A_3354 = arith.addi %iota3A, %add3A_3353 : vector<256x128xi32>
    %lt3A_3355 = arith.cmpf olt, %slice3A_3351, %slice3A_3350 : vector<256x128xf32>
    %select_n3A_3356 = arith.select %lt3A_3355, %slice3A_3351, %slice3A_3350 : vector<256x128xi1>, vector<256x128xf32>
    %add3A_3357 = arith.constant 128 : i32
    %add3A_3358 = vector.broadcast %add3A_3357 : i32 to vector<256x128xi32>
    %add3A_3359 = arith.addi %add3A_3354, %add3A_3358 : vector<256x128xi32>
    %select_n3A_3360 = arith.select %lt3A_3355, %add3A_3359, %add3A_3354 : vector<256x128xi1>, vector<256x128xi32>
    %lt3A_3361 = arith.cmpf olt, %select_n3A_3356, %select_n3A_3335 : vector<256x128xf32>
    %select_n3A_3362 = arith.select %lt3A_3361, %select_n3A_3360, %select_n3A_3334 : vector<256x128xi1>, vector<256x128xi32>
    %select_n3A_3363 = arith.select %lt3A_3361, %select_n3A_3356, %select_n3A_3335 : vector<256x128xi1>, vector<256x128xf32>
    %get3A_3364 = arith.constant 0 : index
    %get3A_3365 = arith.constant 5376 : index
    %get3A_3366 = vector.load %arg4[%get3A_3364, %get3A_3365] : memref<256x8192xbf16, #tpu.memory_space<vmem>>, vector<256x256xbf16>
    %dot_general3A_3367 = arith.constant dense<0.000000e+00> : vector<256x256xf32>
    %dot_general3A_3368 = tpu.matmul %slice3A_2769, %get3A_3366, %dot_general3A_3367 {dimension_numbers = #tpu.dot_dimension_numbers<[1], [0], [0], [1], [0, 0, 1, 1], [], []>, transpose_lhs_hint = false} : vector<256x256xbf16>, vector<256x256xbf16>, vector<256x256xf32> -> vector<256x256xf32>
    %get3A_3369 = arith.constant 0 : index
    %get3A_3370 = arith.constant 5376 : index
    %get3A_3371 = vector.load %arg3[%get3A_3369, %get3A_3370] : memref<1x8192xf32, #tpu.memory_space<vmem>>, vector<1x256xf32>
    %get3A_3372 = vector.shape_cast %get3A_3371 : vector<1x256xf32> to vector<256xf32>
    %broadcast_in_dim3A_3373 = vector.shape_cast %get3A_3372 : vector<256xf32> to vector<1x256xf32>
    %add3A_3374 = vector.broadcast %broadcast_in_dim3A_2771 : vector<256x1xf32> to vector<256x256xf32>
    %add3A_3375 = vector.broadcast %broadcast_in_dim3A_3373 : vector<1x256xf32> to vector<256x256xf32>
    %add3A_3376 = arith.addf %add3A_3374, %add3A_3375 : vector<256x256xf32>
    %add3A_3377 = arith.addf %add3A_3376, %dot_general3A_3368 : vector<256x256xf32>
    %slice3A_3378 = vector.extract_strided_slice %add3A_3377 {offsets = [0, 0], sizes = [256, 128], strides = [1, 1]} : vector<256x256xf32> to vector<256x128xf32>
    %slice3A_3379 = vector.extract_strided_slice %add3A_3377 {offsets = [0, 128], sizes = [256, 128], strides = [1, 1]} : vector<256x256xf32> to vector<256x128xf32>
    %add3A_3380 = arith.constant 5376 : i32
    %add3A_3381 = vector.broadcast %add3A_3380 : i32 to vector<256x128xi32>
    %add3A_3382 = arith.addi %iota3A, %add3A_3381 : vector<256x128xi32>
    %lt3A_3383 = arith.cmpf olt, %slice3A_3379, %slice3A_3378 : vector<256x128xf32>
    %select_n3A_3384 = arith.select %lt3A_3383, %slice3A_3379, %slice3A_3378 : vector<256x128xi1>, vector<256x128xf32>
    %add3A_3385 = arith.constant 128 : i32
    %add3A_3386 = vector.broadcast %add3A_3385 : i32 to vector<256x128xi32>
    %add3A_3387 = arith.addi %add3A_3382, %add3A_3386 : vector<256x128xi32>
    %select_n3A_3388 = arith.select %lt3A_3383, %add3A_3387, %add3A_3382 : vector<256x128xi1>, vector<256x128xi32>
    %lt3A_3389 = arith.cmpf olt, %select_n3A_3384, %select_n3A_3363 : vector<256x128xf32>
    %select_n3A_3390 = arith.select %lt3A_3389, %select_n3A_3388, %select_n3A_3362 : vector<256x128xi1>, vector<256x128xi32>
    %select_n3A_3391 = arith.select %lt3A_3389, %select_n3A_3384, %select_n3A_3363 : vector<256x128xi1>, vector<256x128xf32>
    %get3A_3392 = arith.constant 0 : index
    %get3A_3393 = arith.constant 5632 : index
    %get3A_3394 = vector.load %arg4[%get3A_3392, %get3A_3393] : memref<256x8192xbf16, #tpu.memory_space<vmem>>, vector<256x256xbf16>
    %dot_general3A_3395 = arith.constant dense<0.000000e+00> : vector<256x256xf32>
    %dot_general3A_3396 = tpu.matmul %slice3A_2769, %get3A_3394, %dot_general3A_3395 {dimension_numbers = #tpu.dot_dimension_numbers<[1], [0], [0], [1], [0, 0, 1, 1], [], []>, transpose_lhs_hint = false} : vector<256x256xbf16>, vector<256x256xbf16>, vector<256x256xf32> -> vector<256x256xf32>
    %get3A_3397 = arith.constant 0 : index
    %get3A_3398 = arith.constant 5632 : index
    %get3A_3399 = vector.load %arg3[%get3A_3397, %get3A_3398] : memref<1x8192xf32, #tpu.memory_space<vmem>>, vector<1x256xf32>
    %get3A_3400 = vector.shape_cast %get3A_3399 : vector<1x256xf32> to vector<256xf32>
    %broadcast_in_dim3A_3401 = vector.shape_cast %get3A_3400 : vector<256xf32> to vector<1x256xf32>
    %add3A_3402 = vector.broadcast %broadcast_in_dim3A_2771 : vector<256x1xf32> to vector<256x256xf32>
    %add3A_3403 = vector.broadcast %broadcast_in_dim3A_3401 : vector<1x256xf32> to vector<256x256xf32>
    %add3A_3404 = arith.addf %add3A_3402, %add3A_3403 : vector<256x256xf32>
    %add3A_3405 = arith.addf %add3A_3404, %dot_general3A_3396 : vector<256x256xf32>
    %slice3A_3406 = vector.extract_strided_slice %add3A_3405 {offsets = [0, 0], sizes = [256, 128], strides = [1, 1]} : vector<256x256xf32> to vector<256x128xf32>
    %slice3A_3407 = vector.extract_strided_slice %add3A_3405 {offsets = [0, 128], sizes = [256, 128], strides = [1, 1]} : vector<256x256xf32> to vector<256x128xf32>
    %add3A_3408 = arith.constant 5632 : i32
    %add3A_3409 = vector.broadcast %add3A_3408 : i32 to vector<256x128xi32>
    %add3A_3410 = arith.addi %iota3A, %add3A_3409 : vector<256x128xi32>
    %lt3A_3411 = arith.cmpf olt, %slice3A_3407, %slice3A_3406 : vector<256x128xf32>
    %select_n3A_3412 = arith.select %lt3A_3411, %slice3A_3407, %slice3A_3406 : vector<256x128xi1>, vector<256x128xf32>
    %add3A_3413 = arith.constant 128 : i32
    %add3A_3414 = vector.broadcast %add3A_3413 : i32 to vector<256x128xi32>
    %add3A_3415 = arith.addi %add3A_3410, %add3A_3414 : vector<256x128xi32>
    %select_n3A_3416 = arith.select %lt3A_3411, %add3A_3415, %add3A_3410 : vector<256x128xi1>, vector<256x128xi32>
    %lt3A_3417 = arith.cmpf olt, %select_n3A_3412, %select_n3A_3391 : vector<256x128xf32>
    %select_n3A_3418 = arith.select %lt3A_3417, %select_n3A_3416, %select_n3A_3390 : vector<256x128xi1>, vector<256x128xi32>
    %select_n3A_3419 = arith.select %lt3A_3417, %select_n3A_3412, %select_n3A_3391 : vector<256x128xi1>, vector<256x128xf32>
    %get3A_3420 = arith.constant 0 : index
    %get3A_3421 = arith.constant 5888 : index
    %get3A_3422 = vector.load %arg4[%get3A_3420, %get3A_3421] : memref<256x8192xbf16, #tpu.memory_space<vmem>>, vector<256x256xbf16>
    %dot_general3A_3423 = arith.constant dense<0.000000e+00> : vector<256x256xf32>
    %dot_general3A_3424 = tpu.matmul %slice3A_2769, %get3A_3422, %dot_general3A_3423 {dimension_numbers = #tpu.dot_dimension_numbers<[1], [0], [0], [1], [0, 0, 1, 1], [], []>, transpose_lhs_hint = false} : vector<256x256xbf16>, vector<256x256xbf16>, vector<256x256xf32> -> vector<256x256xf32>
    %get3A_3425 = arith.constant 0 : index
    %get3A_3426 = arith.constant 5888 : index
    %get3A_3427 = vector.load %arg3[%get3A_3425, %get3A_3426] : memref<1x8192xf32, #tpu.memory_space<vmem>>, vector<1x256xf32>
    %get3A_3428 = vector.shape_cast %get3A_3427 : vector<1x256xf32> to vector<256xf32>
    %broadcast_in_dim3A_3429 = vector.shape_cast %get3A_3428 : vector<256xf32> to vector<1x256xf32>
    %add3A_3430 = vector.broadcast %broadcast_in_dim3A_2771 : vector<256x1xf32> to vector<256x256xf32>
    %add3A_3431 = vector.broadcast %broadcast_in_dim3A_3429 : vector<1x256xf32> to vector<256x256xf32>
    %add3A_3432 = arith.addf %add3A_3430, %add3A_3431 : vector<256x256xf32>
    %add3A_3433 = arith.addf %add3A_3432, %dot_general3A_3424 : vector<256x256xf32>
    %slice3A_3434 = vector.extract_strided_slice %add3A_3433 {offsets = [0, 0], sizes = [256, 128], strides = [1, 1]} : vector<256x256xf32> to vector<256x128xf32>
    %slice3A_3435 = vector.extract_strided_slice %add3A_3433 {offsets = [0, 128], sizes = [256, 128], strides = [1, 1]} : vector<256x256xf32> to vector<256x128xf32>
    %add3A_3436 = arith.constant 5888 : i32
    %add3A_3437 = vector.broadcast %add3A_3436 : i32 to vector<256x128xi32>
    %add3A_3438 = arith.addi %iota3A, %add3A_3437 : vector<256x128xi32>
    %lt3A_3439 = arith.cmpf olt, %slice3A_3435, %slice3A_3434 : vector<256x128xf32>
    %select_n3A_3440 = arith.select %lt3A_3439, %slice3A_3435, %slice3A_3434 : vector<256x128xi1>, vector<256x128xf32>
    %add3A_3441 = arith.constant 128 : i32
    %add3A_3442 = vector.broadcast %add3A_3441 : i32 to vector<256x128xi32>
    %add3A_3443 = arith.addi %add3A_3438, %add3A_3442 : vector<256x128xi32>
    %select_n3A_3444 = arith.select %lt3A_3439, %add3A_3443, %add3A_3438 : vector<256x128xi1>, vector<256x128xi32>
    %lt3A_3445 = arith.cmpf olt, %select_n3A_3440, %select_n3A_3419 : vector<256x128xf32>
    %select_n3A_3446 = arith.select %lt3A_3445, %select_n3A_3444, %select_n3A_3418 : vector<256x128xi1>, vector<256x128xi32>
    %select_n3A_3447 = arith.select %lt3A_3445, %select_n3A_3440, %select_n3A_3419 : vector<256x128xi1>, vector<256x128xf32>
    %get3A_3448 = arith.constant 0 : index
    %get3A_3449 = arith.constant 6144 : index
    %get3A_3450 = vector.load %arg4[%get3A_3448, %get3A_3449] : memref<256x8192xbf16, #tpu.memory_space<vmem>>, vector<256x256xbf16>
    %dot_general3A_3451 = arith.constant dense<0.000000e+00> : vector<256x256xf32>
    %dot_general3A_3452 = tpu.matmul %slice3A_2769, %get3A_3450, %dot_general3A_3451 {dimension_numbers = #tpu.dot_dimension_numbers<[1], [0], [0], [1], [0, 0, 1, 1], [], []>, transpose_lhs_hint = false} : vector<256x256xbf16>, vector<256x256xbf16>, vector<256x256xf32> -> vector<256x256xf32>
    %get3A_3453 = arith.constant 0 : index
    %get3A_3454 = arith.constant 6144 : index
    %get3A_3455 = vector.load %arg3[%get3A_3453, %get3A_3454] : memref<1x8192xf32, #tpu.memory_space<vmem>>, vector<1x256xf32>
    %get3A_3456 = vector.shape_cast %get3A_3455 : vector<1x256xf32> to vector<256xf32>
    %broadcast_in_dim3A_3457 = vector.shape_cast %get3A_3456 : vector<256xf32> to vector<1x256xf32>
    %add3A_3458 = vector.broadcast %broadcast_in_dim3A_2771 : vector<256x1xf32> to vector<256x256xf32>
    %add3A_3459 = vector.broadcast %broadcast_in_dim3A_3457 : vector<1x256xf32> to vector<256x256xf32>
    %add3A_3460 = arith.addf %add3A_3458, %add3A_3459 : vector<256x256xf32>
    %add3A_3461 = arith.addf %add3A_3460, %dot_general3A_3452 : vector<256x256xf32>
    %slice3A_3462 = vector.extract_strided_slice %add3A_3461 {offsets = [0, 0], sizes = [256, 128], strides = [1, 1]} : vector<256x256xf32> to vector<256x128xf32>
    %slice3A_3463 = vector.extract_strided_slice %add3A_3461 {offsets = [0, 128], sizes = [256, 128], strides = [1, 1]} : vector<256x256xf32> to vector<256x128xf32>
    %add3A_3464 = arith.constant 6144 : i32
    %add3A_3465 = vector.broadcast %add3A_3464 : i32 to vector<256x128xi32>
    %add3A_3466 = arith.addi %iota3A, %add3A_3465 : vector<256x128xi32>
    %lt3A_3467 = arith.cmpf olt, %slice3A_3463, %slice3A_3462 : vector<256x128xf32>
    %select_n3A_3468 = arith.select %lt3A_3467, %slice3A_3463, %slice3A_3462 : vector<256x128xi1>, vector<256x128xf32>
    %add3A_3469 = arith.constant 128 : i32
    %add3A_3470 = vector.broadcast %add3A_3469 : i32 to vector<256x128xi32>
    %add3A_3471 = arith.addi %add3A_3466, %add3A_3470 : vector<256x128xi32>
    %select_n3A_3472 = arith.select %lt3A_3467, %add3A_3471, %add3A_3466 : vector<256x128xi1>, vector<256x128xi32>
    %lt3A_3473 = arith.cmpf olt, %select_n3A_3468, %select_n3A_3447 : vector<256x128xf32>
    %select_n3A_3474 = arith.select %lt3A_3473, %select_n3A_3472, %select_n3A_3446 : vector<256x128xi1>, vector<256x128xi32>
    %select_n3A_3475 = arith.select %lt3A_3473, %select_n3A_3468, %select_n3A_3447 : vector<256x128xi1>, vector<256x128xf32>
    %get3A_3476 = arith.constant 0 : index
    %get3A_3477 = arith.constant 6400 : index
    %get3A_3478 = vector.load %arg4[%get3A_3476, %get3A_3477] : memref<256x8192xbf16, #tpu.memory_space<vmem>>, vector<256x256xbf16>
    %dot_general3A_3479 = arith.constant dense<0.000000e+00> : vector<256x256xf32>
    %dot_general3A_3480 = tpu.matmul %slice3A_2769, %get3A_3478, %dot_general3A_3479 {dimension_numbers = #tpu.dot_dimension_numbers<[1], [0], [0], [1], [0, 0, 1, 1], [], []>, transpose_lhs_hint = false} : vector<256x256xbf16>, vector<256x256xbf16>, vector<256x256xf32> -> vector<256x256xf32>
    %get3A_3481 = arith.constant 0 : index
    %get3A_3482 = arith.constant 6400 : index
    %get3A_3483 = vector.load %arg3[%get3A_3481, %get3A_3482] : memref<1x8192xf32, #tpu.memory_space<vmem>>, vector<1x256xf32>
    %get3A_3484 = vector.shape_cast %get3A_3483 : vector<1x256xf32> to vector<256xf32>
    %broadcast_in_dim3A_3485 = vector.shape_cast %get3A_3484 : vector<256xf32> to vector<1x256xf32>
    %add3A_3486 = vector.broadcast %broadcast_in_dim3A_2771 : vector<256x1xf32> to vector<256x256xf32>
    %add3A_3487 = vector.broadcast %broadcast_in_dim3A_3485 : vector<1x256xf32> to vector<256x256xf32>
    %add3A_3488 = arith.addf %add3A_3486, %add3A_3487 : vector<256x256xf32>
    %add3A_3489 = arith.addf %add3A_3488, %dot_general3A_3480 : vector<256x256xf32>
    %slice3A_3490 = vector.extract_strided_slice %add3A_3489 {offsets = [0, 0], sizes = [256, 128], strides = [1, 1]} : vector<256x256xf32> to vector<256x128xf32>
    %slice3A_3491 = vector.extract_strided_slice %add3A_3489 {offsets = [0, 128], sizes = [256, 128], strides = [1, 1]} : vector<256x256xf32> to vector<256x128xf32>
    %add3A_3492 = arith.constant 6400 : i32
    %add3A_3493 = vector.broadcast %add3A_3492 : i32 to vector<256x128xi32>
    %add3A_3494 = arith.addi %iota3A, %add3A_3493 : vector<256x128xi32>
    %lt3A_3495 = arith.cmpf olt, %slice3A_3491, %slice3A_3490 : vector<256x128xf32>
    %select_n3A_3496 = arith.select %lt3A_3495, %slice3A_3491, %slice3A_3490 : vector<256x128xi1>, vector<256x128xf32>
    %add3A_3497 = arith.constant 128 : i32
    %add3A_3498 = vector.broadcast %add3A_3497 : i32 to vector<256x128xi32>
    %add3A_3499 = arith.addi %add3A_3494, %add3A_3498 : vector<256x128xi32>
    %select_n3A_3500 = arith.select %lt3A_3495, %add3A_3499, %add3A_3494 : vector<256x128xi1>, vector<256x128xi32>
    %lt3A_3501 = arith.cmpf olt, %select_n3A_3496, %select_n3A_3475 : vector<256x128xf32>
    %select_n3A_3502 = arith.select %lt3A_3501, %select_n3A_3500, %select_n3A_3474 : vector<256x128xi1>, vector<256x128xi32>
    %select_n3A_3503 = arith.select %lt3A_3501, %select_n3A_3496, %select_n3A_3475 : vector<256x128xi1>, vector<256x128xf32>
    %get3A_3504 = arith.constant 0 : index
    %get3A_3505 = arith.constant 6656 : index
    %get3A_3506 = vector.load %arg4[%get3A_3504, %get3A_3505] : memref<256x8192xbf16, #tpu.memory_space<vmem>>, vector<256x256xbf16>
    %dot_general3A_3507 = arith.constant dense<0.000000e+00> : vector<256x256xf32>
    %dot_general3A_3508 = tpu.matmul %slice3A_2769, %get3A_3506, %dot_general3A_3507 {dimension_numbers = #tpu.dot_dimension_numbers<[1], [0], [0], [1], [0, 0, 1, 1], [], []>, transpose_lhs_hint = false} : vector<256x256xbf16>, vector<256x256xbf16>, vector<256x256xf32> -> vector<256x256xf32>
    %get3A_3509 = arith.constant 0 : index
    %get3A_3510 = arith.constant 6656 : index
    %get3A_3511 = vector.load %arg3[%get3A_3509, %get3A_3510] : memref<1x8192xf32, #tpu.memory_space<vmem>>, vector<1x256xf32>
    %get3A_3512 = vector.shape_cast %get3A_3511 : vector<1x256xf32> to vector<256xf32>
    %broadcast_in_dim3A_3513 = vector.shape_cast %get3A_3512 : vector<256xf32> to vector<1x256xf32>
    %add3A_3514 = vector.broadcast %broadcast_in_dim3A_2771 : vector<256x1xf32> to vector<256x256xf32>
    %add3A_3515 = vector.broadcast %broadcast_in_dim3A_3513 : vector<1x256xf32> to vector<256x256xf32>
    %add3A_3516 = arith.addf %add3A_3514, %add3A_3515 : vector<256x256xf32>
    %add3A_3517 = arith.addf %add3A_3516, %dot_general3A_3508 : vector<256x256xf32>
    %slice3A_3518 = vector.extract_strided_slice %add3A_3517 {offsets = [0, 0], sizes = [256, 128], strides = [1, 1]} : vector<256x256xf32> to vector<256x128xf32>
    %slice3A_3519 = vector.extract_strided_slice %add3A_3517 {offsets = [0, 128], sizes = [256, 128], strides = [1, 1]} : vector<256x256xf32> to vector<256x128xf32>
    %add3A_3520 = arith.constant 6656 : i32
    %add3A_3521 = vector.broadcast %add3A_3520 : i32 to vector<256x128xi32>
    %add3A_3522 = arith.addi %iota3A, %add3A_3521 : vector<256x128xi32>
    %lt3A_3523 = arith.cmpf olt, %slice3A_3519, %slice3A_3518 : vector<256x128xf32>
    %select_n3A_3524 = arith.select %lt3A_3523, %slice3A_3519, %slice3A_3518 : vector<256x128xi1>, vector<256x128xf32>
    %add3A_3525 = arith.constant 128 : i32
    %add3A_3526 = vector.broadcast %add3A_3525 : i32 to vector<256x128xi32>
    %add3A_3527 = arith.addi %add3A_3522, %add3A_3526 : vector<256x128xi32>
    %select_n3A_3528 = arith.select %lt3A_3523, %add3A_3527, %add3A_3522 : vector<256x128xi1>, vector<256x128xi32>
    %lt3A_3529 = arith.cmpf olt, %select_n3A_3524, %select_n3A_3503 : vector<256x128xf32>
    %select_n3A_3530 = arith.select %lt3A_3529, %select_n3A_3528, %select_n3A_3502 : vector<256x128xi1>, vector<256x128xi32>
    %select_n3A_3531 = arith.select %lt3A_3529, %select_n3A_3524, %select_n3A_3503 : vector<256x128xi1>, vector<256x128xf32>
    %get3A_3532 = arith.constant 0 : index
    %get3A_3533 = arith.constant 6912 : index
    %get3A_3534 = vector.load %arg4[%get3A_3532, %get3A_3533] : memref<256x8192xbf16, #tpu.memory_space<vmem>>, vector<256x256xbf16>
    %dot_general3A_3535 = arith.constant dense<0.000000e+00> : vector<256x256xf32>
    %dot_general3A_3536 = tpu.matmul %slice3A_2769, %get3A_3534, %dot_general3A_3535 {dimension_numbers = #tpu.dot_dimension_numbers<[1], [0], [0], [1], [0, 0, 1, 1], [], []>, transpose_lhs_hint = false} : vector<256x256xbf16>, vector<256x256xbf16>, vector<256x256xf32> -> vector<256x256xf32>
    %get3A_3537 = arith.constant 0 : index
    %get3A_3538 = arith.constant 6912 : index
    %get3A_3539 = vector.load %arg3[%get3A_3537, %get3A_3538] : memref<1x8192xf32, #tpu.memory_space<vmem>>, vector<1x256xf32>
    %get3A_3540 = vector.shape_cast %get3A_3539 : vector<1x256xf32> to vector<256xf32>
    %broadcast_in_dim3A_3541 = vector.shape_cast %get3A_3540 : vector<256xf32> to vector<1x256xf32>
    %add3A_3542 = vector.broadcast %broadcast_in_dim3A_2771 : vector<256x1xf32> to vector<256x256xf32>
    %add3A_3543 = vector.broadcast %broadcast_in_dim3A_3541 : vector<1x256xf32> to vector<256x256xf32>
    %add3A_3544 = arith.addf %add3A_3542, %add3A_3543 : vector<256x256xf32>
    %add3A_3545 = arith.addf %add3A_3544, %dot_general3A_3536 : vector<256x256xf32>
    %slice3A_3546 = vector.extract_strided_slice %add3A_3545 {offsets = [0, 0], sizes = [256, 128], strides = [1, 1]} : vector<256x256xf32> to vector<256x128xf32>
    %slice3A_3547 = vector.extract_strided_slice %add3A_3545 {offsets = [0, 128], sizes = [256, 128], strides = [1, 1]} : vector<256x256xf32> to vector<256x128xf32>
    %add3A_3548 = arith.constant 6912 : i32
    %add3A_3549 = vector.broadcast %add3A_3548 : i32 to vector<256x128xi32>
    %add3A_3550 = arith.addi %iota3A, %add3A_3549 : vector<256x128xi32>
    %lt3A_3551 = arith.cmpf olt, %slice3A_3547, %slice3A_3546 : vector<256x128xf32>
    %select_n3A_3552 = arith.select %lt3A_3551, %slice3A_3547, %slice3A_3546 : vector<256x128xi1>, vector<256x128xf32>
    %add3A_3553 = arith.constant 128 : i32
    %add3A_3554 = vector.broadcast %add3A_3553 : i32 to vector<256x128xi32>
    %add3A_3555 = arith.addi %add3A_3550, %add3A_3554 : vector<256x128xi32>
    %select_n3A_3556 = arith.select %lt3A_3551, %add3A_3555, %add3A_3550 : vector<256x128xi1>, vector<256x128xi32>
    %lt3A_3557 = arith.cmpf olt, %select_n3A_3552, %select_n3A_3531 : vector<256x128xf32>
    %select_n3A_3558 = arith.select %lt3A_3557, %select_n3A_3556, %select_n3A_3530 : vector<256x128xi1>, vector<256x128xi32>
    %select_n3A_3559 = arith.select %lt3A_3557, %select_n3A_3552, %select_n3A_3531 : vector<256x128xi1>, vector<256x128xf32>
    %get3A_3560 = arith.constant 0 : index
    %get3A_3561 = arith.constant 7168 : index
    %get3A_3562 = vector.load %arg4[%get3A_3560, %get3A_3561] : memref<256x8192xbf16, #tpu.memory_space<vmem>>, vector<256x256xbf16>
    %dot_general3A_3563 = arith.constant dense<0.000000e+00> : vector<256x256xf32>
    %dot_general3A_3564 = tpu.matmul %slice3A_2769, %get3A_3562, %dot_general3A_3563 {dimension_numbers = #tpu.dot_dimension_numbers<[1], [0], [0], [1], [0, 0, 1, 1], [], []>, transpose_lhs_hint = false} : vector<256x256xbf16>, vector<256x256xbf16>, vector<256x256xf32> -> vector<256x256xf32>
    %get3A_3565 = arith.constant 0 : index
    %get3A_3566 = arith.constant 7168 : index
    %get3A_3567 = vector.load %arg3[%get3A_3565, %get3A_3566] : memref<1x8192xf32, #tpu.memory_space<vmem>>, vector<1x256xf32>
    %get3A_3568 = vector.shape_cast %get3A_3567 : vector<1x256xf32> to vector<256xf32>
    %broadcast_in_dim3A_3569 = vector.shape_cast %get3A_3568 : vector<256xf32> to vector<1x256xf32>
    %add3A_3570 = vector.broadcast %broadcast_in_dim3A_2771 : vector<256x1xf32> to vector<256x256xf32>
    %add3A_3571 = vector.broadcast %broadcast_in_dim3A_3569 : vector<1x256xf32> to vector<256x256xf32>
    %add3A_3572 = arith.addf %add3A_3570, %add3A_3571 : vector<256x256xf32>
    %add3A_3573 = arith.addf %add3A_3572, %dot_general3A_3564 : vector<256x256xf32>
    %slice3A_3574 = vector.extract_strided_slice %add3A_3573 {offsets = [0, 0], sizes = [256, 128], strides = [1, 1]} : vector<256x256xf32> to vector<256x128xf32>
    %slice3A_3575 = vector.extract_strided_slice %add3A_3573 {offsets = [0, 128], sizes = [256, 128], strides = [1, 1]} : vector<256x256xf32> to vector<256x128xf32>
    %add3A_3576 = arith.constant 7168 : i32
    %add3A_3577 = vector.broadcast %add3A_3576 : i32 to vector<256x128xi32>
    %add3A_3578 = arith.addi %iota3A, %add3A_3577 : vector<256x128xi32>
    %lt3A_3579 = arith.cmpf olt, %slice3A_3575, %slice3A_3574 : vector<256x128xf32>
    %select_n3A_3580 = arith.select %lt3A_3579, %slice3A_3575, %slice3A_3574 : vector<256x128xi1>, vector<256x128xf32>
    %add3A_3581 = arith.constant 128 : i32
    %add3A_3582 = vector.broadcast %add3A_3581 : i32 to vector<256x128xi32>
    %add3A_3583 = arith.addi %add3A_3578, %add3A_3582 : vector<256x128xi32>
    %select_n3A_3584 = arith.select %lt3A_3579, %add3A_3583, %add3A_3578 : vector<256x128xi1>, vector<256x128xi32>
    %lt3A_3585 = arith.cmpf olt, %select_n3A_3580, %select_n3A_3559 : vector<256x128xf32>
    %select_n3A_3586 = arith.select %lt3A_3585, %select_n3A_3584, %select_n3A_3558 : vector<256x128xi1>, vector<256x128xi32>
    %select_n3A_3587 = arith.select %lt3A_3585, %select_n3A_3580, %select_n3A_3559 : vector<256x128xi1>, vector<256x128xf32>
    %get3A_3588 = arith.constant 0 : index
    %get3A_3589 = arith.constant 7424 : index
    %get3A_3590 = vector.load %arg4[%get3A_3588, %get3A_3589] : memref<256x8192xbf16, #tpu.memory_space<vmem>>, vector<256x256xbf16>
    %dot_general3A_3591 = arith.constant dense<0.000000e+00> : vector<256x256xf32>
    %dot_general3A_3592 = tpu.matmul %slice3A_2769, %get3A_3590, %dot_general3A_3591 {dimension_numbers = #tpu.dot_dimension_numbers<[1], [0], [0], [1], [0, 0, 1, 1], [], []>, transpose_lhs_hint = false} : vector<256x256xbf16>, vector<256x256xbf16>, vector<256x256xf32> -> vector<256x256xf32>
    %get3A_3593 = arith.constant 0 : index
    %get3A_3594 = arith.constant 7424 : index
    %get3A_3595 = vector.load %arg3[%get3A_3593, %get3A_3594] : memref<1x8192xf32, #tpu.memory_space<vmem>>, vector<1x256xf32>
    %get3A_3596 = vector.shape_cast %get3A_3595 : vector<1x256xf32> to vector<256xf32>
    %broadcast_in_dim3A_3597 = vector.shape_cast %get3A_3596 : vector<256xf32> to vector<1x256xf32>
    %add3A_3598 = vector.broadcast %broadcast_in_dim3A_2771 : vector<256x1xf32> to vector<256x256xf32>
    %add3A_3599 = vector.broadcast %broadcast_in_dim3A_3597 : vector<1x256xf32> to vector<256x256xf32>
    %add3A_3600 = arith.addf %add3A_3598, %add3A_3599 : vector<256x256xf32>
    %add3A_3601 = arith.addf %add3A_3600, %dot_general3A_3592 : vector<256x256xf32>
    %slice3A_3602 = vector.extract_strided_slice %add3A_3601 {offsets = [0, 0], sizes = [256, 128], strides = [1, 1]} : vector<256x256xf32> to vector<256x128xf32>
    %slice3A_3603 = vector.extract_strided_slice %add3A_3601 {offsets = [0, 128], sizes = [256, 128], strides = [1, 1]} : vector<256x256xf32> to vector<256x128xf32>
    %add3A_3604 = arith.constant 7424 : i32
    %add3A_3605 = vector.broadcast %add3A_3604 : i32 to vector<256x128xi32>
    %add3A_3606 = arith.addi %iota3A, %add3A_3605 : vector<256x128xi32>
    %lt3A_3607 = arith.cmpf olt, %slice3A_3603, %slice3A_3602 : vector<256x128xf32>
    %select_n3A_3608 = arith.select %lt3A_3607, %slice3A_3603, %slice3A_3602 : vector<256x128xi1>, vector<256x128xf32>
    %add3A_3609 = arith.constant 128 : i32
    %add3A_3610 = vector.broadcast %add3A_3609 : i32 to vector<256x128xi32>
    %add3A_3611 = arith.addi %add3A_3606, %add3A_3610 : vector<256x128xi32>
    %select_n3A_3612 = arith.select %lt3A_3607, %add3A_3611, %add3A_3606 : vector<256x128xi1>, vector<256x128xi32>
    %lt3A_3613 = arith.cmpf olt, %select_n3A_3608, %select_n3A_3587 : vector<256x128xf32>
    %select_n3A_3614 = arith.select %lt3A_3613, %select_n3A_3612, %select_n3A_3586 : vector<256x128xi1>, vector<256x128xi32>
    %select_n3A_3615 = arith.select %lt3A_3613, %select_n3A_3608, %select_n3A_3587 : vector<256x128xi1>, vector<256x128xf32>
    %get3A_3616 = arith.constant 0 : index
    %get3A_3617 = arith.constant 7680 : index
    %get3A_3618 = vector.load %arg4[%get3A_3616, %get3A_3617] : memref<256x8192xbf16, #tpu.memory_space<vmem>>, vector<256x256xbf16>
    %dot_general3A_3619 = arith.constant dense<0.000000e+00> : vector<256x256xf32>
    %dot_general3A_3620 = tpu.matmul %slice3A_2769, %get3A_3618, %dot_general3A_3619 {dimension_numbers = #tpu.dot_dimension_numbers<[1], [0], [0], [1], [0, 0, 1, 1], [], []>, transpose_lhs_hint = false} : vector<256x256xbf16>, vector<256x256xbf16>, vector<256x256xf32> -> vector<256x256xf32>
    %get3A_3621 = arith.constant 0 : index
    %get3A_3622 = arith.constant 7680 : index
    %get3A_3623 = vector.load %arg3[%get3A_3621, %get3A_3622] : memref<1x8192xf32, #tpu.memory_space<vmem>>, vector<1x256xf32>
    %get3A_3624 = vector.shape_cast %get3A_3623 : vector<1x256xf32> to vector<256xf32>
    %broadcast_in_dim3A_3625 = vector.shape_cast %get3A_3624 : vector<256xf32> to vector<1x256xf32>
    %add3A_3626 = vector.broadcast %broadcast_in_dim3A_2771 : vector<256x1xf32> to vector<256x256xf32>
    %add3A_3627 = vector.broadcast %broadcast_in_dim3A_3625 : vector<1x256xf32> to vector<256x256xf32>
    %add3A_3628 = arith.addf %add3A_3626, %add3A_3627 : vector<256x256xf32>
    %add3A_3629 = arith.addf %add3A_3628, %dot_general3A_3620 : vector<256x256xf32>
    %slice3A_3630 = vector.extract_strided_slice %add3A_3629 {offsets = [0, 0], sizes = [256, 128], strides = [1, 1]} : vector<256x256xf32> to vector<256x128xf32>
    %slice3A_3631 = vector.extract_strided_slice %add3A_3629 {offsets = [0, 128], sizes = [256, 128], strides = [1, 1]} : vector<256x256xf32> to vector<256x128xf32>
    %add3A_3632 = arith.constant 7680 : i32
    %add3A_3633 = vector.broadcast %add3A_3632 : i32 to vector<256x128xi32>
    %add3A_3634 = arith.addi %iota3A, %add3A_3633 : vector<256x128xi32>
    %lt3A_3635 = arith.cmpf olt, %slice3A_3631, %slice3A_3630 : vector<256x128xf32>
    %select_n3A_3636 = arith.select %lt3A_3635, %slice3A_3631, %slice3A_3630 : vector<256x128xi1>, vector<256x128xf32>
    %add3A_3637 = arith.constant 128 : i32
    %add3A_3638 = vector.broadcast %add3A_3637 : i32 to vector<256x128xi32>
    %add3A_3639 = arith.addi %add3A_3634, %add3A_3638 : vector<256x128xi32>
    %select_n3A_3640 = arith.select %lt3A_3635, %add3A_3639, %add3A_3634 : vector<256x128xi1>, vector<256x128xi32>
    %lt3A_3641 = arith.cmpf olt, %select_n3A_3636, %select_n3A_3615 : vector<256x128xf32>
    %select_n3A_3642 = arith.select %lt3A_3641, %select_n3A_3640, %select_n3A_3614 : vector<256x128xi1>, vector<256x128xi32>
    %select_n3A_3643 = arith.select %lt3A_3641, %select_n3A_3636, %select_n3A_3615 : vector<256x128xi1>, vector<256x128xf32>
    %get3A_3644 = arith.constant 0 : index
    %get3A_3645 = arith.constant 7936 : index
    %get3A_3646 = vector.load %arg4[%get3A_3644, %get3A_3645] : memref<256x8192xbf16, #tpu.memory_space<vmem>>, vector<256x256xbf16>
    %dot_general3A_3647 = arith.constant dense<0.000000e+00> : vector<256x256xf32>
    %dot_general3A_3648 = tpu.matmul %slice3A_2769, %get3A_3646, %dot_general3A_3647 {dimension_numbers = #tpu.dot_dimension_numbers<[1], [0], [0], [1], [0, 0, 1, 1], [], []>, transpose_lhs_hint = false} : vector<256x256xbf16>, vector<256x256xbf16>, vector<256x256xf32> -> vector<256x256xf32>
    %get3A_3649 = arith.constant 0 : index
    %get3A_3650 = arith.constant 7936 : index
    %get3A_3651 = vector.load %arg3[%get3A_3649, %get3A_3650] : memref<1x8192xf32, #tpu.memory_space<vmem>>, vector<1x256xf32>
    %get3A_3652 = vector.shape_cast %get3A_3651 : vector<1x256xf32> to vector<256xf32>
    %broadcast_in_dim3A_3653 = vector.shape_cast %get3A_3652 : vector<256xf32> to vector<1x256xf32>
    %add3A_3654 = vector.broadcast %broadcast_in_dim3A_2771 : vector<256x1xf32> to vector<256x256xf32>
    %add3A_3655 = vector.broadcast %broadcast_in_dim3A_3653 : vector<1x256xf32> to vector<256x256xf32>
    %add3A_3656 = arith.addf %add3A_3654, %add3A_3655 : vector<256x256xf32>
    %add3A_3657 = arith.addf %add3A_3656, %dot_general3A_3648 : vector<256x256xf32>
    %slice3A_3658 = vector.extract_strided_slice %add3A_3657 {offsets = [0, 0], sizes = [256, 128], strides = [1, 1]} : vector<256x256xf32> to vector<256x128xf32>
    %slice3A_3659 = vector.extract_strided_slice %add3A_3657 {offsets = [0, 128], sizes = [256, 128], strides = [1, 1]} : vector<256x256xf32> to vector<256x128xf32>
    %add3A_3660 = arith.constant 7936 : i32
    %add3A_3661 = vector.broadcast %add3A_3660 : i32 to vector<256x128xi32>
    %add3A_3662 = arith.addi %iota3A, %add3A_3661 : vector<256x128xi32>
    %lt3A_3663 = arith.cmpf olt, %slice3A_3659, %slice3A_3658 : vector<256x128xf32>
    %select_n3A_3664 = arith.select %lt3A_3663, %slice3A_3659, %slice3A_3658 : vector<256x128xi1>, vector<256x128xf32>
    %add3A_3665 = arith.constant 128 : i32
    %add3A_3666 = vector.broadcast %add3A_3665 : i32 to vector<256x128xi32>
    %add3A_3667 = arith.addi %add3A_3662, %add3A_3666 : vector<256x128xi32>
    %select_n3A_3668 = arith.select %lt3A_3663, %add3A_3667, %add3A_3662 : vector<256x128xi1>, vector<256x128xi32>
    %lt3A_3669 = arith.cmpf olt, %select_n3A_3664, %select_n3A_3643 : vector<256x128xf32>
    %select_n3A_3670 = arith.select %lt3A_3669, %select_n3A_3668, %select_n3A_3642 : vector<256x128xi1>, vector<256x128xi32>
    %select_n3A_3671 = arith.select %lt3A_3669, %select_n3A_3664, %select_n3A_3643 : vector<256x128xi1>, vector<256x128xf32>
    %reduce_min3A_3672 = arith.constant dense<0x7F800000> : vector<256xf32>
    %reduce_min3A_3673 = vector.multi_reduction <minimumf>, %select_n3A_3671, %reduce_min3A_3672 [1] : vector<256x128xf32> to vector<256xf32>
    %broadcast_in_dim3A_3674 = vector.shape_cast %reduce_min3A_3673 : vector<256xf32> to vector<256x1xf32>
    %eq3A_3675 = vector.broadcast %broadcast_in_dim3A_3674 : vector<256x1xf32> to vector<256x128xf32>
    %eq3A_3676 = arith.cmpf oeq, %select_n3A_3671, %eq3A_3675 : vector<256x128xf32>
    %jit3A_3677 = arith.constant 8192 : i32
    %broadcast_in_dim3A_3678 = vector.broadcast %jit3A_3677 : i32 to vector<256x128xi32>
    %select_n3A_3679 = arith.select %eq3A_3676, %select_n3A_3670, %broadcast_in_dim3A_3678 : vector<256x128xi1>, vector<256x128xi32>
    %reduce_min3A_3680 = arith.constant dense<2147483647> : vector<256xi32>
    %reduce_min3A_3681 = vector.multi_reduction <minsi>, %select_n3A_3679, %reduce_min3A_3680 [1] : vector<256x128xi32> to vector<256xi32>
    %broadcast_in_dim3A_3682 = vector.shape_cast %reduce_min3A_3681 : vector<256xi32> to vector<256x1xi32>
    %swap3A_3683 = arith.constant 768 : index
    %swap3A_3684 = arith.constant 0 : index
    %swap3A_3685 = vector.load %arg5[%swap3A_3683, %swap3A_3684] : memref<1024x1xi32, #tpu.memory_space<vmem>>, vector<256x1xi32>
    tpu.vector_store %arg5[%swap3A_3683, %swap3A_3684], %broadcast_in_dim3A_3682 {strides = array<i32>} : memref<1024x1xi32, #tpu.memory_space<vmem>>, vector<256x1xi32>,
    %reduce_sum3A_3686 = vector.shape_cast %reduce_min3A_3673 : vector<256xf32> to vector<1x256xf32>
    %reduce_sum3A_3687 = arith.constant dense<0.000000e+00> : vector<1xf32>
    %reduce_sum3A_3688 = vector.multi_reduction <add>, %reduce_sum3A_3686, %reduce_sum3A_3687 [1] : vector<1x256xf32> to vector<1xf32>
    %reduce_sum3A_3689 = vector.shape_cast %reduce_sum3A_3688 : vector<1xf32> to vector<1x1xf32>
    %reduce_sum3A_3690 = vector.extract %reduce_sum3A_3689[0, 0] : f32 from vector<1x1xf32>
    %add3A_3691 = arith.addf %add3A_2768, %reduce_sum3A_3690 : f32
    %get3A_3692 = arith.constant 0 : index
    %get3A_3693 = arith.constant 0 : index
    %get3A_3694 = memref.load %arg7[%get3A_3692, %get3A_3693] : memref<1x1xf32, #tpu.memory_space<smem>>
    %add3A_3695 = arith.addf %get3A_3694, %add3A_3691 : f32
    %swap3A_3696 = arith.constant 0 : index
    %swap3A_3697 = arith.constant 0 : index
    %swap3A_3698 = memref.load %arg7[%swap3A_3696, %swap3A_3697] : memref<1x1xf32, #tpu.memory_space<smem>>
    memref.store %add3A_3695, %arg7[%swap3A_3696, %swap3A_3697] : memref<1x1xf32, #tpu.memory_space<smem>>
    %eq3A_3699 = arith.constant 15 : i32
    %eq3A_3700 = arith.cmpi eq, %arg0, %eq3A_3699 : i32
    %convert_element_type3A_3701 = arith.extui %eq3A_3700 : i1 to i32
    %cond3A_3702 = arith.constant 0 : i32
    %cond3A_3703 = arith.cmpi ne, %convert_element_type3A_3701, %cond3A_3702 : i32
    scf.if %cond3A_3703 {
      %get3A_3704 = arith.constant 0 : index
      %get3A_3705 = arith.constant 0 : index
      %get3A_3706 = memref.load %arg7[%get3A_3704, %get3A_3705] : memref<1x1xf32, #tpu.memory_space<smem>>
      %swap3A_3707 = arith.constant 0 : index
      %swap3A_3708 = arith.constant 0 : index
      %swap3A_3709 = memref.load %arg6[%swap3A_3707, %swap3A_3708] : memref<1x1xf32, #tpu.memory_space<smem>>
      memref.store %get3A_3706, %arg6[%swap3A_3707, %swap3A_3708] : memref<1x1xf32, #tpu.memory_space<smem>>
    } else {
    }
    return
  }
  func.func @transform_0(%arg0: i32) -> (i32, i32) {
    %c0_i32 = arith.constant 0 : i32
    %c0_i32_0 = arith.constant 0 : i32
    return %arg0, %c0_i32 : i32, i32
  }
  func.func @transform_1(%arg0: i32) -> i32 {
    %c0_i32 = arith.constant 0 : i32
    return %arg0 : i32
  }
  func.func @transform_2(%arg0: i32) -> (i32, i32) {
    %c0_i32 = arith.constant 0 : i32
    %c0_i32_0 = arith.constant 0 : i32
    %c0_i32_1 = arith.constant 0 : i32
    return %c0_i32, %c0_i32_0 : i32, i32
  }
  func.func @transform_3(%arg0: i32) -> (i32, i32) {
    %c0_i32 = arith.constant 0 : i32
    %c0_i32_0 = arith.constant 0 : i32
    %c0_i32_1 = arith.constant 0 : i32
    return %c0_i32, %c0_i32_0 : i32, i32
  }
  func.func @transform_4(%arg0: i32) -> (i32, i32) {
    %c0_i32 = arith.constant 0 : i32
    %c0_i32_0 = arith.constant 0 : i32
    return %arg0, %c0_i32 : i32, i32
  }
  func.func @transform_5(%arg0: i32) -> (i32, i32) {
    %c0_i32 = arith.constant 0 : i32
    %c0_i32_0 = arith.constant 0 : i32
    %c0_i32_1 = arith.constant 0 : i32
    return %c0_i32, %c0_i32_0 : i32, i32
  }
}

</mosaic_0001>

<sc_bundles>
// kernel: kernel.5.cloned.1.call-start
scs
__scs_entry_jumppad:
0x0: {  	(pc) =	sbr.rel $0x88, $3  }
0x1: {  	(tag) =	ssettag $0x0;
	lr =	simm.s32 $0x1  }
0x2: {  	[smem:$0x3F9F] =	sst lr;
	_ =	strace $0xD0000000  }
0x3: {  	_ = 	snop  }
0x4: {  	_ = 	snop  }
0x5: {  	_ = 	snop  }
0x6: {  	_ = 	snop  }
0x7: {  	_ = 	snop  }
__scs_overlays_trampoline_lowered:
0x8: {  	[smem:$0x3FAE] =	sst s0  }
0x9: {  	[smem:$0x3FAF] =	sst s1  }
0xa: {  	[smem:$0x3FB0] =	sst s2  }
0xb: {  	[smem:$0x3FB1] =	sst s3  }
0xc: {  	[smem:$0x3FB2] =	sst s4  }
0xd: {  	[smem:$0x3FB3] =	sst s5  }
0xe: {  	[smem:$0x3FB4] =	sst s6  }
0xf: {  	[smem:$0x3FB5] =	sst s7  }
0x10: {  	[smem:$0x3FB6] =	sst s8  }
0x11: {  	[smem:$0x3FB7] =	sst s9;
	s0 =	simm.s32 @!p0 $0x0  }
0x12: {  	s1 =	sld [smem:$0x3F9D];
	s0 =	simm.s32 @p0 $0x1  }
0x13: {  	[smem:$0x3FB8] =	sst s0;
	s0 =	simm.s32 @!p1 $0x0  }
0x14: {  	s2 =	sld [smem:$0x3F9C];
	s0 =	simm.s32 @p1 $0x1  }
0x15: {  	[smem:$0x3FB9] =	sst s0;
	s0 =	simm.s32 @!p2 $0x0  }
0x16: {  	s3 =	sld [smem:$0x3FDB];
	s0 =	simm.s32 @p2 $0x1  }
0x17: {  	s4 =	simm.s32 $0x1BF5;
	[smem:$0x3FBB] =	sst s0  }
0x18: {  	s0 =	sld [smem:$0x3F9E];
	_ =	swait.ge [sflag:s4], $0x0  }
0x19: {  	s7 =	sld [smem:$0x3F9F]  }
0x1a: {  	s8 =	sadd.s32 $0xFFFFE003, lr  }
0x1b: {  	s9 =	sadd.s32 $0xFFFFFEF7, lr;
	s5 =	simm.s32 $0xFFFFFFFF;
	p2 =	slt.u32 s8, $0xFFFFF086  }
0x1c: {  	p1 =	slt.u32 s9, $0xF7A;
	s5 =	simm.s32 @!p2 $0x0  }
0x1d: {  	s5 =	simm.s32 @p1 $0x1;
	p0 =	seq.s32 s7, s2  }
0x1e: {  	s7 =	smul.u32 @!p0 $0xF7A, s2;
	p2 =	seq.s32 @!p0 s5, $0x0  }
0x1f: {  	s9 =	smul.u32 $0xF7A, s1;
	s8 =	simm.s32 @!p0 $0x1BF5;
	p2 =	por !p2, p0  }
0x20: {  	[sflag:s8] =	ssyncset.s32 @!p0 $0xFFFFF086;
	s6 =	sadd.s32 @!p0 s3, s7;
	s7 =	simm.s32 @!p0 $0x108  }
0x21: {  	s3 =	sadd.s32 s3, s9;
	s6 =	sadd.s32 @!p0 $0x88, s6;
	s7 =	simm.s32 @p2 $0x1082  }
0x22: {  	[simem:s7], [sflag:s8] =	dma.local @!p0 [hbm:s6], $0xF7A  }
0x23: {  	s9 =	sor.u32 $0xD0000000, s2;
	s6 =	simm.s32 $0x108;
	_ =	swait.ge @!p0 [sflag:s8], $0x0  }
0x24: {  	s3 =	sadd.s32 $0x88, s3;
	s6 =	simm.s32 @!p1 $0x1082;
	[sflag:s4] =	ssyncset.s32 $0xFFFFF086  }
0x25: {  	[simem:s6], [sflag:s4] =	dma.local [hbm:s3], $0xF7A  }
0x26: {  	[smem:$0x3F9F] =	sst s1;
	(tag) =	ssettag s2;
	_ =	strace s9  }
0x27: {  	s1 =	sld [smem:$0x3FAF]  }
0x28: {  	s2 =	sld [smem:$0x3FB0]  }
0x29: {  	s4 =	sld [smem:$0x3FB2]  }
0x2a: {  	p0 =	seq.s32 s5, $0x0;
	s5 =	sld [smem:$0x3FB3]  }
0x2b: {  	s6 =	sld [smem:$0x3FB4]  }
0x2c: {  	s7 =	sld [smem:$0x3FB5]  }
0x2d: {  	s3 =	simm.s32 $0x108;
	s8 =	sld [smem:$0x3FB6]  }
0x2e: {  	s3 =	simm.s32 @!p0 $0x1082;
	s9 =	sld [smem:$0x3FB7]  }
0x2f: {  	lr =	sadd.s32 s0, s3;
	s0 =	sld [smem:$0x3FAE]  }
0x30: {  	s3 =	sld [smem:$0x3FB1]  }
0x31: {  	[smem:$0x3FBA] =	sst s10  }
0x32: {  	s10 =	sld [smem:$0x3FB8];
	_ =	sdelay $0x3  }
0x33: {  	p0 =	seq.s32 s10, $0x1;
	s10 =	sld [smem:$0x3FBA];
	_ =	sdelay $0x3  }
0x34: {  	[smem:$0x3FBA] =	sst s10  }
0x35: {  	s10 =	sld [smem:$0x3FB9];
	_ =	sdelay $0x3  }
0x36: {  	p1 =	seq.s32 s10, $0x1;
	s10 =	sld [smem:$0x3FBA];
	_ =	sdelay $0x3  }
0x37: {  	[smem:$0x3FBA] =	sst s10  }
0x38: {  	s10 =	sld [smem:$0x3FBB]  }
0x39: {  	_ = 	snop;
	(pc) =	sbr.ind lr, $3  }
0x3a: {  	_ = 	snop  }
0x3b: {  	_ = 	snop  }
0x3c: {  	p2 =	seq.s32 s10, $0x1;
	s10 =	sld [smem:$0x3FBA]  }
0x3d: {  	_ =	shalt  }
0x3e: {  	_ =	shalt  }
0x3f: {  	_ =	shalt  }
0x40: {  	_ =	shalt  }
0x41: {  	_ =	shalt  }
0x42: {  	_ =	shalt  }
0x43: {  	_ =	shalt  }
0x44: {  	_ =	shalt  }
0x45: {  	_ =	shalt  }
0x46: {  	_ =	shalt  }
0x47: {  	_ =	shalt  }
0x48: {  	_ =	shalt  }
0x49: {  	_ =	shalt  }
0x4a: {  	_ =	shalt  }
0x4b: {  	_ =	shalt  }
0x4c: {  	_ =	shalt  }
0x4d: {  	_ =	shalt  }
0x4e: {  	_ =	shalt  }
0x4f: {  	_ =	shalt  }
0x50: {  	_ =	shalt  }
0x51: {  	_ =	shalt  }
0x52: {  	_ =	shalt  }
0x53: {  	_ =	shalt  }
0x54: {  	_ =	shalt  }
0x55: {  	_ =	shalt  }
0x56: {  	_ =	shalt  }
0x57: {  	_ =	shalt  }
0x58: {  	_ =	shalt  }
0x59: {  	_ =	shalt  }
0x5a: {  	_ =	shalt  }
0x5b: {  	_ =	shalt  }
0x5c: {  	_ =	shalt  }
0x5d: {  	_ =	shalt  }
0x5e: {  	_ =	shalt  }
0x5f: {  	_ =	shalt  }
0x60: {  	_ =	shalt  }
0x61: {  	_ =	shalt  }
0x62: {  	_ =	shalt  }
0x63: {  	_ =	shalt  }
0x64: {  	_ =	shalt  }
0x65: {  	_ =	shalt  }
0x66: {  	_ =	shalt  }
0x67: {  	_ =	shalt  }
0x68: {  	_ =	shalt  }
0x69: {  	_ =	shalt  }
0x6a: {  	_ =	shalt  }
0x6b: {  	_ =	shalt  }
0x6c: {  	_ =	shalt  }
0x6d: {  	_ =	shalt  }
0x6e: {  	_ =	shalt  }
0x6f: {  	_ =	shalt  }
0x70: {  	_ =	shalt  }
0x71: {  	_ =	shalt  }
0x72: {  	_ =	shalt  }
0x73: {  	_ =	shalt  }
0x74: {  	_ =	shalt  }
0x75: {  	_ =	shalt  }
0x76: {  	_ =	shalt  }
0x77: {  	_ =	shalt  }
0x78: {  	_ =	shalt  }
0x79: {  	_ =	shalt  }
0x7a: {  	_ =	shalt  }
0x7b: {  	_ =	shalt  }
0x7c: {  	_ =	shalt  }
0x7d: {  	_ =	shalt  }
0x7e: {  	_ =	shalt  }
0x7f: {  	_ =	shalt  }
0x80: {  	_ =	shalt  }
0x81: {  	_ =	shalt  }
0x82: {  	_ =	shalt  }
0x83: {  	_ =	shalt  }
0x84: {  	_ =	shalt  }
0x85: {  	_ =	shalt  }
0x86: {  	_ =	shalt  }
0x87: {  	_ =	shalt  }
.Lfunc_end0:
.L_simem_size_0:
called_computation_lowered:
.L_overlay_start_0:
0x88: {  	s2 =	sld [smem:$0x3FD9]  }
0x89: {  	s3 =	sld [smem:$0x3FFE];
	_ =	sdelay $0x1  }
0x8a: {  	s1 =	srdreg.scid  }
0x8b: {  	s0 =	sand.u32 $0x1, s1  }
0x8c: {  	s14 =	sshll.u32 s0, $0xA;
	s2 =	sadd.s32 s3, s2  }
0x8d: {  	s2 =	sadd.s32 s2, s14  }
0x8e: {  	[smem:$0x3FC6] =	sst s2  }
0x8f: {  	_ = 	snop  }
0x90: {  	s2 =	sld [smem:$0x3FD0];
	_ =	sdelay $0x2  }
0x91: {  	s4 =	simm.s32 $0xA;
	s5 =	simm.s32 $0x10;
	s15 =	sld [smem:$0x3FC8]  }
0x92: {  	[smem:s5], [sflag:s4] =	dma.local [hbm:s2], $0x1  }
0x93: {  	_ =	swait.eq [sflag:s4], $0x1  }
0x94: {  	[sflag:s4] =	ssyncset.done $0x0  }
0x95: {  	[sflag:s4] =	ssyncadd.s32 $0xFFFFFFFF  }
0x96: {  	s16 =	sld [smem:$0x10];
	(tm) =	ssettm $0x1  }
0x97: {  	s17 =	sld [smem:$0x3FFB];
	_ =	sdelay $0x3  }
0x98: {  	_ =	strace s17  }
0x99: {  	s4 =	sld [smem:$0x3FFC];
	_ =	sdelay $0x3  }
0x9a: {  	_ =	strace s4  }
0x9b: {  	s4 =	sld [smem:$0x3FFD];
	_ =	sdelay $0x3  }
0x9c: {  	_ =	strace s4  }
0x9d: {  	_ =	strace $0x8FFFFFFF  }
0x9e: {  	s18 =	sld [smem:$0x3FDB];
	_ =	sdelay $0x1  }
0x9f: {  	s19 =	simm.s32 $_scs_section_size  }
0xa0: {  	s6 =	simm.s32 $_size__tile_overlayer_lowered;
	s7 =	simm.s32 $_tile_overlayer_lowered  }
0xa1: {  	s22 =	simm.s32 $0x1BFF;
	s21 =	sshll.u32 s7, $0x1;
	s4 =	sadd.s32 s19, s18  }
0xa2: {  	s8 =	simm.s32 $0x0;
	s20 =	sshll.u32 s6, $0x1;
	s6 =	sadd.s32 s21, s4  }
0xa3: {  	[timem:s8], [sflag:s22] =	dma.local [hbm:s6], s20  }
0xa4: {  	_ =	swait.ge [sflag:s22], s20  }
0xa5: {  	s5 =	ssub.s32 $0x0, s20;
	[sflag:s22] =	ssyncset.done $0x0  }
0xa6: {  	[sflag:s22] =	ssyncadd.s32 s5;
	_ =	sdelay $0x1  }
0xa7: {  	s23 =	simm.s32 $0x1B8B  }
0xa8: {  	_ =	swait.ge [sflag:s23], $0x1  }
0xa9: {  	[sflag:s23] =	ssyncset.done $0x0  }
0xaa: {  	s25 =	simm.s32 $0x1B8E;
	s24 =	sld [smem:$0x3FFE];
	[sflag:s23] =	ssyncadd.s32 $0xFFFFFFFF  }
0xab: {  	s26 =	simm.s32 $execute0_lowered;
	[smem:$0x3FD2] =	sst s25  }
0xac: {  	s6 =	sshll.u32 s26, $0x1;
	_ =	strace $0x80000046;
	[dreg:$0x1] =	wrdreg $0xFFFFFFFF  }
0xad: {  	s28 =	simm.s32 $_size_execute0_lowered;
	s4 =	sadd.s32 s4, s6;
	[dreg:$0x0] =	wrdreg $0x0  }
0xae: {  	s6 =	sshll.u32 s28, $0x1;
	[dreg:$0x2] =	wrdreg s4  }
0xaf: {  	[dreg:$0x3] =	wrdreg s6  }
0xb0: {  	[dreg:$0x4] =	wrdreg $0xC0  }
0xb1: {  	_ =	task [dreg:s8], $0x5FFFF  }
0xb2: {  	[dreg:$0x1] =	wrdreg $0xFFFFFFFF  }
0xb3: {  	[dreg:$0x0] =	wrdreg $0x60  }
0xb4: {  	[dreg:$0x2] =	wrdreg s15  }
0xb5: {  	[dreg:$0x3] =	wrdreg s24  }
0xb6: {  	[dreg:$0x4] =	wrdreg s16  }
0xb7: {  	[dreg:$0x5] =	wrdreg $0x9  }
0xb8: {  	_ =	task.clear_ibuf [dreg:s8], $0x6FFFF;
	_ =	strace $0x90000046  }
0xb9: {  	s29 =	simm.s32 $0x9;
	_ =	strace $0x80000048  }
0xba: {  	_ =	swait.ge [sflag:s29], $0x1  }
0xbb: {  	[sflag:s29] =	ssyncadd.s32 $0xFFFFFFFF  }
0xbc: {  	_ =	strace $0x90000048  }
0xbd: {  	_ =	sfence  }
0xbe: {  	s30 =	sld [smem:$0x0];
	_ =	sdelay $0x2  }
0xbf: {  	s31 =	sshll.u32 s1, $0xD;
	s1 =	sshrl.u32 s1, $0x2  }
0xc0: {  	s3 =	sand.u32 $0x4000, s31;
	s1 =	sadd.s32 s1, s30  }
0xc1: {  	s0 =	sor.u32 s3, s0;
	s1 =	sshll.u32 s1, $0x11  }
0xc2: {  	s0 =	sor.u32 s1, s0  }
0xc3: {  	s0 =	sadd.s32 $0x8F2B, s0  }
0xc4: {  	[sflag:s0] =	ssyncadd.remote.s32 $0x1  }
0xc5: {  	_ =	sfence.sel $0xFFFF  }
0xc6: {  	[dreg:$0x0] =	wrdreg $0xFFFFFFFF;
	(pc) =	sbr.abs _section_cstart, $3  }
0xc7: {  	[dreg:$0x1] =	wrdreg $0xFFFFFFFF  }
0xc8: {  	_ =	task.clear_ibuf [dreg:s8], $0x2FFFF;
	_ =	strace $0x9FFFFFFF  }
0xc9: {  	(tm) =	ssettm $0x7FFFFFFF  }
tec
execute0_lowered:
.L_overlay_start_1:
0x0: {  	(tag) =	ssettag $0x1  }
0x1: {  	s1 =	rddreg [dreg:$0x0]  }
0x2: {  	s4 =	rddreg [dreg:$0x1]  }
0x3: {  	s5 =	rddreg [dreg:$0x2];
	s3 =	simm.s32 $0x0  }
0x4: {  	s18 =	simm.s32 $0x8A00;
	[smem:$0x7FF] =	sst s3  }
0x5: {  	s19 =	simm.s32 $0x9200;
	_ =	strace $0x80000047;
	[dreg:$0x8] =	wrdreg s18  }
0x6: {  	s20 =	simm.s32 $0x9A00;
	[dreg:$0x9] =	wrdreg s19  }
0x7: {  	s2 =	srdreg.scid;
	s21 =	simm.s32 $0xA200;
	[dreg:$0xa] =	wrdreg s20  }
0x8: {  	s0 =	stileid.u32;
	s22 =	simm.s32 $0xAA00;
	[dreg:$0xb] =	wrdreg s21  }
0x9: {  	s23 =	simm.s32 $0xB200;
	s24 =	simm.s32 $0xBA00;
	[dreg:$0xc] =	wrdreg s22  }
0xa: {  	s25 =	simm.s32 $0xC200;
	s8 =	simm.s32 $0xDA00;
	[dreg:$0xd] =	wrdreg s23  }
0xb: {  	s9 =	simm.s32 $0xE200;
	s10 =	simm.s32 $0xEA00;
	[dreg:$0xe] =	wrdreg s24  }
0xc: {  	s6 =	sshll.u32 s0, $0xA;
	s0 =	simm.s32 $0xCA00;
	[dreg:$0xf] =	wrdreg s25  }
0xd: {  	s11 =	simm.s32 $0xF200;
	s12 =	simm.s32 $0xFA00;
	[dreg:$0x10] =	wrdreg s0  }
0xe: {  	s13 =	simm.s32 $0x10A00;
	s14 =	simm.s32 $0x11200;
	[dreg:$0x12] =	wrdreg s8  }
0xf: {  	s15 =	simm.s32 $0x11A00;
	s28 =	simm.s32 $0x2;
	[dreg:$0x13] =	wrdreg s9  }
0x10: {  	s29 =	simm.s32 $0x4;
	s30 =	simm.s32 $0x3;
	[dreg:$0x14] =	wrdreg s10  }
0x11: {  	s31 =	simm.s32 $0x5;
	s2 =	sand.u32 $0x1, s2;
	[dreg:$0x15] =	wrdreg s11  }
0x12: {  	s7 =	sshll.u32 s2, $0x9;
	s2 =	ssub.s32 $0x2, s2;
	[dreg:$0x16] =	wrdreg s12  }
0x13: {  	s8 =	simm.s32 $0xA00;
	s9 =	simm.s32 $0x1200;
	[dreg:$0x17] =	wrdreg s13  }
0x14: {  	s10 =	simm.s32 $0x1A00;
	s11 =	simm.s32 $0x2200;
	[dreg:$0x18] =	wrdreg s14  }
0x15: {  	s12 =	simm.s32 $0x2A00;
	s13 =	simm.s32 $0x3200;
	[dreg:$0x19] =	wrdreg s15  }
0x16: {  	s14 =	simm.s32 $0x3A00;
	s15 =	simm.s32 $0x4200;
	s18 =	simm.s32 $0x13200  }
0x17: {  	s19 =	simm.s32 $0x13A00;
	s20 =	simm.s32 $0x14200;
	[dreg:$0x1c] =	wrdreg s18  }
0x18: {  	s21 =	simm.s32 $0x14A00;
	s22 =	simm.s32 $0x15200;
	[dreg:$0x1d] =	wrdreg s19  }
0x19: {  	s23 =	simm.s32 $0x15A00;
	s24 =	simm.s32 $0x16200;
	[dreg:$0x1e] =	wrdreg s20  }
0x1a: {  	s25 =	simm.s32 $0x16A00;
	s6 =	sor.u32 s7, s6;
	[dreg:$0x1f] =	wrdreg s21  }
0x1b: {  	s26 =	sshrl.u32 s2, $0x1;
	s18 =	simm.s32 $0x5A00;
	[smem:$0x7F9] =	sst s22  }
0x1c: {  	s19 =	simm.s32 $0x6200;
	s20 =	simm.s32 $0x6A00;
	[smem:$0x7FA] =	sst s23  }
0x1d: {  	s21 =	simm.s32 $0x7200;
	s22 =	simm.s32 $0x7A00;
	[smem:$0x7FB] =	sst s24  }
0x1e: {  	s23 =	simm.s32 $0x8200;
	[smem:$0x7FC] =	sst s25;
	s7 =	sshrl.u32 s6, $0x3  }
0x1f: {  	s6 =	sshll.u32 s6, $0x5;
	s2 =	ssub.s32 s2, s26;
	s26 =	simm.s32 $0x17200  }
0x20: {  	s7 =	sadd.s32 s4, s7;
	s4 =	sadd.s32 s5, s6;
	[smem:$0x7FD] =	sst s26  }
0x21: {  	s24 =	simm.s32 $0x1;
	[dreg:$0x4] =	wrdreg s7;
	s5 =	sadd.s32 $0x1000, s4  }
0x22: {  	s25 =	simm.s32 $0x10200;
	s16 =	sadd.s32 $0x2000, s4;
	[dreg:$0x5] =	wrdreg s5  }
0x23: {  	s6 =	simm.s32 $0x7;
	s17 =	sadd.s32 $0x3000, s4;
	[dreg:$0x6] =	wrdreg s16  }
0x24: {  	s7 =	simm.s32 $0xD200;
	[dreg:$0x7] =	wrdreg s17;
	s5 =	smax.u32 s2, $0x1  }
0x25: {  	v2 =	vlaneseq.u32;
	[dreg:$0x11] =	wrdreg s7;
	s7 =	simm.s32 $0x200;
	s16 =	simm.s32 $0x12200  }
0x26: {  	vm0 =	vmmov $0xffff;
	v1 =	vshrl.u32 v2, $0x3;
	s17 =	simm.s32 $0x12A00;
	s2 =	simm.s32 $0x6;
	[dreg:$0x1a] =	wrdreg s16  }
0x27: {  	v0 =	vand.u32 $0x7, v2;
	v2 =	vor.u32 $0x8, v2;
	v1 =	vmul.u32 $0x8, v1;
	[dreg:$0x1b] =	wrdreg s17;
	s16 =	simm.s32 $0x4A00;
	s17 =	simm.s32 $0x5200  }
.LBB2_1:
0x28: {  	s0 =	rddreg [dreg:$0x4]  }
0x29: {  	[tilespmem:s3], [sflag:$0x7] =	stream.linear.gather [hbm4b:s0+s3], $0x200, $0x38;
	[tilespmem:$0x18200] =	vst v63  }
0x2a: {  	_ =	swait.ge [sflag:s6], $0x200  }
0x2b: {  	[sflag:s6] =	ssyncset.done $0x0  }
0x2c: {  	[sflag:s6] =	ssyncadd.s32 $0xFFFFFE00  }
0x2d: {  	v3 =	vld [tilespmem:$0x0];
	_ =	sdelay $0x4  }
0x2e: {  	v4 =	vshll.u32 v3, $0x1  }
0x2f: {  	v3 =	vand.u32 $0x7, v3;
	v4 =	vand.u32 $0xFFFFFFF0, v4  }
0x30: {  	v3 =	vor.u32 v3, v4  }
0x31: {  	v4 =	vperm.xlane v3, v0;
	_ =	sdelay $0x1  }
0x32: {  	v3 =	vperm.xlane v3, v2;
	v4 =	vadd.s32 v1, v4;
	_ =	sdelay $0x1  }
0x33: {  	v3 =	vadd.s32 v1, v3;
	_ =	sdelay $0x2  }
0x34: {  	[tilespmem:s7], [sflag:$0x1] =	stream.indirect_vreg.gather [hbm4b:s1+s3], $0x80, v4, vm0, $0xb8;
	[tilespmem:$0x18200] =	vst v63  }
0x35: {  	_ = 	snop  }
0x36: {  	[tilespmem:s8], [sflag:$0x1] =	stream.indirect_vreg.gather [hbm4b:s1+s3], $0x80, v3, vm0, $0xb8;
	[tilespmem:$0x18200] =	vst v63  }
0x37: {  	v3 =	vld [tilespmem:$0x10];
	_ =	sdelay $0x4  }
0x38: {  	v33 =	vshll.u32 v3, $0x1  }
0x39: {  	v3 =	vand.u32 $0x7, v3;
	v4 =	vand.u32 $0xFFFFFFF0, v33  }
0x3a: {  	v3 =	vor.u32 v3, v4  }
0x3b: {  	v4 =	vperm.xlane v3, v0;
	_ =	sdelay $0x1  }
0x3c: {  	v3 =	vperm.xlane v3, v2;
	v4 =	vadd.s32 v1, v4;
	_ =	sdelay $0x1  }
0x3d: {  	v3 =	vadd.s32 v1, v3;
	_ =	sdelay $0x2  }
0x3e: {  	[tilespmem:s9], [sflag:$0x1] =	stream.indirect_vreg.gather [hbm4b:s1+s3], $0x80, v4, vm0, $0xb8;
	[tilespmem:$0x18200] =	vst v63  }
0x3f: {  	_ = 	snop  }
0x40: {  	[tilespmem:s10], [sflag:$0x1] =	stream.indirect_vreg.gather [hbm4b:s1+s3], $0x80, v3, vm0, $0xb8;
	[tilespmem:$0x18200] =	vst v63  }
0x41: {  	v3 =	vld [tilespmem:$0x20];
	_ =	sdelay $0x4  }
0x42: {  	v34 =	vshll.u32 v3, $0x1  }
0x43: {  	v3 =	vand.u32 $0x7, v3;
	v4 =	vand.u32 $0xFFFFFFF0, v34  }
0x44: {  	v3 =	vor.u32 v3, v4  }
0x45: {  	v4 =	vperm.xlane v3, v0;
	_ =	sdelay $0x1  }
0x46: {  	v3 =	vperm.xlane v3, v2;
	v4 =	vadd.s32 v1, v4;
	_ =	sdelay $0x1  }
0x47: {  	v3 =	vadd.s32 v1, v3;
	_ =	sdelay $0x2  }
0x48: {  	[tilespmem:s11], [sflag:$0x1] =	stream.indirect_vreg.gather [hbm4b:s1+s3], $0x80, v4, vm0, $0xb8;
	[tilespmem:$0x18200] =	vst v63  }
0x49: {  	_ = 	snop  }
0x4a: {  	[tilespmem:s12], [sflag:$0x1] =	stream.indirect_vreg.gather [hbm4b:s1+s3], $0x80, v3, vm0, $0xb8;
	[tilespmem:$0x18200] =	vst v63  }
0x4b: {  	v3 =	vld [tilespmem:$0x30];
	_ =	sdelay $0x4  }
0x4c: {  	v35 =	vshll.u32 v3, $0x1  }
0x4d: {  	v3 =	vand.u32 $0x7, v3;
	v4 =	vand.u32 $0xFFFFFFF0, v35  }
0x4e: {  	v3 =	vor.u32 v3, v4  }
0x4f: {  	v4 =	vperm.xlane v3, v0;
	_ =	sdelay $0x1  }
0x50: {  	v3 =	vperm.xlane v3, v2;
	v4 =	vadd.s32 v1, v4;
	_ =	sdelay $0x1  }
0x51: {  	v3 =	vadd.s32 v1, v3;
	_ =	sdelay $0x2  }
0x52: {  	[tilespmem:s13], [sflag:$0x1] =	stream.indirect_vreg.gather [hbm4b:s1+s3], $0x80, v4, vm0, $0xb8;
	[tilespmem:$0x18200] =	vst v63  }
0x53: {  	_ = 	snop  }
0x54: {  	[tilespmem:s14], [sflag:$0x1] =	stream.indirect_vreg.gather [hbm4b:s1+s3], $0x80, v3, vm0, $0xb8;
	[tilespmem:$0x18200] =	vst v63  }
0x55: {  	v3 =	vld [tilespmem:$0x40];
	_ =	sdelay $0x4  }
0x56: {  	v36 =	vshll.u32 v3, $0x1  }
0x57: {  	v3 =	vand.u32 $0x7, v3;
	v4 =	vand.u32 $0xFFFFFFF0, v36  }
0x58: {  	v3 =	vor.u32 v3, v4  }
0x59: {  	v4 =	vperm.xlane v3, v0;
	_ =	sdelay $0x1  }
0x5a: {  	v3 =	vperm.xlane v3, v2;
	v4 =	vadd.s32 v1, v4;
	_ =	sdelay $0x1  }
0x5b: {  	v3 =	vadd.s32 v1, v3;
	_ =	sdelay $0x2  }
0x5c: {  	[tilespmem:s15], [sflag:$0x1] =	stream.indirect_vreg.gather [hbm4b:s1+s3], $0x80, v4, vm0, $0xb8;
	[tilespmem:$0x18200] =	vst v63  }
0x5d: {  	_ = 	snop  }
0x5e: {  	[tilespmem:s16], [sflag:$0x1] =	stream.indirect_vreg.gather [hbm4b:s1+s3], $0x80, v3, vm0, $0xb8;
	[tilespmem:$0x18200] =	vst v63  }
0x5f: {  	v3 =	vld [tilespmem:$0x50];
	_ =	sdelay $0x4  }
0x60: {  	v37 =	vshll.u32 v3, $0x1  }
0x61: {  	v3 =	vand.u32 $0x7, v3;
	v4 =	vand.u32 $0xFFFFFFF0, v37  }
0x62: {  	v3 =	vor.u32 v3, v4  }
0x63: {  	v4 =	vperm.xlane v3, v0;
	_ =	sdelay $0x1  }
0x64: {  	v3 =	vperm.xlane v3, v2;
	v4 =	vadd.s32 v1, v4;
	_ =	sdelay $0x1  }
0x65: {  	v3 =	vadd.s32 v1, v3;
	_ =	sdelay $0x2  }
0x66: {  	[tilespmem:s17], [sflag:$0x1] =	stream.indirect_vreg.gather [hbm4b:s1+s3], $0x80, v4, vm0, $0xb8;
	[tilespmem:$0x18200] =	vst v63  }
0x67: {  	_ = 	snop  }
0x68: {  	[tilespmem:s18], [sflag:$0x1] =	stream.indirect_vreg.gather [hbm4b:s1+s3], $0x80, v3, vm0, $0xb8;
	[tilespmem:$0x18200] =	vst v63  }
0x69: {  	v3 =	vld [tilespmem:$0x60];
	_ =	sdelay $0x4  }
0x6a: {  	v38 =	vshll.u32 v3, $0x1  }
0x6b: {  	v3 =	vand.u32 $0x7, v3;
	v4 =	vand.u32 $0xFFFFFFF0, v38  }
0x6c: {  	v3 =	vor.u32 v3, v4  }
0x6d: {  	v4 =	vperm.xlane v3, v0;
	_ =	sdelay $0x1  }
0x6e: {  	v3 =	vperm.xlane v3, v2;
	v4 =	vadd.s32 v1, v4;
	_ =	sdelay $0x1  }
0x6f: {  	v3 =	vadd.s32 v1, v3;
	_ =	sdelay $0x2  }
0x70: {  	[tilespmem:s19], [sflag:$0x1] =	stream.indirect_vreg.gather [hbm4b:s1+s3], $0x80, v4, vm0, $0xb8;
	[tilespmem:$0x18200] =	vst v63  }
0x71: {  	_ = 	snop  }
0x72: {  	[tilespmem:s20], [sflag:$0x1] =	stream.indirect_vreg.gather [hbm4b:s1+s3], $0x80, v3, vm0, $0xb8;
	[tilespmem:$0x18200] =	vst v63  }
0x73: {  	v3 =	vld [tilespmem:$0x70];
	_ =	sdelay $0x4  }
0x74: {  	v39 =	vshll.u32 v3, $0x1  }
0x75: {  	v3 =	vand.u32 $0x7, v3;
	v4 =	vand.u32 $0xFFFFFFF0, v39  }
0x76: {  	v3 =	vor.u32 v3, v4  }
0x77: {  	v4 =	vperm.xlane v3, v0;
	_ =	sdelay $0x1  }
0x78: {  	v3 =	vperm.xlane v3, v2;
	v4 =	vadd.s32 v1, v4;
	_ =	sdelay $0x1  }
0x79: {  	v3 =	vadd.s32 v1, v3;
	_ =	sdelay $0x2  }
0x7a: {  	[tilespmem:s21], [sflag:$0x1] =	stream.indirect_vreg.gather [hbm4b:s1+s3], $0x80, v4, vm0, $0xb8;
	[tilespmem:$0x18200] =	vst v63  }
0x7b: {  	_ = 	snop  }
0x7c: {  	[tilespmem:s22], [sflag:$0x1] =	stream.indirect_vreg.gather [hbm4b:s1+s3], $0x80, v3, vm0, $0xb8;
	[tilespmem:$0x18200] =	vst v63  }
0x7d: {  	v3 =	vld [tilespmem:$0x80];
	_ =	sdelay $0x4  }
0x7e: {  	v40 =	vshll.u32 v3, $0x1  }
0x7f: {  	v3 =	vand.u32 $0x7, v3;
	v4 =	vand.u32 $0xFFFFFFF0, v40  }
0x80: {  	v3 =	vor.u32 v3, v4  }
0x81: {  	v4 =	vperm.xlane v3, v0;
	_ =	sdelay $0x1  }
0x82: {  	v3 =	vperm.xlane v3, v2;
	v4 =	vadd.s32 v1, v4;
	_ =	sdelay $0x1  }
0x83: {  	v3 =	vadd.s32 v1, v3;
	_ =	sdelay $0x2  }
0x84: {  	[tilespmem:s23], [sflag:$0x2] =	stream.indirect_vreg.gather [hbm4b:s1+s3], $0x80, v4, vm0, $0xb8;
	[tilespmem:$0x18200] =	vst v63  }
0x85: {  	s26 =	rddreg [dreg:$0x8]  }
0x86: {  	[tilespmem:s26], [sflag:$0x2] =	stream.indirect_vreg.gather [hbm4b:s1+s3], $0x80, v3, vm0, $0xb8;
	[tilespmem:$0x18200] =	vst v63  }
0x87: {  	v3 =	vld [tilespmem:$0x90];
	_ =	sdelay $0x4  }
0x88: {  	v41 =	vshll.u32 v3, $0x1  }
0x89: {  	v3 =	vand.u32 $0x7, v3;
	v4 =	vand.u32 $0xFFFFFFF0, v41  }
0x8a: {  	v3 =	vor.u32 v3, v4  }
0x8b: {  	v4 =	vperm.xlane v3, v0;
	_ =	sdelay $0x1  }
0x8c: {  	v3 =	vperm.xlane v3, v2;
	v4 =	vadd.s32 v1, v4;
	_ =	sdelay $0x1  }
0x8d: {  	v3 =	vadd.s32 v1, v3;
	_ =	sdelay $0x1  }
0x8e: {  	s0 =	rddreg [dreg:$0x9]  }
0x8f: {  	[tilespmem:s0], [sflag:$0x2] =	stream.indirect_vreg.gather [hbm4b:s1+s3], $0x80, v4, vm0, $0xb8;
	[tilespmem:$0x18200] =	vst v63  }
0x90: {  	s26 =	rddreg [dreg:$0xa]  }
0x91: {  	[tilespmem:s26], [sflag:$0x2] =	stream.indirect_vreg.gather [hbm4b:s1+s3], $0x80, v3, vm0, $0xb8;
	[tilespmem:$0x18200] =	vst v63  }
0x92: {  	v3 =	vld [tilespmem:$0xA0];
	_ =	sdelay $0x4  }
0x93: {  	v42 =	vshll.u32 v3, $0x1  }
0x94: {  	v3 =	vand.u32 $0x7, v3;
	v4 =	vand.u32 $0xFFFFFFF0, v42  }
0x95: {  	v3 =	vor.u32 v3, v4  }
0x96: {  	v4 =	vperm.xlane v3, v0;
	_ =	sdelay $0x1  }
0x97: {  	v3 =	vperm.xlane v3, v2;
	v4 =	vadd.s32 v1, v4;
	_ =	sdelay $0x1  }
0x98: {  	v3 =	vadd.s32 v1, v3;
	_ =	sdelay $0x1  }
0x99: {  	s0 =	rddreg [dreg:$0xb]  }
0x9a: {  	[tilespmem:s0], [sflag:$0x2] =	stream.indirect_vreg.gather [hbm4b:s1+s3], $0x80, v4, vm0, $0xb8;
	[tilespmem:$0x18200] =	vst v63  }
0x9b: {  	s26 =	rddreg [dreg:$0xc]  }
0x9c: {  	[tilespmem:s26], [sflag:$0x2] =	stream.indirect_vreg.gather [hbm4b:s1+s3], $0x80, v3, vm0, $0xb8;
	[tilespmem:$0x18200] =	vst v63  }
0x9d: {  	v3 =	vld [tilespmem:$0xB0];
	_ =	sdelay $0x4  }
0x9e: {  	v43 =	vshll.u32 v3, $0x1  }
0x9f: {  	v3 =	vand.u32 $0x7, v3;
	v4 =	vand.u32 $0xFFFFFFF0, v43  }
0xa0: {  	v3 =	vor.u32 v3, v4  }
0xa1: {  	v4 =	vperm.xlane v3, v0;
	_ =	sdelay $0x1  }
0xa2: {  	v3 =	vperm.xlane v3, v2;
	v4 =	vadd.s32 v1, v4;
	_ =	sdelay $0x1  }
0xa3: {  	v3 =	vadd.s32 v1, v3;
	_ =	sdelay $0x1  }
0xa4: {  	s0 =	rddreg [dreg:$0xd]  }
0xa5: {  	[tilespmem:s0], [sflag:$0x2] =	stream.indirect_vreg.gather [hbm4b:s1+s3], $0x80, v4, vm0, $0xb8;
	[tilespmem:$0x18200] =	vst v63  }
0xa6: {  	s26 =	rddreg [dreg:$0xe]  }
0xa7: {  	[tilespmem:s26], [sflag:$0x2] =	stream.indirect_vreg.gather [hbm4b:s1+s3], $0x80, v3, vm0, $0xb8;
	[tilespmem:$0x18200] =	vst v63  }
0xa8: {  	v3 =	vld [tilespmem:$0xC0];
	_ =	sdelay $0x4  }
0xa9: {  	v44 =	vshll.u32 v3, $0x1  }
0xaa: {  	v3 =	vand.u32 $0x7, v3;
	v4 =	vand.u32 $0xFFFFFFF0, v44  }
0xab: {  	v3 =	vor.u32 v3, v4  }
0xac: {  	v4 =	vperm.xlane v3, v0;
	_ =	sdelay $0x1  }
0xad: {  	v3 =	vperm.xlane v3, v2;
	v4 =	vadd.s32 v1, v4;
	_ =	sdelay $0x1  }
0xae: {  	v3 =	vadd.s32 v1, v3;
	_ =	sdelay $0x1  }
0xaf: {  	s0 =	rddreg [dreg:$0xf]  }
0xb0: {  	[tilespmem:s0], [sflag:$0x2] =	stream.indirect_vreg.gather [hbm4b:s1+s3], $0x80, v4, vm0, $0xb8;
	[tilespmem:$0x18200] =	vst v63  }
0xb1: {  	s26 =	rddreg [dreg:$0x10]  }
0xb2: {  	[tilespmem:s26], [sflag:$0x2] =	stream.indirect_vreg.gather [hbm4b:s1+s3], $0x80, v3, vm0, $0xb8;
	[tilespmem:$0x18200] =	vst v63  }
0xb3: {  	v3 =	vld [tilespmem:$0xD0];
	_ =	sdelay $0x4  }
0xb4: {  	v45 =	vshll.u32 v3, $0x1  }
0xb5: {  	v3 =	vand.u32 $0x7, v3;
	v4 =	vand.u32 $0xFFFFFFF0, v45  }
0xb6: {  	v3 =	vor.u32 v3, v4  }
0xb7: {  	v4 =	vperm.xlane v3, v0;
	_ =	sdelay $0x1  }
0xb8: {  	v3 =	vperm.xlane v3, v2;
	v4 =	vadd.s32 v1, v4;
	_ =	sdelay $0x1  }
0xb9: {  	v3 =	vadd.s32 v1, v3;
	_ =	sdelay $0x1  }
0xba: {  	s0 =	rddreg [dreg:$0x11]  }
0xbb: {  	[tilespmem:s0], [sflag:$0x2] =	stream.indirect_vreg.gather [hbm4b:s1+s3], $0x80, v4, vm0, $0xb8;
	[tilespmem:$0x18200] =	vst v63  }
0xbc: {  	s26 =	rddreg [dreg:$0x12]  }
0xbd: {  	[tilespmem:s26], [sflag:$0x2] =	stream.indirect_vreg.gather [hbm4b:s1+s3], $0x80, v3, vm0, $0xb8;
	[tilespmem:$0x18200] =	vst v63  }
0xbe: {  	v3 =	vld [tilespmem:$0xE0];
	_ =	sdelay $0x4  }
0xbf: {  	v46 =	vshll.u32 v3, $0x1  }
0xc0: {  	v3 =	vand.u32 $0x7, v3;
	v4 =	vand.u32 $0xFFFFFFF0, v46  }
0xc1: {  	v3 =	vor.u32 v3, v4  }
0xc2: {  	v4 =	vperm.xlane v3, v0;
	_ =	sdelay $0x1  }
0xc3: {  	v3 =	vperm.xlane v3, v2;
	v4 =	vadd.s32 v1, v4;
	_ =	sdelay $0x1  }
0xc4: {  	v3 =	vadd.s32 v1, v3;
	_ =	sdelay $0x1  }
0xc5: {  	s0 =	rddreg [dreg:$0x13]  }
0xc6: {  	[tilespmem:s0], [sflag:$0x2] =	stream.indirect_vreg.gather [hbm4b:s1+s3], $0x80, v4, vm0, $0xb8;
	[tilespmem:$0x18200] =	vst v63  }
0xc7: {  	s26 =	rddreg [dreg:$0x14]  }
0xc8: {  	[tilespmem:s26], [sflag:$0x2] =	stream.indirect_vreg.gather [hbm4b:s1+s3], $0x80, v3, vm0, $0xb8;
	[tilespmem:$0x18200] =	vst v63  }
0xc9: {  	v3 =	vld [tilespmem:$0xF0];
	_ =	sdelay $0x4  }
0xca: {  	v47 =	vshll.u32 v3, $0x1  }
0xcb: {  	v3 =	vand.u32 $0x7, v3;
	v4 =	vand.u32 $0xFFFFFFF0, v47  }
0xcc: {  	v3 =	vor.u32 v3, v4  }
0xcd: {  	v4 =	vperm.xlane v3, v0;
	_ =	sdelay $0x1  }
0xce: {  	v3 =	vperm.xlane v3, v2;
	v4 =	vadd.s32 v1, v4;
	_ =	sdelay $0x1  }
0xcf: {  	v3 =	vadd.s32 v1, v3;
	_ =	sdelay $0x1  }
0xd0: {  	s0 =	rddreg [dreg:$0x15]  }
0xd1: {  	[tilespmem:s0], [sflag:$0x2] =	stream.indirect_vreg.gather [hbm4b:s1+s3], $0x80, v4, vm0, $0xb8;
	[tilespmem:$0x18200] =	vst v63  }
0xd2: {  	s26 =	rddreg [dreg:$0x16]  }
0xd3: {  	[tilespmem:s26], [sflag:$0x2] =	stream.indirect_vreg.gather [hbm4b:s1+s3], $0x80, v3, vm0, $0xb8;
	[tilespmem:$0x18200] =	vst v63  }
0xd4: {  	_ =	swait.ge [sflag:s24], $0x8000  }
0xd5: {  	[sflag:s24] =	ssyncset.done $0x0  }
0xd6: {  	[sflag:s24] =	ssyncadd.s32 $0xFFFF8000  }
0xd7: {  	[hbm4b:s4+s3] =	stream.linear.scatter [tilespmem:s7], [sflag:$0x4], $0x8000, $0x38;
	[tilespmem:$0x18200] =	vst v63  }
0xd8: {  	v3 =	vld [tilespmem:$0x100];
	_ =	sdelay $0x4  }
0xd9: {  	v48 =	vshll.u32 v3, $0x1  }
0xda: {  	v3 =	vand.u32 $0x7, v3;
	v4 =	vand.u32 $0xFFFFFFF0, v48  }
0xdb: {  	v3 =	vor.u32 v3, v4  }
0xdc: {  	v4 =	vperm.xlane v3, v0;
	_ =	sdelay $0x1  }
0xdd: {  	v3 =	vperm.xlane v3, v2;
	v4 =	vadd.s32 v1, v4;
	_ =	sdelay $0x1  }
0xde: {  	v3 =	vadd.s32 v1, v3;
	_ =	sdelay $0x2  }
0xdf: {  	[tilespmem:s25], [sflag:$0x3] =	stream.indirect_vreg.gather [hbm4b:s1+s3], $0x80, v4, vm0, $0xb8;
	[tilespmem:$0x18200] =	vst v63  }
0xe0: {  	s26 =	rddreg [dreg:$0x17]  }
0xe1: {  	[tilespmem:s26], [sflag:$0x3] =	stream.indirect_vreg.gather [hbm4b:s1+s3], $0x80, v3, vm0, $0xb8;
	[tilespmem:$0x18200] =	vst v63  }
0xe2: {  	v3 =	vld [tilespmem:$0x110];
	_ =	sdelay $0x4  }
0xe3: {  	v49 =	vshll.u32 v3, $0x1  }
0xe4: {  	v3 =	vand.u32 $0x7, v3;
	v4 =	vand.u32 $0xFFFFFFF0, v49  }
0xe5: {  	v3 =	vor.u32 v3, v4  }
0xe6: {  	v4 =	vperm.xlane v3, v0;
	_ =	sdelay $0x1  }
0xe7: {  	v3 =	vperm.xlane v3, v2;
	v4 =	vadd.s32 v1, v4;
	_ =	sdelay $0x1  }
0xe8: {  	v3 =	vadd.s32 v1, v3;
	_ =	sdelay $0x1  }
0xe9: {  	s0 =	rddreg [dreg:$0x18]  }
0xea: {  	[tilespmem:s0], [sflag:$0x3] =	stream.indirect_vreg.gather [hbm4b:s1+s3], $0x80, v4, vm0, $0xb8;
	[tilespmem:$0x18200] =	vst v63  }
0xeb: {  	s26 =	rddreg [dreg:$0x19]  }
0xec: {  	[tilespmem:s26], [sflag:$0x3] =	stream.indirect_vreg.gather [hbm4b:s1+s3], $0x80, v3, vm0, $0xb8;
	[tilespmem:$0x18200] =	vst v63  }
0xed: {  	v3 =	vld [tilespmem:$0x120];
	_ =	sdelay $0x4  }
0xee: {  	v50 =	vshll.u32 v3, $0x1  }
0xef: {  	v3 =	vand.u32 $0x7, v3;
	v4 =	vand.u32 $0xFFFFFFF0, v50  }
0xf0: {  	v3 =	vor.u32 v3, v4  }
0xf1: {  	v4 =	vperm.xlane v3, v0;
	_ =	sdelay $0x1  }
0xf2: {  	v3 =	vperm.xlane v3, v2;
	v4 =	vadd.s32 v1, v4;
	_ =	sdelay $0x1  }
0xf3: {  	v3 =	vadd.s32 v1, v3;
	_ =	sdelay $0x1  }
0xf4: {  	s0 =	rddreg [dreg:$0x1a]  }
0xf5: {  	[tilespmem:s0], [sflag:$0x3] =	stream.indirect_vreg.gather [hbm4b:s1+s3], $0x80, v4, vm0, $0xb8;
	[tilespmem:$0x18200] =	vst v63  }
0xf6: {  	s26 =	rddreg [dreg:$0x1b]  }
0xf7: {  	[tilespmem:s26], [sflag:$0x3] =	stream.indirect_vreg.gather [hbm4b:s1+s3], $0x80, v3, vm0, $0xb8;
	[tilespmem:$0x18200] =	vst v63  }
0xf8: {  	v3 =	vld [tilespmem:$0x130];
	_ =	sdelay $0x4  }
0xf9: {  	v51 =	vshll.u32 v3, $0x1  }
0xfa: {  	v3 =	vand.u32 $0x7, v3;
	v4 =	vand.u32 $0xFFFFFFF0, v51  }
0xfb: {  	v3 =	vor.u32 v3, v4  }
0xfc: {  	v4 =	vperm.xlane v3, v0;
	_ =	sdelay $0x1  }
0xfd: {  	v3 =	vperm.xlane v3, v2;
	v4 =	vadd.s32 v1, v4;
	_ =	sdelay $0x1  }
0xfe: {  	v3 =	vadd.s32 v1, v3;
	_ =	sdelay $0x1  }
0xff: {  	s0 =	rddreg [dreg:$0x1c]  }
0x100: {  	[tilespmem:s0], [sflag:$0x3] =	stream.indirect_vreg.gather [hbm4b:s1+s3], $0x80, v4, vm0, $0xb8;
	[tilespmem:$0x18200] =	vst v63  }
0x101: {  	s26 =	rddreg [dreg:$0x1d]  }
0x102: {  	[tilespmem:s26], [sflag:$0x3] =	stream.indirect_vreg.gather [hbm4b:s1+s3], $0x80, v3, vm0, $0xb8;
	[tilespmem:$0x18200] =	vst v63  }
0x103: {  	v3 =	vld [tilespmem:$0x140];
	_ =	sdelay $0x4  }
0x104: {  	v52 =	vshll.u32 v3, $0x1  }
0x105: {  	v3 =	vand.u32 $0x7, v3;
	v4 =	vand.u32 $0xFFFFFFF0, v52  }
0x106: {  	v3 =	vor.u32 v3, v4  }
0x107: {  	v4 =	vperm.xlane v3, v0;
	_ =	sdelay $0x1  }
0x108: {  	v3 =	vperm.xlane v3, v2;
	v4 =	vadd.s32 v1, v4;
	_ =	sdelay $0x1  }
0x109: {  	v3 =	vadd.s32 v1, v3;
	_ =	sdelay $0x1  }
0x10a: {  	s0 =	rddreg [dreg:$0x1e]  }
0x10b: {  	[tilespmem:s0], [sflag:$0x3] =	stream.indirect_vreg.gather [hbm4b:s1+s3], $0x80, v4, vm0, $0xb8;
	[tilespmem:$0x18200] =	vst v63  }
0x10c: {  	s26 =	rddreg [dreg:$0x1f]  }
0x10d: {  	[tilespmem:s26], [sflag:$0x3] =	stream.indirect_vreg.gather [hbm4b:s1+s3], $0x80, v3, vm0, $0xb8;
	[tilespmem:$0x18200] =	vst v63  }
0x10e: {  	v3 =	vld [tilespmem:$0x150];
	_ =	sdelay $0x4  }
0x10f: {  	v53 =	vshll.u32 v3, $0x1  }
0x110: {  	v3 =	vand.u32 $0x7, v3;
	v4 =	vand.u32 $0xFFFFFFF0, v53  }
0x111: {  	v3 =	vor.u32 v3, v4  }
0x112: {  	v4 =	vperm.xlane v3, v0;
	_ =	sdelay $0x1  }
0x113: {  	v3 =	vperm.xlane v3, v2;
	v4 =	vadd.s32 v1, v4;
	_ =	sdelay $0x1  }
0x114: {  	s0 =	sld [smem:$0x7F9];
	v3 =	vadd.s32 v1, v3;
	_ =	sdelay $0x1  }
0x115: {  	s26 =	sld [smem:$0x7FA]  }
0x116: {  	[tilespmem:s0], [sflag:$0x3] =	stream.indirect_vreg.gather [hbm4b:s1+s3], $0x80, v4, vm0, $0xb8;
	[tilespmem:$0x18200] =	vst v63  }
0x117: {  	_ = 	snop  }
0x118: {  	[tilespmem:s26], [sflag:$0x3] =	stream.indirect_vreg.gather [hbm4b:s1+s3], $0x80, v3, vm0, $0xb8;
	[tilespmem:$0x18200] =	vst v63  }
0x119: {  	v3 =	vld [tilespmem:$0x160];
	_ =	sdelay $0x4  }
0x11a: {  	v54 =	vshll.u32 v3, $0x1  }
0x11b: {  	v3 =	vand.u32 $0x7, v3;
	v4 =	vand.u32 $0xFFFFFFF0, v54  }
0x11c: {  	v3 =	vor.u32 v3, v4  }
0x11d: {  	v4 =	vperm.xlane v3, v0;
	_ =	sdelay $0x1  }
0x11e: {  	v3 =	vperm.xlane v3, v2;
	v4 =	vadd.s32 v1, v4;
	_ =	sdelay $0x1  }
0x11f: {  	s0 =	sld [smem:$0x7FB];
	v3 =	vadd.s32 v1, v3;
	_ =	sdelay $0x1  }
0x120: {  	s26 =	sld [smem:$0x7FC]  }
0x121: {  	[tilespmem:s0], [sflag:$0x3] =	stream.indirect_vreg.gather [hbm4b:s1+s3], $0x80, v4, vm0, $0xb8;
	[tilespmem:$0x18200] =	vst v63  }
0x122: {  	_ = 	snop  }
0x123: {  	[tilespmem:s26], [sflag:$0x3] =	stream.indirect_vreg.gather [hbm4b:s1+s3], $0x80, v3, vm0, $0xb8;
	[tilespmem:$0x18200] =	vst v63  }
0x124: {  	v3 =	vld [tilespmem:$0x170];
	_ =	sdelay $0x4  }
0x125: {  	v55 =	vshll.u32 v3, $0x1  }
0x126: {  	v3 =	vand.u32 $0x7, v3;
	v4 =	vand.u32 $0xFFFFFFF0, v55  }
0x127: {  	v3 =	vor.u32 v3, v4  }
0x128: {  	v4 =	vperm.xlane v3, v0;
	_ =	sdelay $0x1  }
0x129: {  	v3 =	vperm.xlane v3, v2;
	v4 =	vadd.s32 v1, v4;
	_ =	sdelay $0x1  }
0x12a: {  	s26 =	sld [smem:$0x7FD];
	v3 =	vadd.s32 v1, v3;
	_ =	sdelay $0x2  }
0x12b: {  	[tilespmem:s26], [sflag:$0x3] =	stream.indirect_vreg.gather [hbm4b:s1+s3], $0x80, v4, vm0, $0xb8;
	[tilespmem:$0x18200] =	vst v63  }
0x12c: {  	s26 =	simm.s32 $0x17A00  }
0x12d: {  	[tilespmem:s26], [sflag:$0x3] =	stream.indirect_vreg.gather [hbm4b:s1+s3], $0x80, v3, vm0, $0xb8;
	[tilespmem:$0x18200] =	vst v63  }
0x12e: {  	_ =	swait.ge [sflag:s28], $0x8000  }
0x12f: {  	[sflag:s28] =	ssyncset.done $0x0  }
0x130: {  	s26 =	rddreg [dreg:$0x5];
	[sflag:s28] =	ssyncadd.s32 $0xFFFF8000  }
0x131: {  	[hbm4b:s26+s3] =	stream.linear.scatter [tilespmem:s23], [sflag:$0x5], $0x8000, $0x38;
	[tilespmem:$0x18200] =	vst v63  }
0x132: {  	_ =	swait.ge [sflag:s29], $0x8000  }
0x133: {  	[sflag:s29] =	ssyncset.done $0x0  }
0x134: {  	[sflag:s29] =	ssyncadd.s32 $0xFFFF8000  }
0x135: {  	v3 =	vld [tilespmem:$0x180];
	_ =	sdelay $0x4  }
0x136: {  	v56 =	vshll.u32 v3, $0x1  }
0x137: {  	v3 =	vand.u32 $0x7, v3;
	v4 =	vand.u32 $0xFFFFFFF0, v56  }
0x138: {  	v3 =	vor.u32 v3, v4  }
0x139: {  	v4 =	vperm.xlane v3, v0;
	_ =	sdelay $0x1  }
0x13a: {  	v3 =	vperm.xlane v3, v2;
	v4 =	vadd.s32 v1, v4;
	_ =	sdelay $0x1  }
0x13b: {  	v3 =	vadd.s32 v1, v3;
	_ =	sdelay $0x2  }
0x13c: {  	[tilespmem:s7], [sflag:$0x1] =	stream.indirect_vreg.gather [hbm4b:s1+s3], $0x80, v4, vm0, $0xb8;
	[tilespmem:$0x18200] =	vst v63  }
0x13d: {  	_ = 	snop  }
0x13e: {  	[tilespmem:s8], [sflag:$0x1] =	stream.indirect_vreg.gather [hbm4b:s1+s3], $0x80, v3, vm0, $0xb8;
	[tilespmem:$0x18200] =	vst v63  }
0x13f: {  	v3 =	vld [tilespmem:$0x190];
	_ =	sdelay $0x4  }
0x140: {  	v57 =	vshll.u32 v3, $0x1  }
0x141: {  	v3 =	vand.u32 $0x7, v3;
	v4 =	vand.u32 $0xFFFFFFF0, v57  }
0x142: {  	v3 =	vor.u32 v3, v4  }
0x143: {  	v4 =	vperm.xlane v3, v0;
	_ =	sdelay $0x1  }
0x144: {  	v3 =	vperm.xlane v3, v2;
	v4 =	vadd.s32 v1, v4;
	_ =	sdelay $0x1  }
0x145: {  	v3 =	vadd.s32 v1, v3;
	_ =	sdelay $0x2  }
0x146: {  	[tilespmem:s9], [sflag:$0x1] =	stream.indirect_vreg.gather [hbm4b:s1+s3], $0x80, v4, vm0, $0xb8;
	[tilespmem:$0x18200] =	vst v63  }
0x147: {  	_ = 	snop  }
0x148: {  	[tilespmem:s10], [sflag:$0x1] =	stream.indirect_vreg.gather [hbm4b:s1+s3], $0x80, v3, vm0, $0xb8;
	[tilespmem:$0x18200] =	vst v63  }
0x149: {  	v3 =	vld [tilespmem:$0x1A0];
	_ =	sdelay $0x4  }
0x14a: {  	v58 =	vshll.u32 v3, $0x1  }
0x14b: {  	v3 =	vand.u32 $0x7, v3;
	v4 =	vand.u32 $0xFFFFFFF0, v58  }
0x14c: {  	v3 =	vor.u32 v3, v4  }
0x14d: {  	v4 =	vperm.xlane v3, v0;
	_ =	sdelay $0x1  }
0x14e: {  	v3 =	vperm.xlane v3, v2;
	v4 =	vadd.s32 v1, v4;
	_ =	sdelay $0x1  }
0x14f: {  	v3 =	vadd.s32 v1, v3;
	_ =	sdelay $0x2  }
0x150: {  	[tilespmem:s11], [sflag:$0x1] =	stream.indirect_vreg.gather [hbm4b:s1+s3], $0x80, v4, vm0, $0xb8;
	[tilespmem:$0x18200] =	vst v63  }
0x151: {  	_ = 	snop  }
0x152: {  	[tilespmem:s12], [sflag:$0x1] =	stream.indirect_vreg.gather [hbm4b:s1+s3], $0x80, v3, vm0, $0xb8;
	[tilespmem:$0x18200] =	vst v63  }
0x153: {  	v3 =	vld [tilespmem:$0x1B0];
	_ =	sdelay $0x4  }
0x154: {  	v59 =	vshll.u32 v3, $0x1  }
0x155: {  	v3 =	vand.u32 $0x7, v3;
	v4 =	vand.u32 $0xFFFFFFF0, v59  }
0x156: {  	v3 =	vor.u32 v3, v4  }
0x157: {  	v4 =	vperm.xlane v3, v0;
	_ =	sdelay $0x1  }
0x158: {  	v3 =	vperm.xlane v3, v2;
	v4 =	vadd.s32 v1, v4;
	_ =	sdelay $0x1  }
0x159: {  	v3 =	vadd.s32 v1, v3;
	_ =	sdelay $0x2  }
0x15a: {  	[tilespmem:s13], [sflag:$0x1] =	stream.indirect_vreg.gather [hbm4b:s1+s3], $0x80, v4, vm0, $0xb8;
	[tilespmem:$0x18200] =	vst v63  }
0x15b: {  	_ = 	snop  }
0x15c: {  	[tilespmem:s14], [sflag:$0x1] =	stream.indirect_vreg.gather [hbm4b:s1+s3], $0x80, v3, vm0, $0xb8;
	[tilespmem:$0x18200] =	vst v63  }
0x15d: {  	v3 =	vld [tilespmem:$0x1C0];
	_ =	sdelay $0x4  }
0x15e: {  	v60 =	vshll.u32 v3, $0x1  }
0x15f: {  	v3 =	vand.u32 $0x7, v3;
	v4 =	vand.u32 $0xFFFFFFF0, v60  }
0x160: {  	v3 =	vor.u32 v3, v4  }
0x161: {  	v4 =	vperm.xlane v3, v0;
	_ =	sdelay $0x1  }
0x162: {  	v3 =	vperm.xlane v3, v2;
	v4 =	vadd.s32 v1, v4;
	_ =	sdelay $0x1  }
0x163: {  	v3 =	vadd.s32 v1, v3;
	_ =	sdelay $0x2  }
0x164: {  	[tilespmem:s15], [sflag:$0x1] =	stream.indirect_vreg.gather [hbm4b:s1+s3], $0x80, v4, vm0, $0xb8;
	[tilespmem:$0x18200] =	vst v63  }
0x165: {  	_ = 	snop  }
0x166: {  	[tilespmem:s16], [sflag:$0x1] =	stream.indirect_vreg.gather [hbm4b:s1+s3], $0x80, v3, vm0, $0xb8;
	[tilespmem:$0x18200] =	vst v63  }
0x167: {  	v3 =	vld [tilespmem:$0x1D0];
	_ =	sdelay $0x4  }
0x168: {  	v61 =	vshll.u32 v3, $0x1  }
0x169: {  	v3 =	vand.u32 $0x7, v3;
	v4 =	vand.u32 $0xFFFFFFF0, v61  }
0x16a: {  	v3 =	vor.u32 v3, v4  }
0x16b: {  	v4 =	vperm.xlane v3, v0;
	_ =	sdelay $0x1  }
0x16c: {  	v3 =	vperm.xlane v3, v2;
	v4 =	vadd.s32 v1, v4;
	_ =	sdelay $0x1  }
0x16d: {  	v3 =	vadd.s32 v1, v3;
	_ =	sdelay $0x2  }
0x16e: {  	[tilespmem:s17], [sflag:$0x1] =	stream.indirect_vreg.gather [hbm4b:s1+s3], $0x80, v4, vm0, $0xb8;
	[tilespmem:$0x18200] =	vst v63  }
0x16f: {  	_ = 	snop  }
0x170: {  	[tilespmem:s18], [sflag:$0x1] =	stream.indirect_vreg.gather [hbm4b:s1+s3], $0x80, v3, vm0, $0xb8;
	[tilespmem:$0x18200] =	vst v63  }
0x171: {  	v3 =	vld [tilespmem:$0x1E0];
	_ =	sdelay $0x4  }
0x172: {  	v62 =	vshll.u32 v3, $0x1  }
0x173: {  	v3 =	vand.u32 $0x7, v3;
	v4 =	vand.u32 $0xFFFFFFF0, v62  }
0x174: {  	v3 =	vor.u32 v3, v4  }
0x175: {  	v4 =	vperm.xlane v3, v0;
	_ =	sdelay $0x1  }
0x176: {  	v3 =	vperm.xlane v3, v2;
	v4 =	vadd.s32 v1, v4;
	_ =	sdelay $0x1  }
0x177: {  	v3 =	vadd.s32 v1, v3;
	_ =	sdelay $0x2  }
0x178: {  	[tilespmem:s19], [sflag:$0x1] =	stream.indirect_vreg.gather [hbm4b:s1+s3], $0x80, v4, vm0, $0xb8;
	[tilespmem:$0x18200] =	vst v63  }
0x179: {  	_ = 	snop  }
0x17a: {  	[tilespmem:s20], [sflag:$0x1] =	stream.indirect_vreg.gather [hbm4b:s1+s3], $0x80, v3, vm0, $0xb8;
	[tilespmem:$0x18200] =	vst v63  }
0x17b: {  	v3 =	vld [tilespmem:$0x1F0];
	_ =	sdelay $0x4  }
0x17c: {  	v63 =	vshll.u32 v3, $0x1  }
0x17d: {  	v3 =	vand.u32 $0x7, v3;
	v4 =	vand.u32 $0xFFFFFFF0, v63  }
0x17e: {  	v3 =	vor.u32 v3, v4  }
0x17f: {  	v4 =	vperm.xlane v3, v0;
	_ =	sdelay $0x1  }
0x180: {  	v3 =	vperm.xlane v3, v2;
	v4 =	vadd.s32 v1, v4;
	_ =	sdelay $0x1  }
0x181: {  	v3 =	vadd.s32 v1, v3;
	_ =	sdelay $0x2  }
0x182: {  	[tilespmem:s21], [sflag:$0x1] =	stream.indirect_vreg.gather [hbm4b:s1+s3], $0x80, v4, vm0, $0xb8;
	[tilespmem:$0x18200] =	vst v63  }
0x183: {  	_ = 	snop  }
0x184: {  	[tilespmem:s22], [sflag:$0x1] =	stream.indirect_vreg.gather [hbm4b:s1+s3], $0x80, v3, vm0, $0xb8;
	[tilespmem:$0x18200] =	vst v63  }
0x185: {  	_ =	swait.ge [sflag:s30], $0x8000  }
0x186: {  	[sflag:s30] =	ssyncset.done $0x0  }
0x187: {  	s26 =	rddreg [dreg:$0x6];
	[sflag:s30] =	ssyncadd.s32 $0xFFFF8000  }
0x188: {  	[hbm4b:s26+s3] =	stream.linear.scatter [tilespmem:s25], [sflag:$0x6], $0x8000, $0x38;
	[tilespmem:$0x18200] =	vst v63  }
0x189: {  	_ =	swait.ge [sflag:s24], $0x8000  }
0x18a: {  	[sflag:s24] =	ssyncset.done $0x0  }
0x18b: {  	s26 =	rddreg [dreg:$0x7];
	[sflag:s24] =	ssyncadd.s32 $0xFFFF8000  }
0x18c: {  	[hbm4b:s26+s3] =	stream.linear.scatter [tilespmem:s7], [sflag:$0x4], $0x8000, $0x38;
	[tilespmem:$0x18200] =	vst v63  }
0x18d: {  	_ =	swait.ge [sflag:s31], $0x8000  }
0x18e: {  	[sflag:s31] =	ssyncset.done $0x0  }
0x18f: {  	[sflag:s31] =	ssyncadd.s32 $0xFFFF8000  }
0x190: {  	p0 =	sne.s32 s5, $0x1;
	_ =	swait.ge [sflag:s2], $0x8000  }
.Ltmp0:
0x191: {  	[sflag:s2] =	ssyncset.done $0x0;
	(pc) =	sbr.rel @p0 .LBB2_1-.Ltmp0, $4  }
0x192: {  	[sflag:s2] =	ssyncadd.s32 $0xFFFF8000  }
0x193: {  	_ =	swait.ge [sflag:s29], $0x8000  }
0x194: {  	[sflag:s29] =	ssyncset.done $0x0  }
0x195: {  	s5 =	sadd.s32 $0xFFFFFFFF, s5;
	[sflag:s29] =	ssyncadd.s32 $0xFFFF8000  }
0x196: {  	_ =	sfence.sel $0x180000  }
0x197: {  	[bflag:$0x0] =	sbarrier.arrive $0xFFFF  }
0x198: {  	_ =	strace $0x90000047  }
0x199: {  	s0 =	stileid.u32;
	[bflag:$0x2] =	sbarrier.arrive $0xFFFF  }
0x19a: {  	p0 =	sne.s32 s0, $0x0;
	s0 =	rddreg [dreg:$0x3]  }
0x19b: {  	s0 =	sadd.s32 @!p0 $0x100000, s0  }
0x19c: {  	[sflag:s0] =	ssyncadd.tile.s32 @!p0 $0x1;
	_ =	shalt  }
.Lfunc_end2:
_tile_overlayer_lowered:
.L_overlay_start_2:
0x19d: {  	(tag) =	ssettag $0x2  }
0x19e: {  	s0 =	rddreg [dreg:$0x0];
	s2 =	stileid.u32  }
0x19f: {  	s1 =	rddreg [dreg:$0x1];
	p0 =	sne.s32 s2, $0x0  }
0x1a0: {  	s3 =	rddreg [dreg:$0x2];
	[bflag:$0x3] =	sbarrier.arrive $0xFFFF;
	s2 =	simm.s32 @!p0 $0x1C07  }
0x1a1: {  	[timem:s3], [sflag:s2] =	dma.local @!p0 [hbm:s0], s1  }
0x1a2: {  	s0 =	simm.s32 @!p0 $0x7  }
0x1a3: {  	_ =	swait.ge @!p0 [sflag:s0], s1  }
0x1a4: {  	s1 =	ssub.s32 @!p0 $0x0, s1;
	[sflag:s0] =	ssyncset.done @!p0 $0x0  }
0x1a5: {  	[sflag:s0] =	ssyncadd.s32 @!p0 s1  }
0x1a6: {  	[bflag:$0x3] =	sbarrier.arrive $0xFFFF  }
0x1a7: {  	_ =	shalt  }

</sc_bundles>
